<compile_context>
chip_gen: v7x
topology: tpu7x:2x2x1
jax: 0.10.2.dev20260603
libtpu: 0.0.44.dev20260713+nightly
codegen_flags: <defaults>
</compile_context>

<pallas_src>
import numpy as np

import jax
import jax.numpy as jnp
from jax import lax
from jax.experimental import pallas as pl
from jax.experimental.pallas import tpu as pltpu
from jax.experimental.pallas import tpu_sc as plsc

_D = 128
_L = 16
_NCORES = 2
_NSUB = 16
_NW = _NCORES * _NSUB
_B = 16384
_BPW = _B // _NW
_CH = 64
_NCHUNK = _BPW // _CH
_PCOLS = _CH * _L
_OUT_COLS = 2048
_OUT_ROWS = _B * _L // _OUT_COLS


def _tec_body(ent_hbm, rel_hbm, htidx_hbm, relidx_hbm, out_hbm,
              htidx, ridx, htbuf, rbuf, accbuf,
              sem_idx0, sem_g0, sem_g1, sem_out):
    wid = lax.axis_index("s") * _NCORES + lax.axis_index("c")
    base = wid * _BPW

    first = (
        pltpu.async_copy(htidx_hbm.at[pl.ds(wid * _NCHUNK, _NCHUNK)], htidx,
                         sem_idx0),
        pltpu.async_copy(relidx_hbm.at[pl.ds(wid * _NCHUNK, _NCHUNK)], ridx,
                         sem_idx0),
    )
    for cp in first:
        cp.wait()

    gather_sems = (sem_g0, sem_g1)
    gathers = [None, None]

    def start_gather(c):
        slot = c % 2
        sem = gather_sems[slot]
        gathers[slot] = (
            pltpu.async_copy(ent_hbm.at[htidx.at[c]], htbuf.at[slot], sem),
            pltpu.async_copy(rel_hbm.at[ridx.at[c]], rbuf.at[slot], sem),
        )

    start_gather(0)
    for c in range(_NCHUNK):
        slot = c % 2
        if c + 1 < _NCHUNK:
            start_gather(c + 1)
        for cp in gathers[slot]:
            cp.wait()
        hb, rb = htbuf.at[slot], rbuf.at[slot]
        arow = c // 2
        acol = (c % 2) * _PCOLS

        def row_fn(i, carry):
            acc = jnp.zeros((_L,), jnp.float32)
            for j in range(_D // _L):
                h = hb[i, pl.ds(j * _L, _L)]
                r = rb[i, pl.ds(j * _L, _L)]
                t = hb[_CH + i, pl.ds(j * _L, _L)]
                d = (h - t) + r
                acc = acc + d * d
            accbuf[arow, pl.ds(acol + i * _L, _L)] = acc
            return carry

        lax.fori_loop(0, _CH, row_fn, 0)

    pltpu.sync_copy(accbuf, out_hbm.at[pl.ds(4 * wid, _BPW * _L // _OUT_COLS)])
    del sem_out


def _sc_partial_sums(entity_emb, relation_emb, htidx, relation):
    mesh = plsc.VectorSubcoreMesh(core_axis_name="c", subcore_axis_name="s")
    run = pl.kernel(
        _tec_body,
        mesh=mesh,
        out_type=jax.ShapeDtypeStruct((_OUT_ROWS, _OUT_COLS), jnp.float32),
        scratch_types=[
            pltpu.VMEM((_NCHUNK, 2 * _CH), jnp.int32),
            pltpu.VMEM((_NCHUNK, _CH), jnp.int32),
            pltpu.VMEM((2, 2 * _CH, _D), jnp.float32),
            pltpu.VMEM((2, _CH, _D), jnp.float32),
            pltpu.VMEM((_BPW * _L // _OUT_COLS, _OUT_COLS), jnp.float32),
            pltpu.SemaphoreType.DMA,
            pltpu.SemaphoreType.DMA,
            pltpu.SemaphoreType.DMA,
            pltpu.SemaphoreType.DMA,
        ],
    )
    return run(entity_emb, relation_emb, htidx, relation)


_FOLD_W_NP = np.repeat(np.eye(_OUT_COLS // _L, dtype=np.float32), _L, axis=0)


def _tc_finish_body(p_ref, w_ref, o_ref):
    x = p_ref[...].astype(jnp.bfloat16)
    s = jnp.dot(x, w_ref[...], preferred_element_type=jnp.float32)
    o_ref[...] = jnp.sqrt(s)


def _tc_finish(partials):
    w = jnp.asarray(_FOLD_W_NP, dtype=jnp.bfloat16)
    out = pl.pallas_call(
        _tc_finish_body,
        out_shape=jax.ShapeDtypeStruct((_OUT_ROWS, _OUT_COLS // _L), jnp.float32),
    )(partials, w)
    return out.reshape(_B)


@jax.jit
def kernel(entity_emb, relation_emb, head, relation, tail):
    htidx = jnp.concatenate(
        [head.reshape(_NW, _NCHUNK, _CH), tail.reshape(_NW, _NCHUNK, _CH)],
        axis=-1).reshape(_NW * _NCHUNK, 2 * _CH)
    relidx = relation.reshape(_NW * _NCHUNK, _CH)
    partials = _sc_partial_sums(entity_emb, relation_emb, htidx, relidx)
    return _tc_finish(partials)

# --- scband reference (transcript-rebuilt; emitter-appended) ---
"""Pipeline reference for scband-trans-e-90924457656554 (READ-ONLY COPY).

The authoritative reference and input builder live on the scoring server;
editing this copy changes nothing except your own understanding.
"""

import jax, jax.numpy as jnp
import numpy as np

NUM_ENTITIES = 100000
NUM_RELATIONS = 1000
EMBED_DIM = 128
BATCH = 16384

def _xavier_uniform(key, shape):
    fan_in, fan_out = shape[0], shape[1]
    limit = float(np.sqrt(6.0 / (fan_in + fan_out)))
    return jax.random.uniform(key, shape, dtype=jnp.float32, minval=-limit, maxval=limit)

def setup_inputs(seed: int = 0) -> dict:
    key = jax.random.key(seed)
    k1, k2, k3, k4, k5 = jax.random.split(key, 5)
    entity_emb = _xavier_uniform(k1, (NUM_ENTITIES, EMBED_DIM))
    relation_emb = _xavier_uniform(k2, (NUM_RELATIONS, EMBED_DIM))
    # normalize relation embeddings (as in _init_weights)
    rel_norms = jnp.linalg.norm(relation_emb, ord=2, axis=1, keepdims=True)
    relation_emb = relation_emb / rel_norms
    head = jax.random.randint(k3, (BATCH,), 0, NUM_ENTITIES, dtype=jnp.int64 if jax.config.jax_enable_x64 else jnp.int32)
    relation = jax.random.randint(k4, (BATCH,), 0, NUM_RELATIONS, dtype=jnp.int64 if jax.config.jax_enable_x64 else jnp.int32)
    tail = jax.random.randint(k5, (BATCH,), 0, NUM_ENTITIES, dtype=jnp.int64 if jax.config.jax_enable_x64 else jnp.int32)
    return {"entity_emb": entity_emb, "relation_emb": relation_emb, "head": head, "relation": relation, "tail": tail}

def reference(entity_emb, relation_emb, head, relation, tail):
    h = jnp.take(entity_emb, head, axis=0)
    r = jnp.take(relation_emb, relation, axis=0)
    t = jnp.take(entity_emb, tail, axis=0)
    diff = h + r - t
    score = jnp.linalg.norm(diff, ord=2, axis=-1)
    return score

if __name__ == "__main__":
    import jax
    _d = setup_inputs()
    print(jax.jit(kernel)(*tuple(_d.values())))

</pallas_src>

<mosaic_0001>
#map = affine_map<(d0, d1) -> (0, 0)>
module attributes {stable_mosaic.version = 14 : i64} {
  func.func @_tec_body(%arg0: i32, %arg1: i32, %arg2: memref<100000x128xf32, #tpu.memory_space<hbm>>, %arg3: memref<1000x128xf32, #tpu.memory_space<hbm>>, %arg4: memref<256x128xi32, #tpu.memory_space<hbm>>, %arg5: memref<256x64xi32, #tpu.memory_space<hbm>>, %arg6: memref<128x2048xf32, #tpu.memory_space<hbm>>, %arg7: memref<8x128xi32, #tpu.memory_space<vmem>>, %arg8: memref<8x64xi32, #tpu.memory_space<vmem>>, %arg9: memref<2x128x128xf32, #tpu.memory_space<vmem>>, %arg10: memref<2x64x128xf32, #tpu.memory_space<vmem>>, %arg11: memref<4x2048xf32, #tpu.memory_space<vmem>>, %arg12: memref<!tpu.dma_semaphore, #tpu.memory_space<semaphore_mem>>, %arg13: memref<!tpu.dma_semaphore, #tpu.memory_space<semaphore_mem>>, %arg14: memref<!tpu.dma_semaphore, #tpu.memory_space<semaphore_mem>>, %arg15: memref<!tpu.dma_semaphore, #tpu.memory_space<semaphore_mem>>) attributes {dimension_semantics = [#tpu.dimension_semantics<core_parallel>, #tpu.dimension_semantics<subcore_parallel>], iteration_bounds = array<i64: 2, 16>, scalar_prefetch = 0 : i64, scratch_operands = 9 : i64, tpu.core_type = #tpu.core_type<sc_vector_subcore>, window_params = [{transform_indices = #map}, {transform_indices = #map}, {transform_indices = #map}, {transform_indices = #map}, {transform_indices = #map}]} {
    %mul3A = arith.constant 2 : i32
    %mul3A_0 = arith.muli %arg1, %mul3A : i32
    %add3A = arith.addi %mul3A_0, %arg0 : i32
    %mul3A_1 = arith.constant 512 : i32
    %mul3A_2 = arith.muli %add3A, %mul3A_1 : i32
    %mul3A_3 = arith.constant 8 : i32
    %mul3A_4 = arith.muli %add3A, %mul3A_3 : i32
    %dma_start3A = arith.constant 0 : i32
    %dma_start3A_5 = tpu.memref_slice %arg4[%mul3A_4, %dma_start3A] : memref<256x128xi32, #tpu.memory_space<hbm>> -> memref<8x128xi32, #tpu.memory_space<hbm>>
    %dma_start3A_6 = arith.constant 0 : i32
    %dma_start3A_7 = tpu.memref_slice %arg4[%mul3A_4, %dma_start3A_6] : memref<256x128xi32, #tpu.memory_space<hbm>> -> memref<8x128xi32, #tpu.memory_space<hbm>>
    tpu.enqueue_dma source(%dma_start3A_7 : memref<8x128xi32, #tpu.memory_space<hbm>>) target(%arg7 : memref<8x128xi32, #tpu.memory_space<vmem>>) target_semaphore(%arg12 : memref<!tpu.dma_semaphore, #tpu.memory_space<semaphore_mem>>)
    %mul3A_8 = arith.constant 8 : i32
    %mul3A_9 = arith.muli %add3A, %mul3A_8 : i32
    %dma_start3A_10 = arith.constant 0 : i32
    %dma_start3A_11 = tpu.memref_slice %arg5[%mul3A_9, %dma_start3A_10] : memref<256x64xi32, #tpu.memory_space<hbm>> -> memref<8x64xi32, #tpu.memory_space<hbm>>
    %dma_start3A_12 = arith.constant 0 : i32
    %dma_start3A_13 = tpu.memref_slice %arg5[%mul3A_9, %dma_start3A_12] : memref<256x64xi32, #tpu.memory_space<hbm>> -> memref<8x64xi32, #tpu.memory_space<hbm>>
    tpu.enqueue_dma source(%dma_start3A_13 : memref<8x64xi32, #tpu.memory_space<hbm>>) target(%arg8 : memref<8x64xi32, #tpu.memory_space<vmem>>) target_semaphore(%arg12 : memref<!tpu.dma_semaphore, #tpu.memory_space<semaphore_mem>>)
    %dma_wait3A = arith.constant 0 : i32
    %dma_wait3A_14 = tpu.memref_slice %arg4[%mul3A_4, %dma_wait3A] : memref<256x128xi32, #tpu.memory_space<hbm>> -> memref<8x128xi32, #tpu.memory_space<hbm>>
    %dma_wait3A_15 = arith.constant 0 : i32
    %dma_wait3A_16 = tpu.memref_slice %arg4[%mul3A_4, %dma_wait3A_15] : memref<256x128xi32, #tpu.memory_space<hbm>> -> memref<8x128xi32, #tpu.memory_space<hbm>>
    tpu.wait_dma2 semaphore(%arg12 : memref<!tpu.dma_semaphore, #tpu.memory_space<semaphore_mem>>) src(%dma_wait3A_16 : memref<8x128xi32, #tpu.memory_space<hbm>>) dst(%arg7 : memref<8x128xi32, #tpu.memory_space<vmem>>)
    %dma_wait3A_17 = arith.constant 0 : i32
    %dma_wait3A_18 = tpu.memref_slice %arg5[%mul3A_9, %dma_wait3A_17] : memref<256x64xi32, #tpu.memory_space<hbm>> -> memref<8x64xi32, #tpu.memory_space<hbm>>
    %dma_wait3A_19 = arith.constant 0 : i32
    %dma_wait3A_20 = tpu.memref_slice %arg5[%mul3A_9, %dma_wait3A_19] : memref<256x64xi32, #tpu.memory_space<hbm>> -> memref<8x64xi32, #tpu.memory_space<hbm>>
    tpu.wait_dma2 semaphore(%arg12 : memref<!tpu.dma_semaphore, #tpu.memory_space<semaphore_mem>>) src(%dma_wait3A_20 : memref<8x64xi32, #tpu.memory_space<hbm>>) dst(%arg8 : memref<8x64xi32, #tpu.memory_space<vmem>>)
    %dma_start3A_21 = arith.constant 0 : i32
    %dma_start3A_22 = arith.constant 0 : i32
    %dma_start3A_23 = arith.constant 0 : i32
    %dma_start3A_24 = arith.constant 0 : i32
    %dma_start3A_25 = tpu.memref_slice %arg9[%dma_start3A_22, %dma_start3A_23, %dma_start3A_24] : memref<2x128x128xf32, #tpu.memory_space<vmem>> -> memref<1x128x128xf32, #tpu.memory_space<vmem>>
    %dma_start3A_26 = tpu.memref_squeeze %dma_start3A_25 : memref<1x128x128xf32, #tpu.memory_space<vmem>> -> memref<128x128xf32, #tpu.memory_space<vmem>>
    %dma_start3A_27 = arith.constant 0 : i32
    %dma_start3A_28 = tpu.memref_slice %arg7[%dma_start3A_21, %dma_start3A_27] : memref<8x128xi32, #tpu.memory_space<vmem>> -> memref<1x128xi32, #tpu.memory_space<vmem>>
    %dma_start3A_29 = tpu.memref_squeeze %dma_start3A_28 : memref<1x128xi32, #tpu.memory_space<vmem>> -> memref<128xi32, #tpu.memory_space<vmem>>
    %dma_start3A_30 = arith.constant 0 : i32
    %dma_start3A_31 = arith.constant 0 : i32
    %dma_start3A_32 = tpu.memref_slice %arg2[%dma_start3A_30, %dma_start3A_31] : memref<100000x128xf32, #tpu.memory_space<hbm>> -> memref<100000x128xf32, #tpu.memory_space<hbm>>
    tpu.enqueue_indirect_dma source(%dma_start3A_32 : memref<100000x128xf32, #tpu.memory_space<hbm>>) target(%dma_start3A_26 : memref<128x128xf32, #tpu.memory_space<vmem>>) offsets(%dma_start3A_29 : memref<128xi32, #tpu.memory_space<vmem>>) semaphore(%arg13 : memref<!tpu.dma_semaphore, #tpu.memory_space<semaphore_mem>>)
    %dma_start3A_33 = arith.constant 0 : i32
    %dma_start3A_34 = arith.constant 0 : i32
    %dma_start3A_35 = arith.constant 0 : i32
    %dma_start3A_36 = arith.constant 0 : i32
    %dma_start3A_37 = tpu.memref_slice %arg10[%dma_start3A_34, %dma_start3A_35, %dma_start3A_36] : memref<2x64x128xf32, #tpu.memory_space<vmem>> -> memref<1x64x128xf32, #tpu.memory_space<vmem>>
    %dma_start3A_38 = tpu.memref_squeeze %dma_start3A_37 : memref<1x64x128xf32, #tpu.memory_space<vmem>> -> memref<64x128xf32, #tpu.memory_space<vmem>>
    %dma_start3A_39 = arith.constant 0 : i32
    %dma_start3A_40 = tpu.memref_slice %arg8[%dma_start3A_33, %dma_start3A_39] : memref<8x64xi32, #tpu.memory_space<vmem>> -> memref<1x64xi32, #tpu.memory_space<vmem>>
    %dma_start3A_41 = tpu.memref_squeeze %dma_start3A_40 : memref<1x64xi32, #tpu.memory_space<vmem>> -> memref<64xi32, #tpu.memory_space<vmem>>
    %dma_start3A_42 = arith.constant 0 : i32
    %dma_start3A_43 = arith.constant 0 : i32
    %dma_start3A_44 = tpu.memref_slice %arg3[%dma_start3A_42, %dma_start3A_43] : memref<1000x128xf32, #tpu.memory_space<hbm>> -> memref<1000x128xf32, #tpu.memory_space<hbm>>
    tpu.enqueue_indirect_dma source(%dma_start3A_44 : memref<1000x128xf32, #tpu.memory_space<hbm>>) target(%dma_start3A_38 : memref<64x128xf32, #tpu.memory_space<vmem>>) offsets(%dma_start3A_41 : memref<64xi32, #tpu.memory_space<vmem>>) semaphore(%arg13 : memref<!tpu.dma_semaphore, #tpu.memory_space<semaphore_mem>>)
    %dma_start3A_45 = arith.constant 1 : i32
    %dma_start3A_46 = arith.constant 1 : i32
    %dma_start3A_47 = arith.constant 0 : i32
    %dma_start3A_48 = arith.constant 0 : i32
    %dma_start3A_49 = tpu.memref_slice %arg9[%dma_start3A_46, %dma_start3A_47, %dma_start3A_48] : memref<2x128x128xf32, #tpu.memory_space<vmem>> -> memref<1x128x128xf32, #tpu.memory_space<vmem>>
    %dma_start3A_50 = tpu.memref_squeeze %dma_start3A_49 : memref<1x128x128xf32, #tpu.memory_space<vmem>> -> memref<128x128xf32, #tpu.memory_space<vmem>>
    %dma_start3A_51 = arith.constant 0 : i32
    %dma_start3A_52 = tpu.memref_slice %arg7[%dma_start3A_45, %dma_start3A_51] : memref<8x128xi32, #tpu.memory_space<vmem>> -> memref<1x128xi32, #tpu.memory_space<vmem>>
    %dma_start3A_53 = tpu.memref_squeeze %dma_start3A_52 : memref<1x128xi32, #tpu.memory_space<vmem>> -> memref<128xi32, #tpu.memory_space<vmem>>
    %dma_start3A_54 = arith.constant 0 : i32
    %dma_start3A_55 = arith.constant 0 : i32
    %dma_start3A_56 = tpu.memref_slice %arg2[%dma_start3A_54, %dma_start3A_55] : memref<100000x128xf32, #tpu.memory_space<hbm>> -> memref<100000x128xf32, #tpu.memory_space<hbm>>
    tpu.enqueue_indirect_dma source(%dma_start3A_56 : memref<100000x128xf32, #tpu.memory_space<hbm>>) target(%dma_start3A_50 : memref<128x128xf32, #tpu.memory_space<vmem>>) offsets(%dma_start3A_53 : memref<128xi32, #tpu.memory_space<vmem>>) semaphore(%arg14 : memref<!tpu.dma_semaphore, #tpu.memory_space<semaphore_mem>>)
    %dma_start3A_57 = arith.constant 1 : i32
    %dma_start3A_58 = arith.constant 1 : i32
    %dma_start3A_59 = arith.constant 0 : i32
    %dma_start3A_60 = arith.constant 0 : i32
    %dma_start3A_61 = tpu.memref_slice %arg10[%dma_start3A_58, %dma_start3A_59, %dma_start3A_60] : memref<2x64x128xf32, #tpu.memory_space<vmem>> -> memref<1x64x128xf32, #tpu.memory_space<vmem>>
    %dma_start3A_62 = tpu.memref_squeeze %dma_start3A_61 : memref<1x64x128xf32, #tpu.memory_space<vmem>> -> memref<64x128xf32, #tpu.memory_space<vmem>>
    %dma_start3A_63 = arith.constant 0 : i32
    %dma_start3A_64 = tpu.memref_slice %arg8[%dma_start3A_57, %dma_start3A_63] : memref<8x64xi32, #tpu.memory_space<vmem>> -> memref<1x64xi32, #tpu.memory_space<vmem>>
    %dma_start3A_65 = tpu.memref_squeeze %dma_start3A_64 : memref<1x64xi32, #tpu.memory_space<vmem>> -> memref<64xi32, #tpu.memory_space<vmem>>
    %dma_start3A_66 = arith.constant 0 : i32
    %dma_start3A_67 = arith.constant 0 : i32
    %dma_start3A_68 = tpu.memref_slice %arg3[%dma_start3A_66, %dma_start3A_67] : memref<1000x128xf32, #tpu.memory_space<hbm>> -> memref<1000x128xf32, #tpu.memory_space<hbm>>
    tpu.enqueue_indirect_dma source(%dma_start3A_68 : memref<1000x128xf32, #tpu.memory_space<hbm>>) target(%dma_start3A_62 : memref<64x128xf32, #tpu.memory_space<vmem>>) offsets(%dma_start3A_65 : memref<64xi32, #tpu.memory_space<vmem>>) semaphore(%arg14 : memref<!tpu.dma_semaphore, #tpu.memory_space<semaphore_mem>>)
    %dma_wait3A_69 = arith.constant 0 : i32
    %dma_wait3A_70 = arith.constant 0 : i32
    %dma_wait3A_71 = arith.constant 0 : i32
    %dma_wait3A_72 = arith.constant 0 : i32
    %dma_wait3A_73 = tpu.memref_slice %arg9[%dma_wait3A_70, %dma_wait3A_71, %dma_wait3A_72] : memref<2x128x128xf32, #tpu.memory_space<vmem>> -> memref<1x128x128xf32, #tpu.memory_space<vmem>>
    %dma_wait3A_74 = tpu.memref_squeeze %dma_wait3A_73 : memref<1x128x128xf32, #tpu.memory_space<vmem>> -> memref<128x128xf32, #tpu.memory_space<vmem>>
    %dma_wait3A_75 = arith.constant 0 : i32
    %dma_wait3A_76 = tpu.memref_slice %arg7[%dma_wait3A_69, %dma_wait3A_75] : memref<8x128xi32, #tpu.memory_space<vmem>> -> memref<1x128xi32, #tpu.memory_space<vmem>>
    %dma_wait3A_77 = tpu.memref_squeeze %dma_wait3A_76 : memref<1x128xi32, #tpu.memory_space<vmem>> -> memref<128xi32, #tpu.memory_space<vmem>>
    %dma_wait3A_78 = arith.constant 0 : i32
    %dma_wait3A_79 = arith.constant 0 : i32
    %dma_wait3A_80 = tpu.memref_slice %arg2[%dma_wait3A_78, %dma_wait3A_79] : memref<100000x128xf32, #tpu.memory_space<hbm>> -> memref<100000x128xf32, #tpu.memory_space<hbm>>
    tpu.wait_indirect_dma semaphore(%arg13 : memref<!tpu.dma_semaphore, #tpu.memory_space<semaphore_mem>>) src(%dma_wait3A_80 : memref<100000x128xf32, #tpu.memory_space<hbm>>) dst(%dma_wait3A_74 : memref<128x128xf32, #tpu.memory_space<vmem>>)
    %dma_wait3A_81 = arith.constant 0 : i32
    %dma_wait3A_82 = arith.constant 0 : i32
    %dma_wait3A_83 = arith.constant 0 : i32
    %dma_wait3A_84 = arith.constant 0 : i32
    %dma_wait3A_85 = tpu.memref_slice %arg10[%dma_wait3A_82, %dma_wait3A_83, %dma_wait3A_84] : memref<2x64x128xf32, #tpu.memory_space<vmem>> -> memref<1x64x128xf32, #tpu.memory_space<vmem>>
    %dma_wait3A_86 = tpu.memref_squeeze %dma_wait3A_85 : memref<1x64x128xf32, #tpu.memory_space<vmem>> -> memref<64x128xf32, #tpu.memory_space<vmem>>
    %dma_wait3A_87 = arith.constant 0 : i32
    %dma_wait3A_88 = tpu.memref_slice %arg8[%dma_wait3A_81, %dma_wait3A_87] : memref<8x64xi32, #tpu.memory_space<vmem>> -> memref<1x64xi32, #tpu.memory_space<vmem>>
    %dma_wait3A_89 = tpu.memref_squeeze %dma_wait3A_88 : memref<1x64xi32, #tpu.memory_space<vmem>> -> memref<64xi32, #tpu.memory_space<vmem>>
    %dma_wait3A_90 = arith.constant 0 : i32
    %dma_wait3A_91 = arith.constant 0 : i32
    %dma_wait3A_92 = tpu.memref_slice %arg3[%dma_wait3A_90, %dma_wait3A_91] : memref<1000x128xf32, #tpu.memory_space<hbm>> -> memref<1000x128xf32, #tpu.memory_space<hbm>>
    tpu.wait_indirect_dma semaphore(%arg13 : memref<!tpu.dma_semaphore, #tpu.memory_space<semaphore_mem>>) src(%dma_wait3A_92 : memref<1000x128xf32, #tpu.memory_space<hbm>>) dst(%dma_wait3A_86 : memref<64x128xf32, #tpu.memory_space<vmem>>)
    %scan3A = arith.constant 0 : i32
    %scan3A_93 = arith.constant 0 : i32
    %scan3A_94 = arith.constant 0 : i32
    %scan3A_95 = arith.constant 0 : i32
    %scan3A_96 = arith.constant 64 : i32
    %scan3A_97 = arith.addi %scan3A_95, %scan3A_96 : i32
    %scan3A_98 = arith.constant 1 : i32
    scf.for %scan3A_470 = %scan3A_95 to %scan3A_97 step %scan3A_98  : i32 {
      %broadcast_in_dim3A = arith.constant 0.000000e+00 : f32
      %broadcast_in_dim3A_471 = vector.broadcast %broadcast_in_dim3A : f32 to vector<16xf32>
      %get3A = arith.constant 0 : i32
      %get3A_472 = arith.constant 0 : i32
      %get3A_473 = tpu.memref_slice %arg9[%scan3A_93, %get3A, %get3A_472] : memref<2x128x128xf32, #tpu.memory_space<vmem>> -> memref<1x128x128xf32, #tpu.memory_space<vmem>>
      %get3A_474 = tpu.memref_squeeze %get3A_473 : memref<1x128x128xf32, #tpu.memory_space<vmem>> -> memref<128x128xf32, #tpu.memory_space<vmem>>
      %get3A_475 = arith.index_cast %scan3A_470 : i32 to index
      %get3A_476 = arith.constant 0 : index
      %get3A_477 = tpu.vector_load %get3A_474[%get3A_475, %get3A_476] {strides = array<i32>} : memref<128x128xf32, #tpu.memory_space<vmem>>, vector<1x16xf32>,
      %get3A_478 = vector.shape_cast %get3A_477 : vector<1x16xf32> to vector<16xf32>
      %get3A_479 = arith.constant 0 : i32
      %get3A_480 = arith.constant 0 : i32
      %get3A_481 = tpu.memref_slice %arg10[%scan3A_94, %get3A_479, %get3A_480] : memref<2x64x128xf32, #tpu.memory_space<vmem>> -> memref<1x64x128xf32, #tpu.memory_space<vmem>>
      %get3A_482 = tpu.memref_squeeze %get3A_481 : memref<1x64x128xf32, #tpu.memory_space<vmem>> -> memref<64x128xf32, #tpu.memory_space<vmem>>
      %get3A_483 = arith.index_cast %scan3A_470 : i32 to index
      %get3A_484 = arith.constant 0 : index
      %get3A_485 = tpu.vector_load %get3A_482[%get3A_483, %get3A_484] {strides = array<i32>} : memref<64x128xf32, #tpu.memory_space<vmem>>, vector<1x16xf32>,
      %get3A_486 = vector.shape_cast %get3A_485 : vector<1x16xf32> to vector<16xf32>
      %add3A_487 = arith.constant 64 : i32
      %add3A_488 = arith.addi %add3A_487, %scan3A_470 : i32
      %get3A_489 = arith.constant 0 : i32
      %get3A_490 = arith.constant 0 : i32
      %get3A_491 = tpu.memref_slice %arg9[%scan3A_93, %get3A_489, %get3A_490] : memref<2x128x128xf32, #tpu.memory_space<vmem>> -> memref<1x128x128xf32, #tpu.memory_space<vmem>>
      %get3A_492 = tpu.memref_squeeze %get3A_491 : memref<1x128x128xf32, #tpu.memory_space<vmem>> -> memref<128x128xf32, #tpu.memory_space<vmem>>
      %get3A_493 = arith.index_cast %add3A_488 : i32 to index
      %get3A_494 = arith.constant 0 : index
      %get3A_495 = tpu.vector_load %get3A_492[%get3A_493, %get3A_494] {strides = array<i32>} : memref<128x128xf32, #tpu.memory_space<vmem>>, vector<1x16xf32>,
      %get3A_496 = vector.shape_cast %get3A_495 : vector<1x16xf32> to vector<16xf32>
      %sub3A = arith.subf %get3A_478, %get3A_496 : vector<16xf32>
      %add3A_497 = arith.addf %sub3A, %get3A_486 : vector<16xf32>
      %mul3A_498 = arith.mulf %add3A_497, %add3A_497 : vector<16xf32>
      %add3A_499 = arith.addf %broadcast_in_dim3A_471, %mul3A_498 : vector<16xf32>
      %get3A_500 = arith.constant 0 : i32
      %get3A_501 = arith.constant 0 : i32
      %get3A_502 = tpu.memref_slice %arg9[%scan3A_93, %get3A_500, %get3A_501] : memref<2x128x128xf32, #tpu.memory_space<vmem>> -> memref<1x128x128xf32, #tpu.memory_space<vmem>>
      %get3A_503 = tpu.memref_squeeze %get3A_502 : memref<1x128x128xf32, #tpu.memory_space<vmem>> -> memref<128x128xf32, #tpu.memory_space<vmem>>
      %get3A_504 = arith.index_cast %scan3A_470 : i32 to index
      %get3A_505 = arith.constant 16 : index
      %get3A_506 = tpu.vector_load %get3A_503[%get3A_504, %get3A_505] {strides = array<i32>} : memref<128x128xf32, #tpu.memory_space<vmem>>, vector<1x16xf32>,
      %get3A_507 = vector.shape_cast %get3A_506 : vector<1x16xf32> to vector<16xf32>
      %get3A_508 = arith.constant 0 : i32
      %get3A_509 = arith.constant 0 : i32
      %get3A_510 = tpu.memref_slice %arg10[%scan3A_94, %get3A_508, %get3A_509] : memref<2x64x128xf32, #tpu.memory_space<vmem>> -> memref<1x64x128xf32, #tpu.memory_space<vmem>>
      %get3A_511 = tpu.memref_squeeze %get3A_510 : memref<1x64x128xf32, #tpu.memory_space<vmem>> -> memref<64x128xf32, #tpu.memory_space<vmem>>
      %get3A_512 = arith.index_cast %scan3A_470 : i32 to index
      %get3A_513 = arith.constant 16 : index
      %get3A_514 = tpu.vector_load %get3A_511[%get3A_512, %get3A_513] {strides = array<i32>} : memref<64x128xf32, #tpu.memory_space<vmem>>, vector<1x16xf32>,
      %get3A_515 = vector.shape_cast %get3A_514 : vector<1x16xf32> to vector<16xf32>
      %add3A_516 = arith.constant 64 : i32
      %add3A_517 = arith.addi %add3A_516, %scan3A_470 : i32
      %get3A_518 = arith.constant 0 : i32
      %get3A_519 = arith.constant 0 : i32
      %get3A_520 = tpu.memref_slice %arg9[%scan3A_93, %get3A_518, %get3A_519] : memref<2x128x128xf32, #tpu.memory_space<vmem>> -> memref<1x128x128xf32, #tpu.memory_space<vmem>>
      %get3A_521 = tpu.memref_squeeze %get3A_520 : memref<1x128x128xf32, #tpu.memory_space<vmem>> -> memref<128x128xf32, #tpu.memory_space<vmem>>
      %get3A_522 = arith.index_cast %add3A_517 : i32 to index
      %get3A_523 = arith.constant 16 : index
      %get3A_524 = tpu.vector_load %get3A_521[%get3A_522, %get3A_523] {strides = array<i32>} : memref<128x128xf32, #tpu.memory_space<vmem>>, vector<1x16xf32>,
      %get3A_525 = vector.shape_cast %get3A_524 : vector<1x16xf32> to vector<16xf32>
      %sub3A_526 = arith.subf %get3A_507, %get3A_525 : vector<16xf32>
      %add3A_527 = arith.addf %sub3A_526, %get3A_515 : vector<16xf32>
      %mul3A_528 = arith.mulf %add3A_527, %add3A_527 : vector<16xf32>
      %add3A_529 = arith.addf %add3A_499, %mul3A_528 : vector<16xf32>
      %get3A_530 = arith.constant 0 : i32
      %get3A_531 = arith.constant 0 : i32
      %get3A_532 = tpu.memref_slice %arg9[%scan3A_93, %get3A_530, %get3A_531] : memref<2x128x128xf32, #tpu.memory_space<vmem>> -> memref<1x128x128xf32, #tpu.memory_space<vmem>>
      %get3A_533 = tpu.memref_squeeze %get3A_532 : memref<1x128x128xf32, #tpu.memory_space<vmem>> -> memref<128x128xf32, #tpu.memory_space<vmem>>
      %get3A_534 = arith.index_cast %scan3A_470 : i32 to index
      %get3A_535 = arith.constant 32 : index
      %get3A_536 = tpu.vector_load %get3A_533[%get3A_534, %get3A_535] {strides = array<i32>} : memref<128x128xf32, #tpu.memory_space<vmem>>, vector<1x16xf32>,
      %get3A_537 = vector.shape_cast %get3A_536 : vector<1x16xf32> to vector<16xf32>
      %get3A_538 = arith.constant 0 : i32
      %get3A_539 = arith.constant 0 : i32
      %get3A_540 = tpu.memref_slice %arg10[%scan3A_94, %get3A_538, %get3A_539] : memref<2x64x128xf32, #tpu.memory_space<vmem>> -> memref<1x64x128xf32, #tpu.memory_space<vmem>>
      %get3A_541 = tpu.memref_squeeze %get3A_540 : memref<1x64x128xf32, #tpu.memory_space<vmem>> -> memref<64x128xf32, #tpu.memory_space<vmem>>
      %get3A_542 = arith.index_cast %scan3A_470 : i32 to index
      %get3A_543 = arith.constant 32 : index
      %get3A_544 = tpu.vector_load %get3A_541[%get3A_542, %get3A_543] {strides = array<i32>} : memref<64x128xf32, #tpu.memory_space<vmem>>, vector<1x16xf32>,
      %get3A_545 = vector.shape_cast %get3A_544 : vector<1x16xf32> to vector<16xf32>
      %add3A_546 = arith.constant 64 : i32
      %add3A_547 = arith.addi %add3A_546, %scan3A_470 : i32
      %get3A_548 = arith.constant 0 : i32
      %get3A_549 = arith.constant 0 : i32
      %get3A_550 = tpu.memref_slice %arg9[%scan3A_93, %get3A_548, %get3A_549] : memref<2x128x128xf32, #tpu.memory_space<vmem>> -> memref<1x128x128xf32, #tpu.memory_space<vmem>>
      %get3A_551 = tpu.memref_squeeze %get3A_550 : memref<1x128x128xf32, #tpu.memory_space<vmem>> -> memref<128x128xf32, #tpu.memory_space<vmem>>
      %get3A_552 = arith.index_cast %add3A_547 : i32 to index
      %get3A_553 = arith.constant 32 : index
      %get3A_554 = tpu.vector_load %get3A_551[%get3A_552, %get3A_553] {strides = array<i32>} : memref<128x128xf32, #tpu.memory_space<vmem>>, vector<1x16xf32>,
      %get3A_555 = vector.shape_cast %get3A_554 : vector<1x16xf32> to vector<16xf32>
      %sub3A_556 = arith.subf %get3A_537, %get3A_555 : vector<16xf32>
      %add3A_557 = arith.addf %sub3A_556, %get3A_545 : vector<16xf32>
      %mul3A_558 = arith.mulf %add3A_557, %add3A_557 : vector<16xf32>
      %add3A_559 = arith.addf %add3A_529, %mul3A_558 : vector<16xf32>
      %get3A_560 = arith.constant 0 : i32
      %get3A_561 = arith.constant 0 : i32
      %get3A_562 = tpu.memref_slice %arg9[%scan3A_93, %get3A_560, %get3A_561] : memref<2x128x128xf32, #tpu.memory_space<vmem>> -> memref<1x128x128xf32, #tpu.memory_space<vmem>>
      %get3A_563 = tpu.memref_squeeze %get3A_562 : memref<1x128x128xf32, #tpu.memory_space<vmem>> -> memref<128x128xf32, #tpu.memory_space<vmem>>
      %get3A_564 = arith.index_cast %scan3A_470 : i32 to index
      %get3A_565 = arith.constant 48 : index
      %get3A_566 = tpu.vector_load %get3A_563[%get3A_564, %get3A_565] {strides = array<i32>} : memref<128x128xf32, #tpu.memory_space<vmem>>, vector<1x16xf32>,
      %get3A_567 = vector.shape_cast %get3A_566 : vector<1x16xf32> to vector<16xf32>
      %get3A_568 = arith.constant 0 : i32
      %get3A_569 = arith.constant 0 : i32
      %get3A_570 = tpu.memref_slice %arg10[%scan3A_94, %get3A_568, %get3A_569] : memref<2x64x128xf32, #tpu.memory_space<vmem>> -> memref<1x64x128xf32, #tpu.memory_space<vmem>>
      %get3A_571 = tpu.memref_squeeze %get3A_570 : memref<1x64x128xf32, #tpu.memory_space<vmem>> -> memref<64x128xf32, #tpu.memory_space<vmem>>
      %get3A_572 = arith.index_cast %scan3A_470 : i32 to index
      %get3A_573 = arith.constant 48 : index
      %get3A_574 = tpu.vector_load %get3A_571[%get3A_572, %get3A_573] {strides = array<i32>} : memref<64x128xf32, #tpu.memory_space<vmem>>, vector<1x16xf32>,
      %get3A_575 = vector.shape_cast %get3A_574 : vector<1x16xf32> to vector<16xf32>
      %add3A_576 = arith.constant 64 : i32
      %add3A_577 = arith.addi %add3A_576, %scan3A_470 : i32
      %get3A_578 = arith.constant 0 : i32
      %get3A_579 = arith.constant 0 : i32
      %get3A_580 = tpu.memref_slice %arg9[%scan3A_93, %get3A_578, %get3A_579] : memref<2x128x128xf32, #tpu.memory_space<vmem>> -> memref<1x128x128xf32, #tpu.memory_space<vmem>>
      %get3A_581 = tpu.memref_squeeze %get3A_580 : memref<1x128x128xf32, #tpu.memory_space<vmem>> -> memref<128x128xf32, #tpu.memory_space<vmem>>
      %get3A_582 = arith.index_cast %add3A_577 : i32 to index
      %get3A_583 = arith.constant 48 : index
      %get3A_584 = tpu.vector_load %get3A_581[%get3A_582, %get3A_583] {strides = array<i32>} : memref<128x128xf32, #tpu.memory_space<vmem>>, vector<1x16xf32>,
      %get3A_585 = vector.shape_cast %get3A_584 : vector<1x16xf32> to vector<16xf32>
      %sub3A_586 = arith.subf %get3A_567, %get3A_585 : vector<16xf32>
      %add3A_587 = arith.addf %sub3A_586, %get3A_575 : vector<16xf32>
      %mul3A_588 = arith.mulf %add3A_587, %add3A_587 : vector<16xf32>
      %add3A_589 = arith.addf %add3A_559, %mul3A_588 : vector<16xf32>
      %get3A_590 = arith.constant 0 : i32
      %get3A_591 = arith.constant 0 : i32
      %get3A_592 = tpu.memref_slice %arg9[%scan3A_93, %get3A_590, %get3A_591] : memref<2x128x128xf32, #tpu.memory_space<vmem>> -> memref<1x128x128xf32, #tpu.memory_space<vmem>>
      %get3A_593 = tpu.memref_squeeze %get3A_592 : memref<1x128x128xf32, #tpu.memory_space<vmem>> -> memref<128x128xf32, #tpu.memory_space<vmem>>
      %get3A_594 = arith.index_cast %scan3A_470 : i32 to index
      %get3A_595 = arith.constant 64 : index
      %get3A_596 = tpu.vector_load %get3A_593[%get3A_594, %get3A_595] {strides = array<i32>} : memref<128x128xf32, #tpu.memory_space<vmem>>, vector<1x16xf32>,
      %get3A_597 = vector.shape_cast %get3A_596 : vector<1x16xf32> to vector<16xf32>
      %get3A_598 = arith.constant 0 : i32
      %get3A_599 = arith.constant 0 : i32
      %get3A_600 = tpu.memref_slice %arg10[%scan3A_94, %get3A_598, %get3A_599] : memref<2x64x128xf32, #tpu.memory_space<vmem>> -> memref<1x64x128xf32, #tpu.memory_space<vmem>>
      %get3A_601 = tpu.memref_squeeze %get3A_600 : memref<1x64x128xf32, #tpu.memory_space<vmem>> -> memref<64x128xf32, #tpu.memory_space<vmem>>
      %get3A_602 = arith.index_cast %scan3A_470 : i32 to index
      %get3A_603 = arith.constant 64 : index
      %get3A_604 = tpu.vector_load %get3A_601[%get3A_602, %get3A_603] {strides = array<i32>} : memref<64x128xf32, #tpu.memory_space<vmem>>, vector<1x16xf32>,
      %get3A_605 = vector.shape_cast %get3A_604 : vector<1x16xf32> to vector<16xf32>
      %add3A_606 = arith.constant 64 : i32
      %add3A_607 = arith.addi %add3A_606, %scan3A_470 : i32
      %get3A_608 = arith.constant 0 : i32
      %get3A_609 = arith.constant 0 : i32
      %get3A_610 = tpu.memref_slice %arg9[%scan3A_93, %get3A_608, %get3A_609] : memref<2x128x128xf32, #tpu.memory_space<vmem>> -> memref<1x128x128xf32, #tpu.memory_space<vmem>>
      %get3A_611 = tpu.memref_squeeze %get3A_610 : memref<1x128x128xf32, #tpu.memory_space<vmem>> -> memref<128x128xf32, #tpu.memory_space<vmem>>
      %get3A_612 = arith.index_cast %add3A_607 : i32 to index
      %get3A_613 = arith.constant 64 : index
      %get3A_614 = tpu.vector_load %get3A_611[%get3A_612, %get3A_613] {strides = array<i32>} : memref<128x128xf32, #tpu.memory_space<vmem>>, vector<1x16xf32>,
      %get3A_615 = vector.shape_cast %get3A_614 : vector<1x16xf32> to vector<16xf32>
      %sub3A_616 = arith.subf %get3A_597, %get3A_615 : vector<16xf32>
      %add3A_617 = arith.addf %sub3A_616, %get3A_605 : vector<16xf32>
      %mul3A_618 = arith.mulf %add3A_617, %add3A_617 : vector<16xf32>
      %add3A_619 = arith.addf %add3A_589, %mul3A_618 : vector<16xf32>
      %get3A_620 = arith.constant 0 : i32
      %get3A_621 = arith.constant 0 : i32
      %get3A_622 = tpu.memref_slice %arg9[%scan3A_93, %get3A_620, %get3A_621] : memref<2x128x128xf32, #tpu.memory_space<vmem>> -> memref<1x128x128xf32, #tpu.memory_space<vmem>>
      %get3A_623 = tpu.memref_squeeze %get3A_622 : memref<1x128x128xf32, #tpu.memory_space<vmem>> -> memref<128x128xf32, #tpu.memory_space<vmem>>
      %get3A_624 = arith.index_cast %scan3A_470 : i32 to index
      %get3A_625 = arith.constant 80 : index
      %get3A_626 = tpu.vector_load %get3A_623[%get3A_624, %get3A_625] {strides = array<i32>} : memref<128x128xf32, #tpu.memory_space<vmem>>, vector<1x16xf32>,
      %get3A_627 = vector.shape_cast %get3A_626 : vector<1x16xf32> to vector<16xf32>
      %get3A_628 = arith.constant 0 : i32
      %get3A_629 = arith.constant 0 : i32
      %get3A_630 = tpu.memref_slice %arg10[%scan3A_94, %get3A_628, %get3A_629] : memref<2x64x128xf32, #tpu.memory_space<vmem>> -> memref<1x64x128xf32, #tpu.memory_space<vmem>>
      %get3A_631 = tpu.memref_squeeze %get3A_630 : memref<1x64x128xf32, #tpu.memory_space<vmem>> -> memref<64x128xf32, #tpu.memory_space<vmem>>
      %get3A_632 = arith.index_cast %scan3A_470 : i32 to index
      %get3A_633 = arith.constant 80 : index
      %get3A_634 = tpu.vector_load %get3A_631[%get3A_632, %get3A_633] {strides = array<i32>} : memref<64x128xf32, #tpu.memory_space<vmem>>, vector<1x16xf32>,
      %get3A_635 = vector.shape_cast %get3A_634 : vector<1x16xf32> to vector<16xf32>
      %add3A_636 = arith.constant 64 : i32
      %add3A_637 = arith.addi %add3A_636, %scan3A_470 : i32
      %get3A_638 = arith.constant 0 : i32
      %get3A_639 = arith.constant 0 : i32
      %get3A_640 = tpu.memref_slice %arg9[%scan3A_93, %get3A_638, %get3A_639] : memref<2x128x128xf32, #tpu.memory_space<vmem>> -> memref<1x128x128xf32, #tpu.memory_space<vmem>>
      %get3A_641 = tpu.memref_squeeze %get3A_640 : memref<1x128x128xf32, #tpu.memory_space<vmem>> -> memref<128x128xf32, #tpu.memory_space<vmem>>
      %get3A_642 = arith.index_cast %add3A_637 : i32 to index
      %get3A_643 = arith.constant 80 : index
      %get3A_644 = tpu.vector_load %get3A_641[%get3A_642, %get3A_643] {strides = array<i32>} : memref<128x128xf32, #tpu.memory_space<vmem>>, vector<1x16xf32>,
      %get3A_645 = vector.shape_cast %get3A_644 : vector<1x16xf32> to vector<16xf32>
      %sub3A_646 = arith.subf %get3A_627, %get3A_645 : vector<16xf32>
      %add3A_647 = arith.addf %sub3A_646, %get3A_635 : vector<16xf32>
      %mul3A_648 = arith.mulf %add3A_647, %add3A_647 : vector<16xf32>
      %add3A_649 = arith.addf %add3A_619, %mul3A_648 : vector<16xf32>
      %get3A_650 = arith.constant 0 : i32
      %get3A_651 = arith.constant 0 : i32
      %get3A_652 = tpu.memref_slice %arg9[%scan3A_93, %get3A_650, %get3A_651] : memref<2x128x128xf32, #tpu.memory_space<vmem>> -> memref<1x128x128xf32, #tpu.memory_space<vmem>>
      %get3A_653 = tpu.memref_squeeze %get3A_652 : memref<1x128x128xf32, #tpu.memory_space<vmem>> -> memref<128x128xf32, #tpu.memory_space<vmem>>
      %get3A_654 = arith.index_cast %scan3A_470 : i32 to index
      %get3A_655 = arith.constant 96 : index
      %get3A_656 = tpu.vector_load %get3A_653[%get3A_654, %get3A_655] {strides = array<i32>} : memref<128x128xf32, #tpu.memory_space<vmem>>, vector<1x16xf32>,
      %get3A_657 = vector.shape_cast %get3A_656 : vector<1x16xf32> to vector<16xf32>
      %get3A_658 = arith.constant 0 : i32
      %get3A_659 = arith.constant 0 : i32
      %get3A_660 = tpu.memref_slice %arg10[%scan3A_94, %get3A_658, %get3A_659] : memref<2x64x128xf32, #tpu.memory_space<vmem>> -> memref<1x64x128xf32, #tpu.memory_space<vmem>>
      %get3A_661 = tpu.memref_squeeze %get3A_660 : memref<1x64x128xf32, #tpu.memory_space<vmem>> -> memref<64x128xf32, #tpu.memory_space<vmem>>
      %get3A_662 = arith.index_cast %scan3A_470 : i32 to index
      %get3A_663 = arith.constant 96 : index
      %get3A_664 = tpu.vector_load %get3A_661[%get3A_662, %get3A_663] {strides = array<i32>} : memref<64x128xf32, #tpu.memory_space<vmem>>, vector<1x16xf32>,
      %get3A_665 = vector.shape_cast %get3A_664 : vector<1x16xf32> to vector<16xf32>
      %add3A_666 = arith.constant 64 : i32
      %add3A_667 = arith.addi %add3A_666, %scan3A_470 : i32
      %get3A_668 = arith.constant 0 : i32
      %get3A_669 = arith.constant 0 : i32
      %get3A_670 = tpu.memref_slice %arg9[%scan3A_93, %get3A_668, %get3A_669] : memref<2x128x128xf32, #tpu.memory_space<vmem>> -> memref<1x128x128xf32, #tpu.memory_space<vmem>>
      %get3A_671 = tpu.memref_squeeze %get3A_670 : memref<1x128x128xf32, #tpu.memory_space<vmem>> -> memref<128x128xf32, #tpu.memory_space<vmem>>
      %get3A_672 = arith.index_cast %add3A_667 : i32 to index
      %get3A_673 = arith.constant 96 : index
      %get3A_674 = tpu.vector_load %get3A_671[%get3A_672, %get3A_673] {strides = array<i32>} : memref<128x128xf32, #tpu.memory_space<vmem>>, vector<1x16xf32>,
      %get3A_675 = vector.shape_cast %get3A_674 : vector<1x16xf32> to vector<16xf32>
      %sub3A_676 = arith.subf %get3A_657, %get3A_675 : vector<16xf32>
      %add3A_677 = arith.addf %sub3A_676, %get3A_665 : vector<16xf32>
      %mul3A_678 = arith.mulf %add3A_677, %add3A_677 : vector<16xf32>
      %add3A_679 = arith.addf %add3A_649, %mul3A_678 : vector<16xf32>
      %get3A_680 = arith.constant 0 : i32
      %get3A_681 = arith.constant 0 : i32
      %get3A_682 = tpu.memref_slice %arg9[%scan3A_93, %get3A_680, %get3A_681] : memref<2x128x128xf32, #tpu.memory_space<vmem>> -> memref<1x128x128xf32, #tpu.memory_space<vmem>>
      %get3A_683 = tpu.memref_squeeze %get3A_682 : memref<1x128x128xf32, #tpu.memory_space<vmem>> -> memref<128x128xf32, #tpu.memory_space<vmem>>
      %get3A_684 = arith.index_cast %scan3A_470 : i32 to index
      %get3A_685 = arith.constant 112 : index
      %get3A_686 = tpu.vector_load %get3A_683[%get3A_684, %get3A_685] {strides = array<i32>} : memref<128x128xf32, #tpu.memory_space<vmem>>, vector<1x16xf32>,
      %get3A_687 = vector.shape_cast %get3A_686 : vector<1x16xf32> to vector<16xf32>
      %get3A_688 = arith.constant 0 : i32
      %get3A_689 = arith.constant 0 : i32
      %get3A_690 = tpu.memref_slice %arg10[%scan3A_94, %get3A_688, %get3A_689] : memref<2x64x128xf32, #tpu.memory_space<vmem>> -> memref<1x64x128xf32, #tpu.memory_space<vmem>>
      %get3A_691 = tpu.memref_squeeze %get3A_690 : memref<1x64x128xf32, #tpu.memory_space<vmem>> -> memref<64x128xf32, #tpu.memory_space<vmem>>
      %get3A_692 = arith.index_cast %scan3A_470 : i32 to index
      %get3A_693 = arith.constant 112 : index
      %get3A_694 = tpu.vector_load %get3A_691[%get3A_692, %get3A_693] {strides = array<i32>} : memref<64x128xf32, #tpu.memory_space<vmem>>, vector<1x16xf32>,
      %get3A_695 = vector.shape_cast %get3A_694 : vector<1x16xf32> to vector<16xf32>
      %add3A_696 = arith.constant 64 : i32
      %add3A_697 = arith.addi %add3A_696, %scan3A_470 : i32
      %get3A_698 = arith.constant 0 : i32
      %get3A_699 = arith.constant 0 : i32
      %get3A_700 = tpu.memref_slice %arg9[%scan3A_93, %get3A_698, %get3A_699] : memref<2x128x128xf32, #tpu.memory_space<vmem>> -> memref<1x128x128xf32, #tpu.memory_space<vmem>>
      %get3A_701 = tpu.memref_squeeze %get3A_700 : memref<1x128x128xf32, #tpu.memory_space<vmem>> -> memref<128x128xf32, #tpu.memory_space<vmem>>
      %get3A_702 = arith.index_cast %add3A_697 : i32 to index
      %get3A_703 = arith.constant 112 : index
      %get3A_704 = tpu.vector_load %get3A_701[%get3A_702, %get3A_703] {strides = array<i32>} : memref<128x128xf32, #tpu.memory_space<vmem>>, vector<1x16xf32>,
      %get3A_705 = vector.shape_cast %get3A_704 : vector<1x16xf32> to vector<16xf32>
      %sub3A_706 = arith.subf %get3A_687, %get3A_705 : vector<16xf32>
      %add3A_707 = arith.addf %sub3A_706, %get3A_695 : vector<16xf32>
      %mul3A_708 = arith.mulf %add3A_707, %add3A_707 : vector<16xf32>
      %add3A_709 = arith.addf %add3A_679, %mul3A_708 : vector<16xf32>
      %mul3A_710 = arith.constant 16 : i32
      %mul3A_711 = arith.muli %scan3A_470, %mul3A_710 : i32
      %add3A_712 = arith.constant 0 : i32
      %add3A_713 = arith.addi %add3A_712, %mul3A_711 : i32
      %swap3A = arith.constant 0 : i32
      %swap3A_714 = arith.index_cast %swap3A : i32 to index
      %swap3A_715 = arith.index_cast %add3A_713 : i32 to index
      %swap3A_716 = tpu.vector_load %arg11[%swap3A_714, %swap3A_715] {strides = array<i32>} : memref<4x2048xf32, #tpu.memory_space<vmem>>, vector<1x16xf32>,
      %swap3A_717 = vector.shape_cast %swap3A_716 : vector<1x16xf32> to vector<16xf32>
      %swap3A_718 = vector.shape_cast %add3A_709 : vector<16xf32> to vector<1x16xf32>
      tpu.vector_store %arg11[%swap3A_714, %swap3A_715], %swap3A_718 {strides = array<i32>} : memref<4x2048xf32, #tpu.memory_space<vmem>>, vector<1x16xf32>,
    }
    %scan3A_99 = arith.constant 64 : i32
    %dma_start3A_100 = arith.constant 2 : i32
    %dma_start3A_101 = arith.constant 0 : i32
    %dma_start3A_102 = arith.constant 0 : i32
    %dma_start3A_103 = arith.constant 0 : i32
    %dma_start3A_104 = tpu.memref_slice %arg9[%dma_start3A_101, %dma_start3A_102, %dma_start3A_103] : memref<2x128x128xf32, #tpu.memory_space<vmem>> -> memref<1x128x128xf32, #tpu.memory_space<vmem>>
    %dma_start3A_105 = tpu.memref_squeeze %dma_start3A_104 : memref<1x128x128xf32, #tpu.memory_space<vmem>> -> memref<128x128xf32, #tpu.memory_space<vmem>>
    %dma_start3A_106 = arith.constant 0 : i32
    %dma_start3A_107 = tpu.memref_slice %arg7[%dma_start3A_100, %dma_start3A_106] : memref<8x128xi32, #tpu.memory_space<vmem>> -> memref<1x128xi32, #tpu.memory_space<vmem>>
    %dma_start3A_108 = tpu.memref_squeeze %dma_start3A_107 : memref<1x128xi32, #tpu.memory_space<vmem>> -> memref<128xi32, #tpu.memory_space<vmem>>
    %dma_start3A_109 = arith.constant 0 : i32
    %dma_start3A_110 = arith.constant 0 : i32
    %dma_start3A_111 = tpu.memref_slice %arg2[%dma_start3A_109, %dma_start3A_110] : memref<100000x128xf32, #tpu.memory_space<hbm>> -> memref<100000x128xf32, #tpu.memory_space<hbm>>
    tpu.enqueue_indirect_dma source(%dma_start3A_111 : memref<100000x128xf32, #tpu.memory_space<hbm>>) target(%dma_start3A_105 : memref<128x128xf32, #tpu.memory_space<vmem>>) offsets(%dma_start3A_108 : memref<128xi32, #tpu.memory_space<vmem>>) semaphore(%arg13 : memref<!tpu.dma_semaphore, #tpu.memory_space<semaphore_mem>>)
    %dma_start3A_112 = arith.constant 2 : i32
    %dma_start3A_113 = arith.constant 0 : i32
    %dma_start3A_114 = arith.constant 0 : i32
    %dma_start3A_115 = arith.constant 0 : i32
    %dma_start3A_116 = tpu.memref_slice %arg10[%dma_start3A_113, %dma_start3A_114, %dma_start3A_115] : memref<2x64x128xf32, #tpu.memory_space<vmem>> -> memref<1x64x128xf32, #tpu.memory_space<vmem>>
    %dma_start3A_117 = tpu.memref_squeeze %dma_start3A_116 : memref<1x64x128xf32, #tpu.memory_space<vmem>> -> memref<64x128xf32, #tpu.memory_space<vmem>>
    %dma_start3A_118 = arith.constant 0 : i32
    %dma_start3A_119 = tpu.memref_slice %arg8[%dma_start3A_112, %dma_start3A_118] : memref<8x64xi32, #tpu.memory_space<vmem>> -> memref<1x64xi32, #tpu.memory_space<vmem>>
    %dma_start3A_120 = tpu.memref_squeeze %dma_start3A_119 : memref<1x64xi32, #tpu.memory_space<vmem>> -> memref<64xi32, #tpu.memory_space<vmem>>
    %dma_start3A_121 = arith.constant 0 : i32
    %dma_start3A_122 = arith.constant 0 : i32
    %dma_start3A_123 = tpu.memref_slice %arg3[%dma_start3A_121, %dma_start3A_122] : memref<1000x128xf32, #tpu.memory_space<hbm>> -> memref<1000x128xf32, #tpu.memory_space<hbm>>
    tpu.enqueue_indirect_dma source(%dma_start3A_123 : memref<1000x128xf32, #tpu.memory_space<hbm>>) target(%dma_start3A_117 : memref<64x128xf32, #tpu.memory_space<vmem>>) offsets(%dma_start3A_120 : memref<64xi32, #tpu.memory_space<vmem>>) semaphore(%arg13 : memref<!tpu.dma_semaphore, #tpu.memory_space<semaphore_mem>>)
    %dma_wait3A_124 = arith.constant 1 : i32
    %dma_wait3A_125 = arith.constant 1 : i32
    %dma_wait3A_126 = arith.constant 0 : i32
    %dma_wait3A_127 = arith.constant 0 : i32
    %dma_wait3A_128 = tpu.memref_slice %arg9[%dma_wait3A_125, %dma_wait3A_126, %dma_wait3A_127] : memref<2x128x128xf32, #tpu.memory_space<vmem>> -> memref<1x128x128xf32, #tpu.memory_space<vmem>>
    %dma_wait3A_129 = tpu.memref_squeeze %dma_wait3A_128 : memref<1x128x128xf32, #tpu.memory_space<vmem>> -> memref<128x128xf32, #tpu.memory_space<vmem>>
    %dma_wait3A_130 = arith.constant 0 : i32
    %dma_wait3A_131 = tpu.memref_slice %arg7[%dma_wait3A_124, %dma_wait3A_130] : memref<8x128xi32, #tpu.memory_space<vmem>> -> memref<1x128xi32, #tpu.memory_space<vmem>>
    %dma_wait3A_132 = tpu.memref_squeeze %dma_wait3A_131 : memref<1x128xi32, #tpu.memory_space<vmem>> -> memref<128xi32, #tpu.memory_space<vmem>>
    %dma_wait3A_133 = arith.constant 0 : i32
    %dma_wait3A_134 = arith.constant 0 : i32
    %dma_wait3A_135 = tpu.memref_slice %arg2[%dma_wait3A_133, %dma_wait3A_134] : memref<100000x128xf32, #tpu.memory_space<hbm>> -> memref<100000x128xf32, #tpu.memory_space<hbm>>
    tpu.wait_indirect_dma semaphore(%arg14 : memref<!tpu.dma_semaphore, #tpu.memory_space<semaphore_mem>>) src(%dma_wait3A_135 : memref<100000x128xf32, #tpu.memory_space<hbm>>) dst(%dma_wait3A_129 : memref<128x128xf32, #tpu.memory_space<vmem>>)
    %dma_wait3A_136 = arith.constant 1 : i32
    %dma_wait3A_137 = arith.constant 1 : i32
    %dma_wait3A_138 = arith.constant 0 : i32
    %dma_wait3A_139 = arith.constant 0 : i32
    %dma_wait3A_140 = tpu.memref_slice %arg10[%dma_wait3A_137, %dma_wait3A_138, %dma_wait3A_139] : memref<2x64x128xf32, #tpu.memory_space<vmem>> -> memref<1x64x128xf32, #tpu.memory_space<vmem>>
    %dma_wait3A_141 = tpu.memref_squeeze %dma_wait3A_140 : memref<1x64x128xf32, #tpu.memory_space<vmem>> -> memref<64x128xf32, #tpu.memory_space<vmem>>
    %dma_wait3A_142 = arith.constant 0 : i32
    %dma_wait3A_143 = tpu.memref_slice %arg8[%dma_wait3A_136, %dma_wait3A_142] : memref<8x64xi32, #tpu.memory_space<vmem>> -> memref<1x64xi32, #tpu.memory_space<vmem>>
    %dma_wait3A_144 = tpu.memref_squeeze %dma_wait3A_143 : memref<1x64xi32, #tpu.memory_space<vmem>> -> memref<64xi32, #tpu.memory_space<vmem>>
    %dma_wait3A_145 = arith.constant 0 : i32
    %dma_wait3A_146 = arith.constant 0 : i32
    %dma_wait3A_147 = tpu.memref_slice %arg3[%dma_wait3A_145, %dma_wait3A_146] : memref<1000x128xf32, #tpu.memory_space<hbm>> -> memref<1000x128xf32, #tpu.memory_space<hbm>>
    tpu.wait_indirect_dma semaphore(%arg14 : memref<!tpu.dma_semaphore, #tpu.memory_space<semaphore_mem>>) src(%dma_wait3A_147 : memref<1000x128xf32, #tpu.memory_space<hbm>>) dst(%dma_wait3A_141 : memref<64x128xf32, #tpu.memory_space<vmem>>)
    %scan3A_148 = arith.constant 0 : i32
    %scan3A_149 = arith.constant 1 : i32
    %scan3A_150 = arith.constant 1 : i32
    %scan3A_151 = arith.constant 0 : i32
    %scan3A_152 = arith.constant 64 : i32
    %scan3A_153 = arith.addi %scan3A_151, %scan3A_152 : i32
    %scan3A_154 = arith.constant 1 : i32
    scf.for %scan3A_470 = %scan3A_151 to %scan3A_153 step %scan3A_154  : i32 {
      %broadcast_in_dim3A = arith.constant 0.000000e+00 : f32
      %broadcast_in_dim3A_471 = vector.broadcast %broadcast_in_dim3A : f32 to vector<16xf32>
      %get3A = arith.constant 0 : i32
      %get3A_472 = arith.constant 0 : i32
      %get3A_473 = tpu.memref_slice %arg9[%scan3A_149, %get3A, %get3A_472] : memref<2x128x128xf32, #tpu.memory_space<vmem>> -> memref<1x128x128xf32, #tpu.memory_space<vmem>>
      %get3A_474 = tpu.memref_squeeze %get3A_473 : memref<1x128x128xf32, #tpu.memory_space<vmem>> -> memref<128x128xf32, #tpu.memory_space<vmem>>
      %get3A_475 = arith.index_cast %scan3A_470 : i32 to index
      %get3A_476 = arith.constant 0 : index
      %get3A_477 = tpu.vector_load %get3A_474[%get3A_475, %get3A_476] {strides = array<i32>} : memref<128x128xf32, #tpu.memory_space<vmem>>, vector<1x16xf32>,
      %get3A_478 = vector.shape_cast %get3A_477 : vector<1x16xf32> to vector<16xf32>
      %get3A_479 = arith.constant 0 : i32
      %get3A_480 = arith.constant 0 : i32
      %get3A_481 = tpu.memref_slice %arg10[%scan3A_150, %get3A_479, %get3A_480] : memref<2x64x128xf32, #tpu.memory_space<vmem>> -> memref<1x64x128xf32, #tpu.memory_space<vmem>>
      %get3A_482 = tpu.memref_squeeze %get3A_481 : memref<1x64x128xf32, #tpu.memory_space<vmem>> -> memref<64x128xf32, #tpu.memory_space<vmem>>
      %get3A_483 = arith.index_cast %scan3A_470 : i32 to index
      %get3A_484 = arith.constant 0 : index
      %get3A_485 = tpu.vector_load %get3A_482[%get3A_483, %get3A_484] {strides = array<i32>} : memref<64x128xf32, #tpu.memory_space<vmem>>, vector<1x16xf32>,
      %get3A_486 = vector.shape_cast %get3A_485 : vector<1x16xf32> to vector<16xf32>
      %add3A_487 = arith.constant 64 : i32
      %add3A_488 = arith.addi %add3A_487, %scan3A_470 : i32
      %get3A_489 = arith.constant 0 : i32
      %get3A_490 = arith.constant 0 : i32
      %get3A_491 = tpu.memref_slice %arg9[%scan3A_149, %get3A_489, %get3A_490] : memref<2x128x128xf32, #tpu.memory_space<vmem>> -> memref<1x128x128xf32, #tpu.memory_space<vmem>>
      %get3A_492 = tpu.memref_squeeze %get3A_491 : memref<1x128x128xf32, #tpu.memory_space<vmem>> -> memref<128x128xf32, #tpu.memory_space<vmem>>
      %get3A_493 = arith.index_cast %add3A_488 : i32 to index
      %get3A_494 = arith.constant 0 : index
      %get3A_495 = tpu.vector_load %get3A_492[%get3A_493, %get3A_494] {strides = array<i32>} : memref<128x128xf32, #tpu.memory_space<vmem>>, vector<1x16xf32>,
      %get3A_496 = vector.shape_cast %get3A_495 : vector<1x16xf32> to vector<16xf32>
      %sub3A = arith.subf %get3A_478, %get3A_496 : vector<16xf32>
      %add3A_497 = arith.addf %sub3A, %get3A_486 : vector<16xf32>
      %mul3A_498 = arith.mulf %add3A_497, %add3A_497 : vector<16xf32>
      %add3A_499 = arith.addf %broadcast_in_dim3A_471, %mul3A_498 : vector<16xf32>
      %get3A_500 = arith.constant 0 : i32
      %get3A_501 = arith.constant 0 : i32
      %get3A_502 = tpu.memref_slice %arg9[%scan3A_149, %get3A_500, %get3A_501] : memref<2x128x128xf32, #tpu.memory_space<vmem>> -> memref<1x128x128xf32, #tpu.memory_space<vmem>>
      %get3A_503 = tpu.memref_squeeze %get3A_502 : memref<1x128x128xf32, #tpu.memory_space<vmem>> -> memref<128x128xf32, #tpu.memory_space<vmem>>
      %get3A_504 = arith.index_cast %scan3A_470 : i32 to index
      %get3A_505 = arith.constant 16 : index
      %get3A_506 = tpu.vector_load %get3A_503[%get3A_504, %get3A_505] {strides = array<i32>} : memref<128x128xf32, #tpu.memory_space<vmem>>, vector<1x16xf32>,
      %get3A_507 = vector.shape_cast %get3A_506 : vector<1x16xf32> to vector<16xf32>
      %get3A_508 = arith.constant 0 : i32
      %get3A_509 = arith.constant 0 : i32
      %get3A_510 = tpu.memref_slice %arg10[%scan3A_150, %get3A_508, %get3A_509] : memref<2x64x128xf32, #tpu.memory_space<vmem>> -> memref<1x64x128xf32, #tpu.memory_space<vmem>>
      %get3A_511 = tpu.memref_squeeze %get3A_510 : memref<1x64x128xf32, #tpu.memory_space<vmem>> -> memref<64x128xf32, #tpu.memory_space<vmem>>
      %get3A_512 = arith.index_cast %scan3A_470 : i32 to index
      %get3A_513 = arith.constant 16 : index
      %get3A_514 = tpu.vector_load %get3A_511[%get3A_512, %get3A_513] {strides = array<i32>} : memref<64x128xf32, #tpu.memory_space<vmem>>, vector<1x16xf32>,
      %get3A_515 = vector.shape_cast %get3A_514 : vector<1x16xf32> to vector<16xf32>
      %add3A_516 = arith.constant 64 : i32
      %add3A_517 = arith.addi %add3A_516, %scan3A_470 : i32
      %get3A_518 = arith.constant 0 : i32
      %get3A_519 = arith.constant 0 : i32
      %get3A_520 = tpu.memref_slice %arg9[%scan3A_149, %get3A_518, %get3A_519] : memref<2x128x128xf32, #tpu.memory_space<vmem>> -> memref<1x128x128xf32, #tpu.memory_space<vmem>>
      %get3A_521 = tpu.memref_squeeze %get3A_520 : memref<1x128x128xf32, #tpu.memory_space<vmem>> -> memref<128x128xf32, #tpu.memory_space<vmem>>
      %get3A_522 = arith.index_cast %add3A_517 : i32 to index
      %get3A_523 = arith.constant 16 : index
      %get3A_524 = tpu.vector_load %get3A_521[%get3A_522, %get3A_523] {strides = array<i32>} : memref<128x128xf32, #tpu.memory_space<vmem>>, vector<1x16xf32>,
      %get3A_525 = vector.shape_cast %get3A_524 : vector<1x16xf32> to vector<16xf32>
      %sub3A_526 = arith.subf %get3A_507, %get3A_525 : vector<16xf32>
      %add3A_527 = arith.addf %sub3A_526, %get3A_515 : vector<16xf32>
      %mul3A_528 = arith.mulf %add3A_527, %add3A_527 : vector<16xf32>
      %add3A_529 = arith.addf %add3A_499, %mul3A_528 : vector<16xf32>
      %get3A_530 = arith.constant 0 : i32
      %get3A_531 = arith.constant 0 : i32
      %get3A_532 = tpu.memref_slice %arg9[%scan3A_149, %get3A_530, %get3A_531] : memref<2x128x128xf32, #tpu.memory_space<vmem>> -> memref<1x128x128xf32, #tpu.memory_space<vmem>>
      %get3A_533 = tpu.memref_squeeze %get3A_532 : memref<1x128x128xf32, #tpu.memory_space<vmem>> -> memref<128x128xf32, #tpu.memory_space<vmem>>
      %get3A_534 = arith.index_cast %scan3A_470 : i32 to index
      %get3A_535 = arith.constant 32 : index
      %get3A_536 = tpu.vector_load %get3A_533[%get3A_534, %get3A_535] {strides = array<i32>} : memref<128x128xf32, #tpu.memory_space<vmem>>, vector<1x16xf32>,
      %get3A_537 = vector.shape_cast %get3A_536 : vector<1x16xf32> to vector<16xf32>
      %get3A_538 = arith.constant 0 : i32
      %get3A_539 = arith.constant 0 : i32
      %get3A_540 = tpu.memref_slice %arg10[%scan3A_150, %get3A_538, %get3A_539] : memref<2x64x128xf32, #tpu.memory_space<vmem>> -> memref<1x64x128xf32, #tpu.memory_space<vmem>>
      %get3A_541 = tpu.memref_squeeze %get3A_540 : memref<1x64x128xf32, #tpu.memory_space<vmem>> -> memref<64x128xf32, #tpu.memory_space<vmem>>
      %get3A_542 = arith.index_cast %scan3A_470 : i32 to index
      %get3A_543 = arith.constant 32 : index
      %get3A_544 = tpu.vector_load %get3A_541[%get3A_542, %get3A_543] {strides = array<i32>} : memref<64x128xf32, #tpu.memory_space<vmem>>, vector<1x16xf32>,
      %get3A_545 = vector.shape_cast %get3A_544 : vector<1x16xf32> to vector<16xf32>
      %add3A_546 = arith.constant 64 : i32
      %add3A_547 = arith.addi %add3A_546, %scan3A_470 : i32
      %get3A_548 = arith.constant 0 : i32
      %get3A_549 = arith.constant 0 : i32
      %get3A_550 = tpu.memref_slice %arg9[%scan3A_149, %get3A_548, %get3A_549] : memref<2x128x128xf32, #tpu.memory_space<vmem>> -> memref<1x128x128xf32, #tpu.memory_space<vmem>>
      %get3A_551 = tpu.memref_squeeze %get3A_550 : memref<1x128x128xf32, #tpu.memory_space<vmem>> -> memref<128x128xf32, #tpu.memory_space<vmem>>
      %get3A_552 = arith.index_cast %add3A_547 : i32 to index
      %get3A_553 = arith.constant 32 : index
      %get3A_554 = tpu.vector_load %get3A_551[%get3A_552, %get3A_553] {strides = array<i32>} : memref<128x128xf32, #tpu.memory_space<vmem>>, vector<1x16xf32>,
      %get3A_555 = vector.shape_cast %get3A_554 : vector<1x16xf32> to vector<16xf32>
      %sub3A_556 = arith.subf %get3A_537, %get3A_555 : vector<16xf32>
      %add3A_557 = arith.addf %sub3A_556, %get3A_545 : vector<16xf32>
      %mul3A_558 = arith.mulf %add3A_557, %add3A_557 : vector<16xf32>
      %add3A_559 = arith.addf %add3A_529, %mul3A_558 : vector<16xf32>
      %get3A_560 = arith.constant 0 : i32
      %get3A_561 = arith.constant 0 : i32
      %get3A_562 = tpu.memref_slice %arg9[%scan3A_149, %get3A_560, %get3A_561] : memref<2x128x128xf32, #tpu.memory_space<vmem>> -> memref<1x128x128xf32, #tpu.memory_space<vmem>>
      %get3A_563 = tpu.memref_squeeze %get3A_562 : memref<1x128x128xf32, #tpu.memory_space<vmem>> -> memref<128x128xf32, #tpu.memory_space<vmem>>
      %get3A_564 = arith.index_cast %scan3A_470 : i32 to index
      %get3A_565 = arith.constant 48 : index
      %get3A_566 = tpu.vector_load %get3A_563[%get3A_564, %get3A_565] {strides = array<i32>} : memref<128x128xf32, #tpu.memory_space<vmem>>, vector<1x16xf32>,
      %get3A_567 = vector.shape_cast %get3A_566 : vector<1x16xf32> to vector<16xf32>
      %get3A_568 = arith.constant 0 : i32
      %get3A_569 = arith.constant 0 : i32
      %get3A_570 = tpu.memref_slice %arg10[%scan3A_150, %get3A_568, %get3A_569] : memref<2x64x128xf32, #tpu.memory_space<vmem>> -> memref<1x64x128xf32, #tpu.memory_space<vmem>>
      %get3A_571 = tpu.memref_squeeze %get3A_570 : memref<1x64x128xf32, #tpu.memory_space<vmem>> -> memref<64x128xf32, #tpu.memory_space<vmem>>
      %get3A_572 = arith.index_cast %scan3A_470 : i32 to index
      %get3A_573 = arith.constant 48 : index
      %get3A_574 = tpu.vector_load %get3A_571[%get3A_572, %get3A_573] {strides = array<i32>} : memref<64x128xf32, #tpu.memory_space<vmem>>, vector<1x16xf32>,
      %get3A_575 = vector.shape_cast %get3A_574 : vector<1x16xf32> to vector<16xf32>
      %add3A_576 = arith.constant 64 : i32
      %add3A_577 = arith.addi %add3A_576, %scan3A_470 : i32
      %get3A_578 = arith.constant 0 : i32
      %get3A_579 = arith.constant 0 : i32
      %get3A_580 = tpu.memref_slice %arg9[%scan3A_149, %get3A_578, %get3A_579] : memref<2x128x128xf32, #tpu.memory_space<vmem>> -> memref<1x128x128xf32, #tpu.memory_space<vmem>>
      %get3A_581 = tpu.memref_squeeze %get3A_580 : memref<1x128x128xf32, #tpu.memory_space<vmem>> -> memref<128x128xf32, #tpu.memory_space<vmem>>
      %get3A_582 = arith.index_cast %add3A_577 : i32 to index
      %get3A_583 = arith.constant 48 : index
      %get3A_584 = tpu.vector_load %get3A_581[%get3A_582, %get3A_583] {strides = array<i32>} : memref<128x128xf32, #tpu.memory_space<vmem>>, vector<1x16xf32>,
      %get3A_585 = vector.shape_cast %get3A_584 : vector<1x16xf32> to vector<16xf32>
      %sub3A_586 = arith.subf %get3A_567, %get3A_585 : vector<16xf32>
      %add3A_587 = arith.addf %sub3A_586, %get3A_575 : vector<16xf32>
      %mul3A_588 = arith.mulf %add3A_587, %add3A_587 : vector<16xf32>
      %add3A_589 = arith.addf %add3A_559, %mul3A_588 : vector<16xf32>
      %get3A_590 = arith.constant 0 : i32
      %get3A_591 = arith.constant 0 : i32
      %get3A_592 = tpu.memref_slice %arg9[%scan3A_149, %get3A_590, %get3A_591] : memref<2x128x128xf32, #tpu.memory_space<vmem>> -> memref<1x128x128xf32, #tpu.memory_space<vmem>>
      %get3A_593 = tpu.memref_squeeze %get3A_592 : memref<1x128x128xf32, #tpu.memory_space<vmem>> -> memref<128x128xf32, #tpu.memory_space<vmem>>
      %get3A_594 = arith.index_cast %scan3A_470 : i32 to index
      %get3A_595 = arith.constant 64 : index
      %get3A_596 = tpu.vector_load %get3A_593[%get3A_594, %get3A_595] {strides = array<i32>} : memref<128x128xf32, #tpu.memory_space<vmem>>, vector<1x16xf32>,
      %get3A_597 = vector.shape_cast %get3A_596 : vector<1x16xf32> to vector<16xf32>
      %get3A_598 = arith.constant 0 : i32
      %get3A_599 = arith.constant 0 : i32
      %get3A_600 = tpu.memref_slice %arg10[%scan3A_150, %get3A_598, %get3A_599] : memref<2x64x128xf32, #tpu.memory_space<vmem>> -> memref<1x64x128xf32, #tpu.memory_space<vmem>>
      %get3A_601 = tpu.memref_squeeze %get3A_600 : memref<1x64x128xf32, #tpu.memory_space<vmem>> -> memref<64x128xf32, #tpu.memory_space<vmem>>
      %get3A_602 = arith.index_cast %scan3A_470 : i32 to index
      %get3A_603 = arith.constant 64 : index
      %get3A_604 = tpu.vector_load %get3A_601[%get3A_602, %get3A_603] {strides = array<i32>} : memref<64x128xf32, #tpu.memory_space<vmem>>, vector<1x16xf32>,
      %get3A_605 = vector.shape_cast %get3A_604 : vector<1x16xf32> to vector<16xf32>
      %add3A_606 = arith.constant 64 : i32
      %add3A_607 = arith.addi %add3A_606, %scan3A_470 : i32
      %get3A_608 = arith.constant 0 : i32
      %get3A_609 = arith.constant 0 : i32
      %get3A_610 = tpu.memref_slice %arg9[%scan3A_149, %get3A_608, %get3A_609] : memref<2x128x128xf32, #tpu.memory_space<vmem>> -> memref<1x128x128xf32, #tpu.memory_space<vmem>>
      %get3A_611 = tpu.memref_squeeze %get3A_610 : memref<1x128x128xf32, #tpu.memory_space<vmem>> -> memref<128x128xf32, #tpu.memory_space<vmem>>
      %get3A_612 = arith.index_cast %add3A_607 : i32 to index
      %get3A_613 = arith.constant 64 : index
      %get3A_614 = tpu.vector_load %get3A_611[%get3A_612, %get3A_613] {strides = array<i32>} : memref<128x128xf32, #tpu.memory_space<vmem>>, vector<1x16xf32>,
      %get3A_615 = vector.shape_cast %get3A_614 : vector<1x16xf32> to vector<16xf32>
      %sub3A_616 = arith.subf %get3A_597, %get3A_615 : vector<16xf32>
      %add3A_617 = arith.addf %sub3A_616, %get3A_605 : vector<16xf32>
      %mul3A_618 = arith.mulf %add3A_617, %add3A_617 : vector<16xf32>
      %add3A_619 = arith.addf %add3A_589, %mul3A_618 : vector<16xf32>
      %get3A_620 = arith.constant 0 : i32
      %get3A_621 = arith.constant 0 : i32
      %get3A_622 = tpu.memref_slice %arg9[%scan3A_149, %get3A_620, %get3A_621] : memref<2x128x128xf32, #tpu.memory_space<vmem>> -> memref<1x128x128xf32, #tpu.memory_space<vmem>>
      %get3A_623 = tpu.memref_squeeze %get3A_622 : memref<1x128x128xf32, #tpu.memory_space<vmem>> -> memref<128x128xf32, #tpu.memory_space<vmem>>
      %get3A_624 = arith.index_cast %scan3A_470 : i32 to index
      %get3A_625 = arith.constant 80 : index
      %get3A_626 = tpu.vector_load %get3A_623[%get3A_624, %get3A_625] {strides = array<i32>} : memref<128x128xf32, #tpu.memory_space<vmem>>, vector<1x16xf32>,
      %get3A_627 = vector.shape_cast %get3A_626 : vector<1x16xf32> to vector<16xf32>
      %get3A_628 = arith.constant 0 : i32
      %get3A_629 = arith.constant 0 : i32
      %get3A_630 = tpu.memref_slice %arg10[%scan3A_150, %get3A_628, %get3A_629] : memref<2x64x128xf32, #tpu.memory_space<vmem>> -> memref<1x64x128xf32, #tpu.memory_space<vmem>>
      %get3A_631 = tpu.memref_squeeze %get3A_630 : memref<1x64x128xf32, #tpu.memory_space<vmem>> -> memref<64x128xf32, #tpu.memory_space<vmem>>
      %get3A_632 = arith.index_cast %scan3A_470 : i32 to index
      %get3A_633 = arith.constant 80 : index
      %get3A_634 = tpu.vector_load %get3A_631[%get3A_632, %get3A_633] {strides = array<i32>} : memref<64x128xf32, #tpu.memory_space<vmem>>, vector<1x16xf32>,
      %get3A_635 = vector.shape_cast %get3A_634 : vector<1x16xf32> to vector<16xf32>
      %add3A_636 = arith.constant 64 : i32
      %add3A_637 = arith.addi %add3A_636, %scan3A_470 : i32
      %get3A_638 = arith.constant 0 : i32
      %get3A_639 = arith.constant 0 : i32
      %get3A_640 = tpu.memref_slice %arg9[%scan3A_149, %get3A_638, %get3A_639] : memref<2x128x128xf32, #tpu.memory_space<vmem>> -> memref<1x128x128xf32, #tpu.memory_space<vmem>>
      %get3A_641 = tpu.memref_squeeze %get3A_640 : memref<1x128x128xf32, #tpu.memory_space<vmem>> -> memref<128x128xf32, #tpu.memory_space<vmem>>
      %get3A_642 = arith.index_cast %add3A_637 : i32 to index
      %get3A_643 = arith.constant 80 : index
      %get3A_644 = tpu.vector_load %get3A_641[%get3A_642, %get3A_643] {strides = array<i32>} : memref<128x128xf32, #tpu.memory_space<vmem>>, vector<1x16xf32>,
      %get3A_645 = vector.shape_cast %get3A_644 : vector<1x16xf32> to vector<16xf32>
      %sub3A_646 = arith.subf %get3A_627, %get3A_645 : vector<16xf32>
      %add3A_647 = arith.addf %sub3A_646, %get3A_635 : vector<16xf32>
      %mul3A_648 = arith.mulf %add3A_647, %add3A_647 : vector<16xf32>
      %add3A_649 = arith.addf %add3A_619, %mul3A_648 : vector<16xf32>
      %get3A_650 = arith.constant 0 : i32
      %get3A_651 = arith.constant 0 : i32
      %get3A_652 = tpu.memref_slice %arg9[%scan3A_149, %get3A_650, %get3A_651] : memref<2x128x128xf32, #tpu.memory_space<vmem>> -> memref<1x128x128xf32, #tpu.memory_space<vmem>>
      %get3A_653 = tpu.memref_squeeze %get3A_652 : memref<1x128x128xf32, #tpu.memory_space<vmem>> -> memref<128x128xf32, #tpu.memory_space<vmem>>
      %get3A_654 = arith.index_cast %scan3A_470 : i32 to index
      %get3A_655 = arith.constant 96 : index
      %get3A_656 = tpu.vector_load %get3A_653[%get3A_654, %get3A_655] {strides = array<i32>} : memref<128x128xf32, #tpu.memory_space<vmem>>, vector<1x16xf32>,
      %get3A_657 = vector.shape_cast %get3A_656 : vector<1x16xf32> to vector<16xf32>
      %get3A_658 = arith.constant 0 : i32
      %get3A_659 = arith.constant 0 : i32
      %get3A_660 = tpu.memref_slice %arg10[%scan3A_150, %get3A_658, %get3A_659] : memref<2x64x128xf32, #tpu.memory_space<vmem>> -> memref<1x64x128xf32, #tpu.memory_space<vmem>>
      %get3A_661 = tpu.memref_squeeze %get3A_660 : memref<1x64x128xf32, #tpu.memory_space<vmem>> -> memref<64x128xf32, #tpu.memory_space<vmem>>
      %get3A_662 = arith.index_cast %scan3A_470 : i32 to index
      %get3A_663 = arith.constant 96 : index
      %get3A_664 = tpu.vector_load %get3A_661[%get3A_662, %get3A_663] {strides = array<i32>} : memref<64x128xf32, #tpu.memory_space<vmem>>, vector<1x16xf32>,
      %get3A_665 = vector.shape_cast %get3A_664 : vector<1x16xf32> to vector<16xf32>
      %add3A_666 = arith.constant 64 : i32
      %add3A_667 = arith.addi %add3A_666, %scan3A_470 : i32
      %get3A_668 = arith.constant 0 : i32
      %get3A_669 = arith.constant 0 : i32
      %get3A_670 = tpu.memref_slice %arg9[%scan3A_149, %get3A_668, %get3A_669] : memref<2x128x128xf32, #tpu.memory_space<vmem>> -> memref<1x128x128xf32, #tpu.memory_space<vmem>>
      %get3A_671 = tpu.memref_squeeze %get3A_670 : memref<1x128x128xf32, #tpu.memory_space<vmem>> -> memref<128x128xf32, #tpu.memory_space<vmem>>
      %get3A_672 = arith.index_cast %add3A_667 : i32 to index
      %get3A_673 = arith.constant 96 : index
      %get3A_674 = tpu.vector_load %get3A_671[%get3A_672, %get3A_673] {strides = array<i32>} : memref<128x128xf32, #tpu.memory_space<vmem>>, vector<1x16xf32>,
      %get3A_675 = vector.shape_cast %get3A_674 : vector<1x16xf32> to vector<16xf32>
      %sub3A_676 = arith.subf %get3A_657, %get3A_675 : vector<16xf32>
      %add3A_677 = arith.addf %sub3A_676, %get3A_665 : vector<16xf32>
      %mul3A_678 = arith.mulf %add3A_677, %add3A_677 : vector<16xf32>
      %add3A_679 = arith.addf %add3A_649, %mul3A_678 : vector<16xf32>
      %get3A_680 = arith.constant 0 : i32
      %get3A_681 = arith.constant 0 : i32
      %get3A_682 = tpu.memref_slice %arg9[%scan3A_149, %get3A_680, %get3A_681] : memref<2x128x128xf32, #tpu.memory_space<vmem>> -> memref<1x128x128xf32, #tpu.memory_space<vmem>>
      %get3A_683 = tpu.memref_squeeze %get3A_682 : memref<1x128x128xf32, #tpu.memory_space<vmem>> -> memref<128x128xf32, #tpu.memory_space<vmem>>
      %get3A_684 = arith.index_cast %scan3A_470 : i32 to index
      %get3A_685 = arith.constant 112 : index
      %get3A_686 = tpu.vector_load %get3A_683[%get3A_684, %get3A_685] {strides = array<i32>} : memref<128x128xf32, #tpu.memory_space<vmem>>, vector<1x16xf32>,
      %get3A_687 = vector.shape_cast %get3A_686 : vector<1x16xf32> to vector<16xf32>
      %get3A_688 = arith.constant 0 : i32
      %get3A_689 = arith.constant 0 : i32
      %get3A_690 = tpu.memref_slice %arg10[%scan3A_150, %get3A_688, %get3A_689] : memref<2x64x128xf32, #tpu.memory_space<vmem>> -> memref<1x64x128xf32, #tpu.memory_space<vmem>>
      %get3A_691 = tpu.memref_squeeze %get3A_690 : memref<1x64x128xf32, #tpu.memory_space<vmem>> -> memref<64x128xf32, #tpu.memory_space<vmem>>
      %get3A_692 = arith.index_cast %scan3A_470 : i32 to index
      %get3A_693 = arith.constant 112 : index
      %get3A_694 = tpu.vector_load %get3A_691[%get3A_692, %get3A_693] {strides = array<i32>} : memref<64x128xf32, #tpu.memory_space<vmem>>, vector<1x16xf32>,
      %get3A_695 = vector.shape_cast %get3A_694 : vector<1x16xf32> to vector<16xf32>
      %add3A_696 = arith.constant 64 : i32
      %add3A_697 = arith.addi %add3A_696, %scan3A_470 : i32
      %get3A_698 = arith.constant 0 : i32
      %get3A_699 = arith.constant 0 : i32
      %get3A_700 = tpu.memref_slice %arg9[%scan3A_149, %get3A_698, %get3A_699] : memref<2x128x128xf32, #tpu.memory_space<vmem>> -> memref<1x128x128xf32, #tpu.memory_space<vmem>>
      %get3A_701 = tpu.memref_squeeze %get3A_700 : memref<1x128x128xf32, #tpu.memory_space<vmem>> -> memref<128x128xf32, #tpu.memory_space<vmem>>
      %get3A_702 = arith.index_cast %add3A_697 : i32 to index
      %get3A_703 = arith.constant 112 : index
      %get3A_704 = tpu.vector_load %get3A_701[%get3A_702, %get3A_703] {strides = array<i32>} : memref<128x128xf32, #tpu.memory_space<vmem>>, vector<1x16xf32>,
      %get3A_705 = vector.shape_cast %get3A_704 : vector<1x16xf32> to vector<16xf32>
      %sub3A_706 = arith.subf %get3A_687, %get3A_705 : vector<16xf32>
      %add3A_707 = arith.addf %sub3A_706, %get3A_695 : vector<16xf32>
      %mul3A_708 = arith.mulf %add3A_707, %add3A_707 : vector<16xf32>
      %add3A_709 = arith.addf %add3A_679, %mul3A_708 : vector<16xf32>
      %mul3A_710 = arith.constant 16 : i32
      %mul3A_711 = arith.muli %scan3A_470, %mul3A_710 : i32
      %add3A_712 = arith.constant 1024 : i32
      %add3A_713 = arith.addi %add3A_712, %mul3A_711 : i32
      %swap3A = arith.constant 0 : i32
      %swap3A_714 = arith.index_cast %swap3A : i32 to index
      %swap3A_715 = arith.index_cast %add3A_713 : i32 to index
      %swap3A_716 = tpu.vector_load %arg11[%swap3A_714, %swap3A_715] {strides = array<i32>} : memref<4x2048xf32, #tpu.memory_space<vmem>>, vector<1x16xf32>,
      %swap3A_717 = vector.shape_cast %swap3A_716 : vector<1x16xf32> to vector<16xf32>
      %swap3A_718 = vector.shape_cast %add3A_709 : vector<16xf32> to vector<1x16xf32>
      tpu.vector_store %arg11[%swap3A_714, %swap3A_715], %swap3A_718 {strides = array<i32>} : memref<4x2048xf32, #tpu.memory_space<vmem>>, vector<1x16xf32>,
    }
    %scan3A_155 = arith.constant 64 : i32
    %dma_start3A_156 = arith.constant 3 : i32
    %dma_start3A_157 = arith.constant 1 : i32
    %dma_start3A_158 = arith.constant 0 : i32
    %dma_start3A_159 = arith.constant 0 : i32
    %dma_start3A_160 = tpu.memref_slice %arg9[%dma_start3A_157, %dma_start3A_158, %dma_start3A_159] : memref<2x128x128xf32, #tpu.memory_space<vmem>> -> memref<1x128x128xf32, #tpu.memory_space<vmem>>
    %dma_start3A_161 = tpu.memref_squeeze %dma_start3A_160 : memref<1x128x128xf32, #tpu.memory_space<vmem>> -> memref<128x128xf32, #tpu.memory_space<vmem>>
    %dma_start3A_162 = arith.constant 0 : i32
    %dma_start3A_163 = tpu.memref_slice %arg7[%dma_start3A_156, %dma_start3A_162] : memref<8x128xi32, #tpu.memory_space<vmem>> -> memref<1x128xi32, #tpu.memory_space<vmem>>
    %dma_start3A_164 = tpu.memref_squeeze %dma_start3A_163 : memref<1x128xi32, #tpu.memory_space<vmem>> -> memref<128xi32, #tpu.memory_space<vmem>>
    %dma_start3A_165 = arith.constant 0 : i32
    %dma_start3A_166 = arith.constant 0 : i32
    %dma_start3A_167 = tpu.memref_slice %arg2[%dma_start3A_165, %dma_start3A_166] : memref<100000x128xf32, #tpu.memory_space<hbm>> -> memref<100000x128xf32, #tpu.memory_space<hbm>>
    tpu.enqueue_indirect_dma source(%dma_start3A_167 : memref<100000x128xf32, #tpu.memory_space<hbm>>) target(%dma_start3A_161 : memref<128x128xf32, #tpu.memory_space<vmem>>) offsets(%dma_start3A_164 : memref<128xi32, #tpu.memory_space<vmem>>) semaphore(%arg14 : memref<!tpu.dma_semaphore, #tpu.memory_space<semaphore_mem>>)
    %dma_start3A_168 = arith.constant 3 : i32
    %dma_start3A_169 = arith.constant 1 : i32
    %dma_start3A_170 = arith.constant 0 : i32
    %dma_start3A_171 = arith.constant 0 : i32
    %dma_start3A_172 = tpu.memref_slice %arg10[%dma_start3A_169, %dma_start3A_170, %dma_start3A_171] : memref<2x64x128xf32, #tpu.memory_space<vmem>> -> memref<1x64x128xf32, #tpu.memory_space<vmem>>
    %dma_start3A_173 = tpu.memref_squeeze %dma_start3A_172 : memref<1x64x128xf32, #tpu.memory_space<vmem>> -> memref<64x128xf32, #tpu.memory_space<vmem>>
    %dma_start3A_174 = arith.constant 0 : i32
    %dma_start3A_175 = tpu.memref_slice %arg8[%dma_start3A_168, %dma_start3A_174] : memref<8x64xi32, #tpu.memory_space<vmem>> -> memref<1x64xi32, #tpu.memory_space<vmem>>
    %dma_start3A_176 = tpu.memref_squeeze %dma_start3A_175 : memref<1x64xi32, #tpu.memory_space<vmem>> -> memref<64xi32, #tpu.memory_space<vmem>>
    %dma_start3A_177 = arith.constant 0 : i32
    %dma_start3A_178 = arith.constant 0 : i32
    %dma_start3A_179 = tpu.memref_slice %arg3[%dma_start3A_177, %dma_start3A_178] : memref<1000x128xf32, #tpu.memory_space<hbm>> -> memref<1000x128xf32, #tpu.memory_space<hbm>>
    tpu.enqueue_indirect_dma source(%dma_start3A_179 : memref<1000x128xf32, #tpu.memory_space<hbm>>) target(%dma_start3A_173 : memref<64x128xf32, #tpu.memory_space<vmem>>) offsets(%dma_start3A_176 : memref<64xi32, #tpu.memory_space<vmem>>) semaphore(%arg14 : memref<!tpu.dma_semaphore, #tpu.memory_space<semaphore_mem>>)
    %dma_wait3A_180 = arith.constant 2 : i32
    %dma_wait3A_181 = arith.constant 0 : i32
    %dma_wait3A_182 = arith.constant 0 : i32
    %dma_wait3A_183 = arith.constant 0 : i32
    %dma_wait3A_184 = tpu.memref_slice %arg9[%dma_wait3A_181, %dma_wait3A_182, %dma_wait3A_183] : memref<2x128x128xf32, #tpu.memory_space<vmem>> -> memref<1x128x128xf32, #tpu.memory_space<vmem>>
    %dma_wait3A_185 = tpu.memref_squeeze %dma_wait3A_184 : memref<1x128x128xf32, #tpu.memory_space<vmem>> -> memref<128x128xf32, #tpu.memory_space<vmem>>
    %dma_wait3A_186 = arith.constant 0 : i32
    %dma_wait3A_187 = tpu.memref_slice %arg7[%dma_wait3A_180, %dma_wait3A_186] : memref<8x128xi32, #tpu.memory_space<vmem>> -> memref<1x128xi32, #tpu.memory_space<vmem>>
    %dma_wait3A_188 = tpu.memref_squeeze %dma_wait3A_187 : memref<1x128xi32, #tpu.memory_space<vmem>> -> memref<128xi32, #tpu.memory_space<vmem>>
    %dma_wait3A_189 = arith.constant 0 : i32
    %dma_wait3A_190 = arith.constant 0 : i32
    %dma_wait3A_191 = tpu.memref_slice %arg2[%dma_wait3A_189, %dma_wait3A_190] : memref<100000x128xf32, #tpu.memory_space<hbm>> -> memref<100000x128xf32, #tpu.memory_space<hbm>>
    tpu.wait_indirect_dma semaphore(%arg13 : memref<!tpu.dma_semaphore, #tpu.memory_space<semaphore_mem>>) src(%dma_wait3A_191 : memref<100000x128xf32, #tpu.memory_space<hbm>>) dst(%dma_wait3A_185 : memref<128x128xf32, #tpu.memory_space<vmem>>)
    %dma_wait3A_192 = arith.constant 2 : i32
    %dma_wait3A_193 = arith.constant 0 : i32
    %dma_wait3A_194 = arith.constant 0 : i32
    %dma_wait3A_195 = arith.constant 0 : i32
    %dma_wait3A_196 = tpu.memref_slice %arg10[%dma_wait3A_193, %dma_wait3A_194, %dma_wait3A_195] : memref<2x64x128xf32, #tpu.memory_space<vmem>> -> memref<1x64x128xf32, #tpu.memory_space<vmem>>
    %dma_wait3A_197 = tpu.memref_squeeze %dma_wait3A_196 : memref<1x64x128xf32, #tpu.memory_space<vmem>> -> memref<64x128xf32, #tpu.memory_space<vmem>>
    %dma_wait3A_198 = arith.constant 0 : i32
    %dma_wait3A_199 = tpu.memref_slice %arg8[%dma_wait3A_192, %dma_wait3A_198] : memref<8x64xi32, #tpu.memory_space<vmem>> -> memref<1x64xi32, #tpu.memory_space<vmem>>
    %dma_wait3A_200 = tpu.memref_squeeze %dma_wait3A_199 : memref<1x64xi32, #tpu.memory_space<vmem>> -> memref<64xi32, #tpu.memory_space<vmem>>
    %dma_wait3A_201 = arith.constant 0 : i32
    %dma_wait3A_202 = arith.constant 0 : i32
    %dma_wait3A_203 = tpu.memref_slice %arg3[%dma_wait3A_201, %dma_wait3A_202] : memref<1000x128xf32, #tpu.memory_space<hbm>> -> memref<1000x128xf32, #tpu.memory_space<hbm>>
    tpu.wait_indirect_dma semaphore(%arg13 : memref<!tpu.dma_semaphore, #tpu.memory_space<semaphore_mem>>) src(%dma_wait3A_203 : memref<1000x128xf32, #tpu.memory_space<hbm>>) dst(%dma_wait3A_197 : memref<64x128xf32, #tpu.memory_space<vmem>>)
    %scan3A_204 = arith.constant 0 : i32
    %scan3A_205 = arith.constant 0 : i32
    %scan3A_206 = arith.constant 0 : i32
    %scan3A_207 = arith.constant 0 : i32
    %scan3A_208 = arith.constant 64 : i32
    %scan3A_209 = arith.addi %scan3A_207, %scan3A_208 : i32
    %scan3A_210 = arith.constant 1 : i32
    scf.for %scan3A_470 = %scan3A_207 to %scan3A_209 step %scan3A_210  : i32 {
      %broadcast_in_dim3A = arith.constant 0.000000e+00 : f32
      %broadcast_in_dim3A_471 = vector.broadcast %broadcast_in_dim3A : f32 to vector<16xf32>
      %get3A = arith.constant 0 : i32
      %get3A_472 = arith.constant 0 : i32
      %get3A_473 = tpu.memref_slice %arg9[%scan3A_205, %get3A, %get3A_472] : memref<2x128x128xf32, #tpu.memory_space<vmem>> -> memref<1x128x128xf32, #tpu.memory_space<vmem>>
      %get3A_474 = tpu.memref_squeeze %get3A_473 : memref<1x128x128xf32, #tpu.memory_space<vmem>> -> memref<128x128xf32, #tpu.memory_space<vmem>>
      %get3A_475 = arith.index_cast %scan3A_470 : i32 to index
      %get3A_476 = arith.constant 0 : index
      %get3A_477 = tpu.vector_load %get3A_474[%get3A_475, %get3A_476] {strides = array<i32>} : memref<128x128xf32, #tpu.memory_space<vmem>>, vector<1x16xf32>,
      %get3A_478 = vector.shape_cast %get3A_477 : vector<1x16xf32> to vector<16xf32>
      %get3A_479 = arith.constant 0 : i32
      %get3A_480 = arith.constant 0 : i32
      %get3A_481 = tpu.memref_slice %arg10[%scan3A_206, %get3A_479, %get3A_480] : memref<2x64x128xf32, #tpu.memory_space<vmem>> -> memref<1x64x128xf32, #tpu.memory_space<vmem>>
      %get3A_482 = tpu.memref_squeeze %get3A_481 : memref<1x64x128xf32, #tpu.memory_space<vmem>> -> memref<64x128xf32, #tpu.memory_space<vmem>>
      %get3A_483 = arith.index_cast %scan3A_470 : i32 to index
      %get3A_484 = arith.constant 0 : index
      %get3A_485 = tpu.vector_load %get3A_482[%get3A_483, %get3A_484] {strides = array<i32>} : memref<64x128xf32, #tpu.memory_space<vmem>>, vector<1x16xf32>,
      %get3A_486 = vector.shape_cast %get3A_485 : vector<1x16xf32> to vector<16xf32>
      %add3A_487 = arith.constant 64 : i32
      %add3A_488 = arith.addi %add3A_487, %scan3A_470 : i32
      %get3A_489 = arith.constant 0 : i32
      %get3A_490 = arith.constant 0 : i32
      %get3A_491 = tpu.memref_slice %arg9[%scan3A_205, %get3A_489, %get3A_490] : memref<2x128x128xf32, #tpu.memory_space<vmem>> -> memref<1x128x128xf32, #tpu.memory_space<vmem>>
      %get3A_492 = tpu.memref_squeeze %get3A_491 : memref<1x128x128xf32, #tpu.memory_space<vmem>> -> memref<128x128xf32, #tpu.memory_space<vmem>>
      %get3A_493 = arith.index_cast %add3A_488 : i32 to index
      %get3A_494 = arith.constant 0 : index
      %get3A_495 = tpu.vector_load %get3A_492[%get3A_493, %get3A_494] {strides = array<i32>} : memref<128x128xf32, #tpu.memory_space<vmem>>, vector<1x16xf32>,
      %get3A_496 = vector.shape_cast %get3A_495 : vector<1x16xf32> to vector<16xf32>
      %sub3A = arith.subf %get3A_478, %get3A_496 : vector<16xf32>
      %add3A_497 = arith.addf %sub3A, %get3A_486 : vector<16xf32>
      %mul3A_498 = arith.mulf %add3A_497, %add3A_497 : vector<16xf32>
      %add3A_499 = arith.addf %broadcast_in_dim3A_471, %mul3A_498 : vector<16xf32>
      %get3A_500 = arith.constant 0 : i32
      %get3A_501 = arith.constant 0 : i32
      %get3A_502 = tpu.memref_slice %arg9[%scan3A_205, %get3A_500, %get3A_501] : memref<2x128x128xf32, #tpu.memory_space<vmem>> -> memref<1x128x128xf32, #tpu.memory_space<vmem>>
      %get3A_503 = tpu.memref_squeeze %get3A_502 : memref<1x128x128xf32, #tpu.memory_space<vmem>> -> memref<128x128xf32, #tpu.memory_space<vmem>>
      %get3A_504 = arith.index_cast %scan3A_470 : i32 to index
      %get3A_505 = arith.constant 16 : index
      %get3A_506 = tpu.vector_load %get3A_503[%get3A_504, %get3A_505] {strides = array<i32>} : memref<128x128xf32, #tpu.memory_space<vmem>>, vector<1x16xf32>,
      %get3A_507 = vector.shape_cast %get3A_506 : vector<1x16xf32> to vector<16xf32>
      %get3A_508 = arith.constant 0 : i32
      %get3A_509 = arith.constant 0 : i32
      %get3A_510 = tpu.memref_slice %arg10[%scan3A_206, %get3A_508, %get3A_509] : memref<2x64x128xf32, #tpu.memory_space<vmem>> -> memref<1x64x128xf32, #tpu.memory_space<vmem>>
      %get3A_511 = tpu.memref_squeeze %get3A_510 : memref<1x64x128xf32, #tpu.memory_space<vmem>> -> memref<64x128xf32, #tpu.memory_space<vmem>>
      %get3A_512 = arith.index_cast %scan3A_470 : i32 to index
      %get3A_513 = arith.constant 16 : index
      %get3A_514 = tpu.vector_load %get3A_511[%get3A_512, %get3A_513] {strides = array<i32>} : memref<64x128xf32, #tpu.memory_space<vmem>>, vector<1x16xf32>,
      %get3A_515 = vector.shape_cast %get3A_514 : vector<1x16xf32> to vector<16xf32>
      %add3A_516 = arith.constant 64 : i32
      %add3A_517 = arith.addi %add3A_516, %scan3A_470 : i32
      %get3A_518 = arith.constant 0 : i32
      %get3A_519 = arith.constant 0 : i32
      %get3A_520 = tpu.memref_slice %arg9[%scan3A_205, %get3A_518, %get3A_519] : memref<2x128x128xf32, #tpu.memory_space<vmem>> -> memref<1x128x128xf32, #tpu.memory_space<vmem>>
      %get3A_521 = tpu.memref_squeeze %get3A_520 : memref<1x128x128xf32, #tpu.memory_space<vmem>> -> memref<128x128xf32, #tpu.memory_space<vmem>>
      %get3A_522 = arith.index_cast %add3A_517 : i32 to index
      %get3A_523 = arith.constant 16 : index
      %get3A_524 = tpu.vector_load %get3A_521[%get3A_522, %get3A_523] {strides = array<i32>} : memref<128x128xf32, #tpu.memory_space<vmem>>, vector<1x16xf32>,
      %get3A_525 = vector.shape_cast %get3A_524 : vector<1x16xf32> to vector<16xf32>
      %sub3A_526 = arith.subf %get3A_507, %get3A_525 : vector<16xf32>
      %add3A_527 = arith.addf %sub3A_526, %get3A_515 : vector<16xf32>
      %mul3A_528 = arith.mulf %add3A_527, %add3A_527 : vector<16xf32>
      %add3A_529 = arith.addf %add3A_499, %mul3A_528 : vector<16xf32>
      %get3A_530 = arith.constant 0 : i32
      %get3A_531 = arith.constant 0 : i32
      %get3A_532 = tpu.memref_slice %arg9[%scan3A_205, %get3A_530, %get3A_531] : memref<2x128x128xf32, #tpu.memory_space<vmem>> -> memref<1x128x128xf32, #tpu.memory_space<vmem>>
      %get3A_533 = tpu.memref_squeeze %get3A_532 : memref<1x128x128xf32, #tpu.memory_space<vmem>> -> memref<128x128xf32, #tpu.memory_space<vmem>>
      %get3A_534 = arith.index_cast %scan3A_470 : i32 to index
      %get3A_535 = arith.constant 32 : index
      %get3A_536 = tpu.vector_load %get3A_533[%get3A_534, %get3A_535] {strides = array<i32>} : memref<128x128xf32, #tpu.memory_space<vmem>>, vector<1x16xf32>,
      %get3A_537 = vector.shape_cast %get3A_536 : vector<1x16xf32> to vector<16xf32>
      %get3A_538 = arith.constant 0 : i32
      %get3A_539 = arith.constant 0 : i32
      %get3A_540 = tpu.memref_slice %arg10[%scan3A_206, %get3A_538, %get3A_539] : memref<2x64x128xf32, #tpu.memory_space<vmem>> -> memref<1x64x128xf32, #tpu.memory_space<vmem>>
      %get3A_541 = tpu.memref_squeeze %get3A_540 : memref<1x64x128xf32, #tpu.memory_space<vmem>> -> memref<64x128xf32, #tpu.memory_space<vmem>>
      %get3A_542 = arith.index_cast %scan3A_470 : i32 to index
      %get3A_543 = arith.constant 32 : index
      %get3A_544 = tpu.vector_load %get3A_541[%get3A_542, %get3A_543] {strides = array<i32>} : memref<64x128xf32, #tpu.memory_space<vmem>>, vector<1x16xf32>,
      %get3A_545 = vector.shape_cast %get3A_544 : vector<1x16xf32> to vector<16xf32>
      %add3A_546 = arith.constant 64 : i32
      %add3A_547 = arith.addi %add3A_546, %scan3A_470 : i32
      %get3A_548 = arith.constant 0 : i32
      %get3A_549 = arith.constant 0 : i32
      %get3A_550 = tpu.memref_slice %arg9[%scan3A_205, %get3A_548, %get3A_549] : memref<2x128x128xf32, #tpu.memory_space<vmem>> -> memref<1x128x128xf32, #tpu.memory_space<vmem>>
      %get3A_551 = tpu.memref_squeeze %get3A_550 : memref<1x128x128xf32, #tpu.memory_space<vmem>> -> memref<128x128xf32, #tpu.memory_space<vmem>>
      %get3A_552 = arith.index_cast %add3A_547 : i32 to index
      %get3A_553 = arith.constant 32 : index
      %get3A_554 = tpu.vector_load %get3A_551[%get3A_552, %get3A_553] {strides = array<i32>} : memref<128x128xf32, #tpu.memory_space<vmem>>, vector<1x16xf32>,
      %get3A_555 = vector.shape_cast %get3A_554 : vector<1x16xf32> to vector<16xf32>
      %sub3A_556 = arith.subf %get3A_537, %get3A_555 : vector<16xf32>
      %add3A_557 = arith.addf %sub3A_556, %get3A_545 : vector<16xf32>
      %mul3A_558 = arith.mulf %add3A_557, %add3A_557 : vector<16xf32>
      %add3A_559 = arith.addf %add3A_529, %mul3A_558 : vector<16xf32>
      %get3A_560 = arith.constant 0 : i32
      %get3A_561 = arith.constant 0 : i32
      %get3A_562 = tpu.memref_slice %arg9[%scan3A_205, %get3A_560, %get3A_561] : memref<2x128x128xf32, #tpu.memory_space<vmem>> -> memref<1x128x128xf32, #tpu.memory_space<vmem>>
      %get3A_563 = tpu.memref_squeeze %get3A_562 : memref<1x128x128xf32, #tpu.memory_space<vmem>> -> memref<128x128xf32, #tpu.memory_space<vmem>>
      %get3A_564 = arith.index_cast %scan3A_470 : i32 to index
      %get3A_565 = arith.constant 48 : index
      %get3A_566 = tpu.vector_load %get3A_563[%get3A_564, %get3A_565] {strides = array<i32>} : memref<128x128xf32, #tpu.memory_space<vmem>>, vector<1x16xf32>,
      %get3A_567 = vector.shape_cast %get3A_566 : vector<1x16xf32> to vector<16xf32>
      %get3A_568 = arith.constant 0 : i32
      %get3A_569 = arith.constant 0 : i32
      %get3A_570 = tpu.memref_slice %arg10[%scan3A_206, %get3A_568, %get3A_569] : memref<2x64x128xf32, #tpu.memory_space<vmem>> -> memref<1x64x128xf32, #tpu.memory_space<vmem>>
      %get3A_571 = tpu.memref_squeeze %get3A_570 : memref<1x64x128xf32, #tpu.memory_space<vmem>> -> memref<64x128xf32, #tpu.memory_space<vmem>>
      %get3A_572 = arith.index_cast %scan3A_470 : i32 to index
      %get3A_573 = arith.constant 48 : index
      %get3A_574 = tpu.vector_load %get3A_571[%get3A_572, %get3A_573] {strides = array<i32>} : memref<64x128xf32, #tpu.memory_space<vmem>>, vector<1x16xf32>,
      %get3A_575 = vector.shape_cast %get3A_574 : vector<1x16xf32> to vector<16xf32>
      %add3A_576 = arith.constant 64 : i32
      %add3A_577 = arith.addi %add3A_576, %scan3A_470 : i32
      %get3A_578 = arith.constant 0 : i32
      %get3A_579 = arith.constant 0 : i32
      %get3A_580 = tpu.memref_slice %arg9[%scan3A_205, %get3A_578, %get3A_579] : memref<2x128x128xf32, #tpu.memory_space<vmem>> -> memref<1x128x128xf32, #tpu.memory_space<vmem>>
      %get3A_581 = tpu.memref_squeeze %get3A_580 : memref<1x128x128xf32, #tpu.memory_space<vmem>> -> memref<128x128xf32, #tpu.memory_space<vmem>>
      %get3A_582 = arith.index_cast %add3A_577 : i32 to index
      %get3A_583 = arith.constant 48 : index
      %get3A_584 = tpu.vector_load %get3A_581[%get3A_582, %get3A_583] {strides = array<i32>} : memref<128x128xf32, #tpu.memory_space<vmem>>, vector<1x16xf32>,
      %get3A_585 = vector.shape_cast %get3A_584 : vector<1x16xf32> to vector<16xf32>
      %sub3A_586 = arith.subf %get3A_567, %get3A_585 : vector<16xf32>
      %add3A_587 = arith.addf %sub3A_586, %get3A_575 : vector<16xf32>
      %mul3A_588 = arith.mulf %add3A_587, %add3A_587 : vector<16xf32>
      %add3A_589 = arith.addf %add3A_559, %mul3A_588 : vector<16xf32>
      %get3A_590 = arith.constant 0 : i32
      %get3A_591 = arith.constant 0 : i32
      %get3A_592 = tpu.memref_slice %arg9[%scan3A_205, %get3A_590, %get3A_591] : memref<2x128x128xf32, #tpu.memory_space<vmem>> -> memref<1x128x128xf32, #tpu.memory_space<vmem>>
      %get3A_593 = tpu.memref_squeeze %get3A_592 : memref<1x128x128xf32, #tpu.memory_space<vmem>> -> memref<128x128xf32, #tpu.memory_space<vmem>>
      %get3A_594 = arith.index_cast %scan3A_470 : i32 to index
      %get3A_595 = arith.constant 64 : index
      %get3A_596 = tpu.vector_load %get3A_593[%get3A_594, %get3A_595] {strides = array<i32>} : memref<128x128xf32, #tpu.memory_space<vmem>>, vector<1x16xf32>,
      %get3A_597 = vector.shape_cast %get3A_596 : vector<1x16xf32> to vector<16xf32>
      %get3A_598 = arith.constant 0 : i32
      %get3A_599 = arith.constant 0 : i32
      %get3A_600 = tpu.memref_slice %arg10[%scan3A_206, %get3A_598, %get3A_599] : memref<2x64x128xf32, #tpu.memory_space<vmem>> -> memref<1x64x128xf32, #tpu.memory_space<vmem>>
      %get3A_601 = tpu.memref_squeeze %get3A_600 : memref<1x64x128xf32, #tpu.memory_space<vmem>> -> memref<64x128xf32, #tpu.memory_space<vmem>>
      %get3A_602 = arith.index_cast %scan3A_470 : i32 to index
      %get3A_603 = arith.constant 64 : index
      %get3A_604 = tpu.vector_load %get3A_601[%get3A_602, %get3A_603] {strides = array<i32>} : memref<64x128xf32, #tpu.memory_space<vmem>>, vector<1x16xf32>,
      %get3A_605 = vector.shape_cast %get3A_604 : vector<1x16xf32> to vector<16xf32>
      %add3A_606 = arith.constant 64 : i32
      %add3A_607 = arith.addi %add3A_606, %scan3A_470 : i32
      %get3A_608 = arith.constant 0 : i32
      %get3A_609 = arith.constant 0 : i32
      %get3A_610 = tpu.memref_slice %arg9[%scan3A_205, %get3A_608, %get3A_609] : memref<2x128x128xf32, #tpu.memory_space<vmem>> -> memref<1x128x128xf32, #tpu.memory_space<vmem>>
      %get3A_611 = tpu.memref_squeeze %get3A_610 : memref<1x128x128xf32, #tpu.memory_space<vmem>> -> memref<128x128xf32, #tpu.memory_space<vmem>>
      %get3A_612 = arith.index_cast %add3A_607 : i32 to index
      %get3A_613 = arith.constant 64 : index
      %get3A_614 = tpu.vector_load %get3A_611[%get3A_612, %get3A_613] {strides = array<i32>} : memref<128x128xf32, #tpu.memory_space<vmem>>, vector<1x16xf32>,
      %get3A_615 = vector.shape_cast %get3A_614 : vector<1x16xf32> to vector<16xf32>
      %sub3A_616 = arith.subf %get3A_597, %get3A_615 : vector<16xf32>
      %add3A_617 = arith.addf %sub3A_616, %get3A_605 : vector<16xf32>
      %mul3A_618 = arith.mulf %add3A_617, %add3A_617 : vector<16xf32>
      %add3A_619 = arith.addf %add3A_589, %mul3A_618 : vector<16xf32>
      %get3A_620 = arith.constant 0 : i32
      %get3A_621 = arith.constant 0 : i32
      %get3A_622 = tpu.memref_slice %arg9[%scan3A_205, %get3A_620, %get3A_621] : memref<2x128x128xf32, #tpu.memory_space<vmem>> -> memref<1x128x128xf32, #tpu.memory_space<vmem>>
      %get3A_623 = tpu.memref_squeeze %get3A_622 : memref<1x128x128xf32, #tpu.memory_space<vmem>> -> memref<128x128xf32, #tpu.memory_space<vmem>>
      %get3A_624 = arith.index_cast %scan3A_470 : i32 to index
      %get3A_625 = arith.constant 80 : index
      %get3A_626 = tpu.vector_load %get3A_623[%get3A_624, %get3A_625] {strides = array<i32>} : memref<128x128xf32, #tpu.memory_space<vmem>>, vector<1x16xf32>,
      %get3A_627 = vector.shape_cast %get3A_626 : vector<1x16xf32> to vector<16xf32>
      %get3A_628 = arith.constant 0 : i32
      %get3A_629 = arith.constant 0 : i32
      %get3A_630 = tpu.memref_slice %arg10[%scan3A_206, %get3A_628, %get3A_629] : memref<2x64x128xf32, #tpu.memory_space<vmem>> -> memref<1x64x128xf32, #tpu.memory_space<vmem>>
      %get3A_631 = tpu.memref_squeeze %get3A_630 : memref<1x64x128xf32, #tpu.memory_space<vmem>> -> memref<64x128xf32, #tpu.memory_space<vmem>>
      %get3A_632 = arith.index_cast %scan3A_470 : i32 to index
      %get3A_633 = arith.constant 80 : index
      %get3A_634 = tpu.vector_load %get3A_631[%get3A_632, %get3A_633] {strides = array<i32>} : memref<64x128xf32, #tpu.memory_space<vmem>>, vector<1x16xf32>,
      %get3A_635 = vector.shape_cast %get3A_634 : vector<1x16xf32> to vector<16xf32>
      %add3A_636 = arith.constant 64 : i32
      %add3A_637 = arith.addi %add3A_636, %scan3A_470 : i32
      %get3A_638 = arith.constant 0 : i32
      %get3A_639 = arith.constant 0 : i32
      %get3A_640 = tpu.memref_slice %arg9[%scan3A_205, %get3A_638, %get3A_639] : memref<2x128x128xf32, #tpu.memory_space<vmem>> -> memref<1x128x128xf32, #tpu.memory_space<vmem>>
      %get3A_641 = tpu.memref_squeeze %get3A_640 : memref<1x128x128xf32, #tpu.memory_space<vmem>> -> memref<128x128xf32, #tpu.memory_space<vmem>>
      %get3A_642 = arith.index_cast %add3A_637 : i32 to index
      %get3A_643 = arith.constant 80 : index
      %get3A_644 = tpu.vector_load %get3A_641[%get3A_642, %get3A_643] {strides = array<i32>} : memref<128x128xf32, #tpu.memory_space<vmem>>, vector<1x16xf32>,
      %get3A_645 = vector.shape_cast %get3A_644 : vector<1x16xf32> to vector<16xf32>
      %sub3A_646 = arith.subf %get3A_627, %get3A_645 : vector<16xf32>
      %add3A_647 = arith.addf %sub3A_646, %get3A_635 : vector<16xf32>
      %mul3A_648 = arith.mulf %add3A_647, %add3A_647 : vector<16xf32>
      %add3A_649 = arith.addf %add3A_619, %mul3A_648 : vector<16xf32>
      %get3A_650 = arith.constant 0 : i32
      %get3A_651 = arith.constant 0 : i32
      %get3A_652 = tpu.memref_slice %arg9[%scan3A_205, %get3A_650, %get3A_651] : memref<2x128x128xf32, #tpu.memory_space<vmem>> -> memref<1x128x128xf32, #tpu.memory_space<vmem>>
      %get3A_653 = tpu.memref_squeeze %get3A_652 : memref<1x128x128xf32, #tpu.memory_space<vmem>> -> memref<128x128xf32, #tpu.memory_space<vmem>>
      %get3A_654 = arith.index_cast %scan3A_470 : i32 to index
      %get3A_655 = arith.constant 96 : index
      %get3A_656 = tpu.vector_load %get3A_653[%get3A_654, %get3A_655] {strides = array<i32>} : memref<128x128xf32, #tpu.memory_space<vmem>>, vector<1x16xf32>,
      %get3A_657 = vector.shape_cast %get3A_656 : vector<1x16xf32> to vector<16xf32>
      %get3A_658 = arith.constant 0 : i32
      %get3A_659 = arith.constant 0 : i32
      %get3A_660 = tpu.memref_slice %arg10[%scan3A_206, %get3A_658, %get3A_659] : memref<2x64x128xf32, #tpu.memory_space<vmem>> -> memref<1x64x128xf32, #tpu.memory_space<vmem>>
      %get3A_661 = tpu.memref_squeeze %get3A_660 : memref<1x64x128xf32, #tpu.memory_space<vmem>> -> memref<64x128xf32, #tpu.memory_space<vmem>>
      %get3A_662 = arith.index_cast %scan3A_470 : i32 to index
      %get3A_663 = arith.constant 96 : index
      %get3A_664 = tpu.vector_load %get3A_661[%get3A_662, %get3A_663] {strides = array<i32>} : memref<64x128xf32, #tpu.memory_space<vmem>>, vector<1x16xf32>,
      %get3A_665 = vector.shape_cast %get3A_664 : vector<1x16xf32> to vector<16xf32>
      %add3A_666 = arith.constant 64 : i32
      %add3A_667 = arith.addi %add3A_666, %scan3A_470 : i32
      %get3A_668 = arith.constant 0 : i32
      %get3A_669 = arith.constant 0 : i32
      %get3A_670 = tpu.memref_slice %arg9[%scan3A_205, %get3A_668, %get3A_669] : memref<2x128x128xf32, #tpu.memory_space<vmem>> -> memref<1x128x128xf32, #tpu.memory_space<vmem>>
      %get3A_671 = tpu.memref_squeeze %get3A_670 : memref<1x128x128xf32, #tpu.memory_space<vmem>> -> memref<128x128xf32, #tpu.memory_space<vmem>>
      %get3A_672 = arith.index_cast %add3A_667 : i32 to index
      %get3A_673 = arith.constant 96 : index
      %get3A_674 = tpu.vector_load %get3A_671[%get3A_672, %get3A_673] {strides = array<i32>} : memref<128x128xf32, #tpu.memory_space<vmem>>, vector<1x16xf32>,
      %get3A_675 = vector.shape_cast %get3A_674 : vector<1x16xf32> to vector<16xf32>
      %sub3A_676 = arith.subf %get3A_657, %get3A_675 : vector<16xf32>
      %add3A_677 = arith.addf %sub3A_676, %get3A_665 : vector<16xf32>
      %mul3A_678 = arith.mulf %add3A_677, %add3A_677 : vector<16xf32>
      %add3A_679 = arith.addf %add3A_649, %mul3A_678 : vector<16xf32>
      %get3A_680 = arith.constant 0 : i32
      %get3A_681 = arith.constant 0 : i32
      %get3A_682 = tpu.memref_slice %arg9[%scan3A_205, %get3A_680, %get3A_681] : memref<2x128x128xf32, #tpu.memory_space<vmem>> -> memref<1x128x128xf32, #tpu.memory_space<vmem>>
      %get3A_683 = tpu.memref_squeeze %get3A_682 : memref<1x128x128xf32, #tpu.memory_space<vmem>> -> memref<128x128xf32, #tpu.memory_space<vmem>>
      %get3A_684 = arith.index_cast %scan3A_470 : i32 to index
      %get3A_685 = arith.constant 112 : index
      %get3A_686 = tpu.vector_load %get3A_683[%get3A_684, %get3A_685] {strides = array<i32>} : memref<128x128xf32, #tpu.memory_space<vmem>>, vector<1x16xf32>,
      %get3A_687 = vector.shape_cast %get3A_686 : vector<1x16xf32> to vector<16xf32>
      %get3A_688 = arith.constant 0 : i32
      %get3A_689 = arith.constant 0 : i32
      %get3A_690 = tpu.memref_slice %arg10[%scan3A_206, %get3A_688, %get3A_689] : memref<2x64x128xf32, #tpu.memory_space<vmem>> -> memref<1x64x128xf32, #tpu.memory_space<vmem>>
      %get3A_691 = tpu.memref_squeeze %get3A_690 : memref<1x64x128xf32, #tpu.memory_space<vmem>> -> memref<64x128xf32, #tpu.memory_space<vmem>>
      %get3A_692 = arith.index_cast %scan3A_470 : i32 to index
      %get3A_693 = arith.constant 112 : index
      %get3A_694 = tpu.vector_load %get3A_691[%get3A_692, %get3A_693] {strides = array<i32>} : memref<64x128xf32, #tpu.memory_space<vmem>>, vector<1x16xf32>,
      %get3A_695 = vector.shape_cast %get3A_694 : vector<1x16xf32> to vector<16xf32>
      %add3A_696 = arith.constant 64 : i32
      %add3A_697 = arith.addi %add3A_696, %scan3A_470 : i32
      %get3A_698 = arith.constant 0 : i32
      %get3A_699 = arith.constant 0 : i32
      %get3A_700 = tpu.memref_slice %arg9[%scan3A_205, %get3A_698, %get3A_699] : memref<2x128x128xf32, #tpu.memory_space<vmem>> -> memref<1x128x128xf32, #tpu.memory_space<vmem>>
      %get3A_701 = tpu.memref_squeeze %get3A_700 : memref<1x128x128xf32, #tpu.memory_space<vmem>> -> memref<128x128xf32, #tpu.memory_space<vmem>>
      %get3A_702 = arith.index_cast %add3A_697 : i32 to index
      %get3A_703 = arith.constant 112 : index
      %get3A_704 = tpu.vector_load %get3A_701[%get3A_702, %get3A_703] {strides = array<i32>} : memref<128x128xf32, #tpu.memory_space<vmem>>, vector<1x16xf32>,
      %get3A_705 = vector.shape_cast %get3A_704 : vector<1x16xf32> to vector<16xf32>
      %sub3A_706 = arith.subf %get3A_687, %get3A_705 : vector<16xf32>
      %add3A_707 = arith.addf %sub3A_706, %get3A_695 : vector<16xf32>
      %mul3A_708 = arith.mulf %add3A_707, %add3A_707 : vector<16xf32>
      %add3A_709 = arith.addf %add3A_679, %mul3A_708 : vector<16xf32>
      %mul3A_710 = arith.constant 16 : i32
      %mul3A_711 = arith.muli %scan3A_470, %mul3A_710 : i32
      %add3A_712 = arith.constant 0 : i32
      %add3A_713 = arith.addi %add3A_712, %mul3A_711 : i32
      %swap3A = arith.constant 1 : i32
      %swap3A_714 = arith.index_cast %swap3A : i32 to index
      %swap3A_715 = arith.index_cast %add3A_713 : i32 to index
      %swap3A_716 = tpu.vector_load %arg11[%swap3A_714, %swap3A_715] {strides = array<i32>} : memref<4x2048xf32, #tpu.memory_space<vmem>>, vector<1x16xf32>,
      %swap3A_717 = vector.shape_cast %swap3A_716 : vector<1x16xf32> to vector<16xf32>
      %swap3A_718 = vector.shape_cast %add3A_709 : vector<16xf32> to vector<1x16xf32>
      tpu.vector_store %arg11[%swap3A_714, %swap3A_715], %swap3A_718 {strides = array<i32>} : memref<4x2048xf32, #tpu.memory_space<vmem>>, vector<1x16xf32>,
    }
    %scan3A_211 = arith.constant 64 : i32
    %dma_start3A_212 = arith.constant 4 : i32
    %dma_start3A_213 = arith.constant 0 : i32
    %dma_start3A_214 = arith.constant 0 : i32
    %dma_start3A_215 = arith.constant 0 : i32
    %dma_start3A_216 = tpu.memref_slice %arg9[%dma_start3A_213, %dma_start3A_214, %dma_start3A_215] : memref<2x128x128xf32, #tpu.memory_space<vmem>> -> memref<1x128x128xf32, #tpu.memory_space<vmem>>
    %dma_start3A_217 = tpu.memref_squeeze %dma_start3A_216 : memref<1x128x128xf32, #tpu.memory_space<vmem>> -> memref<128x128xf32, #tpu.memory_space<vmem>>
    %dma_start3A_218 = arith.constant 0 : i32
    %dma_start3A_219 = tpu.memref_slice %arg7[%dma_start3A_212, %dma_start3A_218] : memref<8x128xi32, #tpu.memory_space<vmem>> -> memref<1x128xi32, #tpu.memory_space<vmem>>
    %dma_start3A_220 = tpu.memref_squeeze %dma_start3A_219 : memref<1x128xi32, #tpu.memory_space<vmem>> -> memref<128xi32, #tpu.memory_space<vmem>>
    %dma_start3A_221 = arith.constant 0 : i32
    %dma_start3A_222 = arith.constant 0 : i32
    %dma_start3A_223 = tpu.memref_slice %arg2[%dma_start3A_221, %dma_start3A_222] : memref<100000x128xf32, #tpu.memory_space<hbm>> -> memref<100000x128xf32, #tpu.memory_space<hbm>>
    tpu.enqueue_indirect_dma source(%dma_start3A_223 : memref<100000x128xf32, #tpu.memory_space<hbm>>) target(%dma_start3A_217 : memref<128x128xf32, #tpu.memory_space<vmem>>) offsets(%dma_start3A_220 : memref<128xi32, #tpu.memory_space<vmem>>) semaphore(%arg13 : memref<!tpu.dma_semaphore, #tpu.memory_space<semaphore_mem>>)
    %dma_start3A_224 = arith.constant 4 : i32
    %dma_start3A_225 = arith.constant 0 : i32
    %dma_start3A_226 = arith.constant 0 : i32
    %dma_start3A_227 = arith.constant 0 : i32
    %dma_start3A_228 = tpu.memref_slice %arg10[%dma_start3A_225, %dma_start3A_226, %dma_start3A_227] : memref<2x64x128xf32, #tpu.memory_space<vmem>> -> memref<1x64x128xf32, #tpu.memory_space<vmem>>
    %dma_start3A_229 = tpu.memref_squeeze %dma_start3A_228 : memref<1x64x128xf32, #tpu.memory_space<vmem>> -> memref<64x128xf32, #tpu.memory_space<vmem>>
    %dma_start3A_230 = arith.constant 0 : i32
    %dma_start3A_231 = tpu.memref_slice %arg8[%dma_start3A_224, %dma_start3A_230] : memref<8x64xi32, #tpu.memory_space<vmem>> -> memref<1x64xi32, #tpu.memory_space<vmem>>
    %dma_start3A_232 = tpu.memref_squeeze %dma_start3A_231 : memref<1x64xi32, #tpu.memory_space<vmem>> -> memref<64xi32, #tpu.memory_space<vmem>>
    %dma_start3A_233 = arith.constant 0 : i32
    %dma_start3A_234 = arith.constant 0 : i32
    %dma_start3A_235 = tpu.memref_slice %arg3[%dma_start3A_233, %dma_start3A_234] : memref<1000x128xf32, #tpu.memory_space<hbm>> -> memref<1000x128xf32, #tpu.memory_space<hbm>>
    tpu.enqueue_indirect_dma source(%dma_start3A_235 : memref<1000x128xf32, #tpu.memory_space<hbm>>) target(%dma_start3A_229 : memref<64x128xf32, #tpu.memory_space<vmem>>) offsets(%dma_start3A_232 : memref<64xi32, #tpu.memory_space<vmem>>) semaphore(%arg13 : memref<!tpu.dma_semaphore, #tpu.memory_space<semaphore_mem>>)
    %dma_wait3A_236 = arith.constant 3 : i32
    %dma_wait3A_237 = arith.constant 1 : i32
    %dma_wait3A_238 = arith.constant 0 : i32
    %dma_wait3A_239 = arith.constant 0 : i32
    %dma_wait3A_240 = tpu.memref_slice %arg9[%dma_wait3A_237, %dma_wait3A_238, %dma_wait3A_239] : memref<2x128x128xf32, #tpu.memory_space<vmem>> -> memref<1x128x128xf32, #tpu.memory_space<vmem>>
    %dma_wait3A_241 = tpu.memref_squeeze %dma_wait3A_240 : memref<1x128x128xf32, #tpu.memory_space<vmem>> -> memref<128x128xf32, #tpu.memory_space<vmem>>
    %dma_wait3A_242 = arith.constant 0 : i32
    %dma_wait3A_243 = tpu.memref_slice %arg7[%dma_wait3A_236, %dma_wait3A_242] : memref<8x128xi32, #tpu.memory_space<vmem>> -> memref<1x128xi32, #tpu.memory_space<vmem>>
    %dma_wait3A_244 = tpu.memref_squeeze %dma_wait3A_243 : memref<1x128xi32, #tpu.memory_space<vmem>> -> memref<128xi32, #tpu.memory_space<vmem>>
    %dma_wait3A_245 = arith.constant 0 : i32
    %dma_wait3A_246 = arith.constant 0 : i32
    %dma_wait3A_247 = tpu.memref_slice %arg2[%dma_wait3A_245, %dma_wait3A_246] : memref<100000x128xf32, #tpu.memory_space<hbm>> -> memref<100000x128xf32, #tpu.memory_space<hbm>>
    tpu.wait_indirect_dma semaphore(%arg14 : memref<!tpu.dma_semaphore, #tpu.memory_space<semaphore_mem>>) src(%dma_wait3A_247 : memref<100000x128xf32, #tpu.memory_space<hbm>>) dst(%dma_wait3A_241 : memref<128x128xf32, #tpu.memory_space<vmem>>)
    %dma_wait3A_248 = arith.constant 3 : i32
    %dma_wait3A_249 = arith.constant 1 : i32
    %dma_wait3A_250 = arith.constant 0 : i32
    %dma_wait3A_251 = arith.constant 0 : i32
    %dma_wait3A_252 = tpu.memref_slice %arg10[%dma_wait3A_249, %dma_wait3A_250, %dma_wait3A_251] : memref<2x64x128xf32, #tpu.memory_space<vmem>> -> memref<1x64x128xf32, #tpu.memory_space<vmem>>
    %dma_wait3A_253 = tpu.memref_squeeze %dma_wait3A_252 : memref<1x64x128xf32, #tpu.memory_space<vmem>> -> memref<64x128xf32, #tpu.memory_space<vmem>>
    %dma_wait3A_254 = arith.constant 0 : i32
    %dma_wait3A_255 = tpu.memref_slice %arg8[%dma_wait3A_248, %dma_wait3A_254] : memref<8x64xi32, #tpu.memory_space<vmem>> -> memref<1x64xi32, #tpu.memory_space<vmem>>
    %dma_wait3A_256 = tpu.memref_squeeze %dma_wait3A_255 : memref<1x64xi32, #tpu.memory_space<vmem>> -> memref<64xi32, #tpu.memory_space<vmem>>
    %dma_wait3A_257 = arith.constant 0 : i32
    %dma_wait3A_258 = arith.constant 0 : i32
    %dma_wait3A_259 = tpu.memref_slice %arg3[%dma_wait3A_257, %dma_wait3A_258] : memref<1000x128xf32, #tpu.memory_space<hbm>> -> memref<1000x128xf32, #tpu.memory_space<hbm>>
    tpu.wait_indirect_dma semaphore(%arg14 : memref<!tpu.dma_semaphore, #tpu.memory_space<semaphore_mem>>) src(%dma_wait3A_259 : memref<1000x128xf32, #tpu.memory_space<hbm>>) dst(%dma_wait3A_253 : memref<64x128xf32, #tpu.memory_space<vmem>>)
    %scan3A_260 = arith.constant 0 : i32
    %scan3A_261 = arith.constant 1 : i32
    %scan3A_262 = arith.constant 1 : i32
    %scan3A_263 = arith.constant 0 : i32
    %scan3A_264 = arith.constant 64 : i32
    %scan3A_265 = arith.addi %scan3A_263, %scan3A_264 : i32
    %scan3A_266 = arith.constant 1 : i32
    scf.for %scan3A_470 = %scan3A_263 to %scan3A_265 step %scan3A_266  : i32 {
      %broadcast_in_dim3A = arith.constant 0.000000e+00 : f32
      %broadcast_in_dim3A_471 = vector.broadcast %broadcast_in_dim3A : f32 to vector<16xf32>
      %get3A = arith.constant 0 : i32
      %get3A_472 = arith.constant 0 : i32
      %get3A_473 = tpu.memref_slice %arg9[%scan3A_261, %get3A, %get3A_472] : memref<2x128x128xf32, #tpu.memory_space<vmem>> -> memref<1x128x128xf32, #tpu.memory_space<vmem>>
      %get3A_474 = tpu.memref_squeeze %get3A_473 : memref<1x128x128xf32, #tpu.memory_space<vmem>> -> memref<128x128xf32, #tpu.memory_space<vmem>>
      %get3A_475 = arith.index_cast %scan3A_470 : i32 to index
      %get3A_476 = arith.constant 0 : index
      %get3A_477 = tpu.vector_load %get3A_474[%get3A_475, %get3A_476] {strides = array<i32>} : memref<128x128xf32, #tpu.memory_space<vmem>>, vector<1x16xf32>,
      %get3A_478 = vector.shape_cast %get3A_477 : vector<1x16xf32> to vector<16xf32>
      %get3A_479 = arith.constant 0 : i32
      %get3A_480 = arith.constant 0 : i32
      %get3A_481 = tpu.memref_slice %arg10[%scan3A_262, %get3A_479, %get3A_480] : memref<2x64x128xf32, #tpu.memory_space<vmem>> -> memref<1x64x128xf32, #tpu.memory_space<vmem>>
      %get3A_482 = tpu.memref_squeeze %get3A_481 : memref<1x64x128xf32, #tpu.memory_space<vmem>> -> memref<64x128xf32, #tpu.memory_space<vmem>>
      %get3A_483 = arith.index_cast %scan3A_470 : i32 to index
      %get3A_484 = arith.constant 0 : index
      %get3A_485 = tpu.vector_load %get3A_482[%get3A_483, %get3A_484] {strides = array<i32>} : memref<64x128xf32, #tpu.memory_space<vmem>>, vector<1x16xf32>,
      %get3A_486 = vector.shape_cast %get3A_485 : vector<1x16xf32> to vector<16xf32>
      %add3A_487 = arith.constant 64 : i32
      %add3A_488 = arith.addi %add3A_487, %scan3A_470 : i32
      %get3A_489 = arith.constant 0 : i32
      %get3A_490 = arith.constant 0 : i32
      %get3A_491 = tpu.memref_slice %arg9[%scan3A_261, %get3A_489, %get3A_490] : memref<2x128x128xf32, #tpu.memory_space<vmem>> -> memref<1x128x128xf32, #tpu.memory_space<vmem>>
      %get3A_492 = tpu.memref_squeeze %get3A_491 : memref<1x128x128xf32, #tpu.memory_space<vmem>> -> memref<128x128xf32, #tpu.memory_space<vmem>>
      %get3A_493 = arith.index_cast %add3A_488 : i32 to index
      %get3A_494 = arith.constant 0 : index
      %get3A_495 = tpu.vector_load %get3A_492[%get3A_493, %get3A_494] {strides = array<i32>} : memref<128x128xf32, #tpu.memory_space<vmem>>, vector<1x16xf32>,
      %get3A_496 = vector.shape_cast %get3A_495 : vector<1x16xf32> to vector<16xf32>
      %sub3A = arith.subf %get3A_478, %get3A_496 : vector<16xf32>
      %add3A_497 = arith.addf %sub3A, %get3A_486 : vector<16xf32>
      %mul3A_498 = arith.mulf %add3A_497, %add3A_497 : vector<16xf32>
      %add3A_499 = arith.addf %broadcast_in_dim3A_471, %mul3A_498 : vector<16xf32>
      %get3A_500 = arith.constant 0 : i32
      %get3A_501 = arith.constant 0 : i32
      %get3A_502 = tpu.memref_slice %arg9[%scan3A_261, %get3A_500, %get3A_501] : memref<2x128x128xf32, #tpu.memory_space<vmem>> -> memref<1x128x128xf32, #tpu.memory_space<vmem>>
      %get3A_503 = tpu.memref_squeeze %get3A_502 : memref<1x128x128xf32, #tpu.memory_space<vmem>> -> memref<128x128xf32, #tpu.memory_space<vmem>>
      %get3A_504 = arith.index_cast %scan3A_470 : i32 to index
      %get3A_505 = arith.constant 16 : index
      %get3A_506 = tpu.vector_load %get3A_503[%get3A_504, %get3A_505] {strides = array<i32>} : memref<128x128xf32, #tpu.memory_space<vmem>>, vector<1x16xf32>,
      %get3A_507 = vector.shape_cast %get3A_506 : vector<1x16xf32> to vector<16xf32>
      %get3A_508 = arith.constant 0 : i32
      %get3A_509 = arith.constant 0 : i32
      %get3A_510 = tpu.memref_slice %arg10[%scan3A_262, %get3A_508, %get3A_509] : memref<2x64x128xf32, #tpu.memory_space<vmem>> -> memref<1x64x128xf32, #tpu.memory_space<vmem>>
      %get3A_511 = tpu.memref_squeeze %get3A_510 : memref<1x64x128xf32, #tpu.memory_space<vmem>> -> memref<64x128xf32, #tpu.memory_space<vmem>>
      %get3A_512 = arith.index_cast %scan3A_470 : i32 to index
      %get3A_513 = arith.constant 16 : index
      %get3A_514 = tpu.vector_load %get3A_511[%get3A_512, %get3A_513] {strides = array<i32>} : memref<64x128xf32, #tpu.memory_space<vmem>>, vector<1x16xf32>,
      %get3A_515 = vector.shape_cast %get3A_514 : vector<1x16xf32> to vector<16xf32>
      %add3A_516 = arith.constant 64 : i32
      %add3A_517 = arith.addi %add3A_516, %scan3A_470 : i32
      %get3A_518 = arith.constant 0 : i32
      %get3A_519 = arith.constant 0 : i32
      %get3A_520 = tpu.memref_slice %arg9[%scan3A_261, %get3A_518, %get3A_519] : memref<2x128x128xf32, #tpu.memory_space<vmem>> -> memref<1x128x128xf32, #tpu.memory_space<vmem>>
      %get3A_521 = tpu.memref_squeeze %get3A_520 : memref<1x128x128xf32, #tpu.memory_space<vmem>> -> memref<128x128xf32, #tpu.memory_space<vmem>>
      %get3A_522 = arith.index_cast %add3A_517 : i32 to index
      %get3A_523 = arith.constant 16 : index
      %get3A_524 = tpu.vector_load %get3A_521[%get3A_522, %get3A_523] {strides = array<i32>} : memref<128x128xf32, #tpu.memory_space<vmem>>, vector<1x16xf32>,
      %get3A_525 = vector.shape_cast %get3A_524 : vector<1x16xf32> to vector<16xf32>
      %sub3A_526 = arith.subf %get3A_507, %get3A_525 : vector<16xf32>
      %add3A_527 = arith.addf %sub3A_526, %get3A_515 : vector<16xf32>
      %mul3A_528 = arith.mulf %add3A_527, %add3A_527 : vector<16xf32>
      %add3A_529 = arith.addf %add3A_499, %mul3A_528 : vector<16xf32>
      %get3A_530 = arith.constant 0 : i32
      %get3A_531 = arith.constant 0 : i32
      %get3A_532 = tpu.memref_slice %arg9[%scan3A_261, %get3A_530, %get3A_531] : memref<2x128x128xf32, #tpu.memory_space<vmem>> -> memref<1x128x128xf32, #tpu.memory_space<vmem>>
      %get3A_533 = tpu.memref_squeeze %get3A_532 : memref<1x128x128xf32, #tpu.memory_space<vmem>> -> memref<128x128xf32, #tpu.memory_space<vmem>>
      %get3A_534 = arith.index_cast %scan3A_470 : i32 to index
      %get3A_535 = arith.constant 32 : index
      %get3A_536 = tpu.vector_load %get3A_533[%get3A_534, %get3A_535] {strides = array<i32>} : memref<128x128xf32, #tpu.memory_space<vmem>>, vector<1x16xf32>,
      %get3A_537 = vector.shape_cast %get3A_536 : vector<1x16xf32> to vector<16xf32>
      %get3A_538 = arith.constant 0 : i32
      %get3A_539 = arith.constant 0 : i32
      %get3A_540 = tpu.memref_slice %arg10[%scan3A_262, %get3A_538, %get3A_539] : memref<2x64x128xf32, #tpu.memory_space<vmem>> -> memref<1x64x128xf32, #tpu.memory_space<vmem>>
      %get3A_541 = tpu.memref_squeeze %get3A_540 : memref<1x64x128xf32, #tpu.memory_space<vmem>> -> memref<64x128xf32, #tpu.memory_space<vmem>>
      %get3A_542 = arith.index_cast %scan3A_470 : i32 to index
      %get3A_543 = arith.constant 32 : index
      %get3A_544 = tpu.vector_load %get3A_541[%get3A_542, %get3A_543] {strides = array<i32>} : memref<64x128xf32, #tpu.memory_space<vmem>>, vector<1x16xf32>,
      %get3A_545 = vector.shape_cast %get3A_544 : vector<1x16xf32> to vector<16xf32>
      %add3A_546 = arith.constant 64 : i32
      %add3A_547 = arith.addi %add3A_546, %scan3A_470 : i32
      %get3A_548 = arith.constant 0 : i32
      %get3A_549 = arith.constant 0 : i32
      %get3A_550 = tpu.memref_slice %arg9[%scan3A_261, %get3A_548, %get3A_549] : memref<2x128x128xf32, #tpu.memory_space<vmem>> -> memref<1x128x128xf32, #tpu.memory_space<vmem>>
      %get3A_551 = tpu.memref_squeeze %get3A_550 : memref<1x128x128xf32, #tpu.memory_space<vmem>> -> memref<128x128xf32, #tpu.memory_space<vmem>>
      %get3A_552 = arith.index_cast %add3A_547 : i32 to index
      %get3A_553 = arith.constant 32 : index
      %get3A_554 = tpu.vector_load %get3A_551[%get3A_552, %get3A_553] {strides = array<i32>} : memref<128x128xf32, #tpu.memory_space<vmem>>, vector<1x16xf32>,
      %get3A_555 = vector.shape_cast %get3A_554 : vector<1x16xf32> to vector<16xf32>
      %sub3A_556 = arith.subf %get3A_537, %get3A_555 : vector<16xf32>
      %add3A_557 = arith.addf %sub3A_556, %get3A_545 : vector<16xf32>
      %mul3A_558 = arith.mulf %add3A_557, %add3A_557 : vector<16xf32>
      %add3A_559 = arith.addf %add3A_529, %mul3A_558 : vector<16xf32>
      %get3A_560 = arith.constant 0 : i32
      %get3A_561 = arith.constant 0 : i32
      %get3A_562 = tpu.memref_slice %arg9[%scan3A_261, %get3A_560, %get3A_561] : memref<2x128x128xf32, #tpu.memory_space<vmem>> -> memref<1x128x128xf32, #tpu.memory_space<vmem>>
      %get3A_563 = tpu.memref_squeeze %get3A_562 : memref<1x128x128xf32, #tpu.memory_space<vmem>> -> memref<128x128xf32, #tpu.memory_space<vmem>>
      %get3A_564 = arith.index_cast %scan3A_470 : i32 to index
      %get3A_565 = arith.constant 48 : index
      %get3A_566 = tpu.vector_load %get3A_563[%get3A_564, %get3A_565] {strides = array<i32>} : memref<128x128xf32, #tpu.memory_space<vmem>>, vector<1x16xf32>,
      %get3A_567 = vector.shape_cast %get3A_566 : vector<1x16xf32> to vector<16xf32>
      %get3A_568 = arith.constant 0 : i32
      %get3A_569 = arith.constant 0 : i32
      %get3A_570 = tpu.memref_slice %arg10[%scan3A_262, %get3A_568, %get3A_569] : memref<2x64x128xf32, #tpu.memory_space<vmem>> -> memref<1x64x128xf32, #tpu.memory_space<vmem>>
      %get3A_571 = tpu.memref_squeeze %get3A_570 : memref<1x64x128xf32, #tpu.memory_space<vmem>> -> memref<64x128xf32, #tpu.memory_space<vmem>>
      %get3A_572 = arith.index_cast %scan3A_470 : i32 to index
      %get3A_573 = arith.constant 48 : index
      %get3A_574 = tpu.vector_load %get3A_571[%get3A_572, %get3A_573] {strides = array<i32>} : memref<64x128xf32, #tpu.memory_space<vmem>>, vector<1x16xf32>,
      %get3A_575 = vector.shape_cast %get3A_574 : vector<1x16xf32> to vector<16xf32>
      %add3A_576 = arith.constant 64 : i32
      %add3A_577 = arith.addi %add3A_576, %scan3A_470 : i32
      %get3A_578 = arith.constant 0 : i32
      %get3A_579 = arith.constant 0 : i32
      %get3A_580 = tpu.memref_slice %arg9[%scan3A_261, %get3A_578, %get3A_579] : memref<2x128x128xf32, #tpu.memory_space<vmem>> -> memref<1x128x128xf32, #tpu.memory_space<vmem>>
      %get3A_581 = tpu.memref_squeeze %get3A_580 : memref<1x128x128xf32, #tpu.memory_space<vmem>> -> memref<128x128xf32, #tpu.memory_space<vmem>>
      %get3A_582 = arith.index_cast %add3A_577 : i32 to index
      %get3A_583 = arith.constant 48 : index
      %get3A_584 = tpu.vector_load %get3A_581[%get3A_582, %get3A_583] {strides = array<i32>} : memref<128x128xf32, #tpu.memory_space<vmem>>, vector<1x16xf32>,
      %get3A_585 = vector.shape_cast %get3A_584 : vector<1x16xf32> to vector<16xf32>
      %sub3A_586 = arith.subf %get3A_567, %get3A_585 : vector<16xf32>
      %add3A_587 = arith.addf %sub3A_586, %get3A_575 : vector<16xf32>
      %mul3A_588 = arith.mulf %add3A_587, %add3A_587 : vector<16xf32>
      %add3A_589 = arith.addf %add3A_559, %mul3A_588 : vector<16xf32>
      %get3A_590 = arith.constant 0 : i32
      %get3A_591 = arith.constant 0 : i32
      %get3A_592 = tpu.memref_slice %arg9[%scan3A_261, %get3A_590, %get3A_591] : memref<2x128x128xf32, #tpu.memory_space<vmem>> -> memref<1x128x128xf32, #tpu.memory_space<vmem>>
      %get3A_593 = tpu.memref_squeeze %get3A_592 : memref<1x128x128xf32, #tpu.memory_space<vmem>> -> memref<128x128xf32, #tpu.memory_space<vmem>>
      %get3A_594 = arith.index_cast %scan3A_470 : i32 to index
      %get3A_595 = arith.constant 64 : index
      %get3A_596 = tpu.vector_load %get3A_593[%get3A_594, %get3A_595] {strides = array<i32>} : memref<128x128xf32, #tpu.memory_space<vmem>>, vector<1x16xf32>,
      %get3A_597 = vector.shape_cast %get3A_596 : vector<1x16xf32> to vector<16xf32>
      %get3A_598 = arith.constant 0 : i32
      %get3A_599 = arith.constant 0 : i32
      %get3A_600 = tpu.memref_slice %arg10[%scan3A_262, %get3A_598, %get3A_599] : memref<2x64x128xf32, #tpu.memory_space<vmem>> -> memref<1x64x128xf32, #tpu.memory_space<vmem>>
      %get3A_601 = tpu.memref_squeeze %get3A_600 : memref<1x64x128xf32, #tpu.memory_space<vmem>> -> memref<64x128xf32, #tpu.memory_space<vmem>>
      %get3A_602 = arith.index_cast %scan3A_470 : i32 to index
      %get3A_603 = arith.constant 64 : index
      %get3A_604 = tpu.vector_load %get3A_601[%get3A_602, %get3A_603] {strides = array<i32>} : memref<64x128xf32, #tpu.memory_space<vmem>>, vector<1x16xf32>,
      %get3A_605 = vector.shape_cast %get3A_604 : vector<1x16xf32> to vector<16xf32>
      %add3A_606 = arith.constant 64 : i32
      %add3A_607 = arith.addi %add3A_606, %scan3A_470 : i32
      %get3A_608 = arith.constant 0 : i32
      %get3A_609 = arith.constant 0 : i32
      %get3A_610 = tpu.memref_slice %arg9[%scan3A_261, %get3A_608, %get3A_609] : memref<2x128x128xf32, #tpu.memory_space<vmem>> -> memref<1x128x128xf32, #tpu.memory_space<vmem>>
      %get3A_611 = tpu.memref_squeeze %get3A_610 : memref<1x128x128xf32, #tpu.memory_space<vmem>> -> memref<128x128xf32, #tpu.memory_space<vmem>>
      %get3A_612 = arith.index_cast %add3A_607 : i32 to index
      %get3A_613 = arith.constant 64 : index
      %get3A_614 = tpu.vector_load %get3A_611[%get3A_612, %get3A_613] {strides = array<i32>} : memref<128x128xf32, #tpu.memory_space<vmem>>, vector<1x16xf32>,
      %get3A_615 = vector.shape_cast %get3A_614 : vector<1x16xf32> to vector<16xf32>
      %sub3A_616 = arith.subf %get3A_597, %get3A_615 : vector<16xf32>
      %add3A_617 = arith.addf %sub3A_616, %get3A_605 : vector<16xf32>
      %mul3A_618 = arith.mulf %add3A_617, %add3A_617 : vector<16xf32>
      %add3A_619 = arith.addf %add3A_589, %mul3A_618 : vector<16xf32>
      %get3A_620 = arith.constant 0 : i32
      %get3A_621 = arith.constant 0 : i32
      %get3A_622 = tpu.memref_slice %arg9[%scan3A_261, %get3A_620, %get3A_621] : memref<2x128x128xf32, #tpu.memory_space<vmem>> -> memref<1x128x128xf32, #tpu.memory_space<vmem>>
      %get3A_623 = tpu.memref_squeeze %get3A_622 : memref<1x128x128xf32, #tpu.memory_space<vmem>> -> memref<128x128xf32, #tpu.memory_space<vmem>>
      %get3A_624 = arith.index_cast %scan3A_470 : i32 to index
      %get3A_625 = arith.constant 80 : index
      %get3A_626 = tpu.vector_load %get3A_623[%get3A_624, %get3A_625] {strides = array<i32>} : memref<128x128xf32, #tpu.memory_space<vmem>>, vector<1x16xf32>,
      %get3A_627 = vector.shape_cast %get3A_626 : vector<1x16xf32> to vector<16xf32>
      %get3A_628 = arith.constant 0 : i32
      %get3A_629 = arith.constant 0 : i32
      %get3A_630 = tpu.memref_slice %arg10[%scan3A_262, %get3A_628, %get3A_629] : memref<2x64x128xf32, #tpu.memory_space<vmem>> -> memref<1x64x128xf32, #tpu.memory_space<vmem>>
      %get3A_631 = tpu.memref_squeeze %get3A_630 : memref<1x64x128xf32, #tpu.memory_space<vmem>> -> memref<64x128xf32, #tpu.memory_space<vmem>>
      %get3A_632 = arith.index_cast %scan3A_470 : i32 to index
      %get3A_633 = arith.constant 80 : index
      %get3A_634 = tpu.vector_load %get3A_631[%get3A_632, %get3A_633] {strides = array<i32>} : memref<64x128xf32, #tpu.memory_space<vmem>>, vector<1x16xf32>,
      %get3A_635 = vector.shape_cast %get3A_634 : vector<1x16xf32> to vector<16xf32>
      %add3A_636 = arith.constant 64 : i32
      %add3A_637 = arith.addi %add3A_636, %scan3A_470 : i32
      %get3A_638 = arith.constant 0 : i32
      %get3A_639 = arith.constant 0 : i32
      %get3A_640 = tpu.memref_slice %arg9[%scan3A_261, %get3A_638, %get3A_639] : memref<2x128x128xf32, #tpu.memory_space<vmem>> -> memref<1x128x128xf32, #tpu.memory_space<vmem>>
      %get3A_641 = tpu.memref_squeeze %get3A_640 : memref<1x128x128xf32, #tpu.memory_space<vmem>> -> memref<128x128xf32, #tpu.memory_space<vmem>>
      %get3A_642 = arith.index_cast %add3A_637 : i32 to index
      %get3A_643 = arith.constant 80 : index
      %get3A_644 = tpu.vector_load %get3A_641[%get3A_642, %get3A_643] {strides = array<i32>} : memref<128x128xf32, #tpu.memory_space<vmem>>, vector<1x16xf32>,
      %get3A_645 = vector.shape_cast %get3A_644 : vector<1x16xf32> to vector<16xf32>
      %sub3A_646 = arith.subf %get3A_627, %get3A_645 : vector<16xf32>
      %add3A_647 = arith.addf %sub3A_646, %get3A_635 : vector<16xf32>
      %mul3A_648 = arith.mulf %add3A_647, %add3A_647 : vector<16xf32>
      %add3A_649 = arith.addf %add3A_619, %mul3A_648 : vector<16xf32>
      %get3A_650 = arith.constant 0 : i32
      %get3A_651 = arith.constant 0 : i32
      %get3A_652 = tpu.memref_slice %arg9[%scan3A_261, %get3A_650, %get3A_651] : memref<2x128x128xf32, #tpu.memory_space<vmem>> -> memref<1x128x128xf32, #tpu.memory_space<vmem>>
      %get3A_653 = tpu.memref_squeeze %get3A_652 : memref<1x128x128xf32, #tpu.memory_space<vmem>> -> memref<128x128xf32, #tpu.memory_space<vmem>>
      %get3A_654 = arith.index_cast %scan3A_470 : i32 to index
      %get3A_655 = arith.constant 96 : index
      %get3A_656 = tpu.vector_load %get3A_653[%get3A_654, %get3A_655] {strides = array<i32>} : memref<128x128xf32, #tpu.memory_space<vmem>>, vector<1x16xf32>,
      %get3A_657 = vector.shape_cast %get3A_656 : vector<1x16xf32> to vector<16xf32>
      %get3A_658 = arith.constant 0 : i32
      %get3A_659 = arith.constant 0 : i32
      %get3A_660 = tpu.memref_slice %arg10[%scan3A_262, %get3A_658, %get3A_659] : memref<2x64x128xf32, #tpu.memory_space<vmem>> -> memref<1x64x128xf32, #tpu.memory_space<vmem>>
      %get3A_661 = tpu.memref_squeeze %get3A_660 : memref<1x64x128xf32, #tpu.memory_space<vmem>> -> memref<64x128xf32, #tpu.memory_space<vmem>>
      %get3A_662 = arith.index_cast %scan3A_470 : i32 to index
      %get3A_663 = arith.constant 96 : index
      %get3A_664 = tpu.vector_load %get3A_661[%get3A_662, %get3A_663] {strides = array<i32>} : memref<64x128xf32, #tpu.memory_space<vmem>>, vector<1x16xf32>,
      %get3A_665 = vector.shape_cast %get3A_664 : vector<1x16xf32> to vector<16xf32>
      %add3A_666 = arith.constant 64 : i32
      %add3A_667 = arith.addi %add3A_666, %scan3A_470 : i32
      %get3A_668 = arith.constant 0 : i32
      %get3A_669 = arith.constant 0 : i32
      %get3A_670 = tpu.memref_slice %arg9[%scan3A_261, %get3A_668, %get3A_669] : memref<2x128x128xf32, #tpu.memory_space<vmem>> -> memref<1x128x128xf32, #tpu.memory_space<vmem>>
      %get3A_671 = tpu.memref_squeeze %get3A_670 : memref<1x128x128xf32, #tpu.memory_space<vmem>> -> memref<128x128xf32, #tpu.memory_space<vmem>>
      %get3A_672 = arith.index_cast %add3A_667 : i32 to index
      %get3A_673 = arith.constant 96 : index
      %get3A_674 = tpu.vector_load %get3A_671[%get3A_672, %get3A_673] {strides = array<i32>} : memref<128x128xf32, #tpu.memory_space<vmem>>, vector<1x16xf32>,
      %get3A_675 = vector.shape_cast %get3A_674 : vector<1x16xf32> to vector<16xf32>
      %sub3A_676 = arith.subf %get3A_657, %get3A_675 : vector<16xf32>
      %add3A_677 = arith.addf %sub3A_676, %get3A_665 : vector<16xf32>
      %mul3A_678 = arith.mulf %add3A_677, %add3A_677 : vector<16xf32>
      %add3A_679 = arith.addf %add3A_649, %mul3A_678 : vector<16xf32>
      %get3A_680 = arith.constant 0 : i32
      %get3A_681 = arith.constant 0 : i32
      %get3A_682 = tpu.memref_slice %arg9[%scan3A_261, %get3A_680, %get3A_681] : memref<2x128x128xf32, #tpu.memory_space<vmem>> -> memref<1x128x128xf32, #tpu.memory_space<vmem>>
      %get3A_683 = tpu.memref_squeeze %get3A_682 : memref<1x128x128xf32, #tpu.memory_space<vmem>> -> memref<128x128xf32, #tpu.memory_space<vmem>>
      %get3A_684 = arith.index_cast %scan3A_470 : i32 to index
      %get3A_685 = arith.constant 112 : index
      %get3A_686 = tpu.vector_load %get3A_683[%get3A_684, %get3A_685] {strides = array<i32>} : memref<128x128xf32, #tpu.memory_space<vmem>>, vector<1x16xf32>,
      %get3A_687 = vector.shape_cast %get3A_686 : vector<1x16xf32> to vector<16xf32>
      %get3A_688 = arith.constant 0 : i32
      %get3A_689 = arith.constant 0 : i32
      %get3A_690 = tpu.memref_slice %arg10[%scan3A_262, %get3A_688, %get3A_689] : memref<2x64x128xf32, #tpu.memory_space<vmem>> -> memref<1x64x128xf32, #tpu.memory_space<vmem>>
      %get3A_691 = tpu.memref_squeeze %get3A_690 : memref<1x64x128xf32, #tpu.memory_space<vmem>> -> memref<64x128xf32, #tpu.memory_space<vmem>>
      %get3A_692 = arith.index_cast %scan3A_470 : i32 to index
      %get3A_693 = arith.constant 112 : index
      %get3A_694 = tpu.vector_load %get3A_691[%get3A_692, %get3A_693] {strides = array<i32>} : memref<64x128xf32, #tpu.memory_space<vmem>>, vector<1x16xf32>,
      %get3A_695 = vector.shape_cast %get3A_694 : vector<1x16xf32> to vector<16xf32>
      %add3A_696 = arith.constant 64 : i32
      %add3A_697 = arith.addi %add3A_696, %scan3A_470 : i32
      %get3A_698 = arith.constant 0 : i32
      %get3A_699 = arith.constant 0 : i32
      %get3A_700 = tpu.memref_slice %arg9[%scan3A_261, %get3A_698, %get3A_699] : memref<2x128x128xf32, #tpu.memory_space<vmem>> -> memref<1x128x128xf32, #tpu.memory_space<vmem>>
      %get3A_701 = tpu.memref_squeeze %get3A_700 : memref<1x128x128xf32, #tpu.memory_space<vmem>> -> memref<128x128xf32, #tpu.memory_space<vmem>>
      %get3A_702 = arith.index_cast %add3A_697 : i32 to index
      %get3A_703 = arith.constant 112 : index
      %get3A_704 = tpu.vector_load %get3A_701[%get3A_702, %get3A_703] {strides = array<i32>} : memref<128x128xf32, #tpu.memory_space<vmem>>, vector<1x16xf32>,
      %get3A_705 = vector.shape_cast %get3A_704 : vector<1x16xf32> to vector<16xf32>
      %sub3A_706 = arith.subf %get3A_687, %get3A_705 : vector<16xf32>
      %add3A_707 = arith.addf %sub3A_706, %get3A_695 : vector<16xf32>
      %mul3A_708 = arith.mulf %add3A_707, %add3A_707 : vector<16xf32>
      %add3A_709 = arith.addf %add3A_679, %mul3A_708 : vector<16xf32>
      %mul3A_710 = arith.constant 16 : i32
      %mul3A_711 = arith.muli %scan3A_470, %mul3A_710 : i32
      %add3A_712 = arith.constant 1024 : i32
      %add3A_713 = arith.addi %add3A_712, %mul3A_711 : i32
      %swap3A = arith.constant 1 : i32
      %swap3A_714 = arith.index_cast %swap3A : i32 to index
      %swap3A_715 = arith.index_cast %add3A_713 : i32 to index
      %swap3A_716 = tpu.vector_load %arg11[%swap3A_714, %swap3A_715] {strides = array<i32>} : memref<4x2048xf32, #tpu.memory_space<vmem>>, vector<1x16xf32>,
      %swap3A_717 = vector.shape_cast %swap3A_716 : vector<1x16xf32> to vector<16xf32>
      %swap3A_718 = vector.shape_cast %add3A_709 : vector<16xf32> to vector<1x16xf32>
      tpu.vector_store %arg11[%swap3A_714, %swap3A_715], %swap3A_718 {strides = array<i32>} : memref<4x2048xf32, #tpu.memory_space<vmem>>, vector<1x16xf32>,
    }
    %scan3A_267 = arith.constant 64 : i32
    %dma_start3A_268 = arith.constant 5 : i32
    %dma_start3A_269 = arith.constant 1 : i32
    %dma_start3A_270 = arith.constant 0 : i32
    %dma_start3A_271 = arith.constant 0 : i32
    %dma_start3A_272 = tpu.memref_slice %arg9[%dma_start3A_269, %dma_start3A_270, %dma_start3A_271] : memref<2x128x128xf32, #tpu.memory_space<vmem>> -> memref<1x128x128xf32, #tpu.memory_space<vmem>>
    %dma_start3A_273 = tpu.memref_squeeze %dma_start3A_272 : memref<1x128x128xf32, #tpu.memory_space<vmem>> -> memref<128x128xf32, #tpu.memory_space<vmem>>
    %dma_start3A_274 = arith.constant 0 : i32
    %dma_start3A_275 = tpu.memref_slice %arg7[%dma_start3A_268, %dma_start3A_274] : memref<8x128xi32, #tpu.memory_space<vmem>> -> memref<1x128xi32, #tpu.memory_space<vmem>>
    %dma_start3A_276 = tpu.memref_squeeze %dma_start3A_275 : memref<1x128xi32, #tpu.memory_space<vmem>> -> memref<128xi32, #tpu.memory_space<vmem>>
    %dma_start3A_277 = arith.constant 0 : i32
    %dma_start3A_278 = arith.constant 0 : i32
    %dma_start3A_279 = tpu.memref_slice %arg2[%dma_start3A_277, %dma_start3A_278] : memref<100000x128xf32, #tpu.memory_space<hbm>> -> memref<100000x128xf32, #tpu.memory_space<hbm>>
    tpu.enqueue_indirect_dma source(%dma_start3A_279 : memref<100000x128xf32, #tpu.memory_space<hbm>>) target(%dma_start3A_273 : memref<128x128xf32, #tpu.memory_space<vmem>>) offsets(%dma_start3A_276 : memref<128xi32, #tpu.memory_space<vmem>>) semaphore(%arg14 : memref<!tpu.dma_semaphore, #tpu.memory_space<semaphore_mem>>)
    %dma_start3A_280 = arith.constant 5 : i32
    %dma_start3A_281 = arith.constant 1 : i32
    %dma_start3A_282 = arith.constant 0 : i32
    %dma_start3A_283 = arith.constant 0 : i32
    %dma_start3A_284 = tpu.memref_slice %arg10[%dma_start3A_281, %dma_start3A_282, %dma_start3A_283] : memref<2x64x128xf32, #tpu.memory_space<vmem>> -> memref<1x64x128xf32, #tpu.memory_space<vmem>>
    %dma_start3A_285 = tpu.memref_squeeze %dma_start3A_284 : memref<1x64x128xf32, #tpu.memory_space<vmem>> -> memref<64x128xf32, #tpu.memory_space<vmem>>
    %dma_start3A_286 = arith.constant 0 : i32
    %dma_start3A_287 = tpu.memref_slice %arg8[%dma_start3A_280, %dma_start3A_286] : memref<8x64xi32, #tpu.memory_space<vmem>> -> memref<1x64xi32, #tpu.memory_space<vmem>>
    %dma_start3A_288 = tpu.memref_squeeze %dma_start3A_287 : memref<1x64xi32, #tpu.memory_space<vmem>> -> memref<64xi32, #tpu.memory_space<vmem>>
    %dma_start3A_289 = arith.constant 0 : i32
    %dma_start3A_290 = arith.constant 0 : i32
    %dma_start3A_291 = tpu.memref_slice %arg3[%dma_start3A_289, %dma_start3A_290] : memref<1000x128xf32, #tpu.memory_space<hbm>> -> memref<1000x128xf32, #tpu.memory_space<hbm>>
    tpu.enqueue_indirect_dma source(%dma_start3A_291 : memref<1000x128xf32, #tpu.memory_space<hbm>>) target(%dma_start3A_285 : memref<64x128xf32, #tpu.memory_space<vmem>>) offsets(%dma_start3A_288 : memref<64xi32, #tpu.memory_space<vmem>>) semaphore(%arg14 : memref<!tpu.dma_semaphore, #tpu.memory_space<semaphore_mem>>)
    %dma_wait3A_292 = arith.constant 4 : i32
    %dma_wait3A_293 = arith.constant 0 : i32
    %dma_wait3A_294 = arith.constant 0 : i32
    %dma_wait3A_295 = arith.constant 0 : i32
    %dma_wait3A_296 = tpu.memref_slice %arg9[%dma_wait3A_293, %dma_wait3A_294, %dma_wait3A_295] : memref<2x128x128xf32, #tpu.memory_space<vmem>> -> memref<1x128x128xf32, #tpu.memory_space<vmem>>
    %dma_wait3A_297 = tpu.memref_squeeze %dma_wait3A_296 : memref<1x128x128xf32, #tpu.memory_space<vmem>> -> memref<128x128xf32, #tpu.memory_space<vmem>>
    %dma_wait3A_298 = arith.constant 0 : i32
    %dma_wait3A_299 = tpu.memref_slice %arg7[%dma_wait3A_292, %dma_wait3A_298] : memref<8x128xi32, #tpu.memory_space<vmem>> -> memref<1x128xi32, #tpu.memory_space<vmem>>
    %dma_wait3A_300 = tpu.memref_squeeze %dma_wait3A_299 : memref<1x128xi32, #tpu.memory_space<vmem>> -> memref<128xi32, #tpu.memory_space<vmem>>
    %dma_wait3A_301 = arith.constant 0 : i32
    %dma_wait3A_302 = arith.constant 0 : i32
    %dma_wait3A_303 = tpu.memref_slice %arg2[%dma_wait3A_301, %dma_wait3A_302] : memref<100000x128xf32, #tpu.memory_space<hbm>> -> memref<100000x128xf32, #tpu.memory_space<hbm>>
    tpu.wait_indirect_dma semaphore(%arg13 : memref<!tpu.dma_semaphore, #tpu.memory_space<semaphore_mem>>) src(%dma_wait3A_303 : memref<100000x128xf32, #tpu.memory_space<hbm>>) dst(%dma_wait3A_297 : memref<128x128xf32, #tpu.memory_space<vmem>>)
    %dma_wait3A_304 = arith.constant 4 : i32
    %dma_wait3A_305 = arith.constant 0 : i32
    %dma_wait3A_306 = arith.constant 0 : i32
    %dma_wait3A_307 = arith.constant 0 : i32
    %dma_wait3A_308 = tpu.memref_slice %arg10[%dma_wait3A_305, %dma_wait3A_306, %dma_wait3A_307] : memref<2x64x128xf32, #tpu.memory_space<vmem>> -> memref<1x64x128xf32, #tpu.memory_space<vmem>>
    %dma_wait3A_309 = tpu.memref_squeeze %dma_wait3A_308 : memref<1x64x128xf32, #tpu.memory_space<vmem>> -> memref<64x128xf32, #tpu.memory_space<vmem>>
    %dma_wait3A_310 = arith.constant 0 : i32
    %dma_wait3A_311 = tpu.memref_slice %arg8[%dma_wait3A_304, %dma_wait3A_310] : memref<8x64xi32, #tpu.memory_space<vmem>> -> memref<1x64xi32, #tpu.memory_space<vmem>>
    %dma_wait3A_312 = tpu.memref_squeeze %dma_wait3A_311 : memref<1x64xi32, #tpu.memory_space<vmem>> -> memref<64xi32, #tpu.memory_space<vmem>>
    %dma_wait3A_313 = arith.constant 0 : i32
    %dma_wait3A_314 = arith.constant 0 : i32
    %dma_wait3A_315 = tpu.memref_slice %arg3[%dma_wait3A_313, %dma_wait3A_314] : memref<1000x128xf32, #tpu.memory_space<hbm>> -> memref<1000x128xf32, #tpu.memory_space<hbm>>
    tpu.wait_indirect_dma semaphore(%arg13 : memref<!tpu.dma_semaphore, #tpu.memory_space<semaphore_mem>>) src(%dma_wait3A_315 : memref<1000x128xf32, #tpu.memory_space<hbm>>) dst(%dma_wait3A_309 : memref<64x128xf32, #tpu.memory_space<vmem>>)
    %scan3A_316 = arith.constant 0 : i32
    %scan3A_317 = arith.constant 0 : i32
    %scan3A_318 = arith.constant 0 : i32
    %scan3A_319 = arith.constant 0 : i32
    %scan3A_320 = arith.constant 64 : i32
    %scan3A_321 = arith.addi %scan3A_319, %scan3A_320 : i32
    %scan3A_322 = arith.constant 1 : i32
    scf.for %scan3A_470 = %scan3A_319 to %scan3A_321 step %scan3A_322  : i32 {
      %broadcast_in_dim3A = arith.constant 0.000000e+00 : f32
      %broadcast_in_dim3A_471 = vector.broadcast %broadcast_in_dim3A : f32 to vector<16xf32>
      %get3A = arith.constant 0 : i32
      %get3A_472 = arith.constant 0 : i32
      %get3A_473 = tpu.memref_slice %arg9[%scan3A_317, %get3A, %get3A_472] : memref<2x128x128xf32, #tpu.memory_space<vmem>> -> memref<1x128x128xf32, #tpu.memory_space<vmem>>
      %get3A_474 = tpu.memref_squeeze %get3A_473 : memref<1x128x128xf32, #tpu.memory_space<vmem>> -> memref<128x128xf32, #tpu.memory_space<vmem>>
      %get3A_475 = arith.index_cast %scan3A_470 : i32 to index
      %get3A_476 = arith.constant 0 : index
      %get3A_477 = tpu.vector_load %get3A_474[%get3A_475, %get3A_476] {strides = array<i32>} : memref<128x128xf32, #tpu.memory_space<vmem>>, vector<1x16xf32>,
      %get3A_478 = vector.shape_cast %get3A_477 : vector<1x16xf32> to vector<16xf32>
      %get3A_479 = arith.constant 0 : i32
      %get3A_480 = arith.constant 0 : i32
      %get3A_481 = tpu.memref_slice %arg10[%scan3A_318, %get3A_479, %get3A_480] : memref<2x64x128xf32, #tpu.memory_space<vmem>> -> memref<1x64x128xf32, #tpu.memory_space<vmem>>
      %get3A_482 = tpu.memref_squeeze %get3A_481 : memref<1x64x128xf32, #tpu.memory_space<vmem>> -> memref<64x128xf32, #tpu.memory_space<vmem>>
      %get3A_483 = arith.index_cast %scan3A_470 : i32 to index
      %get3A_484 = arith.constant 0 : index
      %get3A_485 = tpu.vector_load %get3A_482[%get3A_483, %get3A_484] {strides = array<i32>} : memref<64x128xf32, #tpu.memory_space<vmem>>, vector<1x16xf32>,
      %get3A_486 = vector.shape_cast %get3A_485 : vector<1x16xf32> to vector<16xf32>
      %add3A_487 = arith.constant 64 : i32
      %add3A_488 = arith.addi %add3A_487, %scan3A_470 : i32
      %get3A_489 = arith.constant 0 : i32
      %get3A_490 = arith.constant 0 : i32
      %get3A_491 = tpu.memref_slice %arg9[%scan3A_317, %get3A_489, %get3A_490] : memref<2x128x128xf32, #tpu.memory_space<vmem>> -> memref<1x128x128xf32, #tpu.memory_space<vmem>>
      %get3A_492 = tpu.memref_squeeze %get3A_491 : memref<1x128x128xf32, #tpu.memory_space<vmem>> -> memref<128x128xf32, #tpu.memory_space<vmem>>
      %get3A_493 = arith.index_cast %add3A_488 : i32 to index
      %get3A_494 = arith.constant 0 : index
      %get3A_495 = tpu.vector_load %get3A_492[%get3A_493, %get3A_494] {strides = array<i32>} : memref<128x128xf32, #tpu.memory_space<vmem>>, vector<1x16xf32>,
      %get3A_496 = vector.shape_cast %get3A_495 : vector<1x16xf32> to vector<16xf32>
      %sub3A = arith.subf %get3A_478, %get3A_496 : vector<16xf32>
      %add3A_497 = arith.addf %sub3A, %get3A_486 : vector<16xf32>
      %mul3A_498 = arith.mulf %add3A_497, %add3A_497 : vector<16xf32>
      %add3A_499 = arith.addf %broadcast_in_dim3A_471, %mul3A_498 : vector<16xf32>
      %get3A_500 = arith.constant 0 : i32
      %get3A_501 = arith.constant 0 : i32
      %get3A_502 = tpu.memref_slice %arg9[%scan3A_317, %get3A_500, %get3A_501] : memref<2x128x128xf32, #tpu.memory_space<vmem>> -> memref<1x128x128xf32, #tpu.memory_space<vmem>>
      %get3A_503 = tpu.memref_squeeze %get3A_502 : memref<1x128x128xf32, #tpu.memory_space<vmem>> -> memref<128x128xf32, #tpu.memory_space<vmem>>
      %get3A_504 = arith.index_cast %scan3A_470 : i32 to index
      %get3A_505 = arith.constant 16 : index
      %get3A_506 = tpu.vector_load %get3A_503[%get3A_504, %get3A_505] {strides = array<i32>} : memref<128x128xf32, #tpu.memory_space<vmem>>, vector<1x16xf32>,
      %get3A_507 = vector.shape_cast %get3A_506 : vector<1x16xf32> to vector<16xf32>
      %get3A_508 = arith.constant 0 : i32
      %get3A_509 = arith.constant 0 : i32
      %get3A_510 = tpu.memref_slice %arg10[%scan3A_318, %get3A_508, %get3A_509] : memref<2x64x128xf32, #tpu.memory_space<vmem>> -> memref<1x64x128xf32, #tpu.memory_space<vmem>>
      %get3A_511 = tpu.memref_squeeze %get3A_510 : memref<1x64x128xf32, #tpu.memory_space<vmem>> -> memref<64x128xf32, #tpu.memory_space<vmem>>
      %get3A_512 = arith.index_cast %scan3A_470 : i32 to index
      %get3A_513 = arith.constant 16 : index
      %get3A_514 = tpu.vector_load %get3A_511[%get3A_512, %get3A_513] {strides = array<i32>} : memref<64x128xf32, #tpu.memory_space<vmem>>, vector<1x16xf32>,
      %get3A_515 = vector.shape_cast %get3A_514 : vector<1x16xf32> to vector<16xf32>
      %add3A_516 = arith.constant 64 : i32
      %add3A_517 = arith.addi %add3A_516, %scan3A_470 : i32
      %get3A_518 = arith.constant 0 : i32
      %get3A_519 = arith.constant 0 : i32
      %get3A_520 = tpu.memref_slice %arg9[%scan3A_317, %get3A_518, %get3A_519] : memref<2x128x128xf32, #tpu.memory_space<vmem>> -> memref<1x128x128xf32, #tpu.memory_space<vmem>>
      %get3A_521 = tpu.memref_squeeze %get3A_520 : memref<1x128x128xf32, #tpu.memory_space<vmem>> -> memref<128x128xf32, #tpu.memory_space<vmem>>
      %get3A_522 = arith.index_cast %add3A_517 : i32 to index
      %get3A_523 = arith.constant 16 : index
      %get3A_524 = tpu.vector_load %get3A_521[%get3A_522, %get3A_523] {strides = array<i32>} : memref<128x128xf32, #tpu.memory_space<vmem>>, vector<1x16xf32>,
      %get3A_525 = vector.shape_cast %get3A_524 : vector<1x16xf32> to vector<16xf32>
      %sub3A_526 = arith.subf %get3A_507, %get3A_525 : vector<16xf32>
      %add3A_527 = arith.addf %sub3A_526, %get3A_515 : vector<16xf32>
      %mul3A_528 = arith.mulf %add3A_527, %add3A_527 : vector<16xf32>
      %add3A_529 = arith.addf %add3A_499, %mul3A_528 : vector<16xf32>
      %get3A_530 = arith.constant 0 : i32
      %get3A_531 = arith.constant 0 : i32
      %get3A_532 = tpu.memref_slice %arg9[%scan3A_317, %get3A_530, %get3A_531] : memref<2x128x128xf32, #tpu.memory_space<vmem>> -> memref<1x128x128xf32, #tpu.memory_space<vmem>>
      %get3A_533 = tpu.memref_squeeze %get3A_532 : memref<1x128x128xf32, #tpu.memory_space<vmem>> -> memref<128x128xf32, #tpu.memory_space<vmem>>
      %get3A_534 = arith.index_cast %scan3A_470 : i32 to index
      %get3A_535 = arith.constant 32 : index
      %get3A_536 = tpu.vector_load %get3A_533[%get3A_534, %get3A_535] {strides = array<i32>} : memref<128x128xf32, #tpu.memory_space<vmem>>, vector<1x16xf32>,
      %get3A_537 = vector.shape_cast %get3A_536 : vector<1x16xf32> to vector<16xf32>
      %get3A_538 = arith.constant 0 : i32
      %get3A_539 = arith.constant 0 : i32
      %get3A_540 = tpu.memref_slice %arg10[%scan3A_318, %get3A_538, %get3A_539] : memref<2x64x128xf32, #tpu.memory_space<vmem>> -> memref<1x64x128xf32, #tpu.memory_space<vmem>>
      %get3A_541 = tpu.memref_squeeze %get3A_540 : memref<1x64x128xf32, #tpu.memory_space<vmem>> -> memref<64x128xf32, #tpu.memory_space<vmem>>
      %get3A_542 = arith.index_cast %scan3A_470 : i32 to index
      %get3A_543 = arith.constant 32 : index
      %get3A_544 = tpu.vector_load %get3A_541[%get3A_542, %get3A_543] {strides = array<i32>} : memref<64x128xf32, #tpu.memory_space<vmem>>, vector<1x16xf32>,
      %get3A_545 = vector.shape_cast %get3A_544 : vector<1x16xf32> to vector<16xf32>
      %add3A_546 = arith.constant 64 : i32
      %add3A_547 = arith.addi %add3A_546, %scan3A_470 : i32
      %get3A_548 = arith.constant 0 : i32
      %get3A_549 = arith.constant 0 : i32
      %get3A_550 = tpu.memref_slice %arg9[%scan3A_317, %get3A_548, %get3A_549] : memref<2x128x128xf32, #tpu.memory_space<vmem>> -> memref<1x128x128xf32, #tpu.memory_space<vmem>>
      %get3A_551 = tpu.memref_squeeze %get3A_550 : memref<1x128x128xf32, #tpu.memory_space<vmem>> -> memref<128x128xf32, #tpu.memory_space<vmem>>
      %get3A_552 = arith.index_cast %add3A_547 : i32 to index
      %get3A_553 = arith.constant 32 : index
      %get3A_554 = tpu.vector_load %get3A_551[%get3A_552, %get3A_553] {strides = array<i32>} : memref<128x128xf32, #tpu.memory_space<vmem>>, vector<1x16xf32>,
      %get3A_555 = vector.shape_cast %get3A_554 : vector<1x16xf32> to vector<16xf32>
      %sub3A_556 = arith.subf %get3A_537, %get3A_555 : vector<16xf32>
      %add3A_557 = arith.addf %sub3A_556, %get3A_545 : vector<16xf32>
      %mul3A_558 = arith.mulf %add3A_557, %add3A_557 : vector<16xf32>
      %add3A_559 = arith.addf %add3A_529, %mul3A_558 : vector<16xf32>
      %get3A_560 = arith.constant 0 : i32
      %get3A_561 = arith.constant 0 : i32
      %get3A_562 = tpu.memref_slice %arg9[%scan3A_317, %get3A_560, %get3A_561] : memref<2x128x128xf32, #tpu.memory_space<vmem>> -> memref<1x128x128xf32, #tpu.memory_space<vmem>>
      %get3A_563 = tpu.memref_squeeze %get3A_562 : memref<1x128x128xf32, #tpu.memory_space<vmem>> -> memref<128x128xf32, #tpu.memory_space<vmem>>
      %get3A_564 = arith.index_cast %scan3A_470 : i32 to index
      %get3A_565 = arith.constant 48 : index
      %get3A_566 = tpu.vector_load %get3A_563[%get3A_564, %get3A_565] {strides = array<i32>} : memref<128x128xf32, #tpu.memory_space<vmem>>, vector<1x16xf32>,
      %get3A_567 = vector.shape_cast %get3A_566 : vector<1x16xf32> to vector<16xf32>
      %get3A_568 = arith.constant 0 : i32
      %get3A_569 = arith.constant 0 : i32
      %get3A_570 = tpu.memref_slice %arg10[%scan3A_318, %get3A_568, %get3A_569] : memref<2x64x128xf32, #tpu.memory_space<vmem>> -> memref<1x64x128xf32, #tpu.memory_space<vmem>>
      %get3A_571 = tpu.memref_squeeze %get3A_570 : memref<1x64x128xf32, #tpu.memory_space<vmem>> -> memref<64x128xf32, #tpu.memory_space<vmem>>
      %get3A_572 = arith.index_cast %scan3A_470 : i32 to index
      %get3A_573 = arith.constant 48 : index
      %get3A_574 = tpu.vector_load %get3A_571[%get3A_572, %get3A_573] {strides = array<i32>} : memref<64x128xf32, #tpu.memory_space<vmem>>, vector<1x16xf32>,
      %get3A_575 = vector.shape_cast %get3A_574 : vector<1x16xf32> to vector<16xf32>
      %add3A_576 = arith.constant 64 : i32
      %add3A_577 = arith.addi %add3A_576, %scan3A_470 : i32
      %get3A_578 = arith.constant 0 : i32
      %get3A_579 = arith.constant 0 : i32
      %get3A_580 = tpu.memref_slice %arg9[%scan3A_317, %get3A_578, %get3A_579] : memref<2x128x128xf32, #tpu.memory_space<vmem>> -> memref<1x128x128xf32, #tpu.memory_space<vmem>>
      %get3A_581 = tpu.memref_squeeze %get3A_580 : memref<1x128x128xf32, #tpu.memory_space<vmem>> -> memref<128x128xf32, #tpu.memory_space<vmem>>
      %get3A_582 = arith.index_cast %add3A_577 : i32 to index
      %get3A_583 = arith.constant 48 : index
      %get3A_584 = tpu.vector_load %get3A_581[%get3A_582, %get3A_583] {strides = array<i32>} : memref<128x128xf32, #tpu.memory_space<vmem>>, vector<1x16xf32>,
      %get3A_585 = vector.shape_cast %get3A_584 : vector<1x16xf32> to vector<16xf32>
      %sub3A_586 = arith.subf %get3A_567, %get3A_585 : vector<16xf32>
      %add3A_587 = arith.addf %sub3A_586, %get3A_575 : vector<16xf32>
      %mul3A_588 = arith.mulf %add3A_587, %add3A_587 : vector<16xf32>
      %add3A_589 = arith.addf %add3A_559, %mul3A_588 : vector<16xf32>
      %get3A_590 = arith.constant 0 : i32
      %get3A_591 = arith.constant 0 : i32
      %get3A_592 = tpu.memref_slice %arg9[%scan3A_317, %get3A_590, %get3A_591] : memref<2x128x128xf32, #tpu.memory_space<vmem>> -> memref<1x128x128xf32, #tpu.memory_space<vmem>>
      %get3A_593 = tpu.memref_squeeze %get3A_592 : memref<1x128x128xf32, #tpu.memory_space<vmem>> -> memref<128x128xf32, #tpu.memory_space<vmem>>
      %get3A_594 = arith.index_cast %scan3A_470 : i32 to index
      %get3A_595 = arith.constant 64 : index
      %get3A_596 = tpu.vector_load %get3A_593[%get3A_594, %get3A_595] {strides = array<i32>} : memref<128x128xf32, #tpu.memory_space<vmem>>, vector<1x16xf32>,
      %get3A_597 = vector.shape_cast %get3A_596 : vector<1x16xf32> to vector<16xf32>
      %get3A_598 = arith.constant 0 : i32
      %get3A_599 = arith.constant 0 : i32
      %get3A_600 = tpu.memref_slice %arg10[%scan3A_318, %get3A_598, %get3A_599] : memref<2x64x128xf32, #tpu.memory_space<vmem>> -> memref<1x64x128xf32, #tpu.memory_space<vmem>>
      %get3A_601 = tpu.memref_squeeze %get3A_600 : memref<1x64x128xf32, #tpu.memory_space<vmem>> -> memref<64x128xf32, #tpu.memory_space<vmem>>
      %get3A_602 = arith.index_cast %scan3A_470 : i32 to index
      %get3A_603 = arith.constant 64 : index
      %get3A_604 = tpu.vector_load %get3A_601[%get3A_602, %get3A_603] {strides = array<i32>} : memref<64x128xf32, #tpu.memory_space<vmem>>, vector<1x16xf32>,
      %get3A_605 = vector.shape_cast %get3A_604 : vector<1x16xf32> to vector<16xf32>
      %add3A_606 = arith.constant 64 : i32
      %add3A_607 = arith.addi %add3A_606, %scan3A_470 : i32
      %get3A_608 = arith.constant 0 : i32
      %get3A_609 = arith.constant 0 : i32
      %get3A_610 = tpu.memref_slice %arg9[%scan3A_317, %get3A_608, %get3A_609] : memref<2x128x128xf32, #tpu.memory_space<vmem>> -> memref<1x128x128xf32, #tpu.memory_space<vmem>>
      %get3A_611 = tpu.memref_squeeze %get3A_610 : memref<1x128x128xf32, #tpu.memory_space<vmem>> -> memref<128x128xf32, #tpu.memory_space<vmem>>
      %get3A_612 = arith.index_cast %add3A_607 : i32 to index
      %get3A_613 = arith.constant 64 : index
      %get3A_614 = tpu.vector_load %get3A_611[%get3A_612, %get3A_613] {strides = array<i32>} : memref<128x128xf32, #tpu.memory_space<vmem>>, vector<1x16xf32>,
      %get3A_615 = vector.shape_cast %get3A_614 : vector<1x16xf32> to vector<16xf32>
      %sub3A_616 = arith.subf %get3A_597, %get3A_615 : vector<16xf32>
      %add3A_617 = arith.addf %sub3A_616, %get3A_605 : vector<16xf32>
      %mul3A_618 = arith.mulf %add3A_617, %add3A_617 : vector<16xf32>
      %add3A_619 = arith.addf %add3A_589, %mul3A_618 : vector<16xf32>
      %get3A_620 = arith.constant 0 : i32
      %get3A_621 = arith.constant 0 : i32
      %get3A_622 = tpu.memref_slice %arg9[%scan3A_317, %get3A_620, %get3A_621] : memref<2x128x128xf32, #tpu.memory_space<vmem>> -> memref<1x128x128xf32, #tpu.memory_space<vmem>>
      %get3A_623 = tpu.memref_squeeze %get3A_622 : memref<1x128x128xf32, #tpu.memory_space<vmem>> -> memref<128x128xf32, #tpu.memory_space<vmem>>
      %get3A_624 = arith.index_cast %scan3A_470 : i32 to index
      %get3A_625 = arith.constant 80 : index
      %get3A_626 = tpu.vector_load %get3A_623[%get3A_624, %get3A_625] {strides = array<i32>} : memref<128x128xf32, #tpu.memory_space<vmem>>, vector<1x16xf32>,
      %get3A_627 = vector.shape_cast %get3A_626 : vector<1x16xf32> to vector<16xf32>
      %get3A_628 = arith.constant 0 : i32
      %get3A_629 = arith.constant 0 : i32
      %get3A_630 = tpu.memref_slice %arg10[%scan3A_318, %get3A_628, %get3A_629] : memref<2x64x128xf32, #tpu.memory_space<vmem>> -> memref<1x64x128xf32, #tpu.memory_space<vmem>>
      %get3A_631 = tpu.memref_squeeze %get3A_630 : memref<1x64x128xf32, #tpu.memory_space<vmem>> -> memref<64x128xf32, #tpu.memory_space<vmem>>
      %get3A_632 = arith.index_cast %scan3A_470 : i32 to index
      %get3A_633 = arith.constant 80 : index
      %get3A_634 = tpu.vector_load %get3A_631[%get3A_632, %get3A_633] {strides = array<i32>} : memref<64x128xf32, #tpu.memory_space<vmem>>, vector<1x16xf32>,
      %get3A_635 = vector.shape_cast %get3A_634 : vector<1x16xf32> to vector<16xf32>
      %add3A_636 = arith.constant 64 : i32
      %add3A_637 = arith.addi %add3A_636, %scan3A_470 : i32
      %get3A_638 = arith.constant 0 : i32
      %get3A_639 = arith.constant 0 : i32
      %get3A_640 = tpu.memref_slice %arg9[%scan3A_317, %get3A_638, %get3A_639] : memref<2x128x128xf32, #tpu.memory_space<vmem>> -> memref<1x128x128xf32, #tpu.memory_space<vmem>>
      %get3A_641 = tpu.memref_squeeze %get3A_640 : memref<1x128x128xf32, #tpu.memory_space<vmem>> -> memref<128x128xf32, #tpu.memory_space<vmem>>
      %get3A_642 = arith.index_cast %add3A_637 : i32 to index
      %get3A_643 = arith.constant 80 : index
      %get3A_644 = tpu.vector_load %get3A_641[%get3A_642, %get3A_643] {strides = array<i32>} : memref<128x128xf32, #tpu.memory_space<vmem>>, vector<1x16xf32>,
      %get3A_645 = vector.shape_cast %get3A_644 : vector<1x16xf32> to vector<16xf32>
      %sub3A_646 = arith.subf %get3A_627, %get3A_645 : vector<16xf32>
      %add3A_647 = arith.addf %sub3A_646, %get3A_635 : vector<16xf32>
      %mul3A_648 = arith.mulf %add3A_647, %add3A_647 : vector<16xf32>
      %add3A_649 = arith.addf %add3A_619, %mul3A_648 : vector<16xf32>
      %get3A_650 = arith.constant 0 : i32
      %get3A_651 = arith.constant 0 : i32
      %get3A_652 = tpu.memref_slice %arg9[%scan3A_317, %get3A_650, %get3A_651] : memref<2x128x128xf32, #tpu.memory_space<vmem>> -> memref<1x128x128xf32, #tpu.memory_space<vmem>>
      %get3A_653 = tpu.memref_squeeze %get3A_652 : memref<1x128x128xf32, #tpu.memory_space<vmem>> -> memref<128x128xf32, #tpu.memory_space<vmem>>
      %get3A_654 = arith.index_cast %scan3A_470 : i32 to index
      %get3A_655 = arith.constant 96 : index
      %get3A_656 = tpu.vector_load %get3A_653[%get3A_654, %get3A_655] {strides = array<i32>} : memref<128x128xf32, #tpu.memory_space<vmem>>, vector<1x16xf32>,
      %get3A_657 = vector.shape_cast %get3A_656 : vector<1x16xf32> to vector<16xf32>
      %get3A_658 = arith.constant 0 : i32
      %get3A_659 = arith.constant 0 : i32
      %get3A_660 = tpu.memref_slice %arg10[%scan3A_318, %get3A_658, %get3A_659] : memref<2x64x128xf32, #tpu.memory_space<vmem>> -> memref<1x64x128xf32, #tpu.memory_space<vmem>>
      %get3A_661 = tpu.memref_squeeze %get3A_660 : memref<1x64x128xf32, #tpu.memory_space<vmem>> -> memref<64x128xf32, #tpu.memory_space<vmem>>
      %get3A_662 = arith.index_cast %scan3A_470 : i32 to index
      %get3A_663 = arith.constant 96 : index
      %get3A_664 = tpu.vector_load %get3A_661[%get3A_662, %get3A_663] {strides = array<i32>} : memref<64x128xf32, #tpu.memory_space<vmem>>, vector<1x16xf32>,
      %get3A_665 = vector.shape_cast %get3A_664 : vector<1x16xf32> to vector<16xf32>
      %add3A_666 = arith.constant 64 : i32
      %add3A_667 = arith.addi %add3A_666, %scan3A_470 : i32
      %get3A_668 = arith.constant 0 : i32
      %get3A_669 = arith.constant 0 : i32
      %get3A_670 = tpu.memref_slice %arg9[%scan3A_317, %get3A_668, %get3A_669] : memref<2x128x128xf32, #tpu.memory_space<vmem>> -> memref<1x128x128xf32, #tpu.memory_space<vmem>>
      %get3A_671 = tpu.memref_squeeze %get3A_670 : memref<1x128x128xf32, #tpu.memory_space<vmem>> -> memref<128x128xf32, #tpu.memory_space<vmem>>
      %get3A_672 = arith.index_cast %add3A_667 : i32 to index
      %get3A_673 = arith.constant 96 : index
      %get3A_674 = tpu.vector_load %get3A_671[%get3A_672, %get3A_673] {strides = array<i32>} : memref<128x128xf32, #tpu.memory_space<vmem>>, vector<1x16xf32>,
      %get3A_675 = vector.shape_cast %get3A_674 : vector<1x16xf32> to vector<16xf32>
      %sub3A_676 = arith.subf %get3A_657, %get3A_675 : vector<16xf32>
      %add3A_677 = arith.addf %sub3A_676, %get3A_665 : vector<16xf32>
      %mul3A_678 = arith.mulf %add3A_677, %add3A_677 : vector<16xf32>
      %add3A_679 = arith.addf %add3A_649, %mul3A_678 : vector<16xf32>
      %get3A_680 = arith.constant 0 : i32
      %get3A_681 = arith.constant 0 : i32
      %get3A_682 = tpu.memref_slice %arg9[%scan3A_317, %get3A_680, %get3A_681] : memref<2x128x128xf32, #tpu.memory_space<vmem>> -> memref<1x128x128xf32, #tpu.memory_space<vmem>>
      %get3A_683 = tpu.memref_squeeze %get3A_682 : memref<1x128x128xf32, #tpu.memory_space<vmem>> -> memref<128x128xf32, #tpu.memory_space<vmem>>
      %get3A_684 = arith.index_cast %scan3A_470 : i32 to index
      %get3A_685 = arith.constant 112 : index
      %get3A_686 = tpu.vector_load %get3A_683[%get3A_684, %get3A_685] {strides = array<i32>} : memref<128x128xf32, #tpu.memory_space<vmem>>, vector<1x16xf32>,
      %get3A_687 = vector.shape_cast %get3A_686 : vector<1x16xf32> to vector<16xf32>
      %get3A_688 = arith.constant 0 : i32
      %get3A_689 = arith.constant 0 : i32
      %get3A_690 = tpu.memref_slice %arg10[%scan3A_318, %get3A_688, %get3A_689] : memref<2x64x128xf32, #tpu.memory_space<vmem>> -> memref<1x64x128xf32, #tpu.memory_space<vmem>>
      %get3A_691 = tpu.memref_squeeze %get3A_690 : memref<1x64x128xf32, #tpu.memory_space<vmem>> -> memref<64x128xf32, #tpu.memory_space<vmem>>
      %get3A_692 = arith.index_cast %scan3A_470 : i32 to index
      %get3A_693 = arith.constant 112 : index
      %get3A_694 = tpu.vector_load %get3A_691[%get3A_692, %get3A_693] {strides = array<i32>} : memref<64x128xf32, #tpu.memory_space<vmem>>, vector<1x16xf32>,
      %get3A_695 = vector.shape_cast %get3A_694 : vector<1x16xf32> to vector<16xf32>
      %add3A_696 = arith.constant 64 : i32
      %add3A_697 = arith.addi %add3A_696, %scan3A_470 : i32
      %get3A_698 = arith.constant 0 : i32
      %get3A_699 = arith.constant 0 : i32
      %get3A_700 = tpu.memref_slice %arg9[%scan3A_317, %get3A_698, %get3A_699] : memref<2x128x128xf32, #tpu.memory_space<vmem>> -> memref<1x128x128xf32, #tpu.memory_space<vmem>>
      %get3A_701 = tpu.memref_squeeze %get3A_700 : memref<1x128x128xf32, #tpu.memory_space<vmem>> -> memref<128x128xf32, #tpu.memory_space<vmem>>
      %get3A_702 = arith.index_cast %add3A_697 : i32 to index
      %get3A_703 = arith.constant 112 : index
      %get3A_704 = tpu.vector_load %get3A_701[%get3A_702, %get3A_703] {strides = array<i32>} : memref<128x128xf32, #tpu.memory_space<vmem>>, vector<1x16xf32>,
      %get3A_705 = vector.shape_cast %get3A_704 : vector<1x16xf32> to vector<16xf32>
      %sub3A_706 = arith.subf %get3A_687, %get3A_705 : vector<16xf32>
      %add3A_707 = arith.addf %sub3A_706, %get3A_695 : vector<16xf32>
      %mul3A_708 = arith.mulf %add3A_707, %add3A_707 : vector<16xf32>
      %add3A_709 = arith.addf %add3A_679, %mul3A_708 : vector<16xf32>
      %mul3A_710 = arith.constant 16 : i32
      %mul3A_711 = arith.muli %scan3A_470, %mul3A_710 : i32
      %add3A_712 = arith.constant 0 : i32
      %add3A_713 = arith.addi %add3A_712, %mul3A_711 : i32
      %swap3A = arith.constant 2 : i32
      %swap3A_714 = arith.index_cast %swap3A : i32 to index
      %swap3A_715 = arith.index_cast %add3A_713 : i32 to index
      %swap3A_716 = tpu.vector_load %arg11[%swap3A_714, %swap3A_715] {strides = array<i32>} : memref<4x2048xf32, #tpu.memory_space<vmem>>, vector<1x16xf32>,
      %swap3A_717 = vector.shape_cast %swap3A_716 : vector<1x16xf32> to vector<16xf32>
      %swap3A_718 = vector.shape_cast %add3A_709 : vector<16xf32> to vector<1x16xf32>
      tpu.vector_store %arg11[%swap3A_714, %swap3A_715], %swap3A_718 {strides = array<i32>} : memref<4x2048xf32, #tpu.memory_space<vmem>>, vector<1x16xf32>,
    }
    %scan3A_323 = arith.constant 64 : i32
    %dma_start3A_324 = arith.constant 6 : i32
    %dma_start3A_325 = arith.constant 0 : i32
    %dma_start3A_326 = arith.constant 0 : i32
    %dma_start3A_327 = arith.constant 0 : i32
    %dma_start3A_328 = tpu.memref_slice %arg9[%dma_start3A_325, %dma_start3A_326, %dma_start3A_327] : memref<2x128x128xf32, #tpu.memory_space<vmem>> -> memref<1x128x128xf32, #tpu.memory_space<vmem>>
    %dma_start3A_329 = tpu.memref_squeeze %dma_start3A_328 : memref<1x128x128xf32, #tpu.memory_space<vmem>> -> memref<128x128xf32, #tpu.memory_space<vmem>>
    %dma_start3A_330 = arith.constant 0 : i32
    %dma_start3A_331 = tpu.memref_slice %arg7[%dma_start3A_324, %dma_start3A_330] : memref<8x128xi32, #tpu.memory_space<vmem>> -> memref<1x128xi32, #tpu.memory_space<vmem>>
    %dma_start3A_332 = tpu.memref_squeeze %dma_start3A_331 : memref<1x128xi32, #tpu.memory_space<vmem>> -> memref<128xi32, #tpu.memory_space<vmem>>
    %dma_start3A_333 = arith.constant 0 : i32
    %dma_start3A_334 = arith.constant 0 : i32
    %dma_start3A_335 = tpu.memref_slice %arg2[%dma_start3A_333, %dma_start3A_334] : memref<100000x128xf32, #tpu.memory_space<hbm>> -> memref<100000x128xf32, #tpu.memory_space<hbm>>
    tpu.enqueue_indirect_dma source(%dma_start3A_335 : memref<100000x128xf32, #tpu.memory_space<hbm>>) target(%dma_start3A_329 : memref<128x128xf32, #tpu.memory_space<vmem>>) offsets(%dma_start3A_332 : memref<128xi32, #tpu.memory_space<vmem>>) semaphore(%arg13 : memref<!tpu.dma_semaphore, #tpu.memory_space<semaphore_mem>>)
    %dma_start3A_336 = arith.constant 6 : i32
    %dma_start3A_337 = arith.constant 0 : i32
    %dma_start3A_338 = arith.constant 0 : i32
    %dma_start3A_339 = arith.constant 0 : i32
    %dma_start3A_340 = tpu.memref_slice %arg10[%dma_start3A_337, %dma_start3A_338, %dma_start3A_339] : memref<2x64x128xf32, #tpu.memory_space<vmem>> -> memref<1x64x128xf32, #tpu.memory_space<vmem>>
    %dma_start3A_341 = tpu.memref_squeeze %dma_start3A_340 : memref<1x64x128xf32, #tpu.memory_space<vmem>> -> memref<64x128xf32, #tpu.memory_space<vmem>>
    %dma_start3A_342 = arith.constant 0 : i32
    %dma_start3A_343 = tpu.memref_slice %arg8[%dma_start3A_336, %dma_start3A_342] : memref<8x64xi32, #tpu.memory_space<vmem>> -> memref<1x64xi32, #tpu.memory_space<vmem>>
    %dma_start3A_344 = tpu.memref_squeeze %dma_start3A_343 : memref<1x64xi32, #tpu.memory_space<vmem>> -> memref<64xi32, #tpu.memory_space<vmem>>
    %dma_start3A_345 = arith.constant 0 : i32
    %dma_start3A_346 = arith.constant 0 : i32
    %dma_start3A_347 = tpu.memref_slice %arg3[%dma_start3A_345, %dma_start3A_346] : memref<1000x128xf32, #tpu.memory_space<hbm>> -> memref<1000x128xf32, #tpu.memory_space<hbm>>
    tpu.enqueue_indirect_dma source(%dma_start3A_347 : memref<1000x128xf32, #tpu.memory_space<hbm>>) target(%dma_start3A_341 : memref<64x128xf32, #tpu.memory_space<vmem>>) offsets(%dma_start3A_344 : memref<64xi32, #tpu.memory_space<vmem>>) semaphore(%arg13 : memref<!tpu.dma_semaphore, #tpu.memory_space<semaphore_mem>>)
    %dma_wait3A_348 = arith.constant 5 : i32
    %dma_wait3A_349 = arith.constant 1 : i32
    %dma_wait3A_350 = arith.constant 0 : i32
    %dma_wait3A_351 = arith.constant 0 : i32
    %dma_wait3A_352 = tpu.memref_slice %arg9[%dma_wait3A_349, %dma_wait3A_350, %dma_wait3A_351] : memref<2x128x128xf32, #tpu.memory_space<vmem>> -> memref<1x128x128xf32, #tpu.memory_space<vmem>>
    %dma_wait3A_353 = tpu.memref_squeeze %dma_wait3A_352 : memref<1x128x128xf32, #tpu.memory_space<vmem>> -> memref<128x128xf32, #tpu.memory_space<vmem>>
    %dma_wait3A_354 = arith.constant 0 : i32
    %dma_wait3A_355 = tpu.memref_slice %arg7[%dma_wait3A_348, %dma_wait3A_354] : memref<8x128xi32, #tpu.memory_space<vmem>> -> memref<1x128xi32, #tpu.memory_space<vmem>>
    %dma_wait3A_356 = tpu.memref_squeeze %dma_wait3A_355 : memref<1x128xi32, #tpu.memory_space<vmem>> -> memref<128xi32, #tpu.memory_space<vmem>>
    %dma_wait3A_357 = arith.constant 0 : i32
    %dma_wait3A_358 = arith.constant 0 : i32
    %dma_wait3A_359 = tpu.memref_slice %arg2[%dma_wait3A_357, %dma_wait3A_358] : memref<100000x128xf32, #tpu.memory_space<hbm>> -> memref<100000x128xf32, #tpu.memory_space<hbm>>
    tpu.wait_indirect_dma semaphore(%arg14 : memref<!tpu.dma_semaphore, #tpu.memory_space<semaphore_mem>>) src(%dma_wait3A_359 : memref<100000x128xf32, #tpu.memory_space<hbm>>) dst(%dma_wait3A_353 : memref<128x128xf32, #tpu.memory_space<vmem>>)
    %dma_wait3A_360 = arith.constant 5 : i32
    %dma_wait3A_361 = arith.constant 1 : i32
    %dma_wait3A_362 = arith.constant 0 : i32
    %dma_wait3A_363 = arith.constant 0 : i32
    %dma_wait3A_364 = tpu.memref_slice %arg10[%dma_wait3A_361, %dma_wait3A_362, %dma_wait3A_363] : memref<2x64x128xf32, #tpu.memory_space<vmem>> -> memref<1x64x128xf32, #tpu.memory_space<vmem>>
    %dma_wait3A_365 = tpu.memref_squeeze %dma_wait3A_364 : memref<1x64x128xf32, #tpu.memory_space<vmem>> -> memref<64x128xf32, #tpu.memory_space<vmem>>
    %dma_wait3A_366 = arith.constant 0 : i32
    %dma_wait3A_367 = tpu.memref_slice %arg8[%dma_wait3A_360, %dma_wait3A_366] : memref<8x64xi32, #tpu.memory_space<vmem>> -> memref<1x64xi32, #tpu.memory_space<vmem>>
    %dma_wait3A_368 = tpu.memref_squeeze %dma_wait3A_367 : memref<1x64xi32, #tpu.memory_space<vmem>> -> memref<64xi32, #tpu.memory_space<vmem>>
    %dma_wait3A_369 = arith.constant 0 : i32
    %dma_wait3A_370 = arith.constant 0 : i32
    %dma_wait3A_371 = tpu.memref_slice %arg3[%dma_wait3A_369, %dma_wait3A_370] : memref<1000x128xf32, #tpu.memory_space<hbm>> -> memref<1000x128xf32, #tpu.memory_space<hbm>>
    tpu.wait_indirect_dma semaphore(%arg14 : memref<!tpu.dma_semaphore, #tpu.memory_space<semaphore_mem>>) src(%dma_wait3A_371 : memref<1000x128xf32, #tpu.memory_space<hbm>>) dst(%dma_wait3A_365 : memref<64x128xf32, #tpu.memory_space<vmem>>)
    %scan3A_372 = arith.constant 0 : i32
    %scan3A_373 = arith.constant 1 : i32
    %scan3A_374 = arith.constant 1 : i32
    %scan3A_375 = arith.constant 0 : i32
    %scan3A_376 = arith.constant 64 : i32
    %scan3A_377 = arith.addi %scan3A_375, %scan3A_376 : i32
    %scan3A_378 = arith.constant 1 : i32
    scf.for %scan3A_470 = %scan3A_375 to %scan3A_377 step %scan3A_378  : i32 {
      %broadcast_in_dim3A = arith.constant 0.000000e+00 : f32
      %broadcast_in_dim3A_471 = vector.broadcast %broadcast_in_dim3A : f32 to vector<16xf32>
      %get3A = arith.constant 0 : i32
      %get3A_472 = arith.constant 0 : i32
      %get3A_473 = tpu.memref_slice %arg9[%scan3A_373, %get3A, %get3A_472] : memref<2x128x128xf32, #tpu.memory_space<vmem>> -> memref<1x128x128xf32, #tpu.memory_space<vmem>>
      %get3A_474 = tpu.memref_squeeze %get3A_473 : memref<1x128x128xf32, #tpu.memory_space<vmem>> -> memref<128x128xf32, #tpu.memory_space<vmem>>
      %get3A_475 = arith.index_cast %scan3A_470 : i32 to index
      %get3A_476 = arith.constant 0 : index
      %get3A_477 = tpu.vector_load %get3A_474[%get3A_475, %get3A_476] {strides = array<i32>} : memref<128x128xf32, #tpu.memory_space<vmem>>, vector<1x16xf32>,
      %get3A_478 = vector.shape_cast %get3A_477 : vector<1x16xf32> to vector<16xf32>
      %get3A_479 = arith.constant 0 : i32
      %get3A_480 = arith.constant 0 : i32
      %get3A_481 = tpu.memref_slice %arg10[%scan3A_374, %get3A_479, %get3A_480] : memref<2x64x128xf32, #tpu.memory_space<vmem>> -> memref<1x64x128xf32, #tpu.memory_space<vmem>>
      %get3A_482 = tpu.memref_squeeze %get3A_481 : memref<1x64x128xf32, #tpu.memory_space<vmem>> -> memref<64x128xf32, #tpu.memory_space<vmem>>
      %get3A_483 = arith.index_cast %scan3A_470 : i32 to index
      %get3A_484 = arith.constant 0 : index
      %get3A_485 = tpu.vector_load %get3A_482[%get3A_483, %get3A_484] {strides = array<i32>} : memref<64x128xf32, #tpu.memory_space<vmem>>, vector<1x16xf32>,
      %get3A_486 = vector.shape_cast %get3A_485 : vector<1x16xf32> to vector<16xf32>
      %add3A_487 = arith.constant 64 : i32
      %add3A_488 = arith.addi %add3A_487, %scan3A_470 : i32
      %get3A_489 = arith.constant 0 : i32
      %get3A_490 = arith.constant 0 : i32
      %get3A_491 = tpu.memref_slice %arg9[%scan3A_373, %get3A_489, %get3A_490] : memref<2x128x128xf32, #tpu.memory_space<vmem>> -> memref<1x128x128xf32, #tpu.memory_space<vmem>>
      %get3A_492 = tpu.memref_squeeze %get3A_491 : memref<1x128x128xf32, #tpu.memory_space<vmem>> -> memref<128x128xf32, #tpu.memory_space<vmem>>
      %get3A_493 = arith.index_cast %add3A_488 : i32 to index
      %get3A_494 = arith.constant 0 : index
      %get3A_495 = tpu.vector_load %get3A_492[%get3A_493, %get3A_494] {strides = array<i32>} : memref<128x128xf32, #tpu.memory_space<vmem>>, vector<1x16xf32>,
      %get3A_496 = vector.shape_cast %get3A_495 : vector<1x16xf32> to vector<16xf32>
      %sub3A = arith.subf %get3A_478, %get3A_496 : vector<16xf32>
      %add3A_497 = arith.addf %sub3A, %get3A_486 : vector<16xf32>
      %mul3A_498 = arith.mulf %add3A_497, %add3A_497 : vector<16xf32>
      %add3A_499 = arith.addf %broadcast_in_dim3A_471, %mul3A_498 : vector<16xf32>
      %get3A_500 = arith.constant 0 : i32
      %get3A_501 = arith.constant 0 : i32
      %get3A_502 = tpu.memref_slice %arg9[%scan3A_373, %get3A_500, %get3A_501] : memref<2x128x128xf32, #tpu.memory_space<vmem>> -> memref<1x128x128xf32, #tpu.memory_space<vmem>>
      %get3A_503 = tpu.memref_squeeze %get3A_502 : memref<1x128x128xf32, #tpu.memory_space<vmem>> -> memref<128x128xf32, #tpu.memory_space<vmem>>
      %get3A_504 = arith.index_cast %scan3A_470 : i32 to index
      %get3A_505 = arith.constant 16 : index
      %get3A_506 = tpu.vector_load %get3A_503[%get3A_504, %get3A_505] {strides = array<i32>} : memref<128x128xf32, #tpu.memory_space<vmem>>, vector<1x16xf32>,
      %get3A_507 = vector.shape_cast %get3A_506 : vector<1x16xf32> to vector<16xf32>
      %get3A_508 = arith.constant 0 : i32
      %get3A_509 = arith.constant 0 : i32
      %get3A_510 = tpu.memref_slice %arg10[%scan3A_374, %get3A_508, %get3A_509] : memref<2x64x128xf32, #tpu.memory_space<vmem>> -> memref<1x64x128xf32, #tpu.memory_space<vmem>>
      %get3A_511 = tpu.memref_squeeze %get3A_510 : memref<1x64x128xf32, #tpu.memory_space<vmem>> -> memref<64x128xf32, #tpu.memory_space<vmem>>
      %get3A_512 = arith.index_cast %scan3A_470 : i32 to index
      %get3A_513 = arith.constant 16 : index
      %get3A_514 = tpu.vector_load %get3A_511[%get3A_512, %get3A_513] {strides = array<i32>} : memref<64x128xf32, #tpu.memory_space<vmem>>, vector<1x16xf32>,
      %get3A_515 = vector.shape_cast %get3A_514 : vector<1x16xf32> to vector<16xf32>
      %add3A_516 = arith.constant 64 : i32
      %add3A_517 = arith.addi %add3A_516, %scan3A_470 : i32
      %get3A_518 = arith.constant 0 : i32
      %get3A_519 = arith.constant 0 : i32
      %get3A_520 = tpu.memref_slice %arg9[%scan3A_373, %get3A_518, %get3A_519] : memref<2x128x128xf32, #tpu.memory_space<vmem>> -> memref<1x128x128xf32, #tpu.memory_space<vmem>>
      %get3A_521 = tpu.memref_squeeze %get3A_520 : memref<1x128x128xf32, #tpu.memory_space<vmem>> -> memref<128x128xf32, #tpu.memory_space<vmem>>
      %get3A_522 = arith.index_cast %add3A_517 : i32 to index
      %get3A_523 = arith.constant 16 : index
      %get3A_524 = tpu.vector_load %get3A_521[%get3A_522, %get3A_523] {strides = array<i32>} : memref<128x128xf32, #tpu.memory_space<vmem>>, vector<1x16xf32>,
      %get3A_525 = vector.shape_cast %get3A_524 : vector<1x16xf32> to vector<16xf32>
      %sub3A_526 = arith.subf %get3A_507, %get3A_525 : vector<16xf32>
      %add3A_527 = arith.addf %sub3A_526, %get3A_515 : vector<16xf32>
      %mul3A_528 = arith.mulf %add3A_527, %add3A_527 : vector<16xf32>
      %add3A_529 = arith.addf %add3A_499, %mul3A_528 : vector<16xf32>
      %get3A_530 = arith.constant 0 : i32
      %get3A_531 = arith.constant 0 : i32
      %get3A_532 = tpu.memref_slice %arg9[%scan3A_373, %get3A_530, %get3A_531] : memref<2x128x128xf32, #tpu.memory_space<vmem>> -> memref<1x128x128xf32, #tpu.memory_space<vmem>>
      %get3A_533 = tpu.memref_squeeze %get3A_532 : memref<1x128x128xf32, #tpu.memory_space<vmem>> -> memref<128x128xf32, #tpu.memory_space<vmem>>
      %get3A_534 = arith.index_cast %scan3A_470 : i32 to index
      %get3A_535 = arith.constant 32 : index
      %get3A_536 = tpu.vector_load %get3A_533[%get3A_534, %get3A_535] {strides = array<i32>} : memref<128x128xf32, #tpu.memory_space<vmem>>, vector<1x16xf32>,
      %get3A_537 = vector.shape_cast %get3A_536 : vector<1x16xf32> to vector<16xf32>
      %get3A_538 = arith.constant 0 : i32
      %get3A_539 = arith.constant 0 : i32
      %get3A_540 = tpu.memref_slice %arg10[%scan3A_374, %get3A_538, %get3A_539] : memref<2x64x128xf32, #tpu.memory_space<vmem>> -> memref<1x64x128xf32, #tpu.memory_space<vmem>>
      %get3A_541 = tpu.memref_squeeze %get3A_540 : memref<1x64x128xf32, #tpu.memory_space<vmem>> -> memref<64x128xf32, #tpu.memory_space<vmem>>
      %get3A_542 = arith.index_cast %scan3A_470 : i32 to index
      %get3A_543 = arith.constant 32 : index
      %get3A_544 = tpu.vector_load %get3A_541[%get3A_542, %get3A_543] {strides = array<i32>} : memref<64x128xf32, #tpu.memory_space<vmem>>, vector<1x16xf32>,
      %get3A_545 = vector.shape_cast %get3A_544 : vector<1x16xf32> to vector<16xf32>
      %add3A_546 = arith.constant 64 : i32
      %add3A_547 = arith.addi %add3A_546, %scan3A_470 : i32
      %get3A_548 = arith.constant 0 : i32
      %get3A_549 = arith.constant 0 : i32
      %get3A_550 = tpu.memref_slice %arg9[%scan3A_373, %get3A_548, %get3A_549] : memref<2x128x128xf32, #tpu.memory_space<vmem>> -> memref<1x128x128xf32, #tpu.memory_space<vmem>>
      %get3A_551 = tpu.memref_squeeze %get3A_550 : memref<1x128x128xf32, #tpu.memory_space<vmem>> -> memref<128x128xf32, #tpu.memory_space<vmem>>
      %get3A_552 = arith.index_cast %add3A_547 : i32 to index
      %get3A_553 = arith.constant 32 : index
      %get3A_554 = tpu.vector_load %get3A_551[%get3A_552, %get3A_553] {strides = array<i32>} : memref<128x128xf32, #tpu.memory_space<vmem>>, vector<1x16xf32>,
      %get3A_555 = vector.shape_cast %get3A_554 : vector<1x16xf32> to vector<16xf32>
      %sub3A_556 = arith.subf %get3A_537, %get3A_555 : vector<16xf32>
      %add3A_557 = arith.addf %sub3A_556, %get3A_545 : vector<16xf32>
      %mul3A_558 = arith.mulf %add3A_557, %add3A_557 : vector<16xf32>
      %add3A_559 = arith.addf %add3A_529, %mul3A_558 : vector<16xf32>
      %get3A_560 = arith.constant 0 : i32
      %get3A_561 = arith.constant 0 : i32
      %get3A_562 = tpu.memref_slice %arg9[%scan3A_373, %get3A_560, %get3A_561] : memref<2x128x128xf32, #tpu.memory_space<vmem>> -> memref<1x128x128xf32, #tpu.memory_space<vmem>>
      %get3A_563 = tpu.memref_squeeze %get3A_562 : memref<1x128x128xf32, #tpu.memory_space<vmem>> -> memref<128x128xf32, #tpu.memory_space<vmem>>
      %get3A_564 = arith.index_cast %scan3A_470 : i32 to index
      %get3A_565 = arith.constant 48 : index
      %get3A_566 = tpu.vector_load %get3A_563[%get3A_564, %get3A_565] {strides = array<i32>} : memref<128x128xf32, #tpu.memory_space<vmem>>, vector<1x16xf32>,
      %get3A_567 = vector.shape_cast %get3A_566 : vector<1x16xf32> to vector<16xf32>
      %get3A_568 = arith.constant 0 : i32
      %get3A_569 = arith.constant 0 : i32
      %get3A_570 = tpu.memref_slice %arg10[%scan3A_374, %get3A_568, %get3A_569] : memref<2x64x128xf32, #tpu.memory_space<vmem>> -> memref<1x64x128xf32, #tpu.memory_space<vmem>>
      %get3A_571 = tpu.memref_squeeze %get3A_570 : memref<1x64x128xf32, #tpu.memory_space<vmem>> -> memref<64x128xf32, #tpu.memory_space<vmem>>
      %get3A_572 = arith.index_cast %scan3A_470 : i32 to index
      %get3A_573 = arith.constant 48 : index
      %get3A_574 = tpu.vector_load %get3A_571[%get3A_572, %get3A_573] {strides = array<i32>} : memref<64x128xf32, #tpu.memory_space<vmem>>, vector<1x16xf32>,
      %get3A_575 = vector.shape_cast %get3A_574 : vector<1x16xf32> to vector<16xf32>
      %add3A_576 = arith.constant 64 : i32
      %add3A_577 = arith.addi %add3A_576, %scan3A_470 : i32
      %get3A_578 = arith.constant 0 : i32
      %get3A_579 = arith.constant 0 : i32
      %get3A_580 = tpu.memref_slice %arg9[%scan3A_373, %get3A_578, %get3A_579] : memref<2x128x128xf32, #tpu.memory_space<vmem>> -> memref<1x128x128xf32, #tpu.memory_space<vmem>>
      %get3A_581 = tpu.memref_squeeze %get3A_580 : memref<1x128x128xf32, #tpu.memory_space<vmem>> -> memref<128x128xf32, #tpu.memory_space<vmem>>
      %get3A_582 = arith.index_cast %add3A_577 : i32 to index
      %get3A_583 = arith.constant 48 : index
      %get3A_584 = tpu.vector_load %get3A_581[%get3A_582, %get3A_583] {strides = array<i32>} : memref<128x128xf32, #tpu.memory_space<vmem>>, vector<1x16xf32>,
      %get3A_585 = vector.shape_cast %get3A_584 : vector<1x16xf32> to vector<16xf32>
      %sub3A_586 = arith.subf %get3A_567, %get3A_585 : vector<16xf32>
      %add3A_587 = arith.addf %sub3A_586, %get3A_575 : vector<16xf32>
      %mul3A_588 = arith.mulf %add3A_587, %add3A_587 : vector<16xf32>
      %add3A_589 = arith.addf %add3A_559, %mul3A_588 : vector<16xf32>
      %get3A_590 = arith.constant 0 : i32
      %get3A_591 = arith.constant 0 : i32
      %get3A_592 = tpu.memref_slice %arg9[%scan3A_373, %get3A_590, %get3A_591] : memref<2x128x128xf32, #tpu.memory_space<vmem>> -> memref<1x128x128xf32, #tpu.memory_space<vmem>>
      %get3A_593 = tpu.memref_squeeze %get3A_592 : memref<1x128x128xf32, #tpu.memory_space<vmem>> -> memref<128x128xf32, #tpu.memory_space<vmem>>
      %get3A_594 = arith.index_cast %scan3A_470 : i32 to index
      %get3A_595 = arith.constant 64 : index
      %get3A_596 = tpu.vector_load %get3A_593[%get3A_594, %get3A_595] {strides = array<i32>} : memref<128x128xf32, #tpu.memory_space<vmem>>, vector<1x16xf32>,
      %get3A_597 = vector.shape_cast %get3A_596 : vector<1x16xf32> to vector<16xf32>
      %get3A_598 = arith.constant 0 : i32
      %get3A_599 = arith.constant 0 : i32
      %get3A_600 = tpu.memref_slice %arg10[%scan3A_374, %get3A_598, %get3A_599] : memref<2x64x128xf32, #tpu.memory_space<vmem>> -> memref<1x64x128xf32, #tpu.memory_space<vmem>>
      %get3A_601 = tpu.memref_squeeze %get3A_600 : memref<1x64x128xf32, #tpu.memory_space<vmem>> -> memref<64x128xf32, #tpu.memory_space<vmem>>
      %get3A_602 = arith.index_cast %scan3A_470 : i32 to index
      %get3A_603 = arith.constant 64 : index
      %get3A_604 = tpu.vector_load %get3A_601[%get3A_602, %get3A_603] {strides = array<i32>} : memref<64x128xf32, #tpu.memory_space<vmem>>, vector<1x16xf32>,
      %get3A_605 = vector.shape_cast %get3A_604 : vector<1x16xf32> to vector<16xf32>
      %add3A_606 = arith.constant 64 : i32
      %add3A_607 = arith.addi %add3A_606, %scan3A_470 : i32
      %get3A_608 = arith.constant 0 : i32
      %get3A_609 = arith.constant 0 : i32
      %get3A_610 = tpu.memref_slice %arg9[%scan3A_373, %get3A_608, %get3A_609] : memref<2x128x128xf32, #tpu.memory_space<vmem>> -> memref<1x128x128xf32, #tpu.memory_space<vmem>>
      %get3A_611 = tpu.memref_squeeze %get3A_610 : memref<1x128x128xf32, #tpu.memory_space<vmem>> -> memref<128x128xf32, #tpu.memory_space<vmem>>
      %get3A_612 = arith.index_cast %add3A_607 : i32 to index
      %get3A_613 = arith.constant 64 : index
      %get3A_614 = tpu.vector_load %get3A_611[%get3A_612, %get3A_613] {strides = array<i32>} : memref<128x128xf32, #tpu.memory_space<vmem>>, vector<1x16xf32>,
      %get3A_615 = vector.shape_cast %get3A_614 : vector<1x16xf32> to vector<16xf32>
      %sub3A_616 = arith.subf %get3A_597, %get3A_615 : vector<16xf32>
      %add3A_617 = arith.addf %sub3A_616, %get3A_605 : vector<16xf32>
      %mul3A_618 = arith.mulf %add3A_617, %add3A_617 : vector<16xf32>
      %add3A_619 = arith.addf %add3A_589, %mul3A_618 : vector<16xf32>
      %get3A_620 = arith.constant 0 : i32
      %get3A_621 = arith.constant 0 : i32
      %get3A_622 = tpu.memref_slice %arg9[%scan3A_373, %get3A_620, %get3A_621] : memref<2x128x128xf32, #tpu.memory_space<vmem>> -> memref<1x128x128xf32, #tpu.memory_space<vmem>>
      %get3A_623 = tpu.memref_squeeze %get3A_622 : memref<1x128x128xf32, #tpu.memory_space<vmem>> -> memref<128x128xf32, #tpu.memory_space<vmem>>
      %get3A_624 = arith.index_cast %scan3A_470 : i32 to index
      %get3A_625 = arith.constant 80 : index
      %get3A_626 = tpu.vector_load %get3A_623[%get3A_624, %get3A_625] {strides = array<i32>} : memref<128x128xf32, #tpu.memory_space<vmem>>, vector<1x16xf32>,
      %get3A_627 = vector.shape_cast %get3A_626 : vector<1x16xf32> to vector<16xf32>
      %get3A_628 = arith.constant 0 : i32
      %get3A_629 = arith.constant 0 : i32
      %get3A_630 = tpu.memref_slice %arg10[%scan3A_374, %get3A_628, %get3A_629] : memref<2x64x128xf32, #tpu.memory_space<vmem>> -> memref<1x64x128xf32, #tpu.memory_space<vmem>>
      %get3A_631 = tpu.memref_squeeze %get3A_630 : memref<1x64x128xf32, #tpu.memory_space<vmem>> -> memref<64x128xf32, #tpu.memory_space<vmem>>
      %get3A_632 = arith.index_cast %scan3A_470 : i32 to index
      %get3A_633 = arith.constant 80 : index
      %get3A_634 = tpu.vector_load %get3A_631[%get3A_632, %get3A_633] {strides = array<i32>} : memref<64x128xf32, #tpu.memory_space<vmem>>, vector<1x16xf32>,
      %get3A_635 = vector.shape_cast %get3A_634 : vector<1x16xf32> to vector<16xf32>
      %add3A_636 = arith.constant 64 : i32
      %add3A_637 = arith.addi %add3A_636, %scan3A_470 : i32
      %get3A_638 = arith.constant 0 : i32
      %get3A_639 = arith.constant 0 : i32
      %get3A_640 = tpu.memref_slice %arg9[%scan3A_373, %get3A_638, %get3A_639] : memref<2x128x128xf32, #tpu.memory_space<vmem>> -> memref<1x128x128xf32, #tpu.memory_space<vmem>>
      %get3A_641 = tpu.memref_squeeze %get3A_640 : memref<1x128x128xf32, #tpu.memory_space<vmem>> -> memref<128x128xf32, #tpu.memory_space<vmem>>
      %get3A_642 = arith.index_cast %add3A_637 : i32 to index
      %get3A_643 = arith.constant 80 : index
      %get3A_644 = tpu.vector_load %get3A_641[%get3A_642, %get3A_643] {strides = array<i32>} : memref<128x128xf32, #tpu.memory_space<vmem>>, vector<1x16xf32>,
      %get3A_645 = vector.shape_cast %get3A_644 : vector<1x16xf32> to vector<16xf32>
      %sub3A_646 = arith.subf %get3A_627, %get3A_645 : vector<16xf32>
      %add3A_647 = arith.addf %sub3A_646, %get3A_635 : vector<16xf32>
      %mul3A_648 = arith.mulf %add3A_647, %add3A_647 : vector<16xf32>
      %add3A_649 = arith.addf %add3A_619, %mul3A_648 : vector<16xf32>
      %get3A_650 = arith.constant 0 : i32
      %get3A_651 = arith.constant 0 : i32
      %get3A_652 = tpu.memref_slice %arg9[%scan3A_373, %get3A_650, %get3A_651] : memref<2x128x128xf32, #tpu.memory_space<vmem>> -> memref<1x128x128xf32, #tpu.memory_space<vmem>>
      %get3A_653 = tpu.memref_squeeze %get3A_652 : memref<1x128x128xf32, #tpu.memory_space<vmem>> -> memref<128x128xf32, #tpu.memory_space<vmem>>
      %get3A_654 = arith.index_cast %scan3A_470 : i32 to index
      %get3A_655 = arith.constant 96 : index
      %get3A_656 = tpu.vector_load %get3A_653[%get3A_654, %get3A_655] {strides = array<i32>} : memref<128x128xf32, #tpu.memory_space<vmem>>, vector<1x16xf32>,
      %get3A_657 = vector.shape_cast %get3A_656 : vector<1x16xf32> to vector<16xf32>
      %get3A_658 = arith.constant 0 : i32
      %get3A_659 = arith.constant 0 : i32
      %get3A_660 = tpu.memref_slice %arg10[%scan3A_374, %get3A_658, %get3A_659] : memref<2x64x128xf32, #tpu.memory_space<vmem>> -> memref<1x64x128xf32, #tpu.memory_space<vmem>>
      %get3A_661 = tpu.memref_squeeze %get3A_660 : memref<1x64x128xf32, #tpu.memory_space<vmem>> -> memref<64x128xf32, #tpu.memory_space<vmem>>
      %get3A_662 = arith.index_cast %scan3A_470 : i32 to index
      %get3A_663 = arith.constant 96 : index
      %get3A_664 = tpu.vector_load %get3A_661[%get3A_662, %get3A_663] {strides = array<i32>} : memref<64x128xf32, #tpu.memory_space<vmem>>, vector<1x16xf32>,
      %get3A_665 = vector.shape_cast %get3A_664 : vector<1x16xf32> to vector<16xf32>
      %add3A_666 = arith.constant 64 : i32
      %add3A_667 = arith.addi %add3A_666, %scan3A_470 : i32
      %get3A_668 = arith.constant 0 : i32
      %get3A_669 = arith.constant 0 : i32
      %get3A_670 = tpu.memref_slice %arg9[%scan3A_373, %get3A_668, %get3A_669] : memref<2x128x128xf32, #tpu.memory_space<vmem>> -> memref<1x128x128xf32, #tpu.memory_space<vmem>>
      %get3A_671 = tpu.memref_squeeze %get3A_670 : memref<1x128x128xf32, #tpu.memory_space<vmem>> -> memref<128x128xf32, #tpu.memory_space<vmem>>
      %get3A_672 = arith.index_cast %add3A_667 : i32 to index
      %get3A_673 = arith.constant 96 : index
      %get3A_674 = tpu.vector_load %get3A_671[%get3A_672, %get3A_673] {strides = array<i32>} : memref<128x128xf32, #tpu.memory_space<vmem>>, vector<1x16xf32>,
      %get3A_675 = vector.shape_cast %get3A_674 : vector<1x16xf32> to vector<16xf32>
      %sub3A_676 = arith.subf %get3A_657, %get3A_675 : vector<16xf32>
      %add3A_677 = arith.addf %sub3A_676, %get3A_665 : vector<16xf32>
      %mul3A_678 = arith.mulf %add3A_677, %add3A_677 : vector<16xf32>
      %add3A_679 = arith.addf %add3A_649, %mul3A_678 : vector<16xf32>
      %get3A_680 = arith.constant 0 : i32
      %get3A_681 = arith.constant 0 : i32
      %get3A_682 = tpu.memref_slice %arg9[%scan3A_373, %get3A_680, %get3A_681] : memref<2x128x128xf32, #tpu.memory_space<vmem>> -> memref<1x128x128xf32, #tpu.memory_space<vmem>>
      %get3A_683 = tpu.memref_squeeze %get3A_682 : memref<1x128x128xf32, #tpu.memory_space<vmem>> -> memref<128x128xf32, #tpu.memory_space<vmem>>
      %get3A_684 = arith.index_cast %scan3A_470 : i32 to index
      %get3A_685 = arith.constant 112 : index
      %get3A_686 = tpu.vector_load %get3A_683[%get3A_684, %get3A_685] {strides = array<i32>} : memref<128x128xf32, #tpu.memory_space<vmem>>, vector<1x16xf32>,
      %get3A_687 = vector.shape_cast %get3A_686 : vector<1x16xf32> to vector<16xf32>
      %get3A_688 = arith.constant 0 : i32
      %get3A_689 = arith.constant 0 : i32
      %get3A_690 = tpu.memref_slice %arg10[%scan3A_374, %get3A_688, %get3A_689] : memref<2x64x128xf32, #tpu.memory_space<vmem>> -> memref<1x64x128xf32, #tpu.memory_space<vmem>>
      %get3A_691 = tpu.memref_squeeze %get3A_690 : memref<1x64x128xf32, #tpu.memory_space<vmem>> -> memref<64x128xf32, #tpu.memory_space<vmem>>
      %get3A_692 = arith.index_cast %scan3A_470 : i32 to index
      %get3A_693 = arith.constant 112 : index
      %get3A_694 = tpu.vector_load %get3A_691[%get3A_692, %get3A_693] {strides = array<i32>} : memref<64x128xf32, #tpu.memory_space<vmem>>, vector<1x16xf32>,
      %get3A_695 = vector.shape_cast %get3A_694 : vector<1x16xf32> to vector<16xf32>
      %add3A_696 = arith.constant 64 : i32
      %add3A_697 = arith.addi %add3A_696, %scan3A_470 : i32
      %get3A_698 = arith.constant 0 : i32
      %get3A_699 = arith.constant 0 : i32
      %get3A_700 = tpu.memref_slice %arg9[%scan3A_373, %get3A_698, %get3A_699] : memref<2x128x128xf32, #tpu.memory_space<vmem>> -> memref<1x128x128xf32, #tpu.memory_space<vmem>>
      %get3A_701 = tpu.memref_squeeze %get3A_700 : memref<1x128x128xf32, #tpu.memory_space<vmem>> -> memref<128x128xf32, #tpu.memory_space<vmem>>
      %get3A_702 = arith.index_cast %add3A_697 : i32 to index
      %get3A_703 = arith.constant 112 : index
      %get3A_704 = tpu.vector_load %get3A_701[%get3A_702, %get3A_703] {strides = array<i32>} : memref<128x128xf32, #tpu.memory_space<vmem>>, vector<1x16xf32>,
      %get3A_705 = vector.shape_cast %get3A_704 : vector<1x16xf32> to vector<16xf32>
      %sub3A_706 = arith.subf %get3A_687, %get3A_705 : vector<16xf32>
      %add3A_707 = arith.addf %sub3A_706, %get3A_695 : vector<16xf32>
      %mul3A_708 = arith.mulf %add3A_707, %add3A_707 : vector<16xf32>
      %add3A_709 = arith.addf %add3A_679, %mul3A_708 : vector<16xf32>
      %mul3A_710 = arith.constant 16 : i32
      %mul3A_711 = arith.muli %scan3A_470, %mul3A_710 : i32
      %add3A_712 = arith.constant 1024 : i32
      %add3A_713 = arith.addi %add3A_712, %mul3A_711 : i32
      %swap3A = arith.constant 2 : i32
      %swap3A_714 = arith.index_cast %swap3A : i32 to index
      %swap3A_715 = arith.index_cast %add3A_713 : i32 to index
      %swap3A_716 = tpu.vector_load %arg11[%swap3A_714, %swap3A_715] {strides = array<i32>} : memref<4x2048xf32, #tpu.memory_space<vmem>>, vector<1x16xf32>,
      %swap3A_717 = vector.shape_cast %swap3A_716 : vector<1x16xf32> to vector<16xf32>
      %swap3A_718 = vector.shape_cast %add3A_709 : vector<16xf32> to vector<1x16xf32>
      tpu.vector_store %arg11[%swap3A_714, %swap3A_715], %swap3A_718 {strides = array<i32>} : memref<4x2048xf32, #tpu.memory_space<vmem>>, vector<1x16xf32>,
    }
    %scan3A_379 = arith.constant 64 : i32
    %dma_start3A_380 = arith.constant 7 : i32
    %dma_start3A_381 = arith.constant 1 : i32
    %dma_start3A_382 = arith.constant 0 : i32
    %dma_start3A_383 = arith.constant 0 : i32
    %dma_start3A_384 = tpu.memref_slice %arg9[%dma_start3A_381, %dma_start3A_382, %dma_start3A_383] : memref<2x128x128xf32, #tpu.memory_space<vmem>> -> memref<1x128x128xf32, #tpu.memory_space<vmem>>
    %dma_start3A_385 = tpu.memref_squeeze %dma_start3A_384 : memref<1x128x128xf32, #tpu.memory_space<vmem>> -> memref<128x128xf32, #tpu.memory_space<vmem>>
    %dma_start3A_386 = arith.constant 0 : i32
    %dma_start3A_387 = tpu.memref_slice %arg7[%dma_start3A_380, %dma_start3A_386] : memref<8x128xi32, #tpu.memory_space<vmem>> -> memref<1x128xi32, #tpu.memory_space<vmem>>
    %dma_start3A_388 = tpu.memref_squeeze %dma_start3A_387 : memref<1x128xi32, #tpu.memory_space<vmem>> -> memref<128xi32, #tpu.memory_space<vmem>>
    %dma_start3A_389 = arith.constant 0 : i32
    %dma_start3A_390 = arith.constant 0 : i32
    %dma_start3A_391 = tpu.memref_slice %arg2[%dma_start3A_389, %dma_start3A_390] : memref<100000x128xf32, #tpu.memory_space<hbm>> -> memref<100000x128xf32, #tpu.memory_space<hbm>>
    tpu.enqueue_indirect_dma source(%dma_start3A_391 : memref<100000x128xf32, #tpu.memory_space<hbm>>) target(%dma_start3A_385 : memref<128x128xf32, #tpu.memory_space<vmem>>) offsets(%dma_start3A_388 : memref<128xi32, #tpu.memory_space<vmem>>) semaphore(%arg14 : memref<!tpu.dma_semaphore, #tpu.memory_space<semaphore_mem>>)
    %dma_start3A_392 = arith.constant 7 : i32
    %dma_start3A_393 = arith.constant 1 : i32
    %dma_start3A_394 = arith.constant 0 : i32
    %dma_start3A_395 = arith.constant 0 : i32
    %dma_start3A_396 = tpu.memref_slice %arg10[%dma_start3A_393, %dma_start3A_394, %dma_start3A_395] : memref<2x64x128xf32, #tpu.memory_space<vmem>> -> memref<1x64x128xf32, #tpu.memory_space<vmem>>
    %dma_start3A_397 = tpu.memref_squeeze %dma_start3A_396 : memref<1x64x128xf32, #tpu.memory_space<vmem>> -> memref<64x128xf32, #tpu.memory_space<vmem>>
    %dma_start3A_398 = arith.constant 0 : i32
    %dma_start3A_399 = tpu.memref_slice %arg8[%dma_start3A_392, %dma_start3A_398] : memref<8x64xi32, #tpu.memory_space<vmem>> -> memref<1x64xi32, #tpu.memory_space<vmem>>
    %dma_start3A_400 = tpu.memref_squeeze %dma_start3A_399 : memref<1x64xi32, #tpu.memory_space<vmem>> -> memref<64xi32, #tpu.memory_space<vmem>>
    %dma_start3A_401 = arith.constant 0 : i32
    %dma_start3A_402 = arith.constant 0 : i32
    %dma_start3A_403 = tpu.memref_slice %arg3[%dma_start3A_401, %dma_start3A_402] : memref<1000x128xf32, #tpu.memory_space<hbm>> -> memref<1000x128xf32, #tpu.memory_space<hbm>>
    tpu.enqueue_indirect_dma source(%dma_start3A_403 : memref<1000x128xf32, #tpu.memory_space<hbm>>) target(%dma_start3A_397 : memref<64x128xf32, #tpu.memory_space<vmem>>) offsets(%dma_start3A_400 : memref<64xi32, #tpu.memory_space<vmem>>) semaphore(%arg14 : memref<!tpu.dma_semaphore, #tpu.memory_space<semaphore_mem>>)
    %dma_wait3A_404 = arith.constant 6 : i32
    %dma_wait3A_405 = arith.constant 0 : i32
    %dma_wait3A_406 = arith.constant 0 : i32
    %dma_wait3A_407 = arith.constant 0 : i32
    %dma_wait3A_408 = tpu.memref_slice %arg9[%dma_wait3A_405, %dma_wait3A_406, %dma_wait3A_407] : memref<2x128x128xf32, #tpu.memory_space<vmem>> -> memref<1x128x128xf32, #tpu.memory_space<vmem>>
    %dma_wait3A_409 = tpu.memref_squeeze %dma_wait3A_408 : memref<1x128x128xf32, #tpu.memory_space<vmem>> -> memref<128x128xf32, #tpu.memory_space<vmem>>
    %dma_wait3A_410 = arith.constant 0 : i32
    %dma_wait3A_411 = tpu.memref_slice %arg7[%dma_wait3A_404, %dma_wait3A_410] : memref<8x128xi32, #tpu.memory_space<vmem>> -> memref<1x128xi32, #tpu.memory_space<vmem>>
    %dma_wait3A_412 = tpu.memref_squeeze %dma_wait3A_411 : memref<1x128xi32, #tpu.memory_space<vmem>> -> memref<128xi32, #tpu.memory_space<vmem>>
    %dma_wait3A_413 = arith.constant 0 : i32
    %dma_wait3A_414 = arith.constant 0 : i32
    %dma_wait3A_415 = tpu.memref_slice %arg2[%dma_wait3A_413, %dma_wait3A_414] : memref<100000x128xf32, #tpu.memory_space<hbm>> -> memref<100000x128xf32, #tpu.memory_space<hbm>>
    tpu.wait_indirect_dma semaphore(%arg13 : memref<!tpu.dma_semaphore, #tpu.memory_space<semaphore_mem>>) src(%dma_wait3A_415 : memref<100000x128xf32, #tpu.memory_space<hbm>>) dst(%dma_wait3A_409 : memref<128x128xf32, #tpu.memory_space<vmem>>)
    %dma_wait3A_416 = arith.constant 6 : i32
    %dma_wait3A_417 = arith.constant 0 : i32
    %dma_wait3A_418 = arith.constant 0 : i32
    %dma_wait3A_419 = arith.constant 0 : i32
    %dma_wait3A_420 = tpu.memref_slice %arg10[%dma_wait3A_417, %dma_wait3A_418, %dma_wait3A_419] : memref<2x64x128xf32, #tpu.memory_space<vmem>> -> memref<1x64x128xf32, #tpu.memory_space<vmem>>
    %dma_wait3A_421 = tpu.memref_squeeze %dma_wait3A_420 : memref<1x64x128xf32, #tpu.memory_space<vmem>> -> memref<64x128xf32, #tpu.memory_space<vmem>>
    %dma_wait3A_422 = arith.constant 0 : i32
    %dma_wait3A_423 = tpu.memref_slice %arg8[%dma_wait3A_416, %dma_wait3A_422] : memref<8x64xi32, #tpu.memory_space<vmem>> -> memref<1x64xi32, #tpu.memory_space<vmem>>
    %dma_wait3A_424 = tpu.memref_squeeze %dma_wait3A_423 : memref<1x64xi32, #tpu.memory_space<vmem>> -> memref<64xi32, #tpu.memory_space<vmem>>
    %dma_wait3A_425 = arith.constant 0 : i32
    %dma_wait3A_426 = arith.constant 0 : i32
    %dma_wait3A_427 = tpu.memref_slice %arg3[%dma_wait3A_425, %dma_wait3A_426] : memref<1000x128xf32, #tpu.memory_space<hbm>> -> memref<1000x128xf32, #tpu.memory_space<hbm>>
    tpu.wait_indirect_dma semaphore(%arg13 : memref<!tpu.dma_semaphore, #tpu.memory_space<semaphore_mem>>) src(%dma_wait3A_427 : memref<1000x128xf32, #tpu.memory_space<hbm>>) dst(%dma_wait3A_421 : memref<64x128xf32, #tpu.memory_space<vmem>>)
    %scan3A_428 = arith.constant 0 : i32
    %scan3A_429 = arith.constant 0 : i32
    %scan3A_430 = arith.constant 0 : i32
    %scan3A_431 = arith.constant 0 : i32
    %scan3A_432 = arith.constant 64 : i32
    %scan3A_433 = arith.addi %scan3A_431, %scan3A_432 : i32
    %scan3A_434 = arith.constant 1 : i32
    scf.for %scan3A_470 = %scan3A_431 to %scan3A_433 step %scan3A_434  : i32 {
      %broadcast_in_dim3A = arith.constant 0.000000e+00 : f32
      %broadcast_in_dim3A_471 = vector.broadcast %broadcast_in_dim3A : f32 to vector<16xf32>
      %get3A = arith.constant 0 : i32
      %get3A_472 = arith.constant 0 : i32
      %get3A_473 = tpu.memref_slice %arg9[%scan3A_429, %get3A, %get3A_472] : memref<2x128x128xf32, #tpu.memory_space<vmem>> -> memref<1x128x128xf32, #tpu.memory_space<vmem>>
      %get3A_474 = tpu.memref_squeeze %get3A_473 : memref<1x128x128xf32, #tpu.memory_space<vmem>> -> memref<128x128xf32, #tpu.memory_space<vmem>>
      %get3A_475 = arith.index_cast %scan3A_470 : i32 to index
      %get3A_476 = arith.constant 0 : index
      %get3A_477 = tpu.vector_load %get3A_474[%get3A_475, %get3A_476] {strides = array<i32>} : memref<128x128xf32, #tpu.memory_space<vmem>>, vector<1x16xf32>,
      %get3A_478 = vector.shape_cast %get3A_477 : vector<1x16xf32> to vector<16xf32>
      %get3A_479 = arith.constant 0 : i32
      %get3A_480 = arith.constant 0 : i32
      %get3A_481 = tpu.memref_slice %arg10[%scan3A_430, %get3A_479, %get3A_480] : memref<2x64x128xf32, #tpu.memory_space<vmem>> -> memref<1x64x128xf32, #tpu.memory_space<vmem>>
      %get3A_482 = tpu.memref_squeeze %get3A_481 : memref<1x64x128xf32, #tpu.memory_space<vmem>> -> memref<64x128xf32, #tpu.memory_space<vmem>>
      %get3A_483 = arith.index_cast %scan3A_470 : i32 to index
      %get3A_484 = arith.constant 0 : index
      %get3A_485 = tpu.vector_load %get3A_482[%get3A_483, %get3A_484] {strides = array<i32>} : memref<64x128xf32, #tpu.memory_space<vmem>>, vector<1x16xf32>,
      %get3A_486 = vector.shape_cast %get3A_485 : vector<1x16xf32> to vector<16xf32>
      %add3A_487 = arith.constant 64 : i32
      %add3A_488 = arith.addi %add3A_487, %scan3A_470 : i32
      %get3A_489 = arith.constant 0 : i32
      %get3A_490 = arith.constant 0 : i32
      %get3A_491 = tpu.memref_slice %arg9[%scan3A_429, %get3A_489, %get3A_490] : memref<2x128x128xf32, #tpu.memory_space<vmem>> -> memref<1x128x128xf32, #tpu.memory_space<vmem>>
      %get3A_492 = tpu.memref_squeeze %get3A_491 : memref<1x128x128xf32, #tpu.memory_space<vmem>> -> memref<128x128xf32, #tpu.memory_space<vmem>>
      %get3A_493 = arith.index_cast %add3A_488 : i32 to index
      %get3A_494 = arith.constant 0 : index
      %get3A_495 = tpu.vector_load %get3A_492[%get3A_493, %get3A_494] {strides = array<i32>} : memref<128x128xf32, #tpu.memory_space<vmem>>, vector<1x16xf32>,
      %get3A_496 = vector.shape_cast %get3A_495 : vector<1x16xf32> to vector<16xf32>
      %sub3A = arith.subf %get3A_478, %get3A_496 : vector<16xf32>
      %add3A_497 = arith.addf %sub3A, %get3A_486 : vector<16xf32>
      %mul3A_498 = arith.mulf %add3A_497, %add3A_497 : vector<16xf32>
      %add3A_499 = arith.addf %broadcast_in_dim3A_471, %mul3A_498 : vector<16xf32>
      %get3A_500 = arith.constant 0 : i32
      %get3A_501 = arith.constant 0 : i32
      %get3A_502 = tpu.memref_slice %arg9[%scan3A_429, %get3A_500, %get3A_501] : memref<2x128x128xf32, #tpu.memory_space<vmem>> -> memref<1x128x128xf32, #tpu.memory_space<vmem>>
      %get3A_503 = tpu.memref_squeeze %get3A_502 : memref<1x128x128xf32, #tpu.memory_space<vmem>> -> memref<128x128xf32, #tpu.memory_space<vmem>>
      %get3A_504 = arith.index_cast %scan3A_470 : i32 to index
      %get3A_505 = arith.constant 16 : index
      %get3A_506 = tpu.vector_load %get3A_503[%get3A_504, %get3A_505] {strides = array<i32>} : memref<128x128xf32, #tpu.memory_space<vmem>>, vector<1x16xf32>,
      %get3A_507 = vector.shape_cast %get3A_506 : vector<1x16xf32> to vector<16xf32>
      %get3A_508 = arith.constant 0 : i32
      %get3A_509 = arith.constant 0 : i32
      %get3A_510 = tpu.memref_slice %arg10[%scan3A_430, %get3A_508, %get3A_509] : memref<2x64x128xf32, #tpu.memory_space<vmem>> -> memref<1x64x128xf32, #tpu.memory_space<vmem>>
      %get3A_511 = tpu.memref_squeeze %get3A_510 : memref<1x64x128xf32, #tpu.memory_space<vmem>> -> memref<64x128xf32, #tpu.memory_space<vmem>>
      %get3A_512 = arith.index_cast %scan3A_470 : i32 to index
      %get3A_513 = arith.constant 16 : index
      %get3A_514 = tpu.vector_load %get3A_511[%get3A_512, %get3A_513] {strides = array<i32>} : memref<64x128xf32, #tpu.memory_space<vmem>>, vector<1x16xf32>,
      %get3A_515 = vector.shape_cast %get3A_514 : vector<1x16xf32> to vector<16xf32>
      %add3A_516 = arith.constant 64 : i32
      %add3A_517 = arith.addi %add3A_516, %scan3A_470 : i32
      %get3A_518 = arith.constant 0 : i32
      %get3A_519 = arith.constant 0 : i32
      %get3A_520 = tpu.memref_slice %arg9[%scan3A_429, %get3A_518, %get3A_519] : memref<2x128x128xf32, #tpu.memory_space<vmem>> -> memref<1x128x128xf32, #tpu.memory_space<vmem>>
      %get3A_521 = tpu.memref_squeeze %get3A_520 : memref<1x128x128xf32, #tpu.memory_space<vmem>> -> memref<128x128xf32, #tpu.memory_space<vmem>>
      %get3A_522 = arith.index_cast %add3A_517 : i32 to index
      %get3A_523 = arith.constant 16 : index
      %get3A_524 = tpu.vector_load %get3A_521[%get3A_522, %get3A_523] {strides = array<i32>} : memref<128x128xf32, #tpu.memory_space<vmem>>, vector<1x16xf32>,
      %get3A_525 = vector.shape_cast %get3A_524 : vector<1x16xf32> to vector<16xf32>
      %sub3A_526 = arith.subf %get3A_507, %get3A_525 : vector<16xf32>
      %add3A_527 = arith.addf %sub3A_526, %get3A_515 : vector<16xf32>
      %mul3A_528 = arith.mulf %add3A_527, %add3A_527 : vector<16xf32>
      %add3A_529 = arith.addf %add3A_499, %mul3A_528 : vector<16xf32>
      %get3A_530 = arith.constant 0 : i32
      %get3A_531 = arith.constant 0 : i32
      %get3A_532 = tpu.memref_slice %arg9[%scan3A_429, %get3A_530, %get3A_531] : memref<2x128x128xf32, #tpu.memory_space<vmem>> -> memref<1x128x128xf32, #tpu.memory_space<vmem>>
      %get3A_533 = tpu.memref_squeeze %get3A_532 : memref<1x128x128xf32, #tpu.memory_space<vmem>> -> memref<128x128xf32, #tpu.memory_space<vmem>>
      %get3A_534 = arith.index_cast %scan3A_470 : i32 to index
      %get3A_535 = arith.constant 32 : index
      %get3A_536 = tpu.vector_load %get3A_533[%get3A_534, %get3A_535] {strides = array<i32>} : memref<128x128xf32, #tpu.memory_space<vmem>>, vector<1x16xf32>,
      %get3A_537 = vector.shape_cast %get3A_536 : vector<1x16xf32> to vector<16xf32>
      %get3A_538 = arith.constant 0 : i32
      %get3A_539 = arith.constant 0 : i32
      %get3A_540 = tpu.memref_slice %arg10[%scan3A_430, %get3A_538, %get3A_539] : memref<2x64x128xf32, #tpu.memory_space<vmem>> -> memref<1x64x128xf32, #tpu.memory_space<vmem>>
      %get3A_541 = tpu.memref_squeeze %get3A_540 : memref<1x64x128xf32, #tpu.memory_space<vmem>> -> memref<64x128xf32, #tpu.memory_space<vmem>>
      %get3A_542 = arith.index_cast %scan3A_470 : i32 to index
      %get3A_543 = arith.constant 32 : index
      %get3A_544 = tpu.vector_load %get3A_541[%get3A_542, %get3A_543] {strides = array<i32>} : memref<64x128xf32, #tpu.memory_space<vmem>>, vector<1x16xf32>,
      %get3A_545 = vector.shape_cast %get3A_544 : vector<1x16xf32> to vector<16xf32>
      %add3A_546 = arith.constant 64 : i32
      %add3A_547 = arith.addi %add3A_546, %scan3A_470 : i32
      %get3A_548 = arith.constant 0 : i32
      %get3A_549 = arith.constant 0 : i32
      %get3A_550 = tpu.memref_slice %arg9[%scan3A_429, %get3A_548, %get3A_549] : memref<2x128x128xf32, #tpu.memory_space<vmem>> -> memref<1x128x128xf32, #tpu.memory_space<vmem>>
      %get3A_551 = tpu.memref_squeeze %get3A_550 : memref<1x128x128xf32, #tpu.memory_space<vmem>> -> memref<128x128xf32, #tpu.memory_space<vmem>>
      %get3A_552 = arith.index_cast %add3A_547 : i32 to index
      %get3A_553 = arith.constant 32 : index
      %get3A_554 = tpu.vector_load %get3A_551[%get3A_552, %get3A_553] {strides = array<i32>} : memref<128x128xf32, #tpu.memory_space<vmem>>, vector<1x16xf32>,
      %get3A_555 = vector.shape_cast %get3A_554 : vector<1x16xf32> to vector<16xf32>
      %sub3A_556 = arith.subf %get3A_537, %get3A_555 : vector<16xf32>
      %add3A_557 = arith.addf %sub3A_556, %get3A_545 : vector<16xf32>
      %mul3A_558 = arith.mulf %add3A_557, %add3A_557 : vector<16xf32>
      %add3A_559 = arith.addf %add3A_529, %mul3A_558 : vector<16xf32>
      %get3A_560 = arith.constant 0 : i32
      %get3A_561 = arith.constant 0 : i32
      %get3A_562 = tpu.memref_slice %arg9[%scan3A_429, %get3A_560, %get3A_561] : memref<2x128x128xf32, #tpu.memory_space<vmem>> -> memref<1x128x128xf32, #tpu.memory_space<vmem>>
      %get3A_563 = tpu.memref_squeeze %get3A_562 : memref<1x128x128xf32, #tpu.memory_space<vmem>> -> memref<128x128xf32, #tpu.memory_space<vmem>>
      %get3A_564 = arith.index_cast %scan3A_470 : i32 to index
      %get3A_565 = arith.constant 48 : index
      %get3A_566 = tpu.vector_load %get3A_563[%get3A_564, %get3A_565] {strides = array<i32>} : memref<128x128xf32, #tpu.memory_space<vmem>>, vector<1x16xf32>,
      %get3A_567 = vector.shape_cast %get3A_566 : vector<1x16xf32> to vector<16xf32>
      %get3A_568 = arith.constant 0 : i32
      %get3A_569 = arith.constant 0 : i32
      %get3A_570 = tpu.memref_slice %arg10[%scan3A_430, %get3A_568, %get3A_569] : memref<2x64x128xf32, #tpu.memory_space<vmem>> -> memref<1x64x128xf32, #tpu.memory_space<vmem>>
      %get3A_571 = tpu.memref_squeeze %get3A_570 : memref<1x64x128xf32, #tpu.memory_space<vmem>> -> memref<64x128xf32, #tpu.memory_space<vmem>>
      %get3A_572 = arith.index_cast %scan3A_470 : i32 to index
      %get3A_573 = arith.constant 48 : index
      %get3A_574 = tpu.vector_load %get3A_571[%get3A_572, %get3A_573] {strides = array<i32>} : memref<64x128xf32, #tpu.memory_space<vmem>>, vector<1x16xf32>,
      %get3A_575 = vector.shape_cast %get3A_574 : vector<1x16xf32> to vector<16xf32>
      %add3A_576 = arith.constant 64 : i32
      %add3A_577 = arith.addi %add3A_576, %scan3A_470 : i32
      %get3A_578 = arith.constant 0 : i32
      %get3A_579 = arith.constant 0 : i32
      %get3A_580 = tpu.memref_slice %arg9[%scan3A_429, %get3A_578, %get3A_579] : memref<2x128x128xf32, #tpu.memory_space<vmem>> -> memref<1x128x128xf32, #tpu.memory_space<vmem>>
      %get3A_581 = tpu.memref_squeeze %get3A_580 : memref<1x128x128xf32, #tpu.memory_space<vmem>> -> memref<128x128xf32, #tpu.memory_space<vmem>>
      %get3A_582 = arith.index_cast %add3A_577 : i32 to index
      %get3A_583 = arith.constant 48 : index
      %get3A_584 = tpu.vector_load %get3A_581[%get3A_582, %get3A_583] {strides = array<i32>} : memref<128x128xf32, #tpu.memory_space<vmem>>, vector<1x16xf32>,
      %get3A_585 = vector.shape_cast %get3A_584 : vector<1x16xf32> to vector<16xf32>
      %sub3A_586 = arith.subf %get3A_567, %get3A_585 : vector<16xf32>
      %add3A_587 = arith.addf %sub3A_586, %get3A_575 : vector<16xf32>
      %mul3A_588 = arith.mulf %add3A_587, %add3A_587 : vector<16xf32>
      %add3A_589 = arith.addf %add3A_559, %mul3A_588 : vector<16xf32>
      %get3A_590 = arith.constant 0 : i32
      %get3A_591 = arith.constant 0 : i32
      %get3A_592 = tpu.memref_slice %arg9[%scan3A_429, %get3A_590, %get3A_591] : memref<2x128x128xf32, #tpu.memory_space<vmem>> -> memref<1x128x128xf32, #tpu.memory_space<vmem>>
      %get3A_593 = tpu.memref_squeeze %get3A_592 : memref<1x128x128xf32, #tpu.memory_space<vmem>> -> memref<128x128xf32, #tpu.memory_space<vmem>>
      %get3A_594 = arith.index_cast %scan3A_470 : i32 to index
      %get3A_595 = arith.constant 64 : index
      %get3A_596 = tpu.vector_load %get3A_593[%get3A_594, %get3A_595] {strides = array<i32>} : memref<128x128xf32, #tpu.memory_space<vmem>>, vector<1x16xf32>,
      %get3A_597 = vector.shape_cast %get3A_596 : vector<1x16xf32> to vector<16xf32>
      %get3A_598 = arith.constant 0 : i32
      %get3A_599 = arith.constant 0 : i32
      %get3A_600 = tpu.memref_slice %arg10[%scan3A_430, %get3A_598, %get3A_599] : memref<2x64x128xf32, #tpu.memory_space<vmem>> -> memref<1x64x128xf32, #tpu.memory_space<vmem>>
      %get3A_601 = tpu.memref_squeeze %get3A_600 : memref<1x64x128xf32, #tpu.memory_space<vmem>> -> memref<64x128xf32, #tpu.memory_space<vmem>>
      %get3A_602 = arith.index_cast %scan3A_470 : i32 to index
      %get3A_603 = arith.constant 64 : index
      %get3A_604 = tpu.vector_load %get3A_601[%get3A_602, %get3A_603] {strides = array<i32>} : memref<64x128xf32, #tpu.memory_space<vmem>>, vector<1x16xf32>,
      %get3A_605 = vector.shape_cast %get3A_604 : vector<1x16xf32> to vector<16xf32>
      %add3A_606 = arith.constant 64 : i32
      %add3A_607 = arith.addi %add3A_606, %scan3A_470 : i32
      %get3A_608 = arith.constant 0 : i32
      %get3A_609 = arith.constant 0 : i32
      %get3A_610 = tpu.memref_slice %arg9[%scan3A_429, %get3A_608, %get3A_609] : memref<2x128x128xf32, #tpu.memory_space<vmem>> -> memref<1x128x128xf32, #tpu.memory_space<vmem>>
      %get3A_611 = tpu.memref_squeeze %get3A_610 : memref<1x128x128xf32, #tpu.memory_space<vmem>> -> memref<128x128xf32, #tpu.memory_space<vmem>>
      %get3A_612 = arith.index_cast %add3A_607 : i32 to index
      %get3A_613 = arith.constant 64 : index
      %get3A_614 = tpu.vector_load %get3A_611[%get3A_612, %get3A_613] {strides = array<i32>} : memref<128x128xf32, #tpu.memory_space<vmem>>, vector<1x16xf32>,
      %get3A_615 = vector.shape_cast %get3A_614 : vector<1x16xf32> to vector<16xf32>
      %sub3A_616 = arith.subf %get3A_597, %get3A_615 : vector<16xf32>
      %add3A_617 = arith.addf %sub3A_616, %get3A_605 : vector<16xf32>
      %mul3A_618 = arith.mulf %add3A_617, %add3A_617 : vector<16xf32>
      %add3A_619 = arith.addf %add3A_589, %mul3A_618 : vector<16xf32>
      %get3A_620 = arith.constant 0 : i32
      %get3A_621 = arith.constant 0 : i32
      %get3A_622 = tpu.memref_slice %arg9[%scan3A_429, %get3A_620, %get3A_621] : memref<2x128x128xf32, #tpu.memory_space<vmem>> -> memref<1x128x128xf32, #tpu.memory_space<vmem>>
      %get3A_623 = tpu.memref_squeeze %get3A_622 : memref<1x128x128xf32, #tpu.memory_space<vmem>> -> memref<128x128xf32, #tpu.memory_space<vmem>>
      %get3A_624 = arith.index_cast %scan3A_470 : i32 to index
      %get3A_625 = arith.constant 80 : index
      %get3A_626 = tpu.vector_load %get3A_623[%get3A_624, %get3A_625] {strides = array<i32>} : memref<128x128xf32, #tpu.memory_space<vmem>>, vector<1x16xf32>,
      %get3A_627 = vector.shape_cast %get3A_626 : vector<1x16xf32> to vector<16xf32>
      %get3A_628 = arith.constant 0 : i32
      %get3A_629 = arith.constant 0 : i32
      %get3A_630 = tpu.memref_slice %arg10[%scan3A_430, %get3A_628, %get3A_629] : memref<2x64x128xf32, #tpu.memory_space<vmem>> -> memref<1x64x128xf32, #tpu.memory_space<vmem>>
      %get3A_631 = tpu.memref_squeeze %get3A_630 : memref<1x64x128xf32, #tpu.memory_space<vmem>> -> memref<64x128xf32, #tpu.memory_space<vmem>>
      %get3A_632 = arith.index_cast %scan3A_470 : i32 to index
      %get3A_633 = arith.constant 80 : index
      %get3A_634 = tpu.vector_load %get3A_631[%get3A_632, %get3A_633] {strides = array<i32>} : memref<64x128xf32, #tpu.memory_space<vmem>>, vector<1x16xf32>,
      %get3A_635 = vector.shape_cast %get3A_634 : vector<1x16xf32> to vector<16xf32>
      %add3A_636 = arith.constant 64 : i32
      %add3A_637 = arith.addi %add3A_636, %scan3A_470 : i32
      %get3A_638 = arith.constant 0 : i32
      %get3A_639 = arith.constant 0 : i32
      %get3A_640 = tpu.memref_slice %arg9[%scan3A_429, %get3A_638, %get3A_639] : memref<2x128x128xf32, #tpu.memory_space<vmem>> -> memref<1x128x128xf32, #tpu.memory_space<vmem>>
      %get3A_641 = tpu.memref_squeeze %get3A_640 : memref<1x128x128xf32, #tpu.memory_space<vmem>> -> memref<128x128xf32, #tpu.memory_space<vmem>>
      %get3A_642 = arith.index_cast %add3A_637 : i32 to index
      %get3A_643 = arith.constant 80 : index
      %get3A_644 = tpu.vector_load %get3A_641[%get3A_642, %get3A_643] {strides = array<i32>} : memref<128x128xf32, #tpu.memory_space<vmem>>, vector<1x16xf32>,
      %get3A_645 = vector.shape_cast %get3A_644 : vector<1x16xf32> to vector<16xf32>
      %sub3A_646 = arith.subf %get3A_627, %get3A_645 : vector<16xf32>
      %add3A_647 = arith.addf %sub3A_646, %get3A_635 : vector<16xf32>
      %mul3A_648 = arith.mulf %add3A_647, %add3A_647 : vector<16xf32>
      %add3A_649 = arith.addf %add3A_619, %mul3A_648 : vector<16xf32>
      %get3A_650 = arith.constant 0 : i32
      %get3A_651 = arith.constant 0 : i32
      %get3A_652 = tpu.memref_slice %arg9[%scan3A_429, %get3A_650, %get3A_651] : memref<2x128x128xf32, #tpu.memory_space<vmem>> -> memref<1x128x128xf32, #tpu.memory_space<vmem>>
      %get3A_653 = tpu.memref_squeeze %get3A_652 : memref<1x128x128xf32, #tpu.memory_space<vmem>> -> memref<128x128xf32, #tpu.memory_space<vmem>>
      %get3A_654 = arith.index_cast %scan3A_470 : i32 to index
      %get3A_655 = arith.constant 96 : index
      %get3A_656 = tpu.vector_load %get3A_653[%get3A_654, %get3A_655] {strides = array<i32>} : memref<128x128xf32, #tpu.memory_space<vmem>>, vector<1x16xf32>,
      %get3A_657 = vector.shape_cast %get3A_656 : vector<1x16xf32> to vector<16xf32>
      %get3A_658 = arith.constant 0 : i32
      %get3A_659 = arith.constant 0 : i32
      %get3A_660 = tpu.memref_slice %arg10[%scan3A_430, %get3A_658, %get3A_659] : memref<2x64x128xf32, #tpu.memory_space<vmem>> -> memref<1x64x128xf32, #tpu.memory_space<vmem>>
      %get3A_661 = tpu.memref_squeeze %get3A_660 : memref<1x64x128xf32, #tpu.memory_space<vmem>> -> memref<64x128xf32, #tpu.memory_space<vmem>>
      %get3A_662 = arith.index_cast %scan3A_470 : i32 to index
      %get3A_663 = arith.constant 96 : index
      %get3A_664 = tpu.vector_load %get3A_661[%get3A_662, %get3A_663] {strides = array<i32>} : memref<64x128xf32, #tpu.memory_space<vmem>>, vector<1x16xf32>,
      %get3A_665 = vector.shape_cast %get3A_664 : vector<1x16xf32> to vector<16xf32>
      %add3A_666 = arith.constant 64 : i32
      %add3A_667 = arith.addi %add3A_666, %scan3A_470 : i32
      %get3A_668 = arith.constant 0 : i32
      %get3A_669 = arith.constant 0 : i32
      %get3A_670 = tpu.memref_slice %arg9[%scan3A_429, %get3A_668, %get3A_669] : memref<2x128x128xf32, #tpu.memory_space<vmem>> -> memref<1x128x128xf32, #tpu.memory_space<vmem>>
      %get3A_671 = tpu.memref_squeeze %get3A_670 : memref<1x128x128xf32, #tpu.memory_space<vmem>> -> memref<128x128xf32, #tpu.memory_space<vmem>>
      %get3A_672 = arith.index_cast %add3A_667 : i32 to index
      %get3A_673 = arith.constant 96 : index
      %get3A_674 = tpu.vector_load %get3A_671[%get3A_672, %get3A_673] {strides = array<i32>} : memref<128x128xf32, #tpu.memory_space<vmem>>, vector<1x16xf32>,
      %get3A_675 = vector.shape_cast %get3A_674 : vector<1x16xf32> to vector<16xf32>
      %sub3A_676 = arith.subf %get3A_657, %get3A_675 : vector<16xf32>
      %add3A_677 = arith.addf %sub3A_676, %get3A_665 : vector<16xf32>
      %mul3A_678 = arith.mulf %add3A_677, %add3A_677 : vector<16xf32>
      %add3A_679 = arith.addf %add3A_649, %mul3A_678 : vector<16xf32>
      %get3A_680 = arith.constant 0 : i32
      %get3A_681 = arith.constant 0 : i32
      %get3A_682 = tpu.memref_slice %arg9[%scan3A_429, %get3A_680, %get3A_681] : memref<2x128x128xf32, #tpu.memory_space<vmem>> -> memref<1x128x128xf32, #tpu.memory_space<vmem>>
      %get3A_683 = tpu.memref_squeeze %get3A_682 : memref<1x128x128xf32, #tpu.memory_space<vmem>> -> memref<128x128xf32, #tpu.memory_space<vmem>>
      %get3A_684 = arith.index_cast %scan3A_470 : i32 to index
      %get3A_685 = arith.constant 112 : index
      %get3A_686 = tpu.vector_load %get3A_683[%get3A_684, %get3A_685] {strides = array<i32>} : memref<128x128xf32, #tpu.memory_space<vmem>>, vector<1x16xf32>,
      %get3A_687 = vector.shape_cast %get3A_686 : vector<1x16xf32> to vector<16xf32>
      %get3A_688 = arith.constant 0 : i32
      %get3A_689 = arith.constant 0 : i32
      %get3A_690 = tpu.memref_slice %arg10[%scan3A_430, %get3A_688, %get3A_689] : memref<2x64x128xf32, #tpu.memory_space<vmem>> -> memref<1x64x128xf32, #tpu.memory_space<vmem>>
      %get3A_691 = tpu.memref_squeeze %get3A_690 : memref<1x64x128xf32, #tpu.memory_space<vmem>> -> memref<64x128xf32, #tpu.memory_space<vmem>>
      %get3A_692 = arith.index_cast %scan3A_470 : i32 to index
      %get3A_693 = arith.constant 112 : index
      %get3A_694 = tpu.vector_load %get3A_691[%get3A_692, %get3A_693] {strides = array<i32>} : memref<64x128xf32, #tpu.memory_space<vmem>>, vector<1x16xf32>,
      %get3A_695 = vector.shape_cast %get3A_694 : vector<1x16xf32> to vector<16xf32>
      %add3A_696 = arith.constant 64 : i32
      %add3A_697 = arith.addi %add3A_696, %scan3A_470 : i32
      %get3A_698 = arith.constant 0 : i32
      %get3A_699 = arith.constant 0 : i32
      %get3A_700 = tpu.memref_slice %arg9[%scan3A_429, %get3A_698, %get3A_699] : memref<2x128x128xf32, #tpu.memory_space<vmem>> -> memref<1x128x128xf32, #tpu.memory_space<vmem>>
      %get3A_701 = tpu.memref_squeeze %get3A_700 : memref<1x128x128xf32, #tpu.memory_space<vmem>> -> memref<128x128xf32, #tpu.memory_space<vmem>>
      %get3A_702 = arith.index_cast %add3A_697 : i32 to index
      %get3A_703 = arith.constant 112 : index
      %get3A_704 = tpu.vector_load %get3A_701[%get3A_702, %get3A_703] {strides = array<i32>} : memref<128x128xf32, #tpu.memory_space<vmem>>, vector<1x16xf32>,
      %get3A_705 = vector.shape_cast %get3A_704 : vector<1x16xf32> to vector<16xf32>
      %sub3A_706 = arith.subf %get3A_687, %get3A_705 : vector<16xf32>
      %add3A_707 = arith.addf %sub3A_706, %get3A_695 : vector<16xf32>
      %mul3A_708 = arith.mulf %add3A_707, %add3A_707 : vector<16xf32>
      %add3A_709 = arith.addf %add3A_679, %mul3A_708 : vector<16xf32>
      %mul3A_710 = arith.constant 16 : i32
      %mul3A_711 = arith.muli %scan3A_470, %mul3A_710 : i32
      %add3A_712 = arith.constant 0 : i32
      %add3A_713 = arith.addi %add3A_712, %mul3A_711 : i32
      %swap3A = arith.constant 3 : i32
      %swap3A_714 = arith.index_cast %swap3A : i32 to index
      %swap3A_715 = arith.index_cast %add3A_713 : i32 to index
      %swap3A_716 = tpu.vector_load %arg11[%swap3A_714, %swap3A_715] {strides = array<i32>} : memref<4x2048xf32, #tpu.memory_space<vmem>>, vector<1x16xf32>,
      %swap3A_717 = vector.shape_cast %swap3A_716 : vector<1x16xf32> to vector<16xf32>
      %swap3A_718 = vector.shape_cast %add3A_709 : vector<16xf32> to vector<1x16xf32>
      tpu.vector_store %arg11[%swap3A_714, %swap3A_715], %swap3A_718 {strides = array<i32>} : memref<4x2048xf32, #tpu.memory_space<vmem>>, vector<1x16xf32>,
    }
    %scan3A_435 = arith.constant 64 : i32
    %dma_wait3A_436 = arith.constant 7 : i32
    %dma_wait3A_437 = arith.constant 1 : i32
    %dma_wait3A_438 = arith.constant 0 : i32
    %dma_wait3A_439 = arith.constant 0 : i32
    %dma_wait3A_440 = tpu.memref_slice %arg9[%dma_wait3A_437, %dma_wait3A_438, %dma_wait3A_439] : memref<2x128x128xf32, #tpu.memory_space<vmem>> -> memref<1x128x128xf32, #tpu.memory_space<vmem>>
    %dma_wait3A_441 = tpu.memref_squeeze %dma_wait3A_440 : memref<1x128x128xf32, #tpu.memory_space<vmem>> -> memref<128x128xf32, #tpu.memory_space<vmem>>
    %dma_wait3A_442 = arith.constant 0 : i32
    %dma_wait3A_443 = tpu.memref_slice %arg7[%dma_wait3A_436, %dma_wait3A_442] : memref<8x128xi32, #tpu.memory_space<vmem>> -> memref<1x128xi32, #tpu.memory_space<vmem>>
    %dma_wait3A_444 = tpu.memref_squeeze %dma_wait3A_443 : memref<1x128xi32, #tpu.memory_space<vmem>> -> memref<128xi32, #tpu.memory_space<vmem>>
    %dma_wait3A_445 = arith.constant 0 : i32
    %dma_wait3A_446 = arith.constant 0 : i32
    %dma_wait3A_447 = tpu.memref_slice %arg2[%dma_wait3A_445, %dma_wait3A_446] : memref<100000x128xf32, #tpu.memory_space<hbm>> -> memref<100000x128xf32, #tpu.memory_space<hbm>>
    tpu.wait_indirect_dma semaphore(%arg14 : memref<!tpu.dma_semaphore, #tpu.memory_space<semaphore_mem>>) src(%dma_wait3A_447 : memref<100000x128xf32, #tpu.memory_space<hbm>>) dst(%dma_wait3A_441 : memref<128x128xf32, #tpu.memory_space<vmem>>)
    %dma_wait3A_448 = arith.constant 7 : i32
    %dma_wait3A_449 = arith.constant 1 : i32
    %dma_wait3A_450 = arith.constant 0 : i32
    %dma_wait3A_451 = arith.constant 0 : i32
    %dma_wait3A_452 = tpu.memref_slice %arg10[%dma_wait3A_449, %dma_wait3A_450, %dma_wait3A_451] : memref<2x64x128xf32, #tpu.memory_space<vmem>> -> memref<1x64x128xf32, #tpu.memory_space<vmem>>
    %dma_wait3A_453 = tpu.memref_squeeze %dma_wait3A_452 : memref<1x64x128xf32, #tpu.memory_space<vmem>> -> memref<64x128xf32, #tpu.memory_space<vmem>>
    %dma_wait3A_454 = arith.constant 0 : i32
    %dma_wait3A_455 = tpu.memref_slice %arg8[%dma_wait3A_448, %dma_wait3A_454] : memref<8x64xi32, #tpu.memory_space<vmem>> -> memref<1x64xi32, #tpu.memory_space<vmem>>
    %dma_wait3A_456 = tpu.memref_squeeze %dma_wait3A_455 : memref<1x64xi32, #tpu.memory_space<vmem>> -> memref<64xi32, #tpu.memory_space<vmem>>
    %dma_wait3A_457 = arith.constant 0 : i32
    %dma_wait3A_458 = arith.constant 0 : i32
    %dma_wait3A_459 = tpu.memref_slice %arg3[%dma_wait3A_457, %dma_wait3A_458] : memref<1000x128xf32, #tpu.memory_space<hbm>> -> memref<1000x128xf32, #tpu.memory_space<hbm>>
    tpu.wait_indirect_dma semaphore(%arg14 : memref<!tpu.dma_semaphore, #tpu.memory_space<semaphore_mem>>) src(%dma_wait3A_459 : memref<1000x128xf32, #tpu.memory_space<hbm>>) dst(%dma_wait3A_453 : memref<64x128xf32, #tpu.memory_space<vmem>>)
    %scan3A_460 = arith.constant 0 : i32
    %scan3A_461 = arith.constant 1 : i32
    %scan3A_462 = arith.constant 1 : i32
    %scan3A_463 = arith.constant 0 : i32
    %scan3A_464 = arith.constant 64 : i32
    %scan3A_465 = arith.addi %scan3A_463, %scan3A_464 : i32
    %scan3A_466 = arith.constant 1 : i32
    scf.for %scan3A_470 = %scan3A_463 to %scan3A_465 step %scan3A_466  : i32 {
      %broadcast_in_dim3A = arith.constant 0.000000e+00 : f32
      %broadcast_in_dim3A_471 = vector.broadcast %broadcast_in_dim3A : f32 to vector<16xf32>
      %get3A = arith.constant 0 : i32
      %get3A_472 = arith.constant 0 : i32
      %get3A_473 = tpu.memref_slice %arg9[%scan3A_461, %get3A, %get3A_472] : memref<2x128x128xf32, #tpu.memory_space<vmem>> -> memref<1x128x128xf32, #tpu.memory_space<vmem>>
      %get3A_474 = tpu.memref_squeeze %get3A_473 : memref<1x128x128xf32, #tpu.memory_space<vmem>> -> memref<128x128xf32, #tpu.memory_space<vmem>>
      %get3A_475 = arith.index_cast %scan3A_470 : i32 to index
      %get3A_476 = arith.constant 0 : index
      %get3A_477 = tpu.vector_load %get3A_474[%get3A_475, %get3A_476] {strides = array<i32>} : memref<128x128xf32, #tpu.memory_space<vmem>>, vector<1x16xf32>,
      %get3A_478 = vector.shape_cast %get3A_477 : vector<1x16xf32> to vector<16xf32>
      %get3A_479 = arith.constant 0 : i32
      %get3A_480 = arith.constant 0 : i32
      %get3A_481 = tpu.memref_slice %arg10[%scan3A_462, %get3A_479, %get3A_480] : memref<2x64x128xf32, #tpu.memory_space<vmem>> -> memref<1x64x128xf32, #tpu.memory_space<vmem>>
      %get3A_482 = tpu.memref_squeeze %get3A_481 : memref<1x64x128xf32, #tpu.memory_space<vmem>> -> memref<64x128xf32, #tpu.memory_space<vmem>>
      %get3A_483 = arith.index_cast %scan3A_470 : i32 to index
      %get3A_484 = arith.constant 0 : index
      %get3A_485 = tpu.vector_load %get3A_482[%get3A_483, %get3A_484] {strides = array<i32>} : memref<64x128xf32, #tpu.memory_space<vmem>>, vector<1x16xf32>,
      %get3A_486 = vector.shape_cast %get3A_485 : vector<1x16xf32> to vector<16xf32>
      %add3A_487 = arith.constant 64 : i32
      %add3A_488 = arith.addi %add3A_487, %scan3A_470 : i32
      %get3A_489 = arith.constant 0 : i32
      %get3A_490 = arith.constant 0 : i32
      %get3A_491 = tpu.memref_slice %arg9[%scan3A_461, %get3A_489, %get3A_490] : memref<2x128x128xf32, #tpu.memory_space<vmem>> -> memref<1x128x128xf32, #tpu.memory_space<vmem>>
      %get3A_492 = tpu.memref_squeeze %get3A_491 : memref<1x128x128xf32, #tpu.memory_space<vmem>> -> memref<128x128xf32, #tpu.memory_space<vmem>>
      %get3A_493 = arith.index_cast %add3A_488 : i32 to index
      %get3A_494 = arith.constant 0 : index
      %get3A_495 = tpu.vector_load %get3A_492[%get3A_493, %get3A_494] {strides = array<i32>} : memref<128x128xf32, #tpu.memory_space<vmem>>, vector<1x16xf32>,
      %get3A_496 = vector.shape_cast %get3A_495 : vector<1x16xf32> to vector<16xf32>
      %sub3A = arith.subf %get3A_478, %get3A_496 : vector<16xf32>
      %add3A_497 = arith.addf %sub3A, %get3A_486 : vector<16xf32>
      %mul3A_498 = arith.mulf %add3A_497, %add3A_497 : vector<16xf32>
      %add3A_499 = arith.addf %broadcast_in_dim3A_471, %mul3A_498 : vector<16xf32>
      %get3A_500 = arith.constant 0 : i32
      %get3A_501 = arith.constant 0 : i32
      %get3A_502 = tpu.memref_slice %arg9[%scan3A_461, %get3A_500, %get3A_501] : memref<2x128x128xf32, #tpu.memory_space<vmem>> -> memref<1x128x128xf32, #tpu.memory_space<vmem>>
      %get3A_503 = tpu.memref_squeeze %get3A_502 : memref<1x128x128xf32, #tpu.memory_space<vmem>> -> memref<128x128xf32, #tpu.memory_space<vmem>>
      %get3A_504 = arith.index_cast %scan3A_470 : i32 to index
      %get3A_505 = arith.constant 16 : index
      %get3A_506 = tpu.vector_load %get3A_503[%get3A_504, %get3A_505] {strides = array<i32>} : memref<128x128xf32, #tpu.memory_space<vmem>>, vector<1x16xf32>,
      %get3A_507 = vector.shape_cast %get3A_506 : vector<1x16xf32> to vector<16xf32>
      %get3A_508 = arith.constant 0 : i32
      %get3A_509 = arith.constant 0 : i32
      %get3A_510 = tpu.memref_slice %arg10[%scan3A_462, %get3A_508, %get3A_509] : memref<2x64x128xf32, #tpu.memory_space<vmem>> -> memref<1x64x128xf32, #tpu.memory_space<vmem>>
      %get3A_511 = tpu.memref_squeeze %get3A_510 : memref<1x64x128xf32, #tpu.memory_space<vmem>> -> memref<64x128xf32, #tpu.memory_space<vmem>>
      %get3A_512 = arith.index_cast %scan3A_470 : i32 to index
      %get3A_513 = arith.constant 16 : index
      %get3A_514 = tpu.vector_load %get3A_511[%get3A_512, %get3A_513] {strides = array<i32>} : memref<64x128xf32, #tpu.memory_space<vmem>>, vector<1x16xf32>,
      %get3A_515 = vector.shape_cast %get3A_514 : vector<1x16xf32> to vector<16xf32>
      %add3A_516 = arith.constant 64 : i32
      %add3A_517 = arith.addi %add3A_516, %scan3A_470 : i32
      %get3A_518 = arith.constant 0 : i32
      %get3A_519 = arith.constant 0 : i32
      %get3A_520 = tpu.memref_slice %arg9[%scan3A_461, %get3A_518, %get3A_519] : memref<2x128x128xf32, #tpu.memory_space<vmem>> -> memref<1x128x128xf32, #tpu.memory_space<vmem>>
      %get3A_521 = tpu.memref_squeeze %get3A_520 : memref<1x128x128xf32, #tpu.memory_space<vmem>> -> memref<128x128xf32, #tpu.memory_space<vmem>>
      %get3A_522 = arith.index_cast %add3A_517 : i32 to index
      %get3A_523 = arith.constant 16 : index
      %get3A_524 = tpu.vector_load %get3A_521[%get3A_522, %get3A_523] {strides = array<i32>} : memref<128x128xf32, #tpu.memory_space<vmem>>, vector<1x16xf32>,
      %get3A_525 = vector.shape_cast %get3A_524 : vector<1x16xf32> to vector<16xf32>
      %sub3A_526 = arith.subf %get3A_507, %get3A_525 : vector<16xf32>
      %add3A_527 = arith.addf %sub3A_526, %get3A_515 : vector<16xf32>
      %mul3A_528 = arith.mulf %add3A_527, %add3A_527 : vector<16xf32>
      %add3A_529 = arith.addf %add3A_499, %mul3A_528 : vector<16xf32>
      %get3A_530 = arith.constant 0 : i32
      %get3A_531 = arith.constant 0 : i32
      %get3A_532 = tpu.memref_slice %arg9[%scan3A_461, %get3A_530, %get3A_531] : memref<2x128x128xf32, #tpu.memory_space<vmem>> -> memref<1x128x128xf32, #tpu.memory_space<vmem>>
      %get3A_533 = tpu.memref_squeeze %get3A_532 : memref<1x128x128xf32, #tpu.memory_space<vmem>> -> memref<128x128xf32, #tpu.memory_space<vmem>>
      %get3A_534 = arith.index_cast %scan3A_470 : i32 to index
      %get3A_535 = arith.constant 32 : index
      %get3A_536 = tpu.vector_load %get3A_533[%get3A_534, %get3A_535] {strides = array<i32>} : memref<128x128xf32, #tpu.memory_space<vmem>>, vector<1x16xf32>,
      %get3A_537 = vector.shape_cast %get3A_536 : vector<1x16xf32> to vector<16xf32>
      %get3A_538 = arith.constant 0 : i32
      %get3A_539 = arith.constant 0 : i32
      %get3A_540 = tpu.memref_slice %arg10[%scan3A_462, %get3A_538, %get3A_539] : memref<2x64x128xf32, #tpu.memory_space<vmem>> -> memref<1x64x128xf32, #tpu.memory_space<vmem>>
      %get3A_541 = tpu.memref_squeeze %get3A_540 : memref<1x64x128xf32, #tpu.memory_space<vmem>> -> memref<64x128xf32, #tpu.memory_space<vmem>>
      %get3A_542 = arith.index_cast %scan3A_470 : i32 to index
      %get3A_543 = arith.constant 32 : index
      %get3A_544 = tpu.vector_load %get3A_541[%get3A_542, %get3A_543] {strides = array<i32>} : memref<64x128xf32, #tpu.memory_space<vmem>>, vector<1x16xf32>,
      %get3A_545 = vector.shape_cast %get3A_544 : vector<1x16xf32> to vector<16xf32>
      %add3A_546 = arith.constant 64 : i32
      %add3A_547 = arith.addi %add3A_546, %scan3A_470 : i32
      %get3A_548 = arith.constant 0 : i32
      %get3A_549 = arith.constant 0 : i32
      %get3A_550 = tpu.memref_slice %arg9[%scan3A_461, %get3A_548, %get3A_549] : memref<2x128x128xf32, #tpu.memory_space<vmem>> -> memref<1x128x128xf32, #tpu.memory_space<vmem>>
      %get3A_551 = tpu.memref_squeeze %get3A_550 : memref<1x128x128xf32, #tpu.memory_space<vmem>> -> memref<128x128xf32, #tpu.memory_space<vmem>>
      %get3A_552 = arith.index_cast %add3A_547 : i32 to index
      %get3A_553 = arith.constant 32 : index
      %get3A_554 = tpu.vector_load %get3A_551[%get3A_552, %get3A_553] {strides = array<i32>} : memref<128x128xf32, #tpu.memory_space<vmem>>, vector<1x16xf32>,
      %get3A_555 = vector.shape_cast %get3A_554 : vector<1x16xf32> to vector<16xf32>
      %sub3A_556 = arith.subf %get3A_537, %get3A_555 : vector<16xf32>
      %add3A_557 = arith.addf %sub3A_556, %get3A_545 : vector<16xf32>
      %mul3A_558 = arith.mulf %add3A_557, %add3A_557 : vector<16xf32>
      %add3A_559 = arith.addf %add3A_529, %mul3A_558 : vector<16xf32>
      %get3A_560 = arith.constant 0 : i32
      %get3A_561 = arith.constant 0 : i32
      %get3A_562 = tpu.memref_slice %arg9[%scan3A_461, %get3A_560, %get3A_561] : memref<2x128x128xf32, #tpu.memory_space<vmem>> -> memref<1x128x128xf32, #tpu.memory_space<vmem>>
      %get3A_563 = tpu.memref_squeeze %get3A_562 : memref<1x128x128xf32, #tpu.memory_space<vmem>> -> memref<128x128xf32, #tpu.memory_space<vmem>>
      %get3A_564 = arith.index_cast %scan3A_470 : i32 to index
      %get3A_565 = arith.constant 48 : index
      %get3A_566 = tpu.vector_load %get3A_563[%get3A_564, %get3A_565] {strides = array<i32>} : memref<128x128xf32, #tpu.memory_space<vmem>>, vector<1x16xf32>,
      %get3A_567 = vector.shape_cast %get3A_566 : vector<1x16xf32> to vector<16xf32>
      %get3A_568 = arith.constant 0 : i32
      %get3A_569 = arith.constant 0 : i32
      %get3A_570 = tpu.memref_slice %arg10[%scan3A_462, %get3A_568, %get3A_569] : memref<2x64x128xf32, #tpu.memory_space<vmem>> -> memref<1x64x128xf32, #tpu.memory_space<vmem>>
      %get3A_571 = tpu.memref_squeeze %get3A_570 : memref<1x64x128xf32, #tpu.memory_space<vmem>> -> memref<64x128xf32, #tpu.memory_space<vmem>>
      %get3A_572 = arith.index_cast %scan3A_470 : i32 to index
      %get3A_573 = arith.constant 48 : index
      %get3A_574 = tpu.vector_load %get3A_571[%get3A_572, %get3A_573] {strides = array<i32>} : memref<64x128xf32, #tpu.memory_space<vmem>>, vector<1x16xf32>,
      %get3A_575 = vector.shape_cast %get3A_574 : vector<1x16xf32> to vector<16xf32>
      %add3A_576 = arith.constant 64 : i32
      %add3A_577 = arith.addi %add3A_576, %scan3A_470 : i32
      %get3A_578 = arith.constant 0 : i32
      %get3A_579 = arith.constant 0 : i32
      %get3A_580 = tpu.memref_slice %arg9[%scan3A_461, %get3A_578, %get3A_579] : memref<2x128x128xf32, #tpu.memory_space<vmem>> -> memref<1x128x128xf32, #tpu.memory_space<vmem>>
      %get3A_581 = tpu.memref_squeeze %get3A_580 : memref<1x128x128xf32, #tpu.memory_space<vmem>> -> memref<128x128xf32, #tpu.memory_space<vmem>>
      %get3A_582 = arith.index_cast %add3A_577 : i32 to index
      %get3A_583 = arith.constant 48 : index
      %get3A_584 = tpu.vector_load %get3A_581[%get3A_582, %get3A_583] {strides = array<i32>} : memref<128x128xf32, #tpu.memory_space<vmem>>, vector<1x16xf32>,
      %get3A_585 = vector.shape_cast %get3A_584 : vector<1x16xf32> to vector<16xf32>
      %sub3A_586 = arith.subf %get3A_567, %get3A_585 : vector<16xf32>
      %add3A_587 = arith.addf %sub3A_586, %get3A_575 : vector<16xf32>
      %mul3A_588 = arith.mulf %add3A_587, %add3A_587 : vector<16xf32>
      %add3A_589 = arith.addf %add3A_559, %mul3A_588 : vector<16xf32>
      %get3A_590 = arith.constant 0 : i32
      %get3A_591 = arith.constant 0 : i32
      %get3A_592 = tpu.memref_slice %arg9[%scan3A_461, %get3A_590, %get3A_591] : memref<2x128x128xf32, #tpu.memory_space<vmem>> -> memref<1x128x128xf32, #tpu.memory_space<vmem>>
      %get3A_593 = tpu.memref_squeeze %get3A_592 : memref<1x128x128xf32, #tpu.memory_space<vmem>> -> memref<128x128xf32, #tpu.memory_space<vmem>>
      %get3A_594 = arith.index_cast %scan3A_470 : i32 to index
      %get3A_595 = arith.constant 64 : index
      %get3A_596 = tpu.vector_load %get3A_593[%get3A_594, %get3A_595] {strides = array<i32>} : memref<128x128xf32, #tpu.memory_space<vmem>>, vector<1x16xf32>,
      %get3A_597 = vector.shape_cast %get3A_596 : vector<1x16xf32> to vector<16xf32>
      %get3A_598 = arith.constant 0 : i32
      %get3A_599 = arith.constant 0 : i32
      %get3A_600 = tpu.memref_slice %arg10[%scan3A_462, %get3A_598, %get3A_599] : memref<2x64x128xf32, #tpu.memory_space<vmem>> -> memref<1x64x128xf32, #tpu.memory_space<vmem>>
      %get3A_601 = tpu.memref_squeeze %get3A_600 : memref<1x64x128xf32, #tpu.memory_space<vmem>> -> memref<64x128xf32, #tpu.memory_space<vmem>>
      %get3A_602 = arith.index_cast %scan3A_470 : i32 to index
      %get3A_603 = arith.constant 64 : index
      %get3A_604 = tpu.vector_load %get3A_601[%get3A_602, %get3A_603] {strides = array<i32>} : memref<64x128xf32, #tpu.memory_space<vmem>>, vector<1x16xf32>,
      %get3A_605 = vector.shape_cast %get3A_604 : vector<1x16xf32> to vector<16xf32>
      %add3A_606 = arith.constant 64 : i32
      %add3A_607 = arith.addi %add3A_606, %scan3A_470 : i32
      %get3A_608 = arith.constant 0 : i32
      %get3A_609 = arith.constant 0 : i32
      %get3A_610 = tpu.memref_slice %arg9[%scan3A_461, %get3A_608, %get3A_609] : memref<2x128x128xf32, #tpu.memory_space<vmem>> -> memref<1x128x128xf32, #tpu.memory_space<vmem>>
      %get3A_611 = tpu.memref_squeeze %get3A_610 : memref<1x128x128xf32, #tpu.memory_space<vmem>> -> memref<128x128xf32, #tpu.memory_space<vmem>>
      %get3A_612 = arith.index_cast %add3A_607 : i32 to index
      %get3A_613 = arith.constant 64 : index
      %get3A_614 = tpu.vector_load %get3A_611[%get3A_612, %get3A_613] {strides = array<i32>} : memref<128x128xf32, #tpu.memory_space<vmem>>, vector<1x16xf32>,
      %get3A_615 = vector.shape_cast %get3A_614 : vector<1x16xf32> to vector<16xf32>
      %sub3A_616 = arith.subf %get3A_597, %get3A_615 : vector<16xf32>
      %add3A_617 = arith.addf %sub3A_616, %get3A_605 : vector<16xf32>
      %mul3A_618 = arith.mulf %add3A_617, %add3A_617 : vector<16xf32>
      %add3A_619 = arith.addf %add3A_589, %mul3A_618 : vector<16xf32>
      %get3A_620 = arith.constant 0 : i32
      %get3A_621 = arith.constant 0 : i32
      %get3A_622 = tpu.memref_slice %arg9[%scan3A_461, %get3A_620, %get3A_621] : memref<2x128x128xf32, #tpu.memory_space<vmem>> -> memref<1x128x128xf32, #tpu.memory_space<vmem>>
      %get3A_623 = tpu.memref_squeeze %get3A_622 : memref<1x128x128xf32, #tpu.memory_space<vmem>> -> memref<128x128xf32, #tpu.memory_space<vmem>>
      %get3A_624 = arith.index_cast %scan3A_470 : i32 to index
      %get3A_625 = arith.constant 80 : index
      %get3A_626 = tpu.vector_load %get3A_623[%get3A_624, %get3A_625] {strides = array<i32>} : memref<128x128xf32, #tpu.memory_space<vmem>>, vector<1x16xf32>,
      %get3A_627 = vector.shape_cast %get3A_626 : vector<1x16xf32> to vector<16xf32>
      %get3A_628 = arith.constant 0 : i32
      %get3A_629 = arith.constant 0 : i32
      %get3A_630 = tpu.memref_slice %arg10[%scan3A_462, %get3A_628, %get3A_629] : memref<2x64x128xf32, #tpu.memory_space<vmem>> -> memref<1x64x128xf32, #tpu.memory_space<vmem>>
      %get3A_631 = tpu.memref_squeeze %get3A_630 : memref<1x64x128xf32, #tpu.memory_space<vmem>> -> memref<64x128xf32, #tpu.memory_space<vmem>>
      %get3A_632 = arith.index_cast %scan3A_470 : i32 to index
      %get3A_633 = arith.constant 80 : index
      %get3A_634 = tpu.vector_load %get3A_631[%get3A_632, %get3A_633] {strides = array<i32>} : memref<64x128xf32, #tpu.memory_space<vmem>>, vector<1x16xf32>,
      %get3A_635 = vector.shape_cast %get3A_634 : vector<1x16xf32> to vector<16xf32>
      %add3A_636 = arith.constant 64 : i32
      %add3A_637 = arith.addi %add3A_636, %scan3A_470 : i32
      %get3A_638 = arith.constant 0 : i32
      %get3A_639 = arith.constant 0 : i32
      %get3A_640 = tpu.memref_slice %arg9[%scan3A_461, %get3A_638, %get3A_639] : memref<2x128x128xf32, #tpu.memory_space<vmem>> -> memref<1x128x128xf32, #tpu.memory_space<vmem>>
      %get3A_641 = tpu.memref_squeeze %get3A_640 : memref<1x128x128xf32, #tpu.memory_space<vmem>> -> memref<128x128xf32, #tpu.memory_space<vmem>>
      %get3A_642 = arith.index_cast %add3A_637 : i32 to index
      %get3A_643 = arith.constant 80 : index
      %get3A_644 = tpu.vector_load %get3A_641[%get3A_642, %get3A_643] {strides = array<i32>} : memref<128x128xf32, #tpu.memory_space<vmem>>, vector<1x16xf32>,
      %get3A_645 = vector.shape_cast %get3A_644 : vector<1x16xf32> to vector<16xf32>
      %sub3A_646 = arith.subf %get3A_627, %get3A_645 : vector<16xf32>
      %add3A_647 = arith.addf %sub3A_646, %get3A_635 : vector<16xf32>
      %mul3A_648 = arith.mulf %add3A_647, %add3A_647 : vector<16xf32>
      %add3A_649 = arith.addf %add3A_619, %mul3A_648 : vector<16xf32>
      %get3A_650 = arith.constant 0 : i32
      %get3A_651 = arith.constant 0 : i32
      %get3A_652 = tpu.memref_slice %arg9[%scan3A_461, %get3A_650, %get3A_651] : memref<2x128x128xf32, #tpu.memory_space<vmem>> -> memref<1x128x128xf32, #tpu.memory_space<vmem>>
      %get3A_653 = tpu.memref_squeeze %get3A_652 : memref<1x128x128xf32, #tpu.memory_space<vmem>> -> memref<128x128xf32, #tpu.memory_space<vmem>>
      %get3A_654 = arith.index_cast %scan3A_470 : i32 to index
      %get3A_655 = arith.constant 96 : index
      %get3A_656 = tpu.vector_load %get3A_653[%get3A_654, %get3A_655] {strides = array<i32>} : memref<128x128xf32, #tpu.memory_space<vmem>>, vector<1x16xf32>,
      %get3A_657 = vector.shape_cast %get3A_656 : vector<1x16xf32> to vector<16xf32>
      %get3A_658 = arith.constant 0 : i32
      %get3A_659 = arith.constant 0 : i32
      %get3A_660 = tpu.memref_slice %arg10[%scan3A_462, %get3A_658, %get3A_659] : memref<2x64x128xf32, #tpu.memory_space<vmem>> -> memref<1x64x128xf32, #tpu.memory_space<vmem>>
      %get3A_661 = tpu.memref_squeeze %get3A_660 : memref<1x64x128xf32, #tpu.memory_space<vmem>> -> memref<64x128xf32, #tpu.memory_space<vmem>>
      %get3A_662 = arith.index_cast %scan3A_470 : i32 to index
      %get3A_663 = arith.constant 96 : index
      %get3A_664 = tpu.vector_load %get3A_661[%get3A_662, %get3A_663] {strides = array<i32>} : memref<64x128xf32, #tpu.memory_space<vmem>>, vector<1x16xf32>,
      %get3A_665 = vector.shape_cast %get3A_664 : vector<1x16xf32> to vector<16xf32>
      %add3A_666 = arith.constant 64 : i32
      %add3A_667 = arith.addi %add3A_666, %scan3A_470 : i32
      %get3A_668 = arith.constant 0 : i32
      %get3A_669 = arith.constant 0 : i32
      %get3A_670 = tpu.memref_slice %arg9[%scan3A_461, %get3A_668, %get3A_669] : memref<2x128x128xf32, #tpu.memory_space<vmem>> -> memref<1x128x128xf32, #tpu.memory_space<vmem>>
      %get3A_671 = tpu.memref_squeeze %get3A_670 : memref<1x128x128xf32, #tpu.memory_space<vmem>> -> memref<128x128xf32, #tpu.memory_space<vmem>>
      %get3A_672 = arith.index_cast %add3A_667 : i32 to index
      %get3A_673 = arith.constant 96 : index
      %get3A_674 = tpu.vector_load %get3A_671[%get3A_672, %get3A_673] {strides = array<i32>} : memref<128x128xf32, #tpu.memory_space<vmem>>, vector<1x16xf32>,
      %get3A_675 = vector.shape_cast %get3A_674 : vector<1x16xf32> to vector<16xf32>
      %sub3A_676 = arith.subf %get3A_657, %get3A_675 : vector<16xf32>
      %add3A_677 = arith.addf %sub3A_676, %get3A_665 : vector<16xf32>
      %mul3A_678 = arith.mulf %add3A_677, %add3A_677 : vector<16xf32>
      %add3A_679 = arith.addf %add3A_649, %mul3A_678 : vector<16xf32>
      %get3A_680 = arith.constant 0 : i32
      %get3A_681 = arith.constant 0 : i32
      %get3A_682 = tpu.memref_slice %arg9[%scan3A_461, %get3A_680, %get3A_681] : memref<2x128x128xf32, #tpu.memory_space<vmem>> -> memref<1x128x128xf32, #tpu.memory_space<vmem>>
      %get3A_683 = tpu.memref_squeeze %get3A_682 : memref<1x128x128xf32, #tpu.memory_space<vmem>> -> memref<128x128xf32, #tpu.memory_space<vmem>>
      %get3A_684 = arith.index_cast %scan3A_470 : i32 to index
      %get3A_685 = arith.constant 112 : index
      %get3A_686 = tpu.vector_load %get3A_683[%get3A_684, %get3A_685] {strides = array<i32>} : memref<128x128xf32, #tpu.memory_space<vmem>>, vector<1x16xf32>,
      %get3A_687 = vector.shape_cast %get3A_686 : vector<1x16xf32> to vector<16xf32>
      %get3A_688 = arith.constant 0 : i32
      %get3A_689 = arith.constant 0 : i32
      %get3A_690 = tpu.memref_slice %arg10[%scan3A_462, %get3A_688, %get3A_689] : memref<2x64x128xf32, #tpu.memory_space<vmem>> -> memref<1x64x128xf32, #tpu.memory_space<vmem>>
      %get3A_691 = tpu.memref_squeeze %get3A_690 : memref<1x64x128xf32, #tpu.memory_space<vmem>> -> memref<64x128xf32, #tpu.memory_space<vmem>>
      %get3A_692 = arith.index_cast %scan3A_470 : i32 to index
      %get3A_693 = arith.constant 112 : index
      %get3A_694 = tpu.vector_load %get3A_691[%get3A_692, %get3A_693] {strides = array<i32>} : memref<64x128xf32, #tpu.memory_space<vmem>>, vector<1x16xf32>,
      %get3A_695 = vector.shape_cast %get3A_694 : vector<1x16xf32> to vector<16xf32>
      %add3A_696 = arith.constant 64 : i32
      %add3A_697 = arith.addi %add3A_696, %scan3A_470 : i32
      %get3A_698 = arith.constant 0 : i32
      %get3A_699 = arith.constant 0 : i32
      %get3A_700 = tpu.memref_slice %arg9[%scan3A_461, %get3A_698, %get3A_699] : memref<2x128x128xf32, #tpu.memory_space<vmem>> -> memref<1x128x128xf32, #tpu.memory_space<vmem>>
      %get3A_701 = tpu.memref_squeeze %get3A_700 : memref<1x128x128xf32, #tpu.memory_space<vmem>> -> memref<128x128xf32, #tpu.memory_space<vmem>>
      %get3A_702 = arith.index_cast %add3A_697 : i32 to index
      %get3A_703 = arith.constant 112 : index
      %get3A_704 = tpu.vector_load %get3A_701[%get3A_702, %get3A_703] {strides = array<i32>} : memref<128x128xf32, #tpu.memory_space<vmem>>, vector<1x16xf32>,
      %get3A_705 = vector.shape_cast %get3A_704 : vector<1x16xf32> to vector<16xf32>
      %sub3A_706 = arith.subf %get3A_687, %get3A_705 : vector<16xf32>
      %add3A_707 = arith.addf %sub3A_706, %get3A_695 : vector<16xf32>
      %mul3A_708 = arith.mulf %add3A_707, %add3A_707 : vector<16xf32>
      %add3A_709 = arith.addf %add3A_679, %mul3A_708 : vector<16xf32>
      %mul3A_710 = arith.constant 16 : i32
      %mul3A_711 = arith.muli %scan3A_470, %mul3A_710 : i32
      %add3A_712 = arith.constant 1024 : i32
      %add3A_713 = arith.addi %add3A_712, %mul3A_711 : i32
      %swap3A = arith.constant 3 : i32
      %swap3A_714 = arith.index_cast %swap3A : i32 to index
      %swap3A_715 = arith.index_cast %add3A_713 : i32 to index
      %swap3A_716 = tpu.vector_load %arg11[%swap3A_714, %swap3A_715] {strides = array<i32>} : memref<4x2048xf32, #tpu.memory_space<vmem>>, vector<1x16xf32>,
      %swap3A_717 = vector.shape_cast %swap3A_716 : vector<1x16xf32> to vector<16xf32>
      %swap3A_718 = vector.shape_cast %add3A_709 : vector<16xf32> to vector<1x16xf32>
      tpu.vector_store %arg11[%swap3A_714, %swap3A_715], %swap3A_718 {strides = array<i32>} : memref<4x2048xf32, #tpu.memory_space<vmem>>, vector<1x16xf32>,
    }
    %scan3A_467 = arith.constant 64 : i32
    %mul3A_468 = arith.constant 4 : i32
    %mul3A_469 = arith.muli %mul3A_468, %add3A : i32
    "tpu.region"() ({
      %run_scoped3A = tpu.sem_alloc : memref<!tpu.dma_semaphore, #tpu.memory_space<semaphore_mem>>
      %dma_start3A_470 = arith.constant 0 : i32
      %dma_start3A_471 = tpu.memref_slice %arg6[%mul3A_469, %dma_start3A_470] : memref<128x2048xf32, #tpu.memory_space<hbm>> -> memref<4x2048xf32, #tpu.memory_space<hbm>>
      %dma_start3A_472 = arith.constant 0 : i32
      %dma_start3A_473 = tpu.memref_slice %arg6[%mul3A_469, %dma_start3A_472] : memref<128x2048xf32, #tpu.memory_space<hbm>> -> memref<4x2048xf32, #tpu.memory_space<hbm>>
      tpu.enqueue_dma source(%arg11 : memref<4x2048xf32, #tpu.memory_space<vmem>>) target(%dma_start3A_473 : memref<4x2048xf32, #tpu.memory_space<hbm>>) target_semaphore(%run_scoped3A : memref<!tpu.dma_semaphore, #tpu.memory_space<semaphore_mem>>)
      %dma_wait3A_474 = arith.constant 0 : i32
      %dma_wait3A_475 = tpu.memref_slice %arg6[%mul3A_469, %dma_wait3A_474] : memref<128x2048xf32, #tpu.memory_space<hbm>> -> memref<4x2048xf32, #tpu.memory_space<hbm>>
      %dma_wait3A_476 = arith.constant 0 : i32
      %dma_wait3A_477 = tpu.memref_slice %arg6[%mul3A_469, %dma_wait3A_476] : memref<128x2048xf32, #tpu.memory_space<hbm>> -> memref<4x2048xf32, #tpu.memory_space<hbm>>
      tpu.wait_dma2 semaphore(%run_scoped3A : memref<!tpu.dma_semaphore, #tpu.memory_space<semaphore_mem>>) src(%arg11 : memref<4x2048xf32, #tpu.memory_space<vmem>>) dst(%dma_wait3A_477 : memref<4x2048xf32, #tpu.memory_space<hbm>>)
      tpu.yield
    }) : () -> ()
    return
  }
}

module attributes {stable_mosaic.version = 14 : i64} {
  func.func @_tc_finish_body(%arg0: memref<128x2048xf32, #tpu.memory_space<vmem>>, %arg1: memref<2048x128xbf16, #tpu.memory_space<vmem>>, %arg2: memref<128x128xf32, #tpu.memory_space<vmem>>) attributes {dimension_semantics = [], scalar_prefetch = 0 : i64, scratch_operands = 0 : i64, tpu.core_type = #tpu.core_type<tc>} {
    %get3A = arith.constant 0 : index
    %get3A_0 = arith.constant 0 : index
    %get3A_1 = vector.load %arg0[%get3A, %get3A_0] : memref<128x2048xf32, #tpu.memory_space<vmem>>, vector<128x2048xf32>
    %convert_element_type3A = arith.truncf %get3A_1 : vector<128x2048xf32> to vector<128x2048xbf16>
    %get3A_2 = arith.constant 0 : index
    %get3A_3 = arith.constant 0 : index
    %get3A_4 = vector.load %arg1[%get3A_2, %get3A_3] : memref<2048x128xbf16, #tpu.memory_space<vmem>>, vector<2048x128xbf16>
    %dot_general3A = arith.constant dense<0.000000e+00> : vector<128x128xf32>
    %dot_general3A_5 = tpu.matmul %convert_element_type3A, %get3A_4, %dot_general3A {dimension_numbers = #tpu.dot_dimension_numbers<[1], [0], [0], [1], [0, 0, 1, 1], [], []>, transpose_lhs_hint = false} : vector<128x2048xbf16>, vector<2048x128xbf16>, vector<128x128xf32> -> vector<128x128xf32>
    %sqrt3A = math.sqrt %dot_general3A_5 : vector<128x128xf32>
    %swap3A = arith.constant 0 : index
    %swap3A_6 = arith.constant 0 : index
    %swap3A_7 = vector.load %arg2[%swap3A, %swap3A_6] : memref<128x128xf32, #tpu.memory_space<vmem>>, vector<128x128xf32>
    tpu.vector_store %arg2[%swap3A, %swap3A_6], %sqrt3A {strides = array<i32>} : memref<128x128xf32, #tpu.memory_space<vmem>>, vector<128x128xf32>,
    return
  }
}

</mosaic_0001>

<sc_bundles>
// kernel: kernel.4.cloned.1.call-start
scs
__scs_entry_jumppad:
0x0: {  	(pc) =	sbr.rel $0x88, $3  }
0x1: {  	(tag) =	ssettag $0x0;
	lr =	simm.s32 $0x1  }
0x2: {  	[smem:$0x3F9C] =	sst lr;
	_ =	strace $0xD0000000  }
0x3: {  	_ = 	snop  }
0x4: {  	_ = 	snop  }
0x5: {  	_ = 	snop  }
0x6: {  	_ = 	snop  }
0x7: {  	_ = 	snop  }
__scs_overlays_trampoline_lowered:
0x8: {  	[smem:$0x3FAB] =	sst s0  }
0x9: {  	[smem:$0x3FAC] =	sst s1  }
0xa: {  	[smem:$0x3FAD] =	sst s2  }
0xb: {  	[smem:$0x3FAE] =	sst s3  }
0xc: {  	[smem:$0x3FAF] =	sst s4  }
0xd: {  	[smem:$0x3FB0] =	sst s5  }
0xe: {  	[smem:$0x3FB1] =	sst s6  }
0xf: {  	[smem:$0x3FB2] =	sst s7  }
0x10: {  	[smem:$0x3FB3] =	sst s8  }
0x11: {  	[smem:$0x3FB4] =	sst s9;
	s0 =	simm.s32 @!p0 $0x0  }
0x12: {  	s1 =	sld [smem:$0x3F9A];
	s0 =	simm.s32 @p0 $0x1  }
0x13: {  	[smem:$0x3FB5] =	sst s0;
	s0 =	simm.s32 @!p1 $0x0  }
0x14: {  	s2 =	sld [smem:$0x3F99];
	s0 =	simm.s32 @p1 $0x1  }
0x15: {  	[smem:$0x3FB6] =	sst s0;
	s0 =	simm.s32 @!p2 $0x0  }
0x16: {  	s3 =	sld [smem:$0x3FDB];
	s0 =	simm.s32 @p2 $0x1  }
0x17: {  	s4 =	simm.s32 $0x1BF5;
	[smem:$0x3FB8] =	sst s0  }
0x18: {  	s0 =	sld [smem:$0x3F9B];
	_ =	swait.ge [sflag:s4], $0x0  }
0x19: {  	s7 =	sld [smem:$0x3F9C]  }
0x1a: {  	s8 =	sadd.s32 $0xFFFFE003, lr  }
0x1b: {  	s9 =	sadd.s32 $0xFFFFFEF7, lr;
	s5 =	simm.s32 $0xFFFFFFFF;
	p2 =	slt.u32 s8, $0xFFFFF086  }
0x1c: {  	p1 =	slt.u32 s9, $0xF7A;
	s5 =	simm.s32 @!p2 $0x0  }
0x1d: {  	s5 =	simm.s32 @p1 $0x1;
	p0 =	seq.s32 s7, s2  }
0x1e: {  	s7 =	smul.u32 @!p0 $0xF7A, s2;
	p2 =	seq.s32 @!p0 s5, $0x0  }
0x1f: {  	s9 =	smul.u32 $0xF7A, s1;
	s8 =	simm.s32 @!p0 $0x1BF5;
	p2 =	por !p2, p0  }
0x20: {  	[sflag:s8] =	ssyncset.s32 @!p0 $0xFFFFF086;
	s6 =	sadd.s32 @!p0 s3, s7;
	s7 =	simm.s32 @!p0 $0x108  }
0x21: {  	s3 =	sadd.s32 s3, s9;
	s6 =	sadd.s32 @!p0 $0x88, s6;
	s7 =	simm.s32 @p2 $0x1082  }
0x22: {  	[simem:s7], [sflag:s8] =	dma.local @!p0 [hbm:s6], $0xF7A  }
0x23: {  	s9 =	sor.u32 $0xD0000000, s2;
	s6 =	simm.s32 $0x108;
	_ =	swait.ge @!p0 [sflag:s8], $0x0  }
0x24: {  	s3 =	sadd.s32 $0x88, s3;
	s6 =	simm.s32 @!p1 $0x1082;
	[sflag:s4] =	ssyncset.s32 $0xFFFFF086  }
0x25: {  	[simem:s6], [sflag:s4] =	dma.local [hbm:s3], $0xF7A  }
0x26: {  	[smem:$0x3F9C] =	sst s1;
	(tag) =	ssettag s2;
	_ =	strace s9  }
0x27: {  	s1 =	sld [smem:$0x3FAC]  }
0x28: {  	s2 =	sld [smem:$0x3FAD]  }
0x29: {  	s4 =	sld [smem:$0x3FAF]  }
0x2a: {  	p0 =	seq.s32 s5, $0x0;
	s5 =	sld [smem:$0x3FB0]  }
0x2b: {  	s6 =	sld [smem:$0x3FB1]  }
0x2c: {  	s7 =	sld [smem:$0x3FB2]  }
0x2d: {  	s3 =	simm.s32 $0x108;
	s8 =	sld [smem:$0x3FB3]  }
0x2e: {  	s3 =	simm.s32 @!p0 $0x1082;
	s9 =	sld [smem:$0x3FB4]  }
0x2f: {  	lr =	sadd.s32 s0, s3;
	s0 =	sld [smem:$0x3FAB]  }
0x30: {  	s3 =	sld [smem:$0x3FAE]  }
0x31: {  	[smem:$0x3FB7] =	sst s10  }
0x32: {  	s10 =	sld [smem:$0x3FB5];
	_ =	sdelay $0x3  }
0x33: {  	p0 =	seq.s32 s10, $0x1;
	s10 =	sld [smem:$0x3FB7];
	_ =	sdelay $0x3  }
0x34: {  	[smem:$0x3FB7] =	sst s10  }
0x35: {  	s10 =	sld [smem:$0x3FB6];
	_ =	sdelay $0x3  }
0x36: {  	p1 =	seq.s32 s10, $0x1;
	s10 =	sld [smem:$0x3FB7];
	_ =	sdelay $0x3  }
0x37: {  	[smem:$0x3FB7] =	sst s10  }
0x38: {  	s10 =	sld [smem:$0x3FB8]  }
0x39: {  	_ = 	snop;
	(pc) =	sbr.ind lr, $3  }
0x3a: {  	_ = 	snop  }
0x3b: {  	_ = 	snop  }
0x3c: {  	p2 =	seq.s32 s10, $0x1;
	s10 =	sld [smem:$0x3FB7]  }
0x3d: {  	_ =	shalt  }
0x3e: {  	_ =	shalt  }
0x3f: {  	_ =	shalt  }
0x40: {  	_ =	shalt  }
0x41: {  	_ =	shalt  }
0x42: {  	_ =	shalt  }
0x43: {  	_ =	shalt  }
0x44: {  	_ =	shalt  }
0x45: {  	_ =	shalt  }
0x46: {  	_ =	shalt  }
0x47: {  	_ =	shalt  }
0x48: {  	_ =	shalt  }
0x49: {  	_ =	shalt  }
0x4a: {  	_ =	shalt  }
0x4b: {  	_ =	shalt  }
0x4c: {  	_ =	shalt  }
0x4d: {  	_ =	shalt  }
0x4e: {  	_ =	shalt  }
0x4f: {  	_ =	shalt  }
0x50: {  	_ =	shalt  }
0x51: {  	_ =	shalt  }
0x52: {  	_ =	shalt  }
0x53: {  	_ =	shalt  }
0x54: {  	_ =	shalt  }
0x55: {  	_ =	shalt  }
0x56: {  	_ =	shalt  }
0x57: {  	_ =	shalt  }
0x58: {  	_ =	shalt  }
0x59: {  	_ =	shalt  }
0x5a: {  	_ =	shalt  }
0x5b: {  	_ =	shalt  }
0x5c: {  	_ =	shalt  }
0x5d: {  	_ =	shalt  }
0x5e: {  	_ =	shalt  }
0x5f: {  	_ =	shalt  }
0x60: {  	_ =	shalt  }
0x61: {  	_ =	shalt  }
0x62: {  	_ =	shalt  }
0x63: {  	_ =	shalt  }
0x64: {  	_ =	shalt  }
0x65: {  	_ =	shalt  }
0x66: {  	_ =	shalt  }
0x67: {  	_ =	shalt  }
0x68: {  	_ =	shalt  }
0x69: {  	_ =	shalt  }
0x6a: {  	_ =	shalt  }
0x6b: {  	_ =	shalt  }
0x6c: {  	_ =	shalt  }
0x6d: {  	_ =	shalt  }
0x6e: {  	_ =	shalt  }
0x6f: {  	_ =	shalt  }
0x70: {  	_ =	shalt  }
0x71: {  	_ =	shalt  }
0x72: {  	_ =	shalt  }
0x73: {  	_ =	shalt  }
0x74: {  	_ =	shalt  }
0x75: {  	_ =	shalt  }
0x76: {  	_ =	shalt  }
0x77: {  	_ =	shalt  }
0x78: {  	_ =	shalt  }
0x79: {  	_ =	shalt  }
0x7a: {  	_ =	shalt  }
0x7b: {  	_ =	shalt  }
0x7c: {  	_ =	shalt  }
0x7d: {  	_ =	shalt  }
0x7e: {  	_ =	shalt  }
0x7f: {  	_ =	shalt  }
0x80: {  	_ =	shalt  }
0x81: {  	_ =	shalt  }
0x82: {  	_ =	shalt  }
0x83: {  	_ =	shalt  }
0x84: {  	_ =	shalt  }
0x85: {  	_ =	shalt  }
0x86: {  	_ =	shalt  }
0x87: {  	_ =	shalt  }
.Lfunc_end0:
.L_simem_size_0:
called_computation_lowered:
.L_overlay_start_0:
0x88: {  	s2 =	sld [smem:$0x3FD9]  }
0x89: {  	s3 =	sld [smem:$0x3FFE];
	_ =	sdelay $0x1  }
0x8a: {  	s1 =	srdreg.scid  }
0x8b: {  	s0 =	sand.u32 $0x1, s1  }
0x8c: {  	s17 =	sshll.u32 s0, $0xA;
	s2 =	sadd.s32 s3, s2  }
0x8d: {  	s2 =	sadd.s32 s2, s17  }
0x8e: {  	[smem:$0x3FC3] =	sst s2  }
0x8f: {  	_ = 	snop  }
0x90: {  	s2 =	sld [smem:$0x3FC9]  }
0x91: {  	s18 =	sld [smem:$0x3FC8];
	(tm) =	ssettm $0x1  }
0x92: {  	s4 =	sld [smem:$0x3FFB];
	_ =	sdelay $0x3  }
0x93: {  	_ =	strace s4  }
0x94: {  	s4 =	sld [smem:$0x3FFC];
	_ =	sdelay $0x3  }
0x95: {  	_ =	strace s4  }
0x96: {  	s4 =	sld [smem:$0x3FFD];
	_ =	sdelay $0x3  }
0x97: {  	_ =	strace s4  }
0x98: {  	_ =	strace $0x8FFFFFFF  }
0x99: {  	s19 =	sld [smem:$0x3FDB];
	_ =	sdelay $0x1  }
0x9a: {  	s5 =	simm.s32 $_scs_section_size  }
0x9b: {  	s6 =	simm.s32 $_size__tile_overlayer_lowered;
	s7 =	simm.s32 $_tile_overlayer_lowered  }
0x9c: {  	s22 =	simm.s32 $0x1BFF;
	s21 =	sshll.u32 s7, $0x1;
	s4 =	sadd.s32 s5, s19  }
0x9d: {  	s8 =	simm.s32 $0x0;
	s20 =	sshll.u32 s6, $0x1;
	s6 =	sadd.s32 s21, s4  }
0x9e: {  	[timem:s8], [sflag:s22] =	dma.local [hbm:s6], s20  }
0x9f: {  	_ =	swait.ge [sflag:s22], s20  }
0xa0: {  	s5 =	ssub.s32 $0x0, s20;
	[sflag:s22] =	ssyncset.done $0x0  }
0xa1: {  	[sflag:s22] =	ssyncadd.s32 s5;
	_ =	sdelay $0x1  }
0xa2: {  	s23 =	simm.s32 $0x1B8B  }
0xa3: {  	_ =	swait.ge [sflag:s23], $0x1  }
0xa4: {  	[sflag:s23] =	ssyncset.done $0x0  }
0xa5: {  	s25 =	simm.s32 $0x1B8E;
	s24 =	sld [smem:$0x3FFE];
	[sflag:s23] =	ssyncadd.s32 $0xFFFFFFFF  }
0xa6: {  	s26 =	simm.s32 $execute0_lowered;
	[smem:$0x3FD2] =	sst s25  }
0xa7: {  	s6 =	sshll.u32 s26, $0x1;
	_ =	strace $0x80000046;
	[dreg:$0x1] =	wrdreg $0xFFFFFFFF  }
0xa8: {  	s28 =	simm.s32 $_size_execute0_lowered;
	s4 =	sadd.s32 s4, s6;
	[dreg:$0x0] =	wrdreg $0x0  }
0xa9: {  	s6 =	sshll.u32 s28, $0x1;
	[dreg:$0x2] =	wrdreg s4  }
0xaa: {  	[dreg:$0x3] =	wrdreg s6  }
0xab: {  	[dreg:$0x4] =	wrdreg $0xC0  }
0xac: {  	_ =	task [dreg:s8], $0x5FFFF  }
0xad: {  	[dreg:$0x1] =	wrdreg $0xFFFFFFFF  }
0xae: {  	[dreg:$0x0] =	wrdreg $0x60  }
0xaf: {  	[dreg:$0x2] =	wrdreg s2  }
0xb0: {  	[dreg:$0x3] =	wrdreg s18  }
0xb1: {  	[dreg:$0x4] =	wrdreg s24  }
0xb2: {  	[dreg:$0x5] =	wrdreg $0x9  }
0xb3: {  	_ =	task.clear_ibuf [dreg:s8], $0x6FFFF;
	_ =	strace $0x90000046  }
0xb4: {  	s29 =	simm.s32 $0x9;
	_ =	strace $0x80000048  }
0xb5: {  	_ =	swait.ge [sflag:s29], $0x1  }
0xb6: {  	[sflag:s29] =	ssyncadd.s32 $0xFFFFFFFF  }
0xb7: {  	_ =	strace $0x90000048  }
0xb8: {  	_ =	sfence  }
0xb9: {  	s30 =	sld [smem:$0x0];
	_ =	sdelay $0x2  }
0xba: {  	s31 =	sshll.u32 s1, $0xD;
	s1 =	sshrl.u32 s1, $0x2  }
0xbb: {  	s3 =	sand.u32 $0x4000, s31;
	s1 =	sadd.s32 s1, s30  }
0xbc: {  	s0 =	sor.u32 s3, s0;
	s1 =	sshll.u32 s1, $0x11  }
0xbd: {  	s0 =	sor.u32 s1, s0  }
0xbe: {  	s0 =	sadd.s32 $0x8F2B, s0  }
0xbf: {  	[sflag:s0] =	ssyncadd.remote.s32 $0x1  }
0xc0: {  	_ =	sfence.sel $0xFFFF  }
0xc1: {  	[dreg:$0x0] =	wrdreg $0xFFFFFFFF;
	(pc) =	sbr.abs _section_cstart, $3  }
0xc2: {  	[dreg:$0x1] =	wrdreg $0xFFFFFFFF  }
0xc3: {  	_ =	task.clear_ibuf [dreg:s8], $0x2FFFF;
	_ =	strace $0x9FFFFFFF  }
0xc4: {  	(tm) =	ssettm $0x7FFFFFFF  }
0xc5: {  	_ =	shalt  }
tec
execute0_lowered:
.L_overlay_start_1:
0x0: {  	(tag) =	ssettag $0x1  }
0x1: {  	s1 =	rddreg [dreg:$0x0]  }
0x2: {  	s2 =	rddreg [dreg:$0x1]  }
0x3: {  	s0 =	rddreg [dreg:$0x2];
	s4 =	simm.s32 $0x0;
	s3 =	srdreg.scid  }
0x4: {  	s8 =	stileid.u32;
	s9 =	simm.s32 $0x400;
	s10 =	simm.s32 $0x1  }
0x5: {  	s11 =	simm.s32 $0x80;
	s12 =	simm.s32 $0x800;
	s13 =	simm.s32 $0x40  }
0x6: {  	s14 =	simm.s32 $0x8800;
	s15 =	simm.s32 $0x4800;
	s17 =	simm.s32 $0xA800  }
0x7: {  	s18 =	simm.s32 $0x2;
	s21 =	simm.s32 $0x3;
	s24 =	simm.s32 $0x200  }
0x8: {  	s30 =	simm.s32 $0x700;
	s31 =	simm.s32 $0x380;
	s16 =	simm.s32 $0x4  }
0x9: {  	s19 =	simm.s32 $0x0;
	[smem:$0x7FF] =	sst s4;
	s3 =	sand.u32 $0x1, s3  }
0xa: {  	s5 =	sshll.u32 s8, $0x8;
	s8 =	sshll.u32 s8, $0xB;
	_ =	strace $0x80000047  }
0xb: {  	s6 =	sshll.u32 s3, $0x7;
	s28 =	sshll.u32 s3, $0x6;
	s3 =	ssub.s32 $0x2, s3  }
0xc: {  	s5 =	sor.u32 s6, s5;
	s6 =	sadd.s32 s28, s0;
	s7 =	sshrl.u32 s3, $0x1  }
0xd: {  	s0 =	sadd.s32 s5, s0;
	s3 =	ssub.s32 s3, s7;
	s29 =	sadd.s32 s8, s6  }
0xe: {  	s5 =	sadd.s32 $0x1800, s0;
	s6 =	sadd.s32 $0x800, s0;
	s7 =	sadd.s32 $0x2800, s29  }
0xf: {  	s8 =	smax.u32 s3, $0x1;
	s0 =	simm.s32 $0x780;
	s3 =	simm.s32 $0xC800  }
.LBB2_1:
0x10: {  	[tilespmem:s4], [sflag:$0x1] =	stream.linear.gather [hbm4b:s5+s4], $0x400, $0x38;
	[tilespmem:$0xE800] =	vst v63  }
0x11: {  	_ = 	snop  }
0x12: {  	[tilespmem:s9], [sflag:$0x1] =	stream.linear.gather [hbm4b:s6+s4], $0x400, $0x38;
	[tilespmem:$0xE800] =	vst v63  }
0x13: {  	_ =	swait.ge [sflag:s10], $0x400  }
0x14: {  	[sflag:s10] =	ssyncset.done $0x0  }
0x15: {  	[sflag:s10] =	ssyncadd.s32 $0xFFFFFC00  }
0x16: {  	_ =	swait.ge [sflag:s10], $0x400  }
0x17: {  	[sflag:s10] =	ssyncset.done $0x0  }
0x18: {  	[sflag:s10] =	ssyncadd.s32 $0xFFFFFC00  }
0x19: {  	[tilespmem:s12], [sflag:$0x2] =	stream.indirect.gather [hbm4b:s1+s11], $0x80, s4, s11, $0xb8;
	[tilespmem:$0xE800] =	vst v63  }
0x1a: {  	_ = 	snop  }
0x1b: {  	[tilespmem:s14], [sflag:$0x2] =	stream.indirect.gather [hbm4b:s2+s13], $0x80, s9, s13, $0xb8;
	[tilespmem:$0xE800] =	vst v63  }
0x1c: {  	_ = 	snop  }
0x1d: {  	[tilespmem:s15], [sflag:$0x3] =	stream.indirect.gather [hbm4b:s1+s11], $0x80, s11, s11, $0xb8;
	[tilespmem:$0xE800] =	vst v63  }
0x1e: {  	s20 =	simm.s32 $0x480  }
0x1f: {  	[tilespmem:s17], [sflag:$0x3] =	stream.indirect.gather [hbm4b:s2+s13], $0x80, s20, s13, $0xb8;
	[tilespmem:$0xE800] =	vst v63  }
0x20: {  	_ =	swait.ge [sflag:s18], $0x4000  }
0x21: {  	[sflag:s18] =	ssyncset.done $0x0  }
0x22: {  	[sflag:s18] =	ssyncadd.s32 $0xFFFFC000  }
0x23: {  	_ =	swait.ge [sflag:s18], $0x2000  }
0x24: {  	[sflag:s18] =	ssyncset.done $0x0  }
0x25: {  	s26 =	simm.s32 $0x2800;
	[sflag:s18] =	ssyncadd.s32 $0xFFFFE000  }
0x26: {  	v0 =	vld [tilespmem:s26+$0xFFFFE070]  }
0x27: {  	v1 =	vld [tilespmem:s26+$0xFFFFE060]  }
0x28: {  	v2 =	vld [tilespmem:s26+$0xFFFFE050]  }
0x29: {  	v3 =	vld [tilespmem:s26+$0xFFFFE040]  }
0x2a: {  	s22 =	simm.s32 $0x8840;
	v4 =	vld [tilespmem:s26+$0xFFFFE030]  }
0x2b: {  	v5 =	vld [tilespmem:s22+$0xFFFFFFC0]  }
0x2c: {  	v6 =	vld [tilespmem:s26+$0xFFFFE020]  }
0x2d: {  	v7 =	vld [tilespmem:s26+$0x0]  }
0x2e: {  	v8 =	vld [tilespmem:s26+$0xFFFFE000]  }
0x2f: {  	v9 =	vld [tilespmem:s26+$0xFFFFE010]  }
0x30: {  	v10 =	vld [tilespmem:s26+$0x10]  }
0x31: {  	v11 =	vld [tilespmem:s26+$0x20]  }
0x32: {  	v12 =	vld [tilespmem:s22+$0xFFFFFFD0]  }
0x33: {  	v13 =	vld [tilespmem:s26+$0x30]  }
0x34: {  	v14 =	vld [tilespmem:s22+$0xFFFFFFE0]  }
0x35: {  	v7 =	vsub.f32 v8, v7;
	v8 =	vsub.f32 v9, v10;
	v9 =	vld [tilespmem:s26+$0x40]  }
0x36: {  	v6 =	vsub.f32 v6, v11;
	v10 =	vld [tilespmem:s22+$0xFFFFFFF0]  }
0x37: {  	v5 =	vadd.f32 v7, v5;
	v7 =	vadd.f32 v8, v12;
	v8 =	vld [tilespmem:s26+$0x50]  }
0x38: {  	v4 =	vsub.f32 v4, v13;
	v11 =	vld [tilespmem:s22+$0x0]  }
0x39: {  	v63 =	vld [tilespmem:s26+$0x60];
	v6 =	vadd.f32 v6, v14;
	v5 =	vmul.f32 v5, v5;
	v7 =	vmul.f32 v7, v7  }
0x3a: {  	v3 =	vsub.f32 v3, v9;
	v9 =	vld [tilespmem:s22+$0x10]  }
0x3b: {  	v6 =	vmul.f32 v6, v6;
	v4 =	vadd.f32 v4, v10;
	v5 =	vadd.f32 v7, v5;
	v7 =	vld [tilespmem:s26+$0x70]  }
0x3c: {  	v2 =	vsub.f32 v2, v8;
	v8 =	vld [tilespmem:s22+$0x20]  }
0x3d: {  	v4 =	vmul.f32 v4, v4;
	v3 =	vadd.f32 v3, v11;
	v5 =	vadd.f32 v6, v5  }
0x3e: {  	v1 =	vsub.f32 v1, v63;
	v6 =	vld [tilespmem:s22+$0x30]  }
0x3f: {  	v3 =	vmul.f32 v3, v3;
	v4 =	vadd.f32 v4, v5;
	v2 =	vadd.f32 v2, v9  }
0x40: {  	v0 =	vsub.f32 v0, v7  }
0x41: {  	v3 =	vadd.f32 v3, v4;
	v2 =	vmul.f32 v2, v2;
	v1 =	vadd.f32 v1, v8;
	_ =	sdelay $0x1  }
0x42: {  	v0 =	vadd.f32 v0, v6;
	v2 =	vadd.f32 v2, v3;
	v1 =	vmul.f32 v1, v1;
	_ =	sdelay $0x1  }
0x43: {  	v0 =	vmul.f32 v0, v0;
	v1 =	vadd.f32 v1, v2;
	_ =	sdelay $0x1  }
0x44: {  	s28 =	sand.u32 $0x70, s4;
	s29 =	sand.u32 $0xE00, s4;
	v0 =	vadd.f32 v0, v1  }
0x45: {  	s20 =	sor.u32 s28, s29  }
0x46: {  	s25 =	simm.s32 $0x2880;
	[tilespmem:s20+$0xC800] =	vst v0  }
0x47: {  	v0 =	vld [tilespmem:s25+$0xFFFFE070]  }
0x48: {  	v1 =	vld [tilespmem:s25+$0xFFFFE060]  }
0x49: {  	v2 =	vld [tilespmem:s25+$0xFFFFE050]  }
0x4a: {  	v3 =	vld [tilespmem:s25+$0xFFFFE040]  }
0x4b: {  	s23 =	simm.s32 $0x88C0;
	v4 =	vld [tilespmem:s25+$0xFFFFE030]  }
0x4c: {  	v5 =	vld [tilespmem:s23+$0xFFFFFFC0]  }
0x4d: {  	v6 =	vld [tilespmem:s25+$0xFFFFE020]  }
0x4e: {  	v7 =	vld [tilespmem:s25+$0x0]  }
0x4f: {  	v8 =	vld [tilespmem:s25+$0xFFFFE000]  }
0x50: {  	v9 =	vld [tilespmem:s25+$0xFFFFE010]  }
0x51: {  	s26 =	simm.s32 $0x20;
	s22 =	simm.s32 $0x0;
	s20 =	simm.s32 $0x10;
	v10 =	vld [tilespmem:s25+$0x10]  }
.LBB2_2:
0x52: {  	p0 =	sne.s32 s26, $0x3F0;
	v11 =	vld [tilespmem:s25+$0x20]  }
0x53: {  	v12 =	vld [tilespmem:s23+$0xFFFFFFD0]  }
0x54: {  	v13 =	vld [tilespmem:s25+$0x30]  }
0x55: {  	v14 =	vld [tilespmem:s23+$0xFFFFFFE0]  }
0x56: {  	v7 =	vsub.f32 v8, v7;
	v8 =	vsub.f32 v9, v10;
	v9 =	vld [tilespmem:s25+$0x40]  }
0x57: {  	v6 =	vsub.f32 v6, v11;
	v10 =	vld [tilespmem:s23+$0xFFFFFFF0]  }
0x58: {  	v5 =	vadd.f32 v7, v5;
	v7 =	vadd.f32 v8, v12;
	v8 =	vld [tilespmem:s25+$0x50]  }
0x59: {  	v4 =	vsub.f32 v4, v13;
	v11 =	vld [tilespmem:s23+$0x0]  }
0x5a: {  	v5 =	vmul.f32 v5, v5;
	v7 =	vmul.f32 v7, v7;
	v6 =	vadd.f32 v6, v14;
	v12 =	vld [tilespmem:s25+$0x60]  }
0x5b: {  	v3 =	vsub.f32 v3, v9;
	v9 =	vld [tilespmem:s23+$0x10]  }
0x5c: {  	v5 =	vadd.f32 v7, v5;
	v6 =	vmul.f32 v6, v6;
	v4 =	vadd.f32 v4, v10;
	v7 =	vld [tilespmem:s25+$0x70]  }
0x5d: {  	v2 =	vsub.f32 v2, v8;
	v8 =	vld [tilespmem:s23+$0x20]  }
0x5e: {  	v5 =	vadd.f32 v6, v5;
	v4 =	vmul.f32 v4, v4;
	v3 =	vadd.f32 v3, v11  }
0x5f: {  	v1 =	vsub.f32 v1, v12;
	v6 =	vld [tilespmem:s23+$0x30]  }
0x60: {  	v4 =	vadd.f32 v4, v5;
	v3 =	vmul.f32 v3, v3;
	v2 =	vadd.f32 v2, v9  }
0x61: {  	v0 =	vsub.f32 v0, v7  }
0x62: {  	v3 =	vadd.f32 v3, v4;
	v2 =	vmul.f32 v2, v2;
	v1 =	vadd.f32 v1, v8;
	_ =	sdelay $0x1  }
0x63: {  	v2 =	vadd.f32 v2, v3;
	v1 =	vmul.f32 v1, v1;
	v0 =	vadd.f32 v0, v6;
	_ =	sdelay $0x1  }
0x64: {  	v1 =	vadd.f32 v1, v2;
	v0 =	vmul.f32 v0, v0  }
0x65: {  	s22 =	sadd.s32 $0x40, s22  }
0x66: {  	s28 =	sand.u32 $0x70, s20;
	s20 =	smov.u32 s26;
	s29 =	sand.u32 $0xE00, s22;
	v0 =	vadd.f32 v0, v1  }
0x67: {  	s28 =	sor.u32 s28, s29  }
0x68: {  	s25 =	sadd.s32 $0x80, s25;
	[tilespmem:s28+$0xC800] =	vst v0  }
0x69: {  	v0 =	vld [tilespmem:s25+$0xFFFFE070]  }
0x6a: {  	v1 =	vld [tilespmem:s25+$0xFFFFE060]  }
0x6b: {  	v2 =	vld [tilespmem:s25+$0xFFFFE050]  }
0x6c: {  	v3 =	vld [tilespmem:s25+$0xFFFFE040]  }
0x6d: {  	s23 =	sadd.s32 $0x80, s23;
	v4 =	vld [tilespmem:s25+$0xFFFFE030]  }
0x6e: {  	v5 =	vld [tilespmem:s23+$0xFFFFFFC0]  }
.Ltmp0:
0x6f: {  	v6 =	vld [tilespmem:s25+$0xFFFFE020];
	(pc) =	sbr.rel @p0 .LBB2_2-.Ltmp0, $4  }
0x70: {  	v7 =	vld [tilespmem:s25+$0x0]  }
0x71: {  	v8 =	vld [tilespmem:s25+$0xFFFFE000]  }
0x72: {  	v9 =	vld [tilespmem:s25+$0xFFFFE010]  }
0x73: {  	s26 =	sadd.s32 $0x10, s26;
	v10 =	vld [tilespmem:s25+$0x10]  }
0x74: {  	v11 =	vld [tilespmem:s25+$0x20]  }
0x75: {  	v12 =	vld [tilespmem:s23+$0xFFFFFFD0]  }
0x76: {  	v13 =	vld [tilespmem:s25+$0x30]  }
0x77: {  	v14 =	vld [tilespmem:s23+$0xFFFFFFE0];
	v7 =	vsub.f32 v8, v7  }
0x78: {  	v8 =	vsub.f32 v9, v10;
	v9 =	vld [tilespmem:s25+$0x40]  }
0x79: {  	v10 =	vld [tilespmem:s23+$0xFFFFFFF0];
	v5 =	vadd.f32 v7, v5  }
0x7a: {  	v6 =	vsub.f32 v6, v11;
	v7 =	vadd.f32 v8, v12;
	v8 =	vld [tilespmem:s25+$0x50]  }
0x7b: {  	v4 =	vsub.f32 v4, v13;
	v11 =	vld [tilespmem:s23+$0x0]  }
0x7c: {  	v59 =	vld [tilespmem:s25+$0x60];
	v5 =	vmul.f32 v5, v5;
	v6 =	vadd.f32 v6, v14;
	v7 =	vmul.f32 v7, v7  }
0x7d: {  	v3 =	vsub.f32 v3, v9;
	v9 =	vld [tilespmem:s23+$0x10]  }
0x7e: {  	v6 =	vmul.f32 v6, v6;
	v4 =	vadd.f32 v4, v10;
	v5 =	vadd.f32 v7, v5;
	v7 =	vld [tilespmem:s25+$0x70]  }
0x7f: {  	v2 =	vsub.f32 v2, v8;
	v8 =	vld [tilespmem:s23+$0x20]  }
0x80: {  	v4 =	vmul.f32 v4, v4;
	v3 =	vadd.f32 v3, v11;
	v5 =	vadd.f32 v6, v5  }
0x81: {  	v1 =	vsub.f32 v1, v59;
	v6 =	vld [tilespmem:s23+$0x30]  }
0x82: {  	v3 =	vmul.f32 v3, v3;
	v4 =	vadd.f32 v4, v5;
	v2 =	vadd.f32 v2, v9  }
0x83: {  	v0 =	vsub.f32 v0, v7  }
0x84: {  	v3 =	vadd.f32 v3, v4;
	v2 =	vmul.f32 v2, v2;
	v1 =	vadd.f32 v1, v8;
	_ =	sdelay $0x1  }
0x85: {  	v0 =	vadd.f32 v0, v6;
	v2 =	vadd.f32 v2, v3;
	v1 =	vmul.f32 v1, v1;
	_ =	sdelay $0x1  }
0x86: {  	v0 =	vmul.f32 v0, v0;
	v1 =	vadd.f32 v1, v2  }
0x87: {  	s22 =	sadd.s32 $0x40, s22  }
0x88: {  	s20 =	sand.u32 $0x70, s20;
	s22 =	sand.u32 $0xE00, s22;
	v0 =	vadd.f32 v0, v1  }
0x89: {  	s20 =	sor.u32 s20, s22  }
0x8a: {  	s23 =	simm.s32 $0x100;
	[tilespmem:s20+$0xC800] =	vst v0  }
0x8b: {  	[tilespmem:s12], [sflag:$0x2] =	stream.indirect.gather [hbm4b:s1+s11], $0x80, s23, s11, $0xb8;
	[tilespmem:$0xE800] =	vst v63  }
0x8c: {  	s25 =	simm.s32 $0x500  }
0x8d: {  	[tilespmem:s14], [sflag:$0x2] =	stream.indirect.gather [hbm4b:s2+s13], $0x80, s25, s13, $0xb8;
	[tilespmem:$0xE800] =	vst v63  }
0x8e: {  	_ =	swait.ge [sflag:s21], $0x4000  }
0x8f: {  	[sflag:s21] =	ssyncset.done $0x0  }
0x90: {  	[sflag:s21] =	ssyncadd.s32 $0xFFFFC000  }
0x91: {  	_ =	swait.ge [sflag:s21], $0x2000  }
0x92: {  	[sflag:s21] =	ssyncset.done $0x0  }
0x93: {  	s26 =	simm.s32 $0x0;
	[sflag:s21] =	ssyncadd.s32 $0xFFFFE000  }
0x94: {  	v0 =	vld [tilespmem:s26+$0x4870]  }
0x95: {  	v1 =	vld [tilespmem:s26+$0x4860]  }
0x96: {  	v2 =	vld [tilespmem:s26+$0x4850]  }
0x97: {  	v3 =	vld [tilespmem:s26+$0x4840]  }
0x98: {  	v4 =	vld [tilespmem:s26+$0x4830]  }
0x99: {  	v5 =	vld [tilespmem:s26+$0xA800]  }
0x9a: {  	v6 =	vld [tilespmem:s26+$0x4820]  }
0x9b: {  	v7 =	vld [tilespmem:s26+$0x6800]  }
0x9c: {  	v8 =	vld [tilespmem:s26+$0x4800]  }
0x9d: {  	v9 =	vld [tilespmem:s26+$0x4810]  }
0x9e: {  	v10 =	vld [tilespmem:s26+$0x6810]  }
0x9f: {  	v11 =	vld [tilespmem:s26+$0x6820]  }
0xa0: {  	v60 =	vld [tilespmem:s26+$0xA810]  }
0xa1: {  	v61 =	vld [tilespmem:s26+$0x6830]  }
0xa2: {  	v62 =	vld [tilespmem:s26+$0xA820]  }
0xa3: {  	v7 =	vsub.f32 v8, v7;
	v8 =	vsub.f32 v9, v10;
	v9 =	vld [tilespmem:s26+$0x6840]  }
0xa4: {  	v6 =	vsub.f32 v6, v11;
	v10 =	vld [tilespmem:s26+$0xA830]  }
0xa5: {  	v5 =	vadd.f32 v7, v5;
	v7 =	vadd.f32 v8, v60;
	v8 =	vld [tilespmem:s26+$0x6850]  }
0xa6: {  	v4 =	vsub.f32 v4, v61;
	v11 =	vld [tilespmem:s26+$0xA840]  }
0xa7: {  	v63 =	vld [tilespmem:s26+$0x6860];
	v6 =	vadd.f32 v6, v62;
	v5 =	vmul.f32 v5, v5;
	v7 =	vmul.f32 v7, v7  }
0xa8: {  	v3 =	vsub.f32 v3, v9;
	v9 =	vld [tilespmem:s26+$0xA850]  }
0xa9: {  	v6 =	vmul.f32 v6, v6;
	v4 =	vadd.f32 v4, v10;
	v5 =	vadd.f32 v7, v5;
	v7 =	vld [tilespmem:s26+$0x6870]  }
0xaa: {  	v2 =	vsub.f32 v2, v8;
	v8 =	vld [tilespmem:s26+$0xA860]  }
0xab: {  	v4 =	vmul.f32 v4, v4;
	v3 =	vadd.f32 v3, v11;
	v5 =	vadd.f32 v6, v5  }
0xac: {  	v1 =	vsub.f32 v1, v63;
	v6 =	vld [tilespmem:s26+$0xA870]  }
0xad: {  	v3 =	vmul.f32 v3, v3;
	v4 =	vadd.f32 v4, v5;
	v2 =	vadd.f32 v2, v9  }
0xae: {  	v0 =	vsub.f32 v0, v7  }
0xaf: {  	v3 =	vadd.f32 v3, v4;
	v2 =	vmul.f32 v2, v2;
	v1 =	vadd.f32 v1, v8;
	_ =	sdelay $0x1  }
0xb0: {  	v0 =	vadd.f32 v0, v6;
	v2 =	vadd.f32 v2, v3;
	v1 =	vmul.f32 v1, v1;
	_ =	sdelay $0x1  }
0xb1: {  	v0 =	vmul.f32 v0, v0;
	v1 =	vadd.f32 v1, v2  }
0xb2: {  	s20 =	simm.s32 $0x0  }
0xb3: {  	s28 =	sand.u32 $0x70, s20;
	s29 =	sand.u32 $0xE00, s20;
	v0 =	vadd.f32 v0, v1  }
0xb4: {  	s22 =	sor.u32 s28, s29  }
0xb5: {  	s23 =	simm.s32 $0x80;
	[tilespmem:s22+$0xD800] =	vst v0  }
0xb6: {  	v0 =	vld [tilespmem:s23+$0x4870]  }
0xb7: {  	v1 =	vld [tilespmem:s23+$0x4860]  }
0xb8: {  	v2 =	vld [tilespmem:s23+$0x4850]  }
0xb9: {  	v3 =	vld [tilespmem:s23+$0x4840]  }
0xba: {  	v4 =	vld [tilespmem:s23+$0x4830]  }
0xbb: {  	v5 =	vld [tilespmem:s23+$0xA800]  }
0xbc: {  	v6 =	vld [tilespmem:s23+$0x4820]  }
0xbd: {  	v7 =	vld [tilespmem:s23+$0x6800]  }
0xbe: {  	v8 =	vld [tilespmem:s23+$0x4800]  }
0xbf: {  	s25 =	simm.s32 $0x400;
	s22 =	simm.s32 $0x0;
	v9 =	vld [tilespmem:s23+$0x4810]  }
.LBB2_4:
0xc0: {  	p0 =	sne.s32 s25, $0x7E00;
	v10 =	vld [tilespmem:s23+$0x6810]  }
0xc1: {  	v11 =	vld [tilespmem:s23+$0x6820]  }
0xc2: {  	v12 =	vld [tilespmem:s23+$0xA810]  }
0xc3: {  	v13 =	vld [tilespmem:s23+$0x6830]  }
0xc4: {  	v14 =	vld [tilespmem:s23+$0xA820]  }
0xc5: {  	v7 =	vsub.f32 v8, v7;
	v8 =	vsub.f32 v9, v10;
	v9 =	vld [tilespmem:s23+$0x6840]  }
0xc6: {  	v6 =	vsub.f32 v6, v11;
	v10 =	vld [tilespmem:s23+$0xA830]  }
0xc7: {  	v5 =	vadd.f32 v7, v5;
	v7 =	vadd.f32 v8, v12;
	v8 =	vld [tilespmem:s23+$0x6850]  }
0xc8: {  	v4 =	vsub.f32 v4, v13;
	v11 =	vld [tilespmem:s23+$0xA840]  }
0xc9: {  	v5 =	vmul.f32 v5, v5;
	v7 =	vmul.f32 v7, v7;
	v6 =	vadd.f32 v6, v14;
	v12 =	vld [tilespmem:s23+$0x6860]  }
0xca: {  	v3 =	vsub.f32 v3, v9;
	v9 =	vld [tilespmem:s23+$0xA850]  }
0xcb: {  	v5 =	vadd.f32 v7, v5;
	v6 =	vmul.f32 v6, v6;
	v4 =	vadd.f32 v4, v10;
	v7 =	vld [tilespmem:s23+$0x6870]  }
0xcc: {  	v2 =	vsub.f32 v2, v8;
	v8 =	vld [tilespmem:s23+$0xA860]  }
0xcd: {  	v5 =	vadd.f32 v6, v5;
	v4 =	vmul.f32 v4, v4;
	v3 =	vadd.f32 v3, v11  }
0xce: {  	v1 =	vsub.f32 v1, v12;
	v6 =	vld [tilespmem:s23+$0xA870]  }
0xcf: {  	v4 =	vadd.f32 v4, v5;
	v3 =	vmul.f32 v3, v3;
	v2 =	vadd.f32 v2, v9  }
0xd0: {  	v0 =	vsub.f32 v0, v7  }
0xd1: {  	v3 =	vadd.f32 v3, v4;
	v2 =	vmul.f32 v2, v2;
	v1 =	vadd.f32 v1, v8;
	_ =	sdelay $0x1  }
0xd2: {  	v2 =	vadd.f32 v2, v3;
	v1 =	vmul.f32 v1, v1;
	v0 =	vadd.f32 v0, v6;
	_ =	sdelay $0x1  }
0xd3: {  	v1 =	vadd.f32 v1, v2;
	v0 =	vmul.f32 v0, v0  }
0xd4: {  	s20 =	sadd.s32 $0x40, s20;
	s22 =	sadd.s32 $0x10, s22  }
0xd5: {  	s26 =	sand.u32 $0xE00, s20;
	s23 =	sand.u32 $0x70, s22;
	v0 =	vadd.f32 v0, v1  }
0xd6: {  	s26 =	sor.u32 s23, s26  }
0xd7: {  	s23 =	sshra.s32 s25, $0x2;
	[tilespmem:s26+$0xD800] =	vst v0  }
0xd8: {  	v0 =	vld [tilespmem:s23+$0x4870]  }
0xd9: {  	v1 =	vld [tilespmem:s23+$0x4860]  }
0xda: {  	v2 =	vld [tilespmem:s23+$0x4850]  }
0xdb: {  	v3 =	vld [tilespmem:s23+$0x4840]  }
0xdc: {  	v4 =	vld [tilespmem:s23+$0x4830]  }
.Ltmp1:
0xdd: {  	v5 =	vld [tilespmem:s23+$0xA800];
	(pc) =	sbr.rel @p0 .LBB2_4-.Ltmp1, $4  }
0xde: {  	v6 =	vld [tilespmem:s23+$0x4820]  }
0xdf: {  	v7 =	vld [tilespmem:s23+$0x6800]  }
0xe0: {  	v8 =	vld [tilespmem:s23+$0x4800]  }
0xe1: {  	s25 =	sadd.s32 $0x200, s25;
	v9 =	vld [tilespmem:s23+$0x4810]  }
0xe2: {  	v10 =	vld [tilespmem:s23+$0x6810]  }
0xe3: {  	v11 =	vld [tilespmem:s23+$0x6820]  }
0xe4: {  	v12 =	vld [tilespmem:s23+$0xA810]  }
0xe5: {  	v13 =	vld [tilespmem:s23+$0x6830]  }
0xe6: {  	v14 =	vld [tilespmem:s23+$0xA820]  }
0xe7: {  	v7 =	vsub.f32 v8, v7;
	v8 =	vsub.f32 v9, v10;
	v9 =	vld [tilespmem:s23+$0x6840]  }
0xe8: {  	v6 =	vsub.f32 v6, v11;
	v10 =	vld [tilespmem:s23+$0xA830]  }
0xe9: {  	v5 =	vadd.f32 v7, v5;
	v7 =	vadd.f32 v8, v12;
	v8 =	vld [tilespmem:s23+$0x6850]  }
0xea: {  	v4 =	vsub.f32 v4, v13;
	v11 =	vld [tilespmem:s23+$0xA840]  }
0xeb: {  	v59 =	vld [tilespmem:s23+$0x6860];
	v5 =	vmul.f32 v5, v5;
	v6 =	vadd.f32 v6, v14;
	v7 =	vmul.f32 v7, v7  }
0xec: {  	v3 =	vsub.f32 v3, v9;
	v9 =	vld [tilespmem:s23+$0xA850]  }
0xed: {  	v6 =	vmul.f32 v6, v6;
	v4 =	vadd.f32 v4, v10;
	v5 =	vadd.f32 v7, v5;
	v7 =	vld [tilespmem:s23+$0x6870]  }
0xee: {  	v2 =	vsub.f32 v2, v8;
	v8 =	vld [tilespmem:s23+$0xA860]  }
0xef: {  	v4 =	vmul.f32 v4, v4;
	v3 =	vadd.f32 v3, v11;
	v5 =	vadd.f32 v6, v5  }
0xf0: {  	v1 =	vsub.f32 v1, v59;
	v6 =	vld [tilespmem:s23+$0xA870]  }
0xf1: {  	v3 =	vmul.f32 v3, v3;
	v4 =	vadd.f32 v4, v5;
	v2 =	vadd.f32 v2, v9  }
0xf2: {  	v0 =	vsub.f32 v0, v7  }
0xf3: {  	v3 =	vadd.f32 v3, v4;
	v2 =	vmul.f32 v2, v2;
	v1 =	vadd.f32 v1, v8;
	_ =	sdelay $0x1  }
0xf4: {  	v0 =	vadd.f32 v0, v6;
	v2 =	vadd.f32 v2, v3;
	v1 =	vmul.f32 v1, v1;
	_ =	sdelay $0x1  }
0xf5: {  	v0 =	vmul.f32 v0, v0;
	v1 =	vadd.f32 v1, v2  }
0xf6: {  	s20 =	sadd.s32 $0x40, s20;
	s22 =	sadd.s32 $0x10, s22  }
0xf7: {  	s22 =	sand.u32 $0x70, s22;
	s20 =	sand.u32 $0xE00, s20;
	v0 =	vadd.f32 v0, v1  }
0xf8: {  	s20 =	sor.u32 s22, s20  }
0xf9: {  	s22 =	simm.s32 $0x180;
	[tilespmem:s20+$0xD800] =	vst v0  }
0xfa: {  	[tilespmem:s15], [sflag:$0x3] =	stream.indirect.gather [hbm4b:s1+s11], $0x80, s22, s11, $0xb8;
	[tilespmem:$0xE800] =	vst v63  }
0xfb: {  	s23 =	simm.s32 $0x580  }
0xfc: {  	[tilespmem:s17], [sflag:$0x3] =	stream.indirect.gather [hbm4b:s2+s13], $0x80, s23, s13, $0xb8;
	[tilespmem:$0xE800] =	vst v63  }
0xfd: {  	_ =	swait.ge [sflag:s18], $0x4000  }
0xfe: {  	[sflag:s18] =	ssyncset.done $0x0  }
0xff: {  	[sflag:s18] =	ssyncadd.s32 $0xFFFFC000  }
0x100: {  	_ =	swait.ge [sflag:s18], $0x2000  }
0x101: {  	[sflag:s18] =	ssyncset.done $0x0  }
0x102: {  	s25 =	simm.s32 $0x2800;
	[sflag:s18] =	ssyncadd.s32 $0xFFFFE000  }
0x103: {  	v0 =	vld [tilespmem:s25+$0xFFFFE070]  }
0x104: {  	v1 =	vld [tilespmem:s25+$0xFFFFE060]  }
0x105: {  	v2 =	vld [tilespmem:s25+$0xFFFFE050]  }
0x106: {  	v3 =	vld [tilespmem:s25+$0xFFFFE040]  }
0x107: {  	s26 =	simm.s32 $0x8840;
	v4 =	vld [tilespmem:s25+$0xFFFFE030]  }
0x108: {  	v5 =	vld [tilespmem:s26+$0xFFFFFFC0]  }
0x109: {  	v6 =	vld [tilespmem:s25+$0xFFFFE020]  }
0x10a: {  	v7 =	vld [tilespmem:s25+$0x0]  }
0x10b: {  	v8 =	vld [tilespmem:s25+$0xFFFFE000]  }
0x10c: {  	v9 =	vld [tilespmem:s25+$0xFFFFE010]  }
0x10d: {  	v10 =	vld [tilespmem:s25+$0x10]  }
0x10e: {  	v11 =	vld [tilespmem:s25+$0x20]  }
0x10f: {  	v60 =	vld [tilespmem:s26+$0xFFFFFFD0]  }
0x110: {  	v61 =	vld [tilespmem:s25+$0x30]  }
0x111: {  	v62 =	vld [tilespmem:s26+$0xFFFFFFE0]  }
0x112: {  	v7 =	vsub.f32 v8, v7;
	v8 =	vsub.f32 v9, v10;
	v9 =	vld [tilespmem:s25+$0x40]  }
0x113: {  	v6 =	vsub.f32 v6, v11;
	v10 =	vld [tilespmem:s26+$0xFFFFFFF0]  }
0x114: {  	v5 =	vadd.f32 v7, v5;
	v7 =	vadd.f32 v8, v60;
	v8 =	vld [tilespmem:s25+$0x50]  }
0x115: {  	v4 =	vsub.f32 v4, v61;
	v11 =	vld [tilespmem:s26+$0x0]  }
0x116: {  	v63 =	vld [tilespmem:s25+$0x60];
	v6 =	vadd.f32 v6, v62;
	v5 =	vmul.f32 v5, v5;
	v7 =	vmul.f32 v7, v7  }
0x117: {  	v3 =	vsub.f32 v3, v9;
	v9 =	vld [tilespmem:s26+$0x10]  }
0x118: {  	v6 =	vmul.f32 v6, v6;
	v4 =	vadd.f32 v4, v10;
	v5 =	vadd.f32 v7, v5;
	v7 =	vld [tilespmem:s25+$0x70]  }
0x119: {  	v2 =	vsub.f32 v2, v8;
	v8 =	vld [tilespmem:s26+$0x20]  }
0x11a: {  	v4 =	vmul.f32 v4, v4;
	v3 =	vadd.f32 v3, v11;
	v5 =	vadd.f32 v6, v5  }
0x11b: {  	v1 =	vsub.f32 v1, v63;
	v6 =	vld [tilespmem:s26+$0x30]  }
0x11c: {  	v3 =	vmul.f32 v3, v3;
	v4 =	vadd.f32 v4, v5;
	v2 =	vadd.f32 v2, v9  }
0x11d: {  	v0 =	vsub.f32 v0, v7  }
0x11e: {  	v3 =	vadd.f32 v3, v4;
	v2 =	vmul.f32 v2, v2;
	v1 =	vadd.f32 v1, v8;
	_ =	sdelay $0x1  }
0x11f: {  	v0 =	vadd.f32 v0, v6;
	v2 =	vadd.f32 v2, v3;
	v1 =	vmul.f32 v1, v1;
	_ =	sdelay $0x1  }
0x120: {  	v0 =	vmul.f32 v0, v0;
	v1 =	vadd.f32 v1, v2  }
0x121: {  	s20 =	simm.s32 $0x0  }
0x122: {  	s28 =	sand.u32 $0x70, s20;
	s29 =	sand.u32 $0xE00, s20;
	v0 =	vadd.f32 v0, v1  }
0x123: {  	s22 =	sor.u32 s28, s29  }
0x124: {  	s25 =	simm.s32 $0x2880;
	[tilespmem:s22+$0xC880] =	vst v0  }
0x125: {  	v0 =	vld [tilespmem:s25+$0xFFFFE070]  }
0x126: {  	v1 =	vld [tilespmem:s25+$0xFFFFE060]  }
0x127: {  	v2 =	vld [tilespmem:s25+$0xFFFFE050]  }
0x128: {  	v3 =	vld [tilespmem:s25+$0xFFFFE040]  }
0x129: {  	s23 =	simm.s32 $0x88C0;
	v4 =	vld [tilespmem:s25+$0xFFFFE030]  }
0x12a: {  	v5 =	vld [tilespmem:s23+$0xFFFFFFC0]  }
0x12b: {  	v6 =	vld [tilespmem:s25+$0xFFFFE020]  }
0x12c: {  	v7 =	vld [tilespmem:s25+$0x0]  }
0x12d: {  	v8 =	vld [tilespmem:s25+$0xFFFFE000]  }
0x12e: {  	v9 =	vld [tilespmem:s25+$0xFFFFE010]  }
0x12f: {  	s26 =	simm.s32 $0x20;
	s22 =	simm.s32 $0x10;
	v10 =	vld [tilespmem:s25+$0x10]  }
.LBB2_6:
0x130: {  	p0 =	sne.s32 s26, $0x3F0;
	v11 =	vld [tilespmem:s25+$0x20]  }
0x131: {  	v12 =	vld [tilespmem:s23+$0xFFFFFFD0]  }
0x132: {  	v13 =	vld [tilespmem:s25+$0x30]  }
0x133: {  	v14 =	vld [tilespmem:s23+$0xFFFFFFE0]  }
0x134: {  	v7 =	vsub.f32 v8, v7;
	v8 =	vsub.f32 v9, v10;
	v9 =	vld [tilespmem:s25+$0x40]  }
0x135: {  	v6 =	vsub.f32 v6, v11;
	v10 =	vld [tilespmem:s23+$0xFFFFFFF0]  }
0x136: {  	v5 =	vadd.f32 v7, v5;
	v7 =	vadd.f32 v8, v12;
	v8 =	vld [tilespmem:s25+$0x50]  }
0x137: {  	v4 =	vsub.f32 v4, v13;
	v11 =	vld [tilespmem:s23+$0x0]  }
0x138: {  	v5 =	vmul.f32 v5, v5;
	v7 =	vmul.f32 v7, v7;
	v6 =	vadd.f32 v6, v14;
	v12 =	vld [tilespmem:s25+$0x60]  }
0x139: {  	v3 =	vsub.f32 v3, v9;
	v9 =	vld [tilespmem:s23+$0x10]  }
0x13a: {  	v5 =	vadd.f32 v7, v5;
	v6 =	vmul.f32 v6, v6;
	v4 =	vadd.f32 v4, v10;
	v7 =	vld [tilespmem:s25+$0x70]  }
0x13b: {  	v2 =	vsub.f32 v2, v8;
	v8 =	vld [tilespmem:s23+$0x20]  }
0x13c: {  	v5 =	vadd.f32 v6, v5;
	v4 =	vmul.f32 v4, v4;
	v3 =	vadd.f32 v3, v11  }
0x13d: {  	v1 =	vsub.f32 v1, v12;
	v6 =	vld [tilespmem:s23+$0x30]  }
0x13e: {  	v4 =	vadd.f32 v4, v5;
	v3 =	vmul.f32 v3, v3;
	v2 =	vadd.f32 v2, v9  }
0x13f: {  	v0 =	vsub.f32 v0, v7  }
0x140: {  	v3 =	vadd.f32 v3, v4;
	v2 =	vmul.f32 v2, v2;
	v1 =	vadd.f32 v1, v8;
	_ =	sdelay $0x1  }
0x141: {  	v2 =	vadd.f32 v2, v3;
	v1 =	vmul.f32 v1, v1;
	v0 =	vadd.f32 v0, v6;
	_ =	sdelay $0x1  }
0x142: {  	v1 =	vadd.f32 v1, v2;
	v0 =	vmul.f32 v0, v0  }
0x143: {  	s20 =	sadd.s32 $0x40, s20  }
0x144: {  	s28 =	sand.u32 $0x70, s22;
	s22 =	smov.u32 s26;
	s29 =	sand.u32 $0xE00, s20;
	v0 =	vadd.f32 v0, v1  }
0x145: {  	s28 =	sor.u32 s28, s29  }
0x146: {  	s25 =	sadd.s32 $0x80, s25;
	[tilespmem:s28+$0xC880] =	vst v0  }
0x147: {  	v0 =	vld [tilespmem:s25+$0xFFFFE070]  }
0x148: {  	v1 =	vld [tilespmem:s25+$0xFFFFE060]  }
0x149: {  	v2 =	vld [tilespmem:s25+$0xFFFFE050]  }
0x14a: {  	v3 =	vld [tilespmem:s25+$0xFFFFE040]  }
0x14b: {  	s23 =	sadd.s32 $0x80, s23;
	v4 =	vld [tilespmem:s25+$0xFFFFE030]  }
0x14c: {  	v5 =	vld [tilespmem:s23+$0xFFFFFFC0]  }
.Ltmp2:
0x14d: {  	v6 =	vld [tilespmem:s25+$0xFFFFE020];
	(pc) =	sbr.rel @p0 .LBB2_6-.Ltmp2, $4  }
0x14e: {  	v7 =	vld [tilespmem:s25+$0x0]  }
0x14f: {  	v8 =	vld [tilespmem:s25+$0xFFFFE000]  }
0x150: {  	v9 =	vld [tilespmem:s25+$0xFFFFE010]  }
0x151: {  	s26 =	sadd.s32 $0x10, s26;
	v10 =	vld [tilespmem:s25+$0x10]  }
0x152: {  	v11 =	vld [tilespmem:s25+$0x20]  }
0x153: {  	v12 =	vld [tilespmem:s23+$0xFFFFFFD0]  }
0x154: {  	v13 =	vld [tilespmem:s25+$0x30]  }
0x155: {  	v14 =	vld [tilespmem:s23+$0xFFFFFFE0];
	v7 =	vsub.f32 v8, v7  }
0x156: {  	v8 =	vsub.f32 v9, v10;
	v9 =	vld [tilespmem:s25+$0x40]  }
0x157: {  	v10 =	vld [tilespmem:s23+$0xFFFFFFF0];
	v5 =	vadd.f32 v7, v5  }
0x158: {  	v6 =	vsub.f32 v6, v11;
	v7 =	vadd.f32 v8, v12;
	v8 =	vld [tilespmem:s25+$0x50]  }
0x159: {  	v4 =	vsub.f32 v4, v13;
	v11 =	vld [tilespmem:s23+$0x0]  }
0x15a: {  	v59 =	vld [tilespmem:s25+$0x60];
	v5 =	vmul.f32 v5, v5;
	v6 =	vadd.f32 v6, v14;
	v7 =	vmul.f32 v7, v7  }
0x15b: {  	v3 =	vsub.f32 v3, v9;
	v9 =	vld [tilespmem:s23+$0x10]  }
0x15c: {  	v6 =	vmul.f32 v6, v6;
	v4 =	vadd.f32 v4, v10;
	v5 =	vadd.f32 v7, v5;
	v7 =	vld [tilespmem:s25+$0x70]  }
0x15d: {  	v2 =	vsub.f32 v2, v8;
	v8 =	vld [tilespmem:s23+$0x20]  }
0x15e: {  	v4 =	vmul.f32 v4, v4;
	v3 =	vadd.f32 v3, v11;
	v5 =	vadd.f32 v6, v5  }
0x15f: {  	v1 =	vsub.f32 v1, v59;
	v6 =	vld [tilespmem:s23+$0x30]  }
0x160: {  	v3 =	vmul.f32 v3, v3;
	v4 =	vadd.f32 v4, v5;
	v2 =	vadd.f32 v2, v9  }
0x161: {  	v0 =	vsub.f32 v0, v7  }
0x162: {  	v3 =	vadd.f32 v3, v4;
	v2 =	vmul.f32 v2, v2;
	v1 =	vadd.f32 v1, v8;
	_ =	sdelay $0x1  }
0x163: {  	v0 =	vadd.f32 v0, v6;
	v2 =	vadd.f32 v2, v3;
	v1 =	vmul.f32 v1, v1;
	_ =	sdelay $0x1  }
0x164: {  	v0 =	vmul.f32 v0, v0;
	v1 =	vadd.f32 v1, v2  }
0x165: {  	s20 =	sadd.s32 $0x40, s20  }
0x166: {  	s22 =	sand.u32 $0x70, s22;
	s20 =	sand.u32 $0xE00, s20;
	v0 =	vadd.f32 v0, v1  }
0x167: {  	s20 =	sor.u32 s22, s20  }
0x168: {  	[tilespmem:s20+$0xC880] =	vst v0  }
0x169: {  	[tilespmem:s12], [sflag:$0x2] =	stream.indirect.gather [hbm4b:s1+s11], $0x80, s24, s11, $0xb8;
	[tilespmem:$0xE800] =	vst v63  }
0x16a: {  	s25 =	simm.s32 $0x600  }
0x16b: {  	[tilespmem:s14], [sflag:$0x2] =	stream.indirect.gather [hbm4b:s2+s13], $0x80, s25, s13, $0xb8;
	[tilespmem:$0xE800] =	vst v63  }
0x16c: {  	_ =	swait.ge [sflag:s21], $0x4000  }
0x16d: {  	[sflag:s21] =	ssyncset.done $0x0  }
0x16e: {  	[sflag:s21] =	ssyncadd.s32 $0xFFFFC000  }
0x16f: {  	_ =	swait.ge [sflag:s21], $0x2000  }
0x170: {  	[sflag:s21] =	ssyncset.done $0x0  }
0x171: {  	s26 =	simm.s32 $0x0;
	[sflag:s21] =	ssyncadd.s32 $0xFFFFE000  }
0x172: {  	v0 =	vld [tilespmem:s26+$0x4870]  }
0x173: {  	v1 =	vld [tilespmem:s26+$0x4860]  }
0x174: {  	v2 =	vld [tilespmem:s26+$0x4850]  }
0x175: {  	v3 =	vld [tilespmem:s26+$0x4840]  }
0x176: {  	v4 =	vld [tilespmem:s26+$0x4830]  }
0x177: {  	v5 =	vld [tilespmem:s26+$0xA800]  }
0x178: {  	v6 =	vld [tilespmem:s26+$0x4820]  }
0x179: {  	v7 =	vld [tilespmem:s26+$0x6800]  }
0x17a: {  	v8 =	vld [tilespmem:s26+$0x4800]  }
0x17b: {  	v9 =	vld [tilespmem:s26+$0x4810]  }
0x17c: {  	v10 =	vld [tilespmem:s26+$0x6810]  }
0x17d: {  	v11 =	vld [tilespmem:s26+$0x6820]  }
0x17e: {  	v60 =	vld [tilespmem:s26+$0xA810]  }
0x17f: {  	v61 =	vld [tilespmem:s26+$0x6830]  }
0x180: {  	v62 =	vld [tilespmem:s26+$0xA820]  }
0x181: {  	v7 =	vsub.f32 v8, v7;
	v8 =	vsub.f32 v9, v10;
	v9 =	vld [tilespmem:s26+$0x6840]  }
0x182: {  	v6 =	vsub.f32 v6, v11;
	v10 =	vld [tilespmem:s26+$0xA830]  }
0x183: {  	v5 =	vadd.f32 v7, v5;
	v7 =	vadd.f32 v8, v60;
	v8 =	vld [tilespmem:s26+$0x6850]  }
0x184: {  	v4 =	vsub.f32 v4, v61;
	v11 =	vld [tilespmem:s26+$0xA840]  }
0x185: {  	v63 =	vld [tilespmem:s26+$0x6860];
	v6 =	vadd.f32 v6, v62;
	v5 =	vmul.f32 v5, v5;
	v7 =	vmul.f32 v7, v7  }
0x186: {  	v3 =	vsub.f32 v3, v9;
	v9 =	vld [tilespmem:s26+$0xA850]  }
0x187: {  	v6 =	vmul.f32 v6, v6;
	v4 =	vadd.f32 v4, v10;
	v5 =	vadd.f32 v7, v5;
	v7 =	vld [tilespmem:s26+$0x6870]  }
0x188: {  	v2 =	vsub.f32 v2, v8;
	v8 =	vld [tilespmem:s26+$0xA860]  }
0x189: {  	v4 =	vmul.f32 v4, v4;
	v3 =	vadd.f32 v3, v11;
	v5 =	vadd.f32 v6, v5  }
0x18a: {  	v1 =	vsub.f32 v1, v63;
	v6 =	vld [tilespmem:s26+$0xA870]  }
0x18b: {  	v3 =	vmul.f32 v3, v3;
	v4 =	vadd.f32 v4, v5;
	v2 =	vadd.f32 v2, v9  }
0x18c: {  	v0 =	vsub.f32 v0, v7  }
0x18d: {  	v3 =	vadd.f32 v3, v4;
	v2 =	vmul.f32 v2, v2;
	v1 =	vadd.f32 v1, v8;
	_ =	sdelay $0x1  }
0x18e: {  	v0 =	vadd.f32 v0, v6;
	v2 =	vadd.f32 v2, v3;
	v1 =	vmul.f32 v1, v1;
	_ =	sdelay $0x1  }
0x18f: {  	v0 =	vmul.f32 v0, v0;
	v1 =	vadd.f32 v1, v2  }
0x190: {  	s20 =	simm.s32 $0x0  }
0x191: {  	s28 =	sand.u32 $0x70, s20;
	s29 =	sand.u32 $0xE00, s20;
	v0 =	vadd.f32 v0, v1  }
0x192: {  	s22 =	sor.u32 s28, s29  }
0x193: {  	s23 =	simm.s32 $0x80;
	[tilespmem:s22+$0xD880] =	vst v0  }
0x194: {  	v0 =	vld [tilespmem:s23+$0x4870]  }
0x195: {  	v1 =	vld [tilespmem:s23+$0x4860]  }
0x196: {  	v2 =	vld [tilespmem:s23+$0x4850]  }
0x197: {  	v3 =	vld [tilespmem:s23+$0x4840]  }
0x198: {  	v4 =	vld [tilespmem:s23+$0x4830]  }
0x199: {  	v5 =	vld [tilespmem:s23+$0xA800]  }
0x19a: {  	v6 =	vld [tilespmem:s23+$0x4820]  }
0x19b: {  	v7 =	vld [tilespmem:s23+$0x6800]  }
0x19c: {  	v8 =	vld [tilespmem:s23+$0x4800]  }
0x19d: {  	s25 =	simm.s32 $0x400;
	s22 =	simm.s32 $0x0;
	v9 =	vld [tilespmem:s23+$0x4810]  }
.LBB2_8:
0x19e: {  	p0 =	sne.s32 s25, $0x7E00;
	v10 =	vld [tilespmem:s23+$0x6810]  }
0x19f: {  	v11 =	vld [tilespmem:s23+$0x6820]  }
0x1a0: {  	v12 =	vld [tilespmem:s23+$0xA810]  }
0x1a1: {  	v13 =	vld [tilespmem:s23+$0x6830]  }
0x1a2: {  	v14 =	vld [tilespmem:s23+$0xA820]  }
0x1a3: {  	v7 =	vsub.f32 v8, v7;
	v8 =	vsub.f32 v9, v10;
	v9 =	vld [tilespmem:s23+$0x6840]  }
0x1a4: {  	v6 =	vsub.f32 v6, v11;
	v10 =	vld [tilespmem:s23+$0xA830]  }
0x1a5: {  	v5 =	vadd.f32 v7, v5;
	v7 =	vadd.f32 v8, v12;
	v8 =	vld [tilespmem:s23+$0x6850]  }
0x1a6: {  	v4 =	vsub.f32 v4, v13;
	v11 =	vld [tilespmem:s23+$0xA840]  }
0x1a7: {  	v5 =	vmul.f32 v5, v5;
	v7 =	vmul.f32 v7, v7;
	v6 =	vadd.f32 v6, v14;
	v12 =	vld [tilespmem:s23+$0x6860]  }
0x1a8: {  	v3 =	vsub.f32 v3, v9;
	v9 =	vld [tilespmem:s23+$0xA850]  }
0x1a9: {  	v5 =	vadd.f32 v7, v5;
	v6 =	vmul.f32 v6, v6;
	v4 =	vadd.f32 v4, v10;
	v7 =	vld [tilespmem:s23+$0x6870]  }
0x1aa: {  	v2 =	vsub.f32 v2, v8;
	v8 =	vld [tilespmem:s23+$0xA860]  }
0x1ab: {  	v5 =	vadd.f32 v6, v5;
	v4 =	vmul.f32 v4, v4;
	v3 =	vadd.f32 v3, v11  }
0x1ac: {  	v1 =	vsub.f32 v1, v12;
	v6 =	vld [tilespmem:s23+$0xA870]  }
0x1ad: {  	v4 =	vadd.f32 v4, v5;
	v3 =	vmul.f32 v3, v3;
	v2 =	vadd.f32 v2, v9  }
0x1ae: {  	v0 =	vsub.f32 v0, v7  }
0x1af: {  	v3 =	vadd.f32 v3, v4;
	v2 =	vmul.f32 v2, v2;
	v1 =	vadd.f32 v1, v8;
	_ =	sdelay $0x1  }
0x1b0: {  	v2 =	vadd.f32 v2, v3;
	v1 =	vmul.f32 v1, v1;
	v0 =	vadd.f32 v0, v6;
	_ =	sdelay $0x1  }
0x1b1: {  	v1 =	vadd.f32 v1, v2;
	v0 =	vmul.f32 v0, v0  }
0x1b2: {  	s20 =	sadd.s32 $0x40, s20;
	s22 =	sadd.s32 $0x10, s22  }
0x1b3: {  	s26 =	sand.u32 $0xE00, s20;
	s23 =	sand.u32 $0x70, s22;
	v0 =	vadd.f32 v0, v1  }
0x1b4: {  	s26 =	sor.u32 s23, s26  }
0x1b5: {  	s23 =	sshra.s32 s25, $0x2;
	[tilespmem:s26+$0xD880] =	vst v0  }
0x1b6: {  	v0 =	vld [tilespmem:s23+$0x4870]  }
0x1b7: {  	v1 =	vld [tilespmem:s23+$0x4860]  }
0x1b8: {  	v2 =	vld [tilespmem:s23+$0x4850]  }
0x1b9: {  	v3 =	vld [tilespmem:s23+$0x4840]  }
0x1ba: {  	v4 =	vld [tilespmem:s23+$0x4830]  }
.Ltmp3:
0x1bb: {  	v5 =	vld [tilespmem:s23+$0xA800];
	(pc) =	sbr.rel @p0 .LBB2_8-.Ltmp3, $4  }
0x1bc: {  	v6 =	vld [tilespmem:s23+$0x4820]  }
0x1bd: {  	v7 =	vld [tilespmem:s23+$0x6800]  }
0x1be: {  	v8 =	vld [tilespmem:s23+$0x4800]  }
0x1bf: {  	s25 =	sadd.s32 $0x200, s25;
	v9 =	vld [tilespmem:s23+$0x4810]  }
0x1c0: {  	v10 =	vld [tilespmem:s23+$0x6810]  }
0x1c1: {  	v11 =	vld [tilespmem:s23+$0x6820]  }
0x1c2: {  	v12 =	vld [tilespmem:s23+$0xA810]  }
0x1c3: {  	v13 =	vld [tilespmem:s23+$0x6830]  }
0x1c4: {  	v14 =	vld [tilespmem:s23+$0xA820]  }
0x1c5: {  	v7 =	vsub.f32 v8, v7;
	v8 =	vsub.f32 v9, v10;
	v9 =	vld [tilespmem:s23+$0x6840]  }
0x1c6: {  	v6 =	vsub.f32 v6, v11;
	v10 =	vld [tilespmem:s23+$0xA830]  }
0x1c7: {  	v5 =	vadd.f32 v7, v5;
	v7 =	vadd.f32 v8, v12;
	v8 =	vld [tilespmem:s23+$0x6850]  }
0x1c8: {  	v4 =	vsub.f32 v4, v13;
	v11 =	vld [tilespmem:s23+$0xA840]  }
0x1c9: {  	v59 =	vld [tilespmem:s23+$0x6860];
	v5 =	vmul.f32 v5, v5;
	v6 =	vadd.f32 v6, v14;
	v7 =	vmul.f32 v7, v7  }
0x1ca: {  	v3 =	vsub.f32 v3, v9;
	v9 =	vld [tilespmem:s23+$0xA850]  }
0x1cb: {  	v6 =	vmul.f32 v6, v6;
	v4 =	vadd.f32 v4, v10;
	v5 =	vadd.f32 v7, v5;
	v7 =	vld [tilespmem:s23+$0x6870]  }
0x1cc: {  	v2 =	vsub.f32 v2, v8;
	v8 =	vld [tilespmem:s23+$0xA860]  }
0x1cd: {  	v4 =	vmul.f32 v4, v4;
	v3 =	vadd.f32 v3, v11;
	v5 =	vadd.f32 v6, v5  }
0x1ce: {  	v1 =	vsub.f32 v1, v59;
	v6 =	vld [tilespmem:s23+$0xA870]  }
0x1cf: {  	v3 =	vmul.f32 v3, v3;
	v4 =	vadd.f32 v4, v5;
	v2 =	vadd.f32 v2, v9  }
0x1d0: {  	v0 =	vsub.f32 v0, v7  }
0x1d1: {  	v3 =	vadd.f32 v3, v4;
	v2 =	vmul.f32 v2, v2;
	v1 =	vadd.f32 v1, v8;
	_ =	sdelay $0x1  }
0x1d2: {  	v0 =	vadd.f32 v0, v6;
	v2 =	vadd.f32 v2, v3;
	v1 =	vmul.f32 v1, v1;
	_ =	sdelay $0x1  }
0x1d3: {  	v0 =	vmul.f32 v0, v0;
	v1 =	vadd.f32 v1, v2  }
0x1d4: {  	s20 =	sadd.s32 $0x40, s20;
	s22 =	sadd.s32 $0x10, s22  }
0x1d5: {  	s22 =	sand.u32 $0x70, s22;
	s20 =	sand.u32 $0xE00, s20;
	v0 =	vadd.f32 v0, v1  }
0x1d6: {  	s20 =	sor.u32 s22, s20  }
0x1d7: {  	s22 =	simm.s32 $0x280;
	[tilespmem:s20+$0xD880] =	vst v0  }
0x1d8: {  	[tilespmem:s15], [sflag:$0x3] =	stream.indirect.gather [hbm4b:s1+s11], $0x80, s22, s11, $0xb8;
	[tilespmem:$0xE800] =	vst v63  }
0x1d9: {  	s23 =	simm.s32 $0x680  }
0x1da: {  	[tilespmem:s17], [sflag:$0x3] =	stream.indirect.gather [hbm4b:s2+s13], $0x80, s23, s13, $0xb8;
	[tilespmem:$0xE800] =	vst v63  }
0x1db: {  	_ =	swait.ge [sflag:s18], $0x4000  }
0x1dc: {  	[sflag:s18] =	ssyncset.done $0x0  }
0x1dd: {  	[sflag:s18] =	ssyncadd.s32 $0xFFFFC000  }
0x1de: {  	_ =	swait.ge [sflag:s18], $0x2000  }
0x1df: {  	[sflag:s18] =	ssyncset.done $0x0  }
0x1e0: {  	s25 =	simm.s32 $0x2800;
	[sflag:s18] =	ssyncadd.s32 $0xFFFFE000  }
0x1e1: {  	v0 =	vld [tilespmem:s25+$0xFFFFE070]  }
0x1e2: {  	v1 =	vld [tilespmem:s25+$0xFFFFE060]  }
0x1e3: {  	v2 =	vld [tilespmem:s25+$0xFFFFE050]  }
0x1e4: {  	v3 =	vld [tilespmem:s25+$0xFFFFE040]  }
0x1e5: {  	s26 =	simm.s32 $0x8840;
	v4 =	vld [tilespmem:s25+$0xFFFFE030]  }
0x1e6: {  	v5 =	vld [tilespmem:s26+$0xFFFFFFC0]  }
0x1e7: {  	v6 =	vld [tilespmem:s25+$0xFFFFE020]  }
0x1e8: {  	v7 =	vld [tilespmem:s25+$0x0]  }
0x1e9: {  	v8 =	vld [tilespmem:s25+$0xFFFFE000]  }
0x1ea: {  	v9 =	vld [tilespmem:s25+$0xFFFFE010]  }
0x1eb: {  	v10 =	vld [tilespmem:s25+$0x10]  }
0x1ec: {  	v11 =	vld [tilespmem:s25+$0x20]  }
0x1ed: {  	v60 =	vld [tilespmem:s26+$0xFFFFFFD0]  }
0x1ee: {  	v61 =	vld [tilespmem:s25+$0x30]  }
0x1ef: {  	v62 =	vld [tilespmem:s26+$0xFFFFFFE0]  }
0x1f0: {  	v7 =	vsub.f32 v8, v7;
	v8 =	vsub.f32 v9, v10;
	v9 =	vld [tilespmem:s25+$0x40]  }
0x1f1: {  	v6 =	vsub.f32 v6, v11;
	v10 =	vld [tilespmem:s26+$0xFFFFFFF0]  }
0x1f2: {  	v5 =	vadd.f32 v7, v5;
	v7 =	vadd.f32 v8, v60;
	v8 =	vld [tilespmem:s25+$0x50]  }
0x1f3: {  	v4 =	vsub.f32 v4, v61;
	v11 =	vld [tilespmem:s26+$0x0]  }
0x1f4: {  	v63 =	vld [tilespmem:s25+$0x60];
	v6 =	vadd.f32 v6, v62;
	v5 =	vmul.f32 v5, v5;
	v7 =	vmul.f32 v7, v7  }
0x1f5: {  	v3 =	vsub.f32 v3, v9;
	v9 =	vld [tilespmem:s26+$0x10]  }
0x1f6: {  	v6 =	vmul.f32 v6, v6;
	v4 =	vadd.f32 v4, v10;
	v5 =	vadd.f32 v7, v5;
	v7 =	vld [tilespmem:s25+$0x70]  }
0x1f7: {  	v2 =	vsub.f32 v2, v8;
	v8 =	vld [tilespmem:s26+$0x20]  }
0x1f8: {  	v4 =	vmul.f32 v4, v4;
	v3 =	vadd.f32 v3, v11;
	v5 =	vadd.f32 v6, v5  }
0x1f9: {  	v1 =	vsub.f32 v1, v63;
	v6 =	vld [tilespmem:s26+$0x30]  }
0x1fa: {  	v3 =	vmul.f32 v3, v3;
	v4 =	vadd.f32 v4, v5;
	v2 =	vadd.f32 v2, v9  }
0x1fb: {  	v0 =	vsub.f32 v0, v7  }
0x1fc: {  	v3 =	vadd.f32 v3, v4;
	v2 =	vmul.f32 v2, v2;
	v1 =	vadd.f32 v1, v8;
	_ =	sdelay $0x1  }
0x1fd: {  	v0 =	vadd.f32 v0, v6;
	v2 =	vadd.f32 v2, v3;
	v1 =	vmul.f32 v1, v1;
	_ =	sdelay $0x1  }
0x1fe: {  	v0 =	vmul.f32 v0, v0;
	v1 =	vadd.f32 v1, v2  }
0x1ff: {  	s20 =	simm.s32 $0x0  }
0x200: {  	s28 =	sand.u32 $0x70, s20;
	s29 =	sand.u32 $0xE00, s20;
	v0 =	vadd.f32 v0, v1  }
0x201: {  	s22 =	sor.u32 s28, s29  }
0x202: {  	s25 =	simm.s32 $0x2880;
	[tilespmem:s22+$0xC900] =	vst v0  }
0x203: {  	v0 =	vld [tilespmem:s25+$0xFFFFE070]  }
0x204: {  	v1 =	vld [tilespmem:s25+$0xFFFFE060]  }
0x205: {  	v2 =	vld [tilespmem:s25+$0xFFFFE050]  }
0x206: {  	v3 =	vld [tilespmem:s25+$0xFFFFE040]  }
0x207: {  	s23 =	simm.s32 $0x88C0;
	v4 =	vld [tilespmem:s25+$0xFFFFE030]  }
0x208: {  	v5 =	vld [tilespmem:s23+$0xFFFFFFC0]  }
0x209: {  	v6 =	vld [tilespmem:s25+$0xFFFFE020]  }
0x20a: {  	v7 =	vld [tilespmem:s25+$0x0]  }
0x20b: {  	v8 =	vld [tilespmem:s25+$0xFFFFE000]  }
0x20c: {  	v9 =	vld [tilespmem:s25+$0xFFFFE010]  }
0x20d: {  	s26 =	simm.s32 $0x20;
	s22 =	simm.s32 $0x10;
	v10 =	vld [tilespmem:s25+$0x10]  }
.LBB2_10:
0x20e: {  	p0 =	sne.s32 s26, $0x3F0;
	v11 =	vld [tilespmem:s25+$0x20]  }
0x20f: {  	v12 =	vld [tilespmem:s23+$0xFFFFFFD0]  }
0x210: {  	v13 =	vld [tilespmem:s25+$0x30]  }
0x211: {  	v14 =	vld [tilespmem:s23+$0xFFFFFFE0]  }
0x212: {  	v7 =	vsub.f32 v8, v7;
	v8 =	vsub.f32 v9, v10;
	v9 =	vld [tilespmem:s25+$0x40]  }
0x213: {  	v6 =	vsub.f32 v6, v11;
	v10 =	vld [tilespmem:s23+$0xFFFFFFF0]  }
0x214: {  	v5 =	vadd.f32 v7, v5;
	v7 =	vadd.f32 v8, v12;
	v8 =	vld [tilespmem:s25+$0x50]  }
0x215: {  	v4 =	vsub.f32 v4, v13;
	v11 =	vld [tilespmem:s23+$0x0]  }
0x216: {  	v5 =	vmul.f32 v5, v5;
	v7 =	vmul.f32 v7, v7;
	v6 =	vadd.f32 v6, v14;
	v12 =	vld [tilespmem:s25+$0x60]  }
0x217: {  	v3 =	vsub.f32 v3, v9;
	v9 =	vld [tilespmem:s23+$0x10]  }
0x218: {  	v5 =	vadd.f32 v7, v5;
	v6 =	vmul.f32 v6, v6;
	v4 =	vadd.f32 v4, v10;
	v7 =	vld [tilespmem:s25+$0x70]  }
0x219: {  	v2 =	vsub.f32 v2, v8;
	v8 =	vld [tilespmem:s23+$0x20]  }
0x21a: {  	v5 =	vadd.f32 v6, v5;
	v4 =	vmul.f32 v4, v4;
	v3 =	vadd.f32 v3, v11  }
0x21b: {  	v1 =	vsub.f32 v1, v12;
	v6 =	vld [tilespmem:s23+$0x30]  }
0x21c: {  	v4 =	vadd.f32 v4, v5;
	v3 =	vmul.f32 v3, v3;
	v2 =	vadd.f32 v2, v9  }
0x21d: {  	v0 =	vsub.f32 v0, v7  }
0x21e: {  	v3 =	vadd.f32 v3, v4;
	v2 =	vmul.f32 v2, v2;
	v1 =	vadd.f32 v1, v8;
	_ =	sdelay $0x1  }
0x21f: {  	v2 =	vadd.f32 v2, v3;
	v1 =	vmul.f32 v1, v1;
	v0 =	vadd.f32 v0, v6;
	_ =	sdelay $0x1  }
0x220: {  	v1 =	vadd.f32 v1, v2;
	v0 =	vmul.f32 v0, v0  }
0x221: {  	s20 =	sadd.s32 $0x40, s20  }
0x222: {  	s28 =	sand.u32 $0x70, s22;
	s22 =	smov.u32 s26;
	s29 =	sand.u32 $0xE00, s20;
	v0 =	vadd.f32 v0, v1  }
0x223: {  	s28 =	sor.u32 s28, s29  }
0x224: {  	s25 =	sadd.s32 $0x80, s25;
	[tilespmem:s28+$0xC900] =	vst v0  }
0x225: {  	v0 =	vld [tilespmem:s25+$0xFFFFE070]  }
0x226: {  	v1 =	vld [tilespmem:s25+$0xFFFFE060]  }
0x227: {  	v2 =	vld [tilespmem:s25+$0xFFFFE050]  }
0x228: {  	v3 =	vld [tilespmem:s25+$0xFFFFE040]  }
0x229: {  	s23 =	sadd.s32 $0x80, s23;
	v4 =	vld [tilespmem:s25+$0xFFFFE030]  }
0x22a: {  	v5 =	vld [tilespmem:s23+$0xFFFFFFC0]  }
.Ltmp4:
0x22b: {  	v6 =	vld [tilespmem:s25+$0xFFFFE020];
	(pc) =	sbr.rel @p0 .LBB2_10-.Ltmp4, $4  }
0x22c: {  	v7 =	vld [tilespmem:s25+$0x0]  }
0x22d: {  	v8 =	vld [tilespmem:s25+$0xFFFFE000]  }
0x22e: {  	v9 =	vld [tilespmem:s25+$0xFFFFE010]  }
0x22f: {  	s26 =	sadd.s32 $0x10, s26;
	v10 =	vld [tilespmem:s25+$0x10]  }
0x230: {  	v11 =	vld [tilespmem:s25+$0x20]  }
0x231: {  	v12 =	vld [tilespmem:s23+$0xFFFFFFD0]  }
0x232: {  	v13 =	vld [tilespmem:s25+$0x30]  }
0x233: {  	v14 =	vld [tilespmem:s23+$0xFFFFFFE0];
	v7 =	vsub.f32 v8, v7  }
0x234: {  	v8 =	vsub.f32 v9, v10;
	v9 =	vld [tilespmem:s25+$0x40]  }
0x235: {  	v10 =	vld [tilespmem:s23+$0xFFFFFFF0];
	v5 =	vadd.f32 v7, v5  }
0x236: {  	v6 =	vsub.f32 v6, v11;
	v7 =	vadd.f32 v8, v12;
	v8 =	vld [tilespmem:s25+$0x50]  }
0x237: {  	v4 =	vsub.f32 v4, v13;
	v11 =	vld [tilespmem:s23+$0x0]  }
0x238: {  	v59 =	vld [tilespmem:s25+$0x60];
	v5 =	vmul.f32 v5, v5;
	v6 =	vadd.f32 v6, v14;
	v7 =	vmul.f32 v7, v7  }
0x239: {  	v3 =	vsub.f32 v3, v9;
	v9 =	vld [tilespmem:s23+$0x10]  }
0x23a: {  	v6 =	vmul.f32 v6, v6;
	v4 =	vadd.f32 v4, v10;
	v5 =	vadd.f32 v7, v5;
	v7 =	vld [tilespmem:s25+$0x70]  }
0x23b: {  	v2 =	vsub.f32 v2, v8;
	v8 =	vld [tilespmem:s23+$0x20]  }
0x23c: {  	v4 =	vmul.f32 v4, v4;
	v3 =	vadd.f32 v3, v11;
	v5 =	vadd.f32 v6, v5  }
0x23d: {  	v1 =	vsub.f32 v1, v59;
	v6 =	vld [tilespmem:s23+$0x30]  }
0x23e: {  	v3 =	vmul.f32 v3, v3;
	v4 =	vadd.f32 v4, v5;
	v2 =	vadd.f32 v2, v9  }
0x23f: {  	v0 =	vsub.f32 v0, v7  }
0x240: {  	v3 =	vadd.f32 v3, v4;
	v2 =	vmul.f32 v2, v2;
	v1 =	vadd.f32 v1, v8;
	_ =	sdelay $0x1  }
0x241: {  	v0 =	vadd.f32 v0, v6;
	v2 =	vadd.f32 v2, v3;
	v1 =	vmul.f32 v1, v1;
	_ =	sdelay $0x1  }
0x242: {  	v0 =	vmul.f32 v0, v0;
	v1 =	vadd.f32 v1, v2  }
0x243: {  	s20 =	sadd.s32 $0x40, s20  }
0x244: {  	s22 =	sand.u32 $0x70, s22;
	s20 =	sand.u32 $0xE00, s20;
	v0 =	vadd.f32 v0, v1  }
0x245: {  	s20 =	sor.u32 s22, s20  }
0x246: {  	s25 =	simm.s32 $0x300;
	[tilespmem:s20+$0xC900] =	vst v0  }
0x247: {  	[tilespmem:s12], [sflag:$0x2] =	stream.indirect.gather [hbm4b:s1+s11], $0x80, s25, s11, $0xb8;
	[tilespmem:$0xE800] =	vst v63  }
0x248: {  	_ = 	snop  }
0x249: {  	[tilespmem:s14], [sflag:$0x2] =	stream.indirect.gather [hbm4b:s2+s13], $0x80, s30, s13, $0xb8;
	[tilespmem:$0xE800] =	vst v63  }
0x24a: {  	_ =	swait.ge [sflag:s21], $0x4000  }
0x24b: {  	[sflag:s21] =	ssyncset.done $0x0  }
0x24c: {  	[sflag:s21] =	ssyncadd.s32 $0xFFFFC000  }
0x24d: {  	_ =	swait.ge [sflag:s21], $0x2000  }
0x24e: {  	[sflag:s21] =	ssyncset.done $0x0  }
0x24f: {  	s26 =	simm.s32 $0x0;
	[sflag:s21] =	ssyncadd.s32 $0xFFFFE000  }
0x250: {  	v0 =	vld [tilespmem:s26+$0x4870]  }
0x251: {  	v1 =	vld [tilespmem:s26+$0x4860]  }
0x252: {  	v2 =	vld [tilespmem:s26+$0x4850]  }
0x253: {  	v3 =	vld [tilespmem:s26+$0x4840]  }
0x254: {  	v4 =	vld [tilespmem:s26+$0x4830]  }
0x255: {  	v5 =	vld [tilespmem:s26+$0xA800]  }
0x256: {  	v6 =	vld [tilespmem:s26+$0x4820]  }
0x257: {  	v7 =	vld [tilespmem:s26+$0x6800]  }
0x258: {  	v8 =	vld [tilespmem:s26+$0x4800]  }
0x259: {  	v9 =	vld [tilespmem:s26+$0x4810]  }
0x25a: {  	v10 =	vld [tilespmem:s26+$0x6810]  }
0x25b: {  	v11 =	vld [tilespmem:s26+$0x6820]  }
0x25c: {  	v60 =	vld [tilespmem:s26+$0xA810]  }
0x25d: {  	v61 =	vld [tilespmem:s26+$0x6830]  }
0x25e: {  	v62 =	vld [tilespmem:s26+$0xA820]  }
0x25f: {  	v7 =	vsub.f32 v8, v7;
	v8 =	vsub.f32 v9, v10;
	v9 =	vld [tilespmem:s26+$0x6840]  }
0x260: {  	v6 =	vsub.f32 v6, v11;
	v10 =	vld [tilespmem:s26+$0xA830]  }
0x261: {  	v5 =	vadd.f32 v7, v5;
	v7 =	vadd.f32 v8, v60;
	v8 =	vld [tilespmem:s26+$0x6850]  }
0x262: {  	v4 =	vsub.f32 v4, v61;
	v11 =	vld [tilespmem:s26+$0xA840]  }
0x263: {  	v63 =	vld [tilespmem:s26+$0x6860];
	v6 =	vadd.f32 v6, v62;
	v5 =	vmul.f32 v5, v5;
	v7 =	vmul.f32 v7, v7  }
0x264: {  	v3 =	vsub.f32 v3, v9;
	v9 =	vld [tilespmem:s26+$0xA850]  }
0x265: {  	v6 =	vmul.f32 v6, v6;
	v4 =	vadd.f32 v4, v10;
	v5 =	vadd.f32 v7, v5;
	v7 =	vld [tilespmem:s26+$0x6870]  }
0x266: {  	v2 =	vsub.f32 v2, v8;
	v8 =	vld [tilespmem:s26+$0xA860]  }
0x267: {  	v4 =	vmul.f32 v4, v4;
	v3 =	vadd.f32 v3, v11;
	v5 =	vadd.f32 v6, v5  }
0x268: {  	v1 =	vsub.f32 v1, v63;
	v6 =	vld [tilespmem:s26+$0xA870]  }
0x269: {  	v3 =	vmul.f32 v3, v3;
	v4 =	vadd.f32 v4, v5;
	v2 =	vadd.f32 v2, v9  }
0x26a: {  	v0 =	vsub.f32 v0, v7  }
0x26b: {  	v3 =	vadd.f32 v3, v4;
	v2 =	vmul.f32 v2, v2;
	v1 =	vadd.f32 v1, v8;
	_ =	sdelay $0x1  }
0x26c: {  	v0 =	vadd.f32 v0, v6;
	v2 =	vadd.f32 v2, v3;
	v1 =	vmul.f32 v1, v1;
	_ =	sdelay $0x1  }
0x26d: {  	v0 =	vmul.f32 v0, v0;
	v1 =	vadd.f32 v1, v2  }
0x26e: {  	s20 =	simm.s32 $0x0  }
0x26f: {  	s28 =	sand.u32 $0x70, s20;
	s29 =	sand.u32 $0xE00, s20;
	v0 =	vadd.f32 v0, v1  }
0x270: {  	s22 =	sor.u32 s28, s29  }
0x271: {  	s23 =	simm.s32 $0x80;
	[tilespmem:s22+$0xD900] =	vst v0  }
0x272: {  	v0 =	vld [tilespmem:s23+$0x4870]  }
0x273: {  	v1 =	vld [tilespmem:s23+$0x4860]  }
0x274: {  	v2 =	vld [tilespmem:s23+$0x4850]  }
0x275: {  	v3 =	vld [tilespmem:s23+$0x4840]  }
0x276: {  	v4 =	vld [tilespmem:s23+$0x4830]  }
0x277: {  	v5 =	vld [tilespmem:s23+$0xA800]  }
0x278: {  	v6 =	vld [tilespmem:s23+$0x4820]  }
0x279: {  	v7 =	vld [tilespmem:s23+$0x6800]  }
0x27a: {  	v8 =	vld [tilespmem:s23+$0x4800]  }
0x27b: {  	s25 =	simm.s32 $0x400;
	s22 =	simm.s32 $0x0;
	v9 =	vld [tilespmem:s23+$0x4810]  }
.LBB2_12:
0x27c: {  	p0 =	sne.s32 s25, $0x7E00;
	v10 =	vld [tilespmem:s23+$0x6810]  }
0x27d: {  	v11 =	vld [tilespmem:s23+$0x6820]  }
0x27e: {  	v12 =	vld [tilespmem:s23+$0xA810]  }
0x27f: {  	v13 =	vld [tilespmem:s23+$0x6830]  }
0x280: {  	v14 =	vld [tilespmem:s23+$0xA820]  }
0x281: {  	v7 =	vsub.f32 v8, v7;
	v8 =	vsub.f32 v9, v10;
	v9 =	vld [tilespmem:s23+$0x6840]  }
0x282: {  	v6 =	vsub.f32 v6, v11;
	v10 =	vld [tilespmem:s23+$0xA830]  }
0x283: {  	v5 =	vadd.f32 v7, v5;
	v7 =	vadd.f32 v8, v12;
	v8 =	vld [tilespmem:s23+$0x6850]  }
0x284: {  	v4 =	vsub.f32 v4, v13;
	v11 =	vld [tilespmem:s23+$0xA840]  }
0x285: {  	v5 =	vmul.f32 v5, v5;
	v7 =	vmul.f32 v7, v7;
	v6 =	vadd.f32 v6, v14;
	v12 =	vld [tilespmem:s23+$0x6860]  }
0x286: {  	v3 =	vsub.f32 v3, v9;
	v9 =	vld [tilespmem:s23+$0xA850]  }
0x287: {  	v5 =	vadd.f32 v7, v5;
	v6 =	vmul.f32 v6, v6;
	v4 =	vadd.f32 v4, v10;
	v7 =	vld [tilespmem:s23+$0x6870]  }
0x288: {  	v2 =	vsub.f32 v2, v8;
	v8 =	vld [tilespmem:s23+$0xA860]  }
0x289: {  	v5 =	vadd.f32 v6, v5;
	v4 =	vmul.f32 v4, v4;
	v3 =	vadd.f32 v3, v11  }
0x28a: {  	v1 =	vsub.f32 v1, v12;
	v6 =	vld [tilespmem:s23+$0xA870]  }
0x28b: {  	v4 =	vadd.f32 v4, v5;
	v3 =	vmul.f32 v3, v3;
	v2 =	vadd.f32 v2, v9  }
0x28c: {  	v0 =	vsub.f32 v0, v7  }
0x28d: {  	v3 =	vadd.f32 v3, v4;
	v2 =	vmul.f32 v2, v2;
	v1 =	vadd.f32 v1, v8;
	_ =	sdelay $0x1  }
0x28e: {  	v2 =	vadd.f32 v2, v3;
	v1 =	vmul.f32 v1, v1;
	v0 =	vadd.f32 v0, v6;
	_ =	sdelay $0x1  }
0x28f: {  	v1 =	vadd.f32 v1, v2;
	v0 =	vmul.f32 v0, v0  }
0x290: {  	s20 =	sadd.s32 $0x40, s20;
	s22 =	sadd.s32 $0x10, s22  }
0x291: {  	s26 =	sand.u32 $0xE00, s20;
	s23 =	sand.u32 $0x70, s22;
	v0 =	vadd.f32 v0, v1  }
0x292: {  	s26 =	sor.u32 s23, s26  }
0x293: {  	s23 =	sshra.s32 s25, $0x2;
	[tilespmem:s26+$0xD900] =	vst v0  }
0x294: {  	v0 =	vld [tilespmem:s23+$0x4870]  }
0x295: {  	v1 =	vld [tilespmem:s23+$0x4860]  }
0x296: {  	v2 =	vld [tilespmem:s23+$0x4850]  }
0x297: {  	v3 =	vld [tilespmem:s23+$0x4840]  }
0x298: {  	v4 =	vld [tilespmem:s23+$0x4830]  }
.Ltmp5:
0x299: {  	v5 =	vld [tilespmem:s23+$0xA800];
	(pc) =	sbr.rel @p0 .LBB2_12-.Ltmp5, $4  }
0x29a: {  	v6 =	vld [tilespmem:s23+$0x4820]  }
0x29b: {  	v7 =	vld [tilespmem:s23+$0x6800]  }
0x29c: {  	v8 =	vld [tilespmem:s23+$0x4800]  }
0x29d: {  	s25 =	sadd.s32 $0x200, s25;
	v9 =	vld [tilespmem:s23+$0x4810]  }
0x29e: {  	v10 =	vld [tilespmem:s23+$0x6810]  }
0x29f: {  	v11 =	vld [tilespmem:s23+$0x6820]  }
0x2a0: {  	v12 =	vld [tilespmem:s23+$0xA810]  }
0x2a1: {  	v13 =	vld [tilespmem:s23+$0x6830]  }
0x2a2: {  	v14 =	vld [tilespmem:s23+$0xA820]  }
0x2a3: {  	v7 =	vsub.f32 v8, v7;
	v8 =	vsub.f32 v9, v10;
	v9 =	vld [tilespmem:s23+$0x6840]  }
0x2a4: {  	v6 =	vsub.f32 v6, v11;
	v10 =	vld [tilespmem:s23+$0xA830]  }
0x2a5: {  	v5 =	vadd.f32 v7, v5;
	v7 =	vadd.f32 v8, v12;
	v8 =	vld [tilespmem:s23+$0x6850]  }
0x2a6: {  	v4 =	vsub.f32 v4, v13;
	v11 =	vld [tilespmem:s23+$0xA840]  }
0x2a7: {  	v59 =	vld [tilespmem:s23+$0x6860];
	v5 =	vmul.f32 v5, v5;
	v6 =	vadd.f32 v6, v14;
	v7 =	vmul.f32 v7, v7  }
0x2a8: {  	v3 =	vsub.f32 v3, v9;
	v9 =	vld [tilespmem:s23+$0xA850]  }
0x2a9: {  	v6 =	vmul.f32 v6, v6;
	v4 =	vadd.f32 v4, v10;
	v5 =	vadd.f32 v7, v5;
	v7 =	vld [tilespmem:s23+$0x6870]  }
0x2aa: {  	v2 =	vsub.f32 v2, v8;
	v8 =	vld [tilespmem:s23+$0xA860]  }
0x2ab: {  	v4 =	vmul.f32 v4, v4;
	v3 =	vadd.f32 v3, v11;
	v5 =	vadd.f32 v6, v5  }
0x2ac: {  	v1 =	vsub.f32 v1, v59;
	v6 =	vld [tilespmem:s23+$0xA870]  }
0x2ad: {  	v3 =	vmul.f32 v3, v3;
	v4 =	vadd.f32 v4, v5;
	v2 =	vadd.f32 v2, v9  }
0x2ae: {  	v0 =	vsub.f32 v0, v7  }
0x2af: {  	v3 =	vadd.f32 v3, v4;
	v2 =	vmul.f32 v2, v2;
	v1 =	vadd.f32 v1, v8;
	_ =	sdelay $0x1  }
0x2b0: {  	v0 =	vadd.f32 v0, v6;
	v2 =	vadd.f32 v2, v3;
	v1 =	vmul.f32 v1, v1;
	_ =	sdelay $0x1  }
0x2b1: {  	v0 =	vmul.f32 v0, v0;
	v1 =	vadd.f32 v1, v2  }
0x2b2: {  	s20 =	sadd.s32 $0x40, s20;
	s22 =	sadd.s32 $0x10, s22  }
0x2b3: {  	s22 =	sand.u32 $0x70, s22;
	s20 =	sand.u32 $0xE00, s20;
	v0 =	vadd.f32 v0, v1  }
0x2b4: {  	s20 =	sor.u32 s22, s20  }
0x2b5: {  	[tilespmem:s20+$0xD900] =	vst v0  }
0x2b6: {  	[tilespmem:s15], [sflag:$0x3] =	stream.indirect.gather [hbm4b:s1+s11], $0x80, s31, s11, $0xb8;
	[tilespmem:$0xE800] =	vst v63  }
0x2b7: {  	_ = 	snop  }
0x2b8: {  	[tilespmem:s17], [sflag:$0x3] =	stream.indirect.gather [hbm4b:s2+s13], $0x80, s0, s13, $0xb8;
	[tilespmem:$0xE800] =	vst v63  }
0x2b9: {  	_ =	swait.ge [sflag:s18], $0x4000  }
0x2ba: {  	[sflag:s18] =	ssyncset.done $0x0  }
0x2bb: {  	[sflag:s18] =	ssyncadd.s32 $0xFFFFC000  }
0x2bc: {  	_ =	swait.ge [sflag:s18], $0x2000  }
0x2bd: {  	[sflag:s18] =	ssyncset.done $0x0  }
0x2be: {  	s25 =	simm.s32 $0x2800;
	[sflag:s18] =	ssyncadd.s32 $0xFFFFE000  }
0x2bf: {  	v0 =	vld [tilespmem:s25+$0xFFFFE070]  }
0x2c0: {  	v1 =	vld [tilespmem:s25+$0xFFFFE060]  }
0x2c1: {  	v2 =	vld [tilespmem:s25+$0xFFFFE050]  }
0x2c2: {  	v3 =	vld [tilespmem:s25+$0xFFFFE040]  }
0x2c3: {  	s26 =	simm.s32 $0x8840;
	v4 =	vld [tilespmem:s25+$0xFFFFE030]  }
0x2c4: {  	v5 =	vld [tilespmem:s26+$0xFFFFFFC0]  }
0x2c5: {  	v6 =	vld [tilespmem:s25+$0xFFFFE020]  }
0x2c6: {  	v7 =	vld [tilespmem:s25+$0x0]  }
0x2c7: {  	v8 =	vld [tilespmem:s25+$0xFFFFE000]  }
0x2c8: {  	v9 =	vld [tilespmem:s25+$0xFFFFE010]  }
0x2c9: {  	v10 =	vld [tilespmem:s25+$0x10]  }
0x2ca: {  	v11 =	vld [tilespmem:s25+$0x20]  }
0x2cb: {  	v60 =	vld [tilespmem:s26+$0xFFFFFFD0]  }
0x2cc: {  	v61 =	vld [tilespmem:s25+$0x30]  }
0x2cd: {  	v62 =	vld [tilespmem:s26+$0xFFFFFFE0]  }
0x2ce: {  	v7 =	vsub.f32 v8, v7;
	v8 =	vsub.f32 v9, v10;
	v9 =	vld [tilespmem:s25+$0x40]  }
0x2cf: {  	v6 =	vsub.f32 v6, v11;
	v10 =	vld [tilespmem:s26+$0xFFFFFFF0]  }
0x2d0: {  	v5 =	vadd.f32 v7, v5;
	v7 =	vadd.f32 v8, v60;
	v8 =	vld [tilespmem:s25+$0x50]  }
0x2d1: {  	v4 =	vsub.f32 v4, v61;
	v11 =	vld [tilespmem:s26+$0x0]  }
0x2d2: {  	v63 =	vld [tilespmem:s25+$0x60];
	v6 =	vadd.f32 v6, v62;
	v5 =	vmul.f32 v5, v5;
	v7 =	vmul.f32 v7, v7  }
0x2d3: {  	v3 =	vsub.f32 v3, v9;
	v9 =	vld [tilespmem:s26+$0x10]  }
0x2d4: {  	v6 =	vmul.f32 v6, v6;
	v4 =	vadd.f32 v4, v10;
	v5 =	vadd.f32 v7, v5;
	v7 =	vld [tilespmem:s25+$0x70]  }
0x2d5: {  	v2 =	vsub.f32 v2, v8;
	v8 =	vld [tilespmem:s26+$0x20]  }
0x2d6: {  	v4 =	vmul.f32 v4, v4;
	v3 =	vadd.f32 v3, v11;
	v5 =	vadd.f32 v6, v5  }
0x2d7: {  	v1 =	vsub.f32 v1, v63;
	v6 =	vld [tilespmem:s26+$0x30]  }
0x2d8: {  	v3 =	vmul.f32 v3, v3;
	v4 =	vadd.f32 v4, v5;
	v2 =	vadd.f32 v2, v9  }
0x2d9: {  	v0 =	vsub.f32 v0, v7  }
0x2da: {  	v3 =	vadd.f32 v3, v4;
	v2 =	vmul.f32 v2, v2;
	v1 =	vadd.f32 v1, v8;
	_ =	sdelay $0x1  }
0x2db: {  	v0 =	vadd.f32 v0, v6;
	v2 =	vadd.f32 v2, v3;
	v1 =	vmul.f32 v1, v1;
	_ =	sdelay $0x1  }
0x2dc: {  	v0 =	vmul.f32 v0, v0;
	v1 =	vadd.f32 v1, v2  }
0x2dd: {  	s20 =	simm.s32 $0x0  }
0x2de: {  	s28 =	sand.u32 $0x70, s20;
	s29 =	sand.u32 $0xE00, s20;
	v0 =	vadd.f32 v0, v1  }
0x2df: {  	s22 =	sor.u32 s28, s29  }
0x2e0: {  	s25 =	simm.s32 $0x2880;
	[tilespmem:s22+$0xC980] =	vst v0  }
0x2e1: {  	v0 =	vld [tilespmem:s25+$0xFFFFE070]  }
0x2e2: {  	v1 =	vld [tilespmem:s25+$0xFFFFE060]  }
0x2e3: {  	v2 =	vld [tilespmem:s25+$0xFFFFE050]  }
0x2e4: {  	v3 =	vld [tilespmem:s25+$0xFFFFE040]  }
0x2e5: {  	s23 =	simm.s32 $0x88C0;
	v4 =	vld [tilespmem:s25+$0xFFFFE030]  }
0x2e6: {  	v5 =	vld [tilespmem:s23+$0xFFFFFFC0]  }
0x2e7: {  	v6 =	vld [tilespmem:s25+$0xFFFFE020]  }
0x2e8: {  	v7 =	vld [tilespmem:s25+$0x0]  }
0x2e9: {  	v8 =	vld [tilespmem:s25+$0xFFFFE000]  }
0x2ea: {  	v9 =	vld [tilespmem:s25+$0xFFFFE010]  }
0x2eb: {  	s26 =	simm.s32 $0x20;
	s22 =	simm.s32 $0x10;
	v10 =	vld [tilespmem:s25+$0x10]  }
.LBB2_14:
0x2ec: {  	p0 =	sne.s32 s26, $0x3F0;
	v11 =	vld [tilespmem:s25+$0x20]  }
0x2ed: {  	v12 =	vld [tilespmem:s23+$0xFFFFFFD0]  }
0x2ee: {  	v13 =	vld [tilespmem:s25+$0x30]  }
0x2ef: {  	v14 =	vld [tilespmem:s23+$0xFFFFFFE0]  }
0x2f0: {  	v7 =	vsub.f32 v8, v7;
	v8 =	vsub.f32 v9, v10;
	v9 =	vld [tilespmem:s25+$0x40]  }
0x2f1: {  	v6 =	vsub.f32 v6, v11;
	v10 =	vld [tilespmem:s23+$0xFFFFFFF0]  }
0x2f2: {  	v5 =	vadd.f32 v7, v5;
	v7 =	vadd.f32 v8, v12;
	v8 =	vld [tilespmem:s25+$0x50]  }
0x2f3: {  	v4 =	vsub.f32 v4, v13;
	v11 =	vld [tilespmem:s23+$0x0]  }
0x2f4: {  	v5 =	vmul.f32 v5, v5;
	v7 =	vmul.f32 v7, v7;
	v6 =	vadd.f32 v6, v14;
	v12 =	vld [tilespmem:s25+$0x60]  }
0x2f5: {  	v3 =	vsub.f32 v3, v9;
	v9 =	vld [tilespmem:s23+$0x10]  }
0x2f6: {  	v5 =	vadd.f32 v7, v5;
	v6 =	vmul.f32 v6, v6;
	v4 =	vadd.f32 v4, v10;
	v7 =	vld [tilespmem:s25+$0x70]  }
0x2f7: {  	v2 =	vsub.f32 v2, v8;
	v8 =	vld [tilespmem:s23+$0x20]  }
0x2f8: {  	v5 =	vadd.f32 v6, v5;
	v4 =	vmul.f32 v4, v4;
	v3 =	vadd.f32 v3, v11  }
0x2f9: {  	v1 =	vsub.f32 v1, v12;
	v6 =	vld [tilespmem:s23+$0x30]  }
0x2fa: {  	v4 =	vadd.f32 v4, v5;
	v3 =	vmul.f32 v3, v3;
	v2 =	vadd.f32 v2, v9  }
0x2fb: {  	v0 =	vsub.f32 v0, v7  }
0x2fc: {  	v3 =	vadd.f32 v3, v4;
	v2 =	vmul.f32 v2, v2;
	v1 =	vadd.f32 v1, v8;
	_ =	sdelay $0x1  }
0x2fd: {  	v2 =	vadd.f32 v2, v3;
	v1 =	vmul.f32 v1, v1;
	v0 =	vadd.f32 v0, v6;
	_ =	sdelay $0x1  }
0x2fe: {  	v1 =	vadd.f32 v1, v2;
	v0 =	vmul.f32 v0, v0  }
0x2ff: {  	s20 =	sadd.s32 $0x40, s20  }
0x300: {  	s28 =	sand.u32 $0x70, s22;
	s22 =	smov.u32 s26;
	s29 =	sand.u32 $0xE00, s20;
	v0 =	vadd.f32 v0, v1  }
0x301: {  	s28 =	sor.u32 s28, s29  }
0x302: {  	s25 =	sadd.s32 $0x80, s25;
	[tilespmem:s28+$0xC980] =	vst v0  }
0x303: {  	v0 =	vld [tilespmem:s25+$0xFFFFE070]  }
0x304: {  	v1 =	vld [tilespmem:s25+$0xFFFFE060]  }
0x305: {  	v2 =	vld [tilespmem:s25+$0xFFFFE050]  }
0x306: {  	v3 =	vld [tilespmem:s25+$0xFFFFE040]  }
0x307: {  	s23 =	sadd.s32 $0x80, s23;
	v4 =	vld [tilespmem:s25+$0xFFFFE030]  }
0x308: {  	v5 =	vld [tilespmem:s23+$0xFFFFFFC0]  }
.Ltmp6:
0x309: {  	v6 =	vld [tilespmem:s25+$0xFFFFE020];
	(pc) =	sbr.rel @p0 .LBB2_14-.Ltmp6, $4  }
0x30a: {  	v7 =	vld [tilespmem:s25+$0x0]  }
0x30b: {  	v8 =	vld [tilespmem:s25+$0xFFFFE000]  }
0x30c: {  	v9 =	vld [tilespmem:s25+$0xFFFFE010]  }
0x30d: {  	s26 =	sadd.s32 $0x10, s26;
	v10 =	vld [tilespmem:s25+$0x10]  }
0x30e: {  	v11 =	vld [tilespmem:s25+$0x20]  }
0x30f: {  	v12 =	vld [tilespmem:s23+$0xFFFFFFD0]  }
0x310: {  	v13 =	vld [tilespmem:s25+$0x30]  }
0x311: {  	v14 =	vld [tilespmem:s23+$0xFFFFFFE0];
	v7 =	vsub.f32 v8, v7  }
0x312: {  	v8 =	vsub.f32 v9, v10;
	v9 =	vld [tilespmem:s25+$0x40]  }
0x313: {  	v10 =	vld [tilespmem:s23+$0xFFFFFFF0];
	v5 =	vadd.f32 v7, v5  }
0x314: {  	v6 =	vsub.f32 v6, v11;
	v7 =	vadd.f32 v8, v12;
	v8 =	vld [tilespmem:s25+$0x50]  }
0x315: {  	v4 =	vsub.f32 v4, v13;
	v11 =	vld [tilespmem:s23+$0x0]  }
0x316: {  	v59 =	vld [tilespmem:s25+$0x60];
	v5 =	vmul.f32 v5, v5;
	v6 =	vadd.f32 v6, v14;
	v7 =	vmul.f32 v7, v7  }
0x317: {  	v3 =	vsub.f32 v3, v9;
	v9 =	vld [tilespmem:s23+$0x10]  }
0x318: {  	v6 =	vmul.f32 v6, v6;
	v4 =	vadd.f32 v4, v10;
	v5 =	vadd.f32 v7, v5;
	v7 =	vld [tilespmem:s25+$0x70]  }
0x319: {  	v2 =	vsub.f32 v2, v8;
	v8 =	vld [tilespmem:s23+$0x20]  }
0x31a: {  	v4 =	vmul.f32 v4, v4;
	v3 =	vadd.f32 v3, v11;
	v5 =	vadd.f32 v6, v5  }
0x31b: {  	v1 =	vsub.f32 v1, v59;
	v6 =	vld [tilespmem:s23+$0x30]  }
0x31c: {  	v3 =	vmul.f32 v3, v3;
	v4 =	vadd.f32 v4, v5;
	v2 =	vadd.f32 v2, v9  }
0x31d: {  	v0 =	vsub.f32 v0, v7  }
0x31e: {  	v3 =	vadd.f32 v3, v4;
	v2 =	vmul.f32 v2, v2;
	v1 =	vadd.f32 v1, v8;
	_ =	sdelay $0x1  }
0x31f: {  	v0 =	vadd.f32 v0, v6;
	v2 =	vadd.f32 v2, v3;
	v1 =	vmul.f32 v1, v1;
	_ =	sdelay $0x1  }
0x320: {  	v0 =	vmul.f32 v0, v0;
	v1 =	vadd.f32 v1, v2  }
0x321: {  	s20 =	sadd.s32 $0x40, s20  }
0x322: {  	s22 =	sand.u32 $0x70, s22;
	s20 =	sand.u32 $0xE00, s20;
	v0 =	vadd.f32 v0, v1  }
0x323: {  	s20 =	sor.u32 s22, s20  }
0x324: {  	[tilespmem:s20+$0xC980] =	vst v0  }
0x325: {  	_ =	swait.ge [sflag:s21], $0x4000  }
0x326: {  	[sflag:s21] =	ssyncset.done $0x0  }
0x327: {  	[sflag:s21] =	ssyncadd.s32 $0xFFFFC000  }
0x328: {  	_ =	swait.ge [sflag:s21], $0x2000  }
0x329: {  	[sflag:s21] =	ssyncset.done $0x0  }
0x32a: {  	s26 =	simm.s32 $0x0;
	[sflag:s21] =	ssyncadd.s32 $0xFFFFE000  }
0x32b: {  	v0 =	vld [tilespmem:s26+$0x4870]  }
0x32c: {  	v1 =	vld [tilespmem:s26+$0x4860]  }
0x32d: {  	v2 =	vld [tilespmem:s26+$0x4850]  }
0x32e: {  	v3 =	vld [tilespmem:s26+$0x4840]  }
0x32f: {  	v4 =	vld [tilespmem:s26+$0x4830]  }
0x330: {  	v5 =	vld [tilespmem:s26+$0xA800]  }
0x331: {  	v6 =	vld [tilespmem:s26+$0x4820]  }
0x332: {  	v7 =	vld [tilespmem:s26+$0x6800]  }
0x333: {  	v8 =	vld [tilespmem:s26+$0x4800]  }
0x334: {  	v9 =	vld [tilespmem:s26+$0x4810]  }
0x335: {  	v10 =	vld [tilespmem:s26+$0x6810]  }
0x336: {  	v11 =	vld [tilespmem:s26+$0x6820]  }
0x337: {  	v60 =	vld [tilespmem:s26+$0xA810]  }
0x338: {  	v61 =	vld [tilespmem:s26+$0x6830]  }
0x339: {  	v62 =	vld [tilespmem:s26+$0xA820]  }
0x33a: {  	v7 =	vsub.f32 v8, v7;
	v8 =	vsub.f32 v9, v10;
	v9 =	vld [tilespmem:s26+$0x6840]  }
0x33b: {  	v6 =	vsub.f32 v6, v11;
	v10 =	vld [tilespmem:s26+$0xA830]  }
0x33c: {  	v5 =	vadd.f32 v7, v5;
	v7 =	vadd.f32 v8, v60;
	v8 =	vld [tilespmem:s26+$0x6850]  }
0x33d: {  	v4 =	vsub.f32 v4, v61;
	v11 =	vld [tilespmem:s26+$0xA840]  }
0x33e: {  	v63 =	vld [tilespmem:s26+$0x6860];
	v6 =	vadd.f32 v6, v62;
	v5 =	vmul.f32 v5, v5;
	v7 =	vmul.f32 v7, v7  }
0x33f: {  	v3 =	vsub.f32 v3, v9;
	v9 =	vld [tilespmem:s26+$0xA850]  }
0x340: {  	v6 =	vmul.f32 v6, v6;
	v4 =	vadd.f32 v4, v10;
	v5 =	vadd.f32 v7, v5;
	v7 =	vld [tilespmem:s26+$0x6870]  }
0x341: {  	v2 =	vsub.f32 v2, v8;
	v8 =	vld [tilespmem:s26+$0xA860]  }
0x342: {  	v4 =	vmul.f32 v4, v4;
	v3 =	vadd.f32 v3, v11;
	v5 =	vadd.f32 v6, v5  }
0x343: {  	v1 =	vsub.f32 v1, v63;
	v6 =	vld [tilespmem:s26+$0xA870]  }
0x344: {  	v3 =	vmul.f32 v3, v3;
	v4 =	vadd.f32 v4, v5;
	v2 =	vadd.f32 v2, v9  }
0x345: {  	v0 =	vsub.f32 v0, v7  }
0x346: {  	v3 =	vadd.f32 v3, v4;
	v2 =	vmul.f32 v2, v2;
	v1 =	vadd.f32 v1, v8;
	_ =	sdelay $0x1  }
0x347: {  	v0 =	vadd.f32 v0, v6;
	v2 =	vadd.f32 v2, v3;
	v1 =	vmul.f32 v1, v1;
	_ =	sdelay $0x1  }
0x348: {  	v0 =	vmul.f32 v0, v0;
	v1 =	vadd.f32 v1, v2  }
0x349: {  	s20 =	simm.s32 $0x0  }
0x34a: {  	s28 =	sand.u32 $0x70, s20;
	s29 =	sand.u32 $0xE00, s20;
	v0 =	vadd.f32 v0, v1  }
0x34b: {  	s22 =	sor.u32 s28, s29  }
0x34c: {  	s23 =	simm.s32 $0x80;
	[tilespmem:s22+$0xD980] =	vst v0  }
0x34d: {  	v0 =	vld [tilespmem:s23+$0x4870]  }
0x34e: {  	v1 =	vld [tilespmem:s23+$0x4860]  }
0x34f: {  	v2 =	vld [tilespmem:s23+$0x4850]  }
0x350: {  	v3 =	vld [tilespmem:s23+$0x4840]  }
0x351: {  	v4 =	vld [tilespmem:s23+$0x4830]  }
0x352: {  	v5 =	vld [tilespmem:s23+$0xA800]  }
0x353: {  	v6 =	vld [tilespmem:s23+$0x4820]  }
0x354: {  	v7 =	vld [tilespmem:s23+$0x6800]  }
0x355: {  	v8 =	vld [tilespmem:s23+$0x4800]  }
0x356: {  	s25 =	simm.s32 $0x400;
	s22 =	simm.s32 $0x0;
	v9 =	vld [tilespmem:s23+$0x4810]  }
.LBB2_16:
0x357: {  	p0 =	sne.s32 s25, $0x7E00;
	v10 =	vld [tilespmem:s23+$0x6810]  }
0x358: {  	v11 =	vld [tilespmem:s23+$0x6820]  }
0x359: {  	v12 =	vld [tilespmem:s23+$0xA810]  }
0x35a: {  	v13 =	vld [tilespmem:s23+$0x6830]  }
0x35b: {  	v14 =	vld [tilespmem:s23+$0xA820]  }
0x35c: {  	v7 =	vsub.f32 v8, v7;
	v8 =	vsub.f32 v9, v10;
	v9 =	vld [tilespmem:s23+$0x6840]  }
0x35d: {  	v6 =	vsub.f32 v6, v11;
	v10 =	vld [tilespmem:s23+$0xA830]  }
0x35e: {  	v5 =	vadd.f32 v7, v5;
	v7 =	vadd.f32 v8, v12;
	v8 =	vld [tilespmem:s23+$0x6850]  }
0x35f: {  	v4 =	vsub.f32 v4, v13;
	v11 =	vld [tilespmem:s23+$0xA840]  }
0x360: {  	v5 =	vmul.f32 v5, v5;
	v7 =	vmul.f32 v7, v7;
	v6 =	vadd.f32 v6, v14;
	v12 =	vld [tilespmem:s23+$0x6860]  }
0x361: {  	v3 =	vsub.f32 v3, v9;
	v9 =	vld [tilespmem:s23+$0xA850]  }
0x362: {  	v5 =	vadd.f32 v7, v5;
	v6 =	vmul.f32 v6, v6;
	v4 =	vadd.f32 v4, v10;
	v7 =	vld [tilespmem:s23+$0x6870]  }
0x363: {  	v2 =	vsub.f32 v2, v8;
	v8 =	vld [tilespmem:s23+$0xA860]  }
0x364: {  	v5 =	vadd.f32 v6, v5;
	v4 =	vmul.f32 v4, v4;
	v3 =	vadd.f32 v3, v11  }
0x365: {  	v1 =	vsub.f32 v1, v12;
	v6 =	vld [tilespmem:s23+$0xA870]  }
0x366: {  	v4 =	vadd.f32 v4, v5;
	v3 =	vmul.f32 v3, v3;
	v2 =	vadd.f32 v2, v9  }
0x367: {  	v0 =	vsub.f32 v0, v7  }
0x368: {  	v3 =	vadd.f32 v3, v4;
	v2 =	vmul.f32 v2, v2;
	v1 =	vadd.f32 v1, v8;
	_ =	sdelay $0x1  }
0x369: {  	v2 =	vadd.f32 v2, v3;
	v1 =	vmul.f32 v1, v1;
	v0 =	vadd.f32 v0, v6;
	_ =	sdelay $0x1  }
0x36a: {  	v1 =	vadd.f32 v1, v2;
	v0 =	vmul.f32 v0, v0  }
0x36b: {  	s20 =	sadd.s32 $0x40, s20;
	s22 =	sadd.s32 $0x10, s22  }
0x36c: {  	s26 =	sand.u32 $0xE00, s20;
	s23 =	sand.u32 $0x70, s22;
	v0 =	vadd.f32 v0, v1  }
0x36d: {  	s26 =	sor.u32 s23, s26  }
0x36e: {  	s23 =	sshra.s32 s25, $0x2;
	[tilespmem:s26+$0xD980] =	vst v0  }
0x36f: {  	v0 =	vld [tilespmem:s23+$0x4870]  }
0x370: {  	v1 =	vld [tilespmem:s23+$0x4860]  }
0x371: {  	v2 =	vld [tilespmem:s23+$0x4850]  }
0x372: {  	v3 =	vld [tilespmem:s23+$0x4840]  }
0x373: {  	v4 =	vld [tilespmem:s23+$0x4830]  }
.Ltmp7:
0x374: {  	v5 =	vld [tilespmem:s23+$0xA800];
	(pc) =	sbr.rel @p0 .LBB2_16-.Ltmp7, $4  }
0x375: {  	v6 =	vld [tilespmem:s23+$0x4820]  }
0x376: {  	v7 =	vld [tilespmem:s23+$0x6800]  }
0x377: {  	v8 =	vld [tilespmem:s23+$0x4800]  }
0x378: {  	s25 =	sadd.s32 $0x200, s25;
	v9 =	vld [tilespmem:s23+$0x4810]  }
0x379: {  	v10 =	vld [tilespmem:s23+$0x6810]  }
0x37a: {  	v11 =	vld [tilespmem:s23+$0x6820]  }
0x37b: {  	v12 =	vld [tilespmem:s23+$0xA810]  }
0x37c: {  	v13 =	vld [tilespmem:s23+$0x6830]  }
0x37d: {  	v14 =	vld [tilespmem:s23+$0xA820]  }
0x37e: {  	v54 =	vld [tilespmem:s23+$0x6840];
	v7 =	vsub.f32 v8, v7;
	v53 =	vsub.f32 v9, v10  }
0x37f: {  	v55 =	vld [tilespmem:s23+$0xA830];
	v6 =	vsub.f32 v6, v11  }
0x380: {  	v57 =	vld [tilespmem:s23+$0x6850];
	v5 =	vadd.f32 v7, v5;
	v56 =	vadd.f32 v53, v12  }
0x381: {  	v58 =	vld [tilespmem:s23+$0xA840];
	v4 =	vsub.f32 v4, v13  }
0x382: {  	v59 =	vld [tilespmem:s23+$0x6860];
	v5 =	vmul.f32 v5, v5;
	v6 =	vadd.f32 v6, v14;
	v7 =	vmul.f32 v56, v56  }
0x383: {  	v60 =	vld [tilespmem:s23+$0xA850];
	v3 =	vsub.f32 v3, v54  }
0x384: {  	v61 =	vld [tilespmem:s23+$0x6870];
	v4 =	vadd.f32 v4, v55;
	v6 =	vmul.f32 v6, v6;
	v5 =	vadd.f32 v7, v5  }
0x385: {  	v62 =	vld [tilespmem:s23+$0xA860];
	v2 =	vsub.f32 v2, v57  }
0x386: {  	v3 =	vadd.f32 v3, v58;
	v4 =	vmul.f32 v4, v4;
	v5 =	vadd.f32 v6, v5  }
0x387: {  	v63 =	vld [tilespmem:s23+$0xA870];
	v1 =	vsub.f32 v1, v59  }
0x388: {  	v2 =	vadd.f32 v2, v60;
	v3 =	vmul.f32 v3, v3;
	v4 =	vadd.f32 v4, v5  }
0x389: {  	v0 =	vsub.f32 v0, v61  }
0x38a: {  	v1 =	vadd.f32 v1, v62;
	v2 =	vmul.f32 v2, v2;
	v3 =	vadd.f32 v3, v4;
	_ =	sdelay $0x1  }
0x38b: {  	v0 =	vadd.f32 v0, v63;
	v1 =	vmul.f32 v1, v1;
	v2 =	vadd.f32 v2, v3;
	_ =	sdelay $0x1  }
0x38c: {  	v0 =	vmul.f32 v0, v0;
	v1 =	vadd.f32 v1, v2  }
0x38d: {  	s20 =	sadd.s32 $0x40, s20;
	s22 =	sadd.s32 $0x10, s22  }
0x38e: {  	s19 =	sadd.s32 $0x1, s19;
	s22 =	sand.u32 $0x70, s22;
	s20 =	sand.u32 $0xE00, s20;
	v0 =	vadd.f32 v0, v1  }
0x38f: {  	p0 =	sne.s32 s19, s8;
	s20 =	sor.u32 s22, s20  }
.Ltmp8:
0x390: {  	[tilespmem:s20+$0xD980] =	vst v0;
	(pc) =	sbr.rel @p0 .LBB2_1-.Ltmp8, $4  }
0x391: {  	[hbm4b:s7+s24] =	stream.strided.scatter [tilespmem:s3], [sflag:$0x4], $0x2000, s9, s24, $0x38;
	[tilespmem:$0xE800] =	vst v63  }
0x392: {  	_ =	swait.ge [sflag:s16], $0x2000  }
0x393: {  	[sflag:s16] =	ssyncset.done $0x0  }
0x394: {  	[sflag:s16] =	ssyncadd.s32 $0xFFFFE000  }
0x395: {  	_ =	sfence.sel $0x180000  }
0x396: {  	[bflag:$0x0] =	sbarrier.arrive $0xFFFF  }
0x397: {  	_ =	strace $0x90000047  }
0x398: {  	s0 =	stileid.u32;
	[bflag:$0x2] =	sbarrier.arrive $0xFFFF  }
0x399: {  	p0 =	sne.s32 s0, $0x0;
	s0 =	rddreg [dreg:$0x3]  }
0x39a: {  	s0 =	sadd.s32 @!p0 $0x100000, s0  }
0x39b: {  	[sflag:s0] =	ssyncadd.tile.s32 @!p0 $0x1;
	_ =	shalt  }
.Lfunc_end2:
_tile_overlayer_lowered:
.L_overlay_start_2:
0x39c: {  	(tag) =	ssettag $0x2  }
0x39d: {  	s0 =	rddreg [dreg:$0x0];
	s2 =	stileid.u32  }
0x39e: {  	s1 =	rddreg [dreg:$0x1];
	p0 =	sne.s32 s2, $0x0  }
0x39f: {  	s3 =	rddreg [dreg:$0x2];
	[bflag:$0x3] =	sbarrier.arrive $0xFFFF;
	s2 =	simm.s32 @!p0 $0x1C04  }
0x3a0: {  	[timem:s3], [sflag:s2] =	dma.local @!p0 [hbm:s0], s1  }
0x3a1: {  	s0 =	simm.s32 @!p0 $0x4  }
0x3a2: {  	_ =	swait.ge @!p0 [sflag:s0], s1  }
0x3a3: {  	s1 =	ssub.s32 @!p0 $0x0, s1;
	[sflag:s0] =	ssyncset.done @!p0 $0x0  }
0x3a4: {  	[sflag:s0] =	ssyncadd.s32 @!p0 s1  }
0x3a5: {  	[bflag:$0x3] =	sbarrier.arrive $0xFFFF  }
0x3a6: {  	_ =	shalt  }

</sc_bundles>
